<compile_context>
chip_gen: v7x
topology: tpu7x:2x2x1
jax: 0.10.2.dev20260603
libtpu: 0.0.44.dev20260713+nightly
codegen_flags: <defaults>
</compile_context>

<pallas_src>
import functools

import jax
import jax.numpy as jnp
from jax import lax
from jax.experimental import pallas as pl
from jax.experimental.pallas import tpu as pltpu
from jax.experimental.pallas import tpu_sc as plsc

N = 10000
E = 160000
D = 256
HALF = 128
NC = 2
NS = 16
RPT = N // NS
NCH = E // 128
K = 8

_MESH = dict(core_axis_name="c", subcore_axis_name="s", num_cores=NC,
             num_subcores=NS)
_SC_PARAMS = pltpu.CompilerParams(use_tc_tiling_on_sc=False)



def _deg_sc(dst2d, ones16, zeros16):
    mesh = plsc.VectorSubcoreMesh(**_MESH)

    @functools.partial(
        pl.kernel, mesh=mesh,
        out_type=jax.ShapeDtypeStruct((NC, N, 16), jnp.float32),
        compiler_params=_SC_PARAMS,
        scratch_types=[
            pltpu.VMEM((40, 128), jnp.int32),
            pltpu.VMEM((128, 16), jnp.float32),
            pltpu.SemaphoreType.DMA,
            pltpu.VMEM_SHARED((N, 16), jnp.float32),
        ],
    )
    def k(dst_hbm, ones_hbm, zeros_hbm, out_hbm, dst_v, ones_v, sem, acc_sh):
        c = lax.axis_index("c")
        s = lax.axis_index("s")
        w = s * NC + c
        off = w * 39 + jnp.minimum(w, 2)
        nc = 39 + (w < 2).astype(jnp.int32)
        pltpu.sync_copy(dst_hbm.at[pl.ds(off, 39)], dst_v.at[pl.ds(0, 39)])

        @pl.when(w < 2)
        def _():
            pltpu.sync_copy(dst_hbm.at[pl.ds(off + 39, 1)],
                            dst_v.at[pl.ds(39, 1)])

        pltpu.sync_copy(ones_hbm, ones_v)
        pltpu.sync_copy(zeros_hbm, acc_sh.at[pl.ds(s * RPT, RPT)])
        plsc.subcore_barrier()

        def fire(j, carry):
            @pl.when(j < nc)
            def _():
                pltpu.async_copy(ones_v, acc_sh.at[dst_v.at[j]], sem, add=True)
            return carry

        def drain(j, carry):
            @pl.when(j < nc)
            def _():
                pltpu.make_async_copy(ones_v, acc_sh.at[dst_v.at[0]],
                                      sem).wait()
            return carry

        lax.fori_loop(0, 40, fire, 0)
        lax.fori_loop(0, 40, drain, 0)
        plsc.subcore_barrier()
        pltpu.sync_copy(acc_sh.at[pl.ds(s * RPT, RPT)],
                        out_hbm.at[c, pl.ds(s * RPT, RPT)])

    return k(dst2d, ones16, zeros16)


def _agg1_sc(H, src2d, dst2d, zeros128):
    mesh = plsc.VectorSubcoreMesh(**_MESH)
    CH = 40
    HALVES = (125, 125)

    @functools.partial(
        pl.kernel, mesh=mesh,
        out_type=jax.ShapeDtypeStruct((NC, N, HALF), jnp.float32),
        compiler_params=_SC_PARAMS,
        scratch_types=[
            pltpu.VMEM((125, CH), jnp.int32),
            pltpu.VMEM((125, CH), jnp.int32),
            pltpu.VMEM((K, CH, HALF), jnp.float32),
            [pltpu.SemaphoreType.DMA] * K,
            [pltpu.SemaphoreType.DMA] * K,
            pltpu.VMEM_SHARED((N, HALF), jnp.float32),
        ],
    )
    def k(h_hbm, src_hbm, dst_hbm, zeros_hbm, out_hbm,
          src_v, dst_v, buf, gsem, ssem, acc_sh):
        c = lax.axis_index("c")
        s = lax.axis_index("s")
        tab = h_hbm.at[c]
        pltpu.sync_copy(zeros_hbm, acc_sh.at[pl.ds(s * RPT, RPT)])
        plsc.subcore_barrier()

        for half in range(2):
            hnc = HALVES[half]
            base = s * 250 + half * HALVES[0]
            pltpu.sync_copy(src_hbm.at[pl.ds(base, hnc)],
                            src_v.at[pl.ds(0, hnc)])
            pltpu.sync_copy(dst_hbm.at[pl.ds(base, hnc)],
                            dst_v.at[pl.ds(0, hnc)])
            for b in range(K):
                pltpu.async_copy(tab.at[src_v.at[b]], buf.at[b], gsem[b])

            def rnd(g, carry, hnc=hnc):
                for b in range(K):
                    j = g * K + b

                    @pl.when(j < hnc)
                    def _(b=b, j=j):
                        pltpu.make_async_copy(tab.at[src_v.at[j]], buf.at[b],
                                              gsem[b]).wait()
                        pltpu.async_copy(buf.at[b], acc_sh.at[dst_v.at[j]],
                                         ssem[b], add=True)
                for b in range(K):
                    j2 = (g + 1) * K + b

                    @pl.when(j2 < hnc)
                    def _(b=b, j2=j2):
                        pltpu.make_async_copy(buf.at[b],
                                              acc_sh.at[dst_v.at[0]],
                                              ssem[b]).wait()
                        pltpu.async_copy(tab.at[src_v.at[j2]], buf.at[b],
                                         gsem[b])
                return carry

            lax.fori_loop(0, (hnc + K - 1) // K, rnd, 0)
            for b in range(K):
                pltpu.make_async_copy(buf.at[b], acc_sh.at[dst_v.at[0]],
                                      ssem[b]).wait()
        plsc.subcore_barrier()
        pltpu.sync_copy(acc_sh.at[pl.ds(s * RPT, RPT)],
                        out_hbm.at[c, pl.ds(s * RPT, RPT)])

    return k(H, src2d, dst2d, zeros128)


def _agg2_sc(g, src2d, dst2d, zeros16):
    mesh = plsc.VectorSubcoreMesh(**_MESH)

    @functools.partial(
        pl.kernel, mesh=mesh,
        out_type=jax.ShapeDtypeStruct((NC, N, 16), jnp.float32),
        compiler_params=_SC_PARAMS,
        scratch_types=[
            pltpu.VMEM((40, 128), jnp.int32),
            pltpu.VMEM((40, 128), jnp.int32),
            pltpu.VMEM((40, 128, 16), jnp.float32),
            pltpu.SemaphoreType.DMA,
            pltpu.SemaphoreType.DMA,
            pltpu.VMEM_SHARED((N, 16), jnp.float32),
        ],
    )
    def k(g_hbm, src_hbm, dst_hbm, zeros_hbm, out_hbm,
          src_v, dst_v, buf, gsem, ssem, acc_sh):
        c = lax.axis_index("c")
        s = lax.axis_index("s")
        w = s * NC + c
        off = w * 39 + jnp.minimum(w, 2)
        nc = 39 + (w < 2).astype(jnp.int32)
        pltpu.sync_copy(src_hbm.at[pl.ds(off, 39)], src_v.at[pl.ds(0, 39)])
        pltpu.sync_copy(dst_hbm.at[pl.ds(off, 39)], dst_v.at[pl.ds(0, 39)])

        @pl.when(w < 2)
        def _():
            pltpu.sync_copy(src_hbm.at[pl.ds(off + 39, 1)],
                            src_v.at[pl.ds(39, 1)])
            pltpu.sync_copy(dst_hbm.at[pl.ds(off + 39, 1)],
                            dst_v.at[pl.ds(39, 1)])

        pltpu.sync_copy(zeros_hbm, acc_sh.at[pl.ds(s * RPT, RPT)])
        plsc.subcore_barrier()

        def gfire(j, carry):
            @pl.when(j < nc)
            def _():
                pltpu.async_copy(g_hbm.at[src_v.at[j]], buf.at[j], gsem)
            return carry

        def gdrain(j, carry):
            @pl.when(j < nc)
            def _():
                pltpu.make_async_copy(g_hbm.at[src_v.at[0]], buf.at[0],
                                      gsem).wait()
            return carry

        def sfire(j, carry):
            @pl.when(j < nc)
            def _():
                pltpu.async_copy(buf.at[j], acc_sh.at[dst_v.at[j]], ssem,
                                 add=True)
            return carry

        def sdrain(j, carry):
            @pl.when(j < nc)
            def _():
                pltpu.make_async_copy(buf.at[0], acc_sh.at[dst_v.at[0]],
                                      ssem).wait()
            return carry

        lax.fori_loop(0, 40, gfire, 0)
        lax.fori_loop(0, 40, gdrain, 0)
        lax.fori_loop(0, 40, sfire, 0)
        lax.fori_loop(0, 40, sdrain, 0)
        plsc.subcore_barrier()
        pltpu.sync_copy(acc_sh.at[pl.ds(s * RPT, RPT)],
                        out_hbm.at[c, pl.ds(s * RPT, RPT)])

    return k(g, src2d, dst2d, zeros16)



_BLK = 2000
_PBLK = _BLK // 16


def _split_edges(edge_index):

    def body(e_ref, s_ref, d_ref):
        s_ref[...] = e_ref[0]
        d_ref[...] = e_ref[1]

    return pl.pallas_call(
        body,
        grid=(1,),
        in_specs=[pl.BlockSpec((2, E), lambda i: (0, 0))],
        out_specs=[pl.BlockSpec((E,), lambda i: (0,)),
                   pl.BlockSpec((E,), lambda i: (0,))],
        out_shape=[jax.ShapeDtypeStruct((E,), jnp.int32),
                   jax.ShapeDtypeStruct((E,), jnp.int32)],
    )(edge_index)


def _tc1(x, W1, degp):

    def body(x_ref, w_ref, deg_ref, h_ref, dinv_ref):
        deg = deg_ref[0, :, 0:1] + deg_ref[1, :, 0:1] + 1.0
        dinv = lax.rsqrt(deg)
        h = jnp.dot(x_ref[...], w_ref[...],
                    preferred_element_type=jnp.float32,
                    precision=lax.Precision.HIGHEST)
        h_ref[0] = h[:, 0:HALF] * dinv
        h_ref[1] = h[:, HALF:D] * dinv
        dinv_ref[...] = dinv

    return pl.pallas_call(
        body,
        grid=(N // _BLK,),
        in_specs=[
            pl.BlockSpec((_BLK, D), lambda i: (i, 0)),
            pl.BlockSpec((D, D), lambda i: (0, 0)),
            pl.BlockSpec((NC, _BLK, 16), lambda i: (0, i, 0)),
        ],
        out_specs=[
            pl.BlockSpec((NC, _BLK, HALF), lambda i: (0, i, 0)),
            pl.BlockSpec((_BLK, 1), lambda i: (i, 0)),
        ],
        out_shape=[
            jax.ShapeDtypeStruct((NC, N, HALF), jnp.float32),
            jax.ShapeDtypeStruct((N, 1), jnp.float32),
        ],
    )(x, W1, degp)


def _tc2(acc1, H, dinv, b1r, W2p):

    def body(a_ref, h_ref, dinv_ref, b_ref, w_ref, g_ref):
        dinv = dinv_ref[...]
        t0 = jnp.maximum(dinv * (a_ref[0] + h_ref[0]) + b_ref[0:1, 0:HALF], 0.0)
        t1 = jnp.maximum(dinv * (a_ref[1] + h_ref[1]) + b_ref[0:1, HALF:D], 0.0)
        g = (jnp.dot(t0, w_ref[0:HALF, :], preferred_element_type=jnp.float32,
                     precision=lax.Precision.HIGHEST)
             + jnp.dot(t1, w_ref[HALF:D, :], preferred_element_type=jnp.float32,
                       precision=lax.Precision.HIGHEST))
        g_ref[...] = g * dinv

    return pl.pallas_call(
        body,
        grid=(N // _BLK,),
        in_specs=[
            pl.BlockSpec((NC, _BLK, HALF), lambda i: (0, i, 0)),
            pl.BlockSpec((NC, _BLK, HALF), lambda i: (0, i, 0)),
            pl.BlockSpec((_BLK, 1), lambda i: (i, 0)),
            pl.BlockSpec((1, D), lambda i: (0, 0)),
            pl.BlockSpec((D, 16), lambda i: (0, 0)),
        ],
        out_specs=pl.BlockSpec((_BLK, 16), lambda i: (i, 0)),
        out_shape=jax.ShapeDtypeStruct((N, 16), jnp.float32),
    )(acc1, H, dinv, b1r, W2p)


def _tc3(acc2, g, dinv, b2p):

    def body(a_ref, g_ref, dinv_ref, b_ref, o_ref):
        o = dinv_ref[...] * (a_ref[0] + a_ref[1] + g_ref[...]) + b_ref[...]
        o_ref[...] = o[:, 0:3]

    return pl.pallas_call(
        body,
        grid=(1,),
        in_specs=[
            pl.BlockSpec((NC, N, 16), lambda i: (0, 0, 0)),
            pl.BlockSpec((N, 16), lambda i: (0, 0)),
            pl.BlockSpec((N, 1), lambda i: (0, 0)),
            pl.BlockSpec((1, 16), lambda i: (0, 0)),
        ],
        out_specs=pl.BlockSpec((N, 3), lambda i: (0, 0)),
        out_shape=jax.ShapeDtypeStruct((N, 3), jnp.float32),
    )(acc2, g, dinv, b2p)



def kernel(x, edge_index, W1, b1, W2, b2):
    src1d, dst1d = _split_edges(edge_index.astype(jnp.int32))
    src2d = src1d.reshape(NCH, 128)
    dst2d = dst1d.reshape(NCH, 128)
    src40 = src1d.reshape(E // 40, 40)
    dst40 = dst1d.reshape(E // 40, 40)

    zeros16 = jnp.zeros((RPT, 16), jnp.float32)
    zeros128 = jnp.zeros((RPT, HALF), jnp.float32)
    ones16 = jnp.ones((128, 16), jnp.float32)
    W2p = jnp.pad(W2, ((0, 0), (0, 16 - W2.shape[1])))
    b1r = b1.reshape(1, D)
    b2p = jnp.pad(b2, (0, 16 - b2.shape[0])).reshape(1, 16)

    degp = _deg_sc(dst2d, ones16, zeros16)
    H, dinv = _tc1(x, W1, degp)
    acc1 = _agg1_sc(H, src40, dst40, zeros128)
    g = _tc2(acc1, H, dinv, b1r, W2p)
    acc2 = _agg2_sc(g, src2d, dst2d, zeros16)
    return _tc3(acc2, g, dinv, b2p)

# --- scband reference (transcript-rebuilt; emitter-appended) ---
"""Pipeline reference for scband-gcn-63324997812471 (READ-ONLY COPY).

The authoritative reference and input builder live on the scoring server;
editing this copy changes nothing except your own understanding.
"""

import jax, jax.numpy as jnp
import numpy as np

N = 10000
E = 160000
D_IN = 256
D_HID = 256
D_OUT = 3


def setup_inputs(seed: int = 0) -> dict:
    key = jax.random.key(seed)
    k1, k2, k3, k4 = jax.random.split(key, 4)
    x = jax.random.normal(k1, (N, D_IN), dtype=jnp.float32)
    edge_index = jax.random.randint(k2, (2, E), 0, N, dtype=jnp.int32)
    # GCNConv parameters (glorot-style scaling); PyG lin has no bias, bias added separately
    W1 = jax.random.normal(k3, (D_IN, D_HID), dtype=jnp.float32) * (1.0 / np.sqrt(D_IN))
    b1 = jnp.zeros((D_HID,), dtype=jnp.float32)
    W2 = jax.random.normal(k4, (D_HID, D_OUT), dtype=jnp.float32) * (1.0 / np.sqrt(D_HID))
    b2 = jnp.zeros((D_OUT,), dtype=jnp.float32)
    return {"x": x, "edge_index": edge_index, "W1": W1, "b1": b1, "W2": W2, "b2": b2}


def _gcn_conv(x, edge_index, W, b):
    # PyG GCNConv: add self-loops, symmetric normalization D^-1/2 (A+I) D^-1/2, then linear + bias
    n = x.shape[0]
    loop = jnp.arange(n, dtype=edge_index.dtype)
    src = jnp.concatenate([edge_index[0], loop])
    dst = jnp.concatenate([edge_index[1], loop])
    ones = jnp.ones(src.shape[0], dtype=x.dtype)
    deg = jax.ops.segment_sum(ones, dst, num_segments=n)
    dinv = jnp.where(deg > 0, 1.0 / jnp.sqrt(deg), 0.0)
    norm = dinv[src] * dinv[dst]
    h = x @ W
    msgs = h[src] * norm[:, None]
    out = jax.ops.segment_sum(msgs, dst, num_segments=n)
    return out + b


def reference(x, edge_index, W1, b1, W2, b2):
    h = _gcn_conv(x, edge_index, W1, b1)
    h = jax.nn.relu(h)
    # F.dropout with training=False is identity (eval-mode reference)
    out = _gcn_conv(h, edge_index, W2, b2)
    return out

if __name__ == "__main__":
    import jax
    _d = setup_inputs()
    print(jax.jit(kernel)(*tuple(_d.values())))

</pallas_src>

<mosaic_0001>
#map = affine_map<(d0, d1) -> (0, 0)>
#map1 = affine_map<(d0, d1) -> (0, 0, 0)>
module attributes {stable_mosaic.version = 14 : i64} {
  func.func @k(%arg0: i32, %arg1: i32, %arg2: memref<1250x128xi32, #tpu.memory_space<hbm>>, %arg3: memref<128x16xf32, #tpu.memory_space<hbm>>, %arg4: memref<625x16xf32, #tpu.memory_space<hbm>>, %arg5: memref<2x10000x16xf32, #tpu.memory_space<hbm>>, %arg6: memref<40x128xi32, #tpu.memory_space<vmem>>, %arg7: memref<128x16xf32, #tpu.memory_space<vmem>>, %arg8: memref<!tpu.dma_semaphore, #tpu.memory_space<semaphore_mem>>, %arg9: memref<10000x16xf32, #tpu.memory_space<vmem_shared>>) attributes {dimension_semantics = [#tpu.dimension_semantics<core_parallel>, #tpu.dimension_semantics<subcore_parallel>], iteration_bounds = array<i64: 2, 16>, scalar_prefetch = 0 : i64, scratch_operands = 4 : i64, tpu.core_type = #tpu.core_type<sc_vector_subcore>, window_params = [{transform_indices = #map}, {transform_indices = #map}, {transform_indices = #map}, {transform_indices = #map1}]} {
    %mul3A = arith.constant 2 : i32
    %mul3A_0 = arith.muli %arg1, %mul3A : i32
    %add3A = arith.addi %mul3A_0, %arg0 : i32
    %mul3A_1 = arith.constant 39 : i32
    %mul3A_2 = arith.muli %add3A, %mul3A_1 : i32
    %min3A = arith.constant 2 : i32
    %min3A_3 = arith.minsi %add3A, %min3A : i32
    %add3A_4 = arith.addi %mul3A_2, %min3A_3 : i32
    %lt3A = arith.constant 2 : i32
    %lt3A_5 = arith.cmpi slt, %add3A, %lt3A : i32
    %convert_element_type3A = arith.extui %lt3A_5 : i1 to i32
    %add3A_6 = arith.constant 39 : i32
    %add3A_7 = arith.addi %add3A_6, %convert_element_type3A : i32
    "tpu.region"() ({
      %run_scoped3A = tpu.sem_alloc : memref<!tpu.dma_semaphore, #tpu.memory_space<semaphore_mem>>
      %dma_start3A = arith.constant 0 : i32
      %dma_start3A_30 = arith.constant 0 : i32
      %dma_start3A_31 = tpu.memref_slice %arg6[%dma_start3A, %dma_start3A_30] : memref<40x128xi32, #tpu.memory_space<vmem>> -> memref<39x128xi32, #tpu.memory_space<vmem>>
      %dma_start3A_32 = arith.constant 0 : i32
      %dma_start3A_33 = tpu.memref_slice %arg2[%add3A_4, %dma_start3A_32] : memref<1250x128xi32, #tpu.memory_space<hbm>> -> memref<39x128xi32, #tpu.memory_space<hbm>>
      %dma_start3A_34 = arith.constant 0 : i32
      %dma_start3A_35 = arith.constant 0 : i32
      %dma_start3A_36 = tpu.memref_slice %arg6[%dma_start3A_34, %dma_start3A_35] : memref<40x128xi32, #tpu.memory_space<vmem>> -> memref<39x128xi32, #tpu.memory_space<vmem>>
      %dma_start3A_37 = arith.constant 0 : i32
      %dma_start3A_38 = tpu.memref_slice %arg2[%add3A_4, %dma_start3A_37] : memref<1250x128xi32, #tpu.memory_space<hbm>> -> memref<39x128xi32, #tpu.memory_space<hbm>>
      tpu.enqueue_dma source(%dma_start3A_38 : memref<39x128xi32, #tpu.memory_space<hbm>>) target(%dma_start3A_36 : memref<39x128xi32, #tpu.memory_space<vmem>>) target_semaphore(%run_scoped3A : memref<!tpu.dma_semaphore, #tpu.memory_space<semaphore_mem>>)
      %dma_wait3A = arith.constant 0 : i32
      %dma_wait3A_39 = arith.constant 0 : i32
      %dma_wait3A_40 = tpu.memref_slice %arg6[%dma_wait3A, %dma_wait3A_39] : memref<40x128xi32, #tpu.memory_space<vmem>> -> memref<39x128xi32, #tpu.memory_space<vmem>>
      %dma_wait3A_41 = arith.constant 0 : i32
      %dma_wait3A_42 = tpu.memref_slice %arg2[%add3A_4, %dma_wait3A_41] : memref<1250x128xi32, #tpu.memory_space<hbm>> -> memref<39x128xi32, #tpu.memory_space<hbm>>
      %dma_wait3A_43 = arith.constant 0 : i32
      %dma_wait3A_44 = arith.constant 0 : i32
      %dma_wait3A_45 = tpu.memref_slice %arg6[%dma_wait3A_43, %dma_wait3A_44] : memref<40x128xi32, #tpu.memory_space<vmem>> -> memref<39x128xi32, #tpu.memory_space<vmem>>
      %dma_wait3A_46 = arith.constant 0 : i32
      %dma_wait3A_47 = tpu.memref_slice %arg2[%add3A_4, %dma_wait3A_46] : memref<1250x128xi32, #tpu.memory_space<hbm>> -> memref<39x128xi32, #tpu.memory_space<hbm>>
      tpu.wait_dma2 semaphore(%run_scoped3A : memref<!tpu.dma_semaphore, #tpu.memory_space<semaphore_mem>>) src(%dma_wait3A_47 : memref<39x128xi32, #tpu.memory_space<hbm>>) dst(%dma_wait3A_45 : memref<39x128xi32, #tpu.memory_space<vmem>>)
      tpu.yield
    }) : () -> ()
    %lt3A_8 = arith.constant 2 : i32
    %lt3A_9 = arith.cmpi slt, %add3A, %lt3A_8 : i32
    %convert_element_type3A_10 = arith.extui %lt3A_9 : i1 to i32
    %cond3A = arith.constant 0 : i32
    %cond3A_11 = arith.cmpi ne, %convert_element_type3A_10, %cond3A : i32
    scf.if %cond3A_11 {
      %add3A_30 = arith.constant 39 : i32
      %add3A_31 = arith.addi %add3A_4, %add3A_30 : i32
      "tpu.region"() ({
        %run_scoped3A = tpu.sem_alloc : memref<!tpu.dma_semaphore, #tpu.memory_space<semaphore_mem>>
        %dma_start3A = arith.constant 39 : i32
        %dma_start3A_32 = arith.constant 0 : i32
        %dma_start3A_33 = tpu.memref_slice %arg6[%dma_start3A, %dma_start3A_32] : memref<40x128xi32, #tpu.memory_space<vmem>> -> memref<1x128xi32, #tpu.memory_space<vmem>>
        %dma_start3A_34 = arith.constant 0 : i32
        %dma_start3A_35 = tpu.memref_slice %arg2[%add3A_31, %dma_start3A_34] : memref<1250x128xi32, #tpu.memory_space<hbm>> -> memref<1x128xi32, #tpu.memory_space<hbm>>
        %dma_start3A_36 = arith.constant 39 : i32
        %dma_start3A_37 = arith.constant 0 : i32
        %dma_start3A_38 = tpu.memref_slice %arg6[%dma_start3A_36, %dma_start3A_37] : memref<40x128xi32, #tpu.memory_space<vmem>> -> memref<1x128xi32, #tpu.memory_space<vmem>>
        %dma_start3A_39 = arith.constant 0 : i32
        %dma_start3A_40 = tpu.memref_slice %arg2[%add3A_31, %dma_start3A_39] : memref<1250x128xi32, #tpu.memory_space<hbm>> -> memref<1x128xi32, #tpu.memory_space<hbm>>
        tpu.enqueue_dma source(%dma_start3A_40 : memref<1x128xi32, #tpu.memory_space<hbm>>) target(%dma_start3A_38 : memref<1x128xi32, #tpu.memory_space<vmem>>) target_semaphore(%run_scoped3A : memref<!tpu.dma_semaphore, #tpu.memory_space<semaphore_mem>>)
        %dma_wait3A = arith.constant 39 : i32
        %dma_wait3A_41 = arith.constant 0 : i32
        %dma_wait3A_42 = tpu.memref_slice %arg6[%dma_wait3A, %dma_wait3A_41] : memref<40x128xi32, #tpu.memory_space<vmem>> -> memref<1x128xi32, #tpu.memory_space<vmem>>
        %dma_wait3A_43 = arith.constant 0 : i32
        %dma_wait3A_44 = tpu.memref_slice %arg2[%add3A_31, %dma_wait3A_43] : memref<1250x128xi32, #tpu.memory_space<hbm>> -> memref<1x128xi32, #tpu.memory_space<hbm>>
        %dma_wait3A_45 = arith.constant 39 : i32
        %dma_wait3A_46 = arith.constant 0 : i32
        %dma_wait3A_47 = tpu.memref_slice %arg6[%dma_wait3A_45, %dma_wait3A_46] : memref<40x128xi32, #tpu.memory_space<vmem>> -> memref<1x128xi32, #tpu.memory_space<vmem>>
        %dma_wait3A_48 = arith.constant 0 : i32
        %dma_wait3A_49 = tpu.memref_slice %arg2[%add3A_31, %dma_wait3A_48] : memref<1250x128xi32, #tpu.memory_space<hbm>> -> memref<1x128xi32, #tpu.memory_space<hbm>>
        tpu.wait_dma2 semaphore(%run_scoped3A : memref<!tpu.dma_semaphore, #tpu.memory_space<semaphore_mem>>) src(%dma_wait3A_49 : memref<1x128xi32, #tpu.memory_space<hbm>>) dst(%dma_wait3A_47 : memref<1x128xi32, #tpu.memory_space<vmem>>)
        tpu.yield
      }) : () -> ()
    } else {
    }
    "tpu.region"() ({
      %run_scoped3A = tpu.sem_alloc : memref<!tpu.dma_semaphore, #tpu.memory_space<semaphore_mem>>
      tpu.enqueue_dma source(%arg3 : memref<128x16xf32, #tpu.memory_space<hbm>>) target(%arg7 : memref<128x16xf32, #tpu.memory_space<vmem>>) target_semaphore(%run_scoped3A : memref<!tpu.dma_semaphore, #tpu.memory_space<semaphore_mem>>)
      tpu.wait_dma2 semaphore(%run_scoped3A : memref<!tpu.dma_semaphore, #tpu.memory_space<semaphore_mem>>) src(%arg3 : memref<128x16xf32, #tpu.memory_space<hbm>>) dst(%arg7 : memref<128x16xf32, #tpu.memory_space<vmem>>)
      tpu.yield
    }) : () -> ()
    %mul3A_12 = arith.constant 625 : i32
    %mul3A_13 = arith.muli %arg1, %mul3A_12 : i32
    "tpu.region"() ({
      %run_scoped3A = tpu.sem_alloc : memref<!tpu.dma_semaphore, #tpu.memory_space<semaphore_mem>>
      %dma_start3A = arith.constant 0 : i32
      %dma_start3A_30 = tpu.memref_slice %arg9[%mul3A_13, %dma_start3A] : memref<10000x16xf32, #tpu.memory_space<vmem_shared>> -> memref<625x16xf32, #tpu.memory_space<vmem_shared>>
      tpu.enqueue_dma source(%arg4 : memref<625x16xf32, #tpu.memory_space<hbm>>) target(%dma_start3A_30 : memref<625x16xf32, #tpu.memory_space<vmem_shared>>) target_semaphore(%run_scoped3A : memref<!tpu.dma_semaphore, #tpu.memory_space<semaphore_mem>>)
      %dma_wait3A = arith.constant 0 : i32
      %dma_wait3A_31 = tpu.memref_slice %arg9[%mul3A_13, %dma_wait3A] : memref<10000x16xf32, #tpu.memory_space<vmem_shared>> -> memref<625x16xf32, #tpu.memory_space<vmem_shared>>
      tpu.wait_dma2 semaphore(%run_scoped3A : memref<!tpu.dma_semaphore, #tpu.memory_space<semaphore_mem>>) src(%arg4 : memref<625x16xf32, #tpu.memory_space<hbm>>) dst(%dma_wait3A_31 : memref<625x16xf32, #tpu.memory_space<vmem_shared>>)
      tpu.yield
    }) : () -> ()
    %barrier3A = arith.constant 0 : index
    tpu.barrier barrier_id(%barrier3A)
    %scan3A = arith.constant 0 : i32
    %scan3A_14 = arith.constant 0 : i32
    %scan3A_15 = arith.constant 40 : i32
    %scan3A_16 = arith.addi %scan3A_14, %scan3A_15 : i32
    %scan3A_17 = arith.constant 1 : i32
    scf.for %scan3A_30 = %scan3A_14 to %scan3A_16 step %scan3A_17  : i32 {
      %lt3A_31 = arith.cmpi slt, %scan3A_30, %add3A_7 : i32
      %convert_element_type3A_32 = arith.extui %lt3A_31 : i1 to i32
      %cond3A_33 = arith.constant 0 : i32
      %cond3A_34 = arith.cmpi ne, %convert_element_type3A_32, %cond3A_33 : i32
      scf.if %cond3A_34 {
        %dma_start3A = arith.constant 0 : i32
        %dma_start3A_35 = tpu.memref_slice %arg6[%scan3A_30, %dma_start3A] : memref<40x128xi32, #tpu.memory_space<vmem>> -> memref<1x128xi32, #tpu.memory_space<vmem>>
        %dma_start3A_36 = tpu.memref_squeeze %dma_start3A_35 : memref<1x128xi32, #tpu.memory_space<vmem>> -> memref<128xi32, #tpu.memory_space<vmem>>
        %dma_start3A_37 = arith.constant 0 : i32
        %dma_start3A_38 = arith.constant 0 : i32
        %dma_start3A_39 = tpu.memref_slice %arg9[%dma_start3A_37, %dma_start3A_38] : memref<10000x16xf32, #tpu.memory_space<vmem_shared>> -> memref<10000x16xf32, #tpu.memory_space<vmem_shared>>
        tpu.enqueue_indirect_dma source(%arg7 : memref<128x16xf32, #tpu.memory_space<vmem>>) target(%dma_start3A_39 : memref<10000x16xf32, #tpu.memory_space<vmem_shared>>) offsets(%dma_start3A_36 : memref<128xi32, #tpu.memory_space<vmem>>) semaphore(%arg8 : memref<!tpu.dma_semaphore, #tpu.memory_space<semaphore_mem>>) {add = true}
      } else {
      }
    }
    %scan3A_18 = arith.constant 40 : i32
    %scan3A_19 = arith.constant 0 : i32
    %scan3A_20 = arith.constant 0 : i32
    %scan3A_21 = arith.constant 40 : i32
    %scan3A_22 = arith.addi %scan3A_20, %scan3A_21 : i32
    %scan3A_23 = arith.constant 1 : i32
    scf.for %scan3A_30 = %scan3A_20 to %scan3A_22 step %scan3A_23  : i32 {
      %lt3A_31 = arith.cmpi slt, %scan3A_30, %add3A_7 : i32
      %convert_element_type3A_32 = arith.extui %lt3A_31 : i1 to i32
      %cond3A_33 = arith.constant 0 : i32
      %cond3A_34 = arith.cmpi ne, %convert_element_type3A_32, %cond3A_33 : i32
      scf.if %cond3A_34 {
        %dma_wait3A = arith.constant 0 : i32
        %dma_wait3A_35 = arith.constant 0 : i32
        %dma_wait3A_36 = tpu.memref_slice %arg6[%dma_wait3A, %dma_wait3A_35] : memref<40x128xi32, #tpu.memory_space<vmem>> -> memref<1x128xi32, #tpu.memory_space<vmem>>
        %dma_wait3A_37 = tpu.memref_squeeze %dma_wait3A_36 : memref<1x128xi32, #tpu.memory_space<vmem>> -> memref<128xi32, #tpu.memory_space<vmem>>
        %dma_wait3A_38 = arith.constant 0 : i32
        %dma_wait3A_39 = arith.constant 0 : i32
        %dma_wait3A_40 = tpu.memref_slice %arg9[%dma_wait3A_38, %dma_wait3A_39] : memref<10000x16xf32, #tpu.memory_space<vmem_shared>> -> memref<10000x16xf32, #tpu.memory_space<vmem_shared>>
        tpu.wait_indirect_dma semaphore(%arg8 : memref<!tpu.dma_semaphore, #tpu.memory_space<semaphore_mem>>) src(%arg7 : memref<128x16xf32, #tpu.memory_space<vmem>>) dst(%dma_wait3A_40 : memref<10000x16xf32, #tpu.memory_space<vmem_shared>>)
      } else {
      }
    }
    %scan3A_24 = arith.constant 40 : i32
    %barrier3A_25 = arith.constant 0 : index
    tpu.barrier barrier_id(%barrier3A_25)
    %mul3A_26 = arith.constant 625 : i32
    %mul3A_27 = arith.muli %arg1, %mul3A_26 : i32
    %mul3A_28 = arith.constant 625 : i32
    %mul3A_29 = arith.muli %arg1, %mul3A_28 : i32
    "tpu.region"() ({
      %run_scoped3A = tpu.sem_alloc : memref<!tpu.dma_semaphore, #tpu.memory_space<semaphore_mem>>
      %dma_start3A = arith.constant 0 : i32
      %dma_start3A_30 = tpu.memref_slice %arg5[%arg0, %mul3A_29, %dma_start3A] : memref<2x10000x16xf32, #tpu.memory_space<hbm>> -> memref<1x625x16xf32, #tpu.memory_space<hbm>>
      %dma_start3A_31 = tpu.memref_squeeze %dma_start3A_30 : memref<1x625x16xf32, #tpu.memory_space<hbm>> -> memref<625x16xf32, #tpu.memory_space<hbm>>
      %dma_start3A_32 = arith.constant 0 : i32
      %dma_start3A_33 = tpu.memref_slice %arg9[%mul3A_27, %dma_start3A_32] : memref<10000x16xf32, #tpu.memory_space<vmem_shared>> -> memref<625x16xf32, #tpu.memory_space<vmem_shared>>
      tpu.enqueue_dma source(%dma_start3A_33 : memref<625x16xf32, #tpu.memory_space<vmem_shared>>) target(%dma_start3A_31 : memref<625x16xf32, #tpu.memory_space<hbm>>) target_semaphore(%run_scoped3A : memref<!tpu.dma_semaphore, #tpu.memory_space<semaphore_mem>>)
      %dma_wait3A = arith.constant 0 : i32
      %dma_wait3A_34 = tpu.memref_slice %arg5[%arg0, %mul3A_29, %dma_wait3A] : memref<2x10000x16xf32, #tpu.memory_space<hbm>> -> memref<1x625x16xf32, #tpu.memory_space<hbm>>
      %dma_wait3A_35 = tpu.memref_squeeze %dma_wait3A_34 : memref<1x625x16xf32, #tpu.memory_space<hbm>> -> memref<625x16xf32, #tpu.memory_space<hbm>>
      %dma_wait3A_36 = arith.constant 0 : i32
      %dma_wait3A_37 = tpu.memref_slice %arg9[%mul3A_27, %dma_wait3A_36] : memref<10000x16xf32, #tpu.memory_space<vmem_shared>> -> memref<625x16xf32, #tpu.memory_space<vmem_shared>>
      tpu.wait_dma2 semaphore(%run_scoped3A : memref<!tpu.dma_semaphore, #tpu.memory_space<semaphore_mem>>) src(%dma_wait3A_37 : memref<625x16xf32, #tpu.memory_space<vmem_shared>>) dst(%dma_wait3A_35 : memref<625x16xf32, #tpu.memory_space<hbm>>)
      tpu.yield
    }) : () -> ()
    return
  }
}

#map = affine_map<(d0, d1) -> (0, 0)>
#map1 = affine_map<(d0, d1) -> (0, 0, 0)>
module attributes {stable_mosaic.version = 14 : i64} {
  func.func @k(%arg0: i32, %arg1: i32, %arg2: memref<10000x16xf32, #tpu.memory_space<hbm>>, %arg3: memref<1250x128xi32, #tpu.memory_space<hbm>>, %arg4: memref<1250x128xi32, #tpu.memory_space<hbm>>, %arg5: memref<625x16xf32, #tpu.memory_space<hbm>>, %arg6: memref<2x10000x16xf32, #tpu.memory_space<hbm>>, %arg7: memref<40x128xi32, #tpu.memory_space<vmem>>, %arg8: memref<40x128xi32, #tpu.memory_space<vmem>>, %arg9: memref<40x128x16xf32, #tpu.memory_space<vmem>>, %arg10: memref<!tpu.dma_semaphore, #tpu.memory_space<semaphore_mem>>, %arg11: memref<!tpu.dma_semaphore, #tpu.memory_space<semaphore_mem>>, %arg12: memref<10000x16xf32, #tpu.memory_space<vmem_shared>>) attributes {dimension_semantics = [#tpu.dimension_semantics<core_parallel>, #tpu.dimension_semantics<subcore_parallel>], iteration_bounds = array<i64: 2, 16>, scalar_prefetch = 0 : i64, scratch_operands = 6 : i64, tpu.core_type = #tpu.core_type<sc_vector_subcore>, window_params = [{transform_indices = #map}, {transform_indices = #map}, {transform_indices = #map}, {transform_indices = #map}, {transform_indices = #map1}]} {
    %mul3A = arith.constant 2 : i32
    %mul3A_0 = arith.muli %arg1, %mul3A : i32
    %add3A = arith.addi %mul3A_0, %arg0 : i32
    %mul3A_1 = arith.constant 39 : i32
    %mul3A_2 = arith.muli %add3A, %mul3A_1 : i32
    %min3A = arith.constant 2 : i32
    %min3A_3 = arith.minsi %add3A, %min3A : i32
    %add3A_4 = arith.addi %mul3A_2, %min3A_3 : i32
    %lt3A = arith.constant 2 : i32
    %lt3A_5 = arith.cmpi slt, %add3A, %lt3A : i32
    %convert_element_type3A = arith.extui %lt3A_5 : i1 to i32
    %add3A_6 = arith.constant 39 : i32
    %add3A_7 = arith.addi %add3A_6, %convert_element_type3A : i32
    "tpu.region"() ({
      %run_scoped3A = tpu.sem_alloc : memref<!tpu.dma_semaphore, #tpu.memory_space<semaphore_mem>>
      %dma_start3A = arith.constant 0 : i32
      %dma_start3A_42 = arith.constant 0 : i32
      %dma_start3A_43 = tpu.memref_slice %arg7[%dma_start3A, %dma_start3A_42] : memref<40x128xi32, #tpu.memory_space<vmem>> -> memref<39x128xi32, #tpu.memory_space<vmem>>
      %dma_start3A_44 = arith.constant 0 : i32
      %dma_start3A_45 = tpu.memref_slice %arg3[%add3A_4, %dma_start3A_44] : memref<1250x128xi32, #tpu.memory_space<hbm>> -> memref<39x128xi32, #tpu.memory_space<hbm>>
      %dma_start3A_46 = arith.constant 0 : i32
      %dma_start3A_47 = arith.constant 0 : i32
      %dma_start3A_48 = tpu.memref_slice %arg7[%dma_start3A_46, %dma_start3A_47] : memref<40x128xi32, #tpu.memory_space<vmem>> -> memref<39x128xi32, #tpu.memory_space<vmem>>
      %dma_start3A_49 = arith.constant 0 : i32
      %dma_start3A_50 = tpu.memref_slice %arg3[%add3A_4, %dma_start3A_49] : memref<1250x128xi32, #tpu.memory_space<hbm>> -> memref<39x128xi32, #tpu.memory_space<hbm>>
      tpu.enqueue_dma source(%dma_start3A_50 : memref<39x128xi32, #tpu.memory_space<hbm>>) target(%dma_start3A_48 : memref<39x128xi32, #tpu.memory_space<vmem>>) target_semaphore(%run_scoped3A : memref<!tpu.dma_semaphore, #tpu.memory_space<semaphore_mem>>)
      %dma_wait3A = arith.constant 0 : i32
      %dma_wait3A_51 = arith.constant 0 : i32
      %dma_wait3A_52 = tpu.memref_slice %arg7[%dma_wait3A, %dma_wait3A_51] : memref<40x128xi32, #tpu.memory_space<vmem>> -> memref<39x128xi32, #tpu.memory_space<vmem>>
      %dma_wait3A_53 = arith.constant 0 : i32
      %dma_wait3A_54 = tpu.memref_slice %arg3[%add3A_4, %dma_wait3A_53] : memref<1250x128xi32, #tpu.memory_space<hbm>> -> memref<39x128xi32, #tpu.memory_space<hbm>>
      %dma_wait3A_55 = arith.constant 0 : i32
      %dma_wait3A_56 = arith.constant 0 : i32
      %dma_wait3A_57 = tpu.memref_slice %arg7[%dma_wait3A_55, %dma_wait3A_56] : memref<40x128xi32, #tpu.memory_space<vmem>> -> memref<39x128xi32, #tpu.memory_space<vmem>>
      %dma_wait3A_58 = arith.constant 0 : i32
      %dma_wait3A_59 = tpu.memref_slice %arg3[%add3A_4, %dma_wait3A_58] : memref<1250x128xi32, #tpu.memory_space<hbm>> -> memref<39x128xi32, #tpu.memory_space<hbm>>
      tpu.wait_dma2 semaphore(%run_scoped3A : memref<!tpu.dma_semaphore, #tpu.memory_space<semaphore_mem>>) src(%dma_wait3A_59 : memref<39x128xi32, #tpu.memory_space<hbm>>) dst(%dma_wait3A_57 : memref<39x128xi32, #tpu.memory_space<vmem>>)
      tpu.yield
    }) : () -> ()
    "tpu.region"() ({
      %run_scoped3A = tpu.sem_alloc : memref<!tpu.dma_semaphore, #tpu.memory_space<semaphore_mem>>
      %dma_start3A = arith.constant 0 : i32
      %dma_start3A_42 = arith.constant 0 : i32
      %dma_start3A_43 = tpu.memref_slice %arg8[%dma_start3A, %dma_start3A_42] : memref<40x128xi32, #tpu.memory_space<vmem>> -> memref<39x128xi32, #tpu.memory_space<vmem>>
      %dma_start3A_44 = arith.constant 0 : i32
      %dma_start3A_45 = tpu.memref_slice %arg4[%add3A_4, %dma_start3A_44] : memref<1250x128xi32, #tpu.memory_space<hbm>> -> memref<39x128xi32, #tpu.memory_space<hbm>>
      %dma_start3A_46 = arith.constant 0 : i32
      %dma_start3A_47 = arith.constant 0 : i32
      %dma_start3A_48 = tpu.memref_slice %arg8[%dma_start3A_46, %dma_start3A_47] : memref<40x128xi32, #tpu.memory_space<vmem>> -> memref<39x128xi32, #tpu.memory_space<vmem>>
      %dma_start3A_49 = arith.constant 0 : i32
      %dma_start3A_50 = tpu.memref_slice %arg4[%add3A_4, %dma_start3A_49] : memref<1250x128xi32, #tpu.memory_space<hbm>> -> memref<39x128xi32, #tpu.memory_space<hbm>>
      tpu.enqueue_dma source(%dma_start3A_50 : memref<39x128xi32, #tpu.memory_space<hbm>>) target(%dma_start3A_48 : memref<39x128xi32, #tpu.memory_space<vmem>>) target_semaphore(%run_scoped3A : memref<!tpu.dma_semaphore, #tpu.memory_space<semaphore_mem>>)
      %dma_wait3A = arith.constant 0 : i32
      %dma_wait3A_51 = arith.constant 0 : i32
      %dma_wait3A_52 = tpu.memref_slice %arg8[%dma_wait3A, %dma_wait3A_51] : memref<40x128xi32, #tpu.memory_space<vmem>> -> memref<39x128xi32, #tpu.memory_space<vmem>>
      %dma_wait3A_53 = arith.constant 0 : i32
      %dma_wait3A_54 = tpu.memref_slice %arg4[%add3A_4, %dma_wait3A_53] : memref<1250x128xi32, #tpu.memory_space<hbm>> -> memref<39x128xi32, #tpu.memory_space<hbm>>
      %dma_wait3A_55 = arith.constant 0 : i32
      %dma_wait3A_56 = arith.constant 0 : i32
      %dma_wait3A_57 = tpu.memref_slice %arg8[%dma_wait3A_55, %dma_wait3A_56] : memref<40x128xi32, #tpu.memory_space<vmem>> -> memref<39x128xi32, #tpu.memory_space<vmem>>
      %dma_wait3A_58 = arith.constant 0 : i32
      %dma_wait3A_59 = tpu.memref_slice %arg4[%add3A_4, %dma_wait3A_58] : memref<1250x128xi32, #tpu.memory_space<hbm>> -> memref<39x128xi32, #tpu.memory_space<hbm>>
      tpu.wait_dma2 semaphore(%run_scoped3A : memref<!tpu.dma_semaphore, #tpu.memory_space<semaphore_mem>>) src(%dma_wait3A_59 : memref<39x128xi32, #tpu.memory_space<hbm>>) dst(%dma_wait3A_57 : memref<39x128xi32, #tpu.memory_space<vmem>>)
      tpu.yield
    }) : () -> ()
    %lt3A_8 = arith.constant 2 : i32
    %lt3A_9 = arith.cmpi slt, %add3A, %lt3A_8 : i32
    %convert_element_type3A_10 = arith.extui %lt3A_9 : i1 to i32
    %cond3A = arith.constant 0 : i32
    %cond3A_11 = arith.cmpi ne, %convert_element_type3A_10, %cond3A : i32
    scf.if %cond3A_11 {
      %add3A_42 = arith.constant 39 : i32
      %add3A_43 = arith.addi %add3A_4, %add3A_42 : i32
      "tpu.region"() ({
        %run_scoped3A = tpu.sem_alloc : memref<!tpu.dma_semaphore, #tpu.memory_space<semaphore_mem>>
        %dma_start3A = arith.constant 39 : i32
        %dma_start3A_46 = arith.constant 0 : i32
        %dma_start3A_47 = tpu.memref_slice %arg7[%dma_start3A, %dma_start3A_46] : memref<40x128xi32, #tpu.memory_space<vmem>> -> memref<1x128xi32, #tpu.memory_space<vmem>>
        %dma_start3A_48 = arith.constant 0 : i32
        %dma_start3A_49 = tpu.memref_slice %arg3[%add3A_43, %dma_start3A_48] : memref<1250x128xi32, #tpu.memory_space<hbm>> -> memref<1x128xi32, #tpu.memory_space<hbm>>
        %dma_start3A_50 = arith.constant 39 : i32
        %dma_start3A_51 = arith.constant 0 : i32
        %dma_start3A_52 = tpu.memref_slice %arg7[%dma_start3A_50, %dma_start3A_51] : memref<40x128xi32, #tpu.memory_space<vmem>> -> memref<1x128xi32, #tpu.memory_space<vmem>>
        %dma_start3A_53 = arith.constant 0 : i32
        %dma_start3A_54 = tpu.memref_slice %arg3[%add3A_43, %dma_start3A_53] : memref<1250x128xi32, #tpu.memory_space<hbm>> -> memref<1x128xi32, #tpu.memory_space<hbm>>
        tpu.enqueue_dma source(%dma_start3A_54 : memref<1x128xi32, #tpu.memory_space<hbm>>) target(%dma_start3A_52 : memref<1x128xi32, #tpu.memory_space<vmem>>) target_semaphore(%run_scoped3A : memref<!tpu.dma_semaphore, #tpu.memory_space<semaphore_mem>>)
        %dma_wait3A = arith.constant 39 : i32
        %dma_wait3A_55 = arith.constant 0 : i32
        %dma_wait3A_56 = tpu.memref_slice %arg7[%dma_wait3A, %dma_wait3A_55] : memref<40x128xi32, #tpu.memory_space<vmem>> -> memref<1x128xi32, #tpu.memory_space<vmem>>
        %dma_wait3A_57 = arith.constant 0 : i32
        %dma_wait3A_58 = tpu.memref_slice %arg3[%add3A_43, %dma_wait3A_57] : memref<1250x128xi32, #tpu.memory_space<hbm>> -> memref<1x128xi32, #tpu.memory_space<hbm>>
        %dma_wait3A_59 = arith.constant 39 : i32
        %dma_wait3A_60 = arith.constant 0 : i32
        %dma_wait3A_61 = tpu.memref_slice %arg7[%dma_wait3A_59, %dma_wait3A_60] : memref<40x128xi32, #tpu.memory_space<vmem>> -> memref<1x128xi32, #tpu.memory_space<vmem>>
        %dma_wait3A_62 = arith.constant 0 : i32
        %dma_wait3A_63 = tpu.memref_slice %arg3[%add3A_43, %dma_wait3A_62] : memref<1250x128xi32, #tpu.memory_space<hbm>> -> memref<1x128xi32, #tpu.memory_space<hbm>>
        tpu.wait_dma2 semaphore(%run_scoped3A : memref<!tpu.dma_semaphore, #tpu.memory_space<semaphore_mem>>) src(%dma_wait3A_63 : memref<1x128xi32, #tpu.memory_space<hbm>>) dst(%dma_wait3A_61 : memref<1x128xi32, #tpu.memory_space<vmem>>)
        tpu.yield
      }) : () -> ()
      %add3A_44 = arith.constant 39 : i32
      %add3A_45 = arith.addi %add3A_4, %add3A_44 : i32
      "tpu.region"() ({
        %run_scoped3A = tpu.sem_alloc : memref<!tpu.dma_semaphore, #tpu.memory_space<semaphore_mem>>
        %dma_start3A = arith.constant 39 : i32
        %dma_start3A_46 = arith.constant 0 : i32
        %dma_start3A_47 = tpu.memref_slice %arg8[%dma_start3A, %dma_start3A_46] : memref<40x128xi32, #tpu.memory_space<vmem>> -> memref<1x128xi32, #tpu.memory_space<vmem>>
        %dma_start3A_48 = arith.constant 0 : i32
        %dma_start3A_49 = tpu.memref_slice %arg4[%add3A_45, %dma_start3A_48] : memref<1250x128xi32, #tpu.memory_space<hbm>> -> memref<1x128xi32, #tpu.memory_space<hbm>>
        %dma_start3A_50 = arith.constant 39 : i32
        %dma_start3A_51 = arith.constant 0 : i32
        %dma_start3A_52 = tpu.memref_slice %arg8[%dma_start3A_50, %dma_start3A_51] : memref<40x128xi32, #tpu.memory_space<vmem>> -> memref<1x128xi32, #tpu.memory_space<vmem>>
        %dma_start3A_53 = arith.constant 0 : i32
        %dma_start3A_54 = tpu.memref_slice %arg4[%add3A_45, %dma_start3A_53] : memref<1250x128xi32, #tpu.memory_space<hbm>> -> memref<1x128xi32, #tpu.memory_space<hbm>>
        tpu.enqueue_dma source(%dma_start3A_54 : memref<1x128xi32, #tpu.memory_space<hbm>>) target(%dma_start3A_52 : memref<1x128xi32, #tpu.memory_space<vmem>>) target_semaphore(%run_scoped3A : memref<!tpu.dma_semaphore, #tpu.memory_space<semaphore_mem>>)
        %dma_wait3A = arith.constant 39 : i32
        %dma_wait3A_55 = arith.constant 0 : i32
        %dma_wait3A_56 = tpu.memref_slice %arg8[%dma_wait3A, %dma_wait3A_55] : memref<40x128xi32, #tpu.memory_space<vmem>> -> memref<1x128xi32, #tpu.memory_space<vmem>>
        %dma_wait3A_57 = arith.constant 0 : i32
        %dma_wait3A_58 = tpu.memref_slice %arg4[%add3A_45, %dma_wait3A_57] : memref<1250x128xi32, #tpu.memory_space<hbm>> -> memref<1x128xi32, #tpu.memory_space<hbm>>
        %dma_wait3A_59 = arith.constant 39 : i32
        %dma_wait3A_60 = arith.constant 0 : i32
        %dma_wait3A_61 = tpu.memref_slice %arg8[%dma_wait3A_59, %dma_wait3A_60] : memref<40x128xi32, #tpu.memory_space<vmem>> -> memref<1x128xi32, #tpu.memory_space<vmem>>
        %dma_wait3A_62 = arith.constant 0 : i32
        %dma_wait3A_63 = tpu.memref_slice %arg4[%add3A_45, %dma_wait3A_62] : memref<1250x128xi32, #tpu.memory_space<hbm>> -> memref<1x128xi32, #tpu.memory_space<hbm>>
        tpu.wait_dma2 semaphore(%run_scoped3A : memref<!tpu.dma_semaphore, #tpu.memory_space<semaphore_mem>>) src(%dma_wait3A_63 : memref<1x128xi32, #tpu.memory_space<hbm>>) dst(%dma_wait3A_61 : memref<1x128xi32, #tpu.memory_space<vmem>>)
        tpu.yield
      }) : () -> ()
    } else {
    }
    %mul3A_12 = arith.constant 625 : i32
    %mul3A_13 = arith.muli %arg1, %mul3A_12 : i32
    "tpu.region"() ({
      %run_scoped3A = tpu.sem_alloc : memref<!tpu.dma_semaphore, #tpu.memory_space<semaphore_mem>>
      %dma_start3A = arith.constant 0 : i32
      %dma_start3A_42 = tpu.memref_slice %arg12[%mul3A_13, %dma_start3A] : memref<10000x16xf32, #tpu.memory_space<vmem_shared>> -> memref<625x16xf32, #tpu.memory_space<vmem_shared>>
      tpu.enqueue_dma source(%arg5 : memref<625x16xf32, #tpu.memory_space<hbm>>) target(%dma_start3A_42 : memref<625x16xf32, #tpu.memory_space<vmem_shared>>) target_semaphore(%run_scoped3A : memref<!tpu.dma_semaphore, #tpu.memory_space<semaphore_mem>>)
      %dma_wait3A = arith.constant 0 : i32
      %dma_wait3A_43 = tpu.memref_slice %arg12[%mul3A_13, %dma_wait3A] : memref<10000x16xf32, #tpu.memory_space<vmem_shared>> -> memref<625x16xf32, #tpu.memory_space<vmem_shared>>
      tpu.wait_dma2 semaphore(%run_scoped3A : memref<!tpu.dma_semaphore, #tpu.memory_space<semaphore_mem>>) src(%arg5 : memref<625x16xf32, #tpu.memory_space<hbm>>) dst(%dma_wait3A_43 : memref<625x16xf32, #tpu.memory_space<vmem_shared>>)
      tpu.yield
    }) : () -> ()
    %barrier3A = arith.constant 0 : index
    tpu.barrier barrier_id(%barrier3A)
    %scan3A = arith.constant 0 : i32
    %scan3A_14 = arith.constant 0 : i32
    %scan3A_15 = arith.constant 40 : i32
    %scan3A_16 = arith.addi %scan3A_14, %scan3A_15 : i32
    %scan3A_17 = arith.constant 1 : i32
    scf.for %scan3A_42 = %scan3A_14 to %scan3A_16 step %scan3A_17  : i32 {
      %lt3A_43 = arith.cmpi slt, %scan3A_42, %add3A_7 : i32
      %convert_element_type3A_44 = arith.extui %lt3A_43 : i1 to i32
      %cond3A_45 = arith.constant 0 : i32
      %cond3A_46 = arith.cmpi ne, %convert_element_type3A_44, %cond3A_45 : i32
      scf.if %cond3A_46 {
        %dma_start3A = arith.constant 0 : i32
        %dma_start3A_47 = arith.constant 0 : i32
        %dma_start3A_48 = tpu.memref_slice %arg9[%scan3A_42, %dma_start3A, %dma_start3A_47] : memref<40x128x16xf32, #tpu.memory_space<vmem>> -> memref<1x128x16xf32, #tpu.memory_space<vmem>>
        %dma_start3A_49 = tpu.memref_squeeze %dma_start3A_48 : memref<1x128x16xf32, #tpu.memory_space<vmem>> -> memref<128x16xf32, #tpu.memory_space<vmem>>
        %dma_start3A_50 = arith.constant 0 : i32
        %dma_start3A_51 = tpu.memref_slice %arg7[%scan3A_42, %dma_start3A_50] : memref<40x128xi32, #tpu.memory_space<vmem>> -> memref<1x128xi32, #tpu.memory_space<vmem>>
        %dma_start3A_52 = tpu.memref_squeeze %dma_start3A_51 : memref<1x128xi32, #tpu.memory_space<vmem>> -> memref<128xi32, #tpu.memory_space<vmem>>
        %dma_start3A_53 = arith.constant 0 : i32
        %dma_start3A_54 = arith.constant 0 : i32
        %dma_start3A_55 = tpu.memref_slice %arg2[%dma_start3A_53, %dma_start3A_54] : memref<10000x16xf32, #tpu.memory_space<hbm>> -> memref<10000x16xf32, #tpu.memory_space<hbm>>
        tpu.enqueue_indirect_dma source(%dma_start3A_55 : memref<10000x16xf32, #tpu.memory_space<hbm>>) target(%dma_start3A_49 : memref<128x16xf32, #tpu.memory_space<vmem>>) offsets(%dma_start3A_52 : memref<128xi32, #tpu.memory_space<vmem>>) semaphore(%arg10 : memref<!tpu.dma_semaphore, #tpu.memory_space<semaphore_mem>>)
      } else {
      }
    }
    %scan3A_18 = arith.constant 40 : i32
    %scan3A_19 = arith.constant 0 : i32
    %scan3A_20 = arith.constant 0 : i32
    %scan3A_21 = arith.constant 40 : i32
    %scan3A_22 = arith.addi %scan3A_20, %scan3A_21 : i32
    %scan3A_23 = arith.constant 1 : i32
    scf.for %scan3A_42 = %scan3A_20 to %scan3A_22 step %scan3A_23  : i32 {
      %lt3A_43 = arith.cmpi slt, %scan3A_42, %add3A_7 : i32
      %convert_element_type3A_44 = arith.extui %lt3A_43 : i1 to i32
      %cond3A_45 = arith.constant 0 : i32
      %cond3A_46 = arith.cmpi ne, %convert_element_type3A_44, %cond3A_45 : i32
      scf.if %cond3A_46 {
        %dma_wait3A = arith.constant 0 : i32
        %dma_wait3A_47 = arith.constant 0 : i32
        %dma_wait3A_48 = arith.constant 0 : i32
        %dma_wait3A_49 = arith.constant 0 : i32
        %dma_wait3A_50 = tpu.memref_slice %arg9[%dma_wait3A_47, %dma_wait3A_48, %dma_wait3A_49] : memref<40x128x16xf32, #tpu.memory_space<vmem>> -> memref<1x128x16xf32, #tpu.memory_space<vmem>>
        %dma_wait3A_51 = tpu.memref_squeeze %dma_wait3A_50 : memref<1x128x16xf32, #tpu.memory_space<vmem>> -> memref<128x16xf32, #tpu.memory_space<vmem>>
        %dma_wait3A_52 = arith.constant 0 : i32
        %dma_wait3A_53 = tpu.memref_slice %arg7[%dma_wait3A, %dma_wait3A_52] : memref<40x128xi32, #tpu.memory_space<vmem>> -> memref<1x128xi32, #tpu.memory_space<vmem>>
        %dma_wait3A_54 = tpu.memref_squeeze %dma_wait3A_53 : memref<1x128xi32, #tpu.memory_space<vmem>> -> memref<128xi32, #tpu.memory_space<vmem>>
        %dma_wait3A_55 = arith.constant 0 : i32
        %dma_wait3A_56 = arith.constant 0 : i32
        %dma_wait3A_57 = tpu.memref_slice %arg2[%dma_wait3A_55, %dma_wait3A_56] : memref<10000x16xf32, #tpu.memory_space<hbm>> -> memref<10000x16xf32, #tpu.memory_space<hbm>>
        tpu.wait_indirect_dma semaphore(%arg10 : memref<!tpu.dma_semaphore, #tpu.memory_space<semaphore_mem>>) src(%dma_wait3A_57 : memref<10000x16xf32, #tpu.memory_space<hbm>>) dst(%dma_wait3A_51 : memref<128x16xf32, #tpu.memory_space<vmem>>)
      } else {
      }
    }
    %scan3A_24 = arith.constant 40 : i32
    %scan3A_25 = arith.constant 0 : i32
    %scan3A_26 = arith.constant 0 : i32
    %scan3A_27 = arith.constant 40 : i32
    %scan3A_28 = arith.addi %scan3A_26, %scan3A_27 : i32
    %scan3A_29 = arith.constant 1 : i32
    scf.for %scan3A_42 = %scan3A_26 to %scan3A_28 step %scan3A_29  : i32 {
      %lt3A_43 = arith.cmpi slt, %scan3A_42, %add3A_7 : i32
      %convert_element_type3A_44 = arith.extui %lt3A_43 : i1 to i32
      %cond3A_45 = arith.constant 0 : i32
      %cond3A_46 = arith.cmpi ne, %convert_element_type3A_44, %cond3A_45 : i32
      scf.if %cond3A_46 {
        %dma_start3A = arith.constant 0 : i32
        %dma_start3A_47 = arith.constant 0 : i32
        %dma_start3A_48 = tpu.memref_slice %arg9[%scan3A_42, %dma_start3A, %dma_start3A_47] : memref<40x128x16xf32, #tpu.memory_space<vmem>> -> memref<1x128x16xf32, #tpu.memory_space<vmem>>
        %dma_start3A_49 = tpu.memref_squeeze %dma_start3A_48 : memref<1x128x16xf32, #tpu.memory_space<vmem>> -> memref<128x16xf32, #tpu.memory_space<vmem>>
        %dma_start3A_50 = arith.constant 0 : i32
        %dma_start3A_51 = tpu.memref_slice %arg8[%scan3A_42, %dma_start3A_50] : memref<40x128xi32, #tpu.memory_space<vmem>> -> memref<1x128xi32, #tpu.memory_space<vmem>>
        %dma_start3A_52 = tpu.memref_squeeze %dma_start3A_51 : memref<1x128xi32, #tpu.memory_space<vmem>> -> memref<128xi32, #tpu.memory_space<vmem>>
        %dma_start3A_53 = arith.constant 0 : i32
        %dma_start3A_54 = arith.constant 0 : i32
        %dma_start3A_55 = tpu.memref_slice %arg12[%dma_start3A_53, %dma_start3A_54] : memref<10000x16xf32, #tpu.memory_space<vmem_shared>> -> memref<10000x16xf32, #tpu.memory_space<vmem_shared>>
        tpu.enqueue_indirect_dma source(%dma_start3A_49 : memref<128x16xf32, #tpu.memory_space<vmem>>) target(%dma_start3A_55 : memref<10000x16xf32, #tpu.memory_space<vmem_shared>>) offsets(%dma_start3A_52 : memref<128xi32, #tpu.memory_space<vmem>>) semaphore(%arg11 : memref<!tpu.dma_semaphore, #tpu.memory_space<semaphore_mem>>) {add = true}
      } else {
      }
    }
    %scan3A_30 = arith.constant 40 : i32
    %scan3A_31 = arith.constant 0 : i32
    %scan3A_32 = arith.constant 0 : i32
    %scan3A_33 = arith.constant 40 : i32
    %scan3A_34 = arith.addi %scan3A_32, %scan3A_33 : i32
    %scan3A_35 = arith.constant 1 : i32
    scf.for %scan3A_42 = %scan3A_32 to %scan3A_34 step %scan3A_35  : i32 {
      %lt3A_43 = arith.cmpi slt, %scan3A_42, %add3A_7 : i32
      %convert_element_type3A_44 = arith.extui %lt3A_43 : i1 to i32
      %cond3A_45 = arith.constant 0 : i32
      %cond3A_46 = arith.cmpi ne, %convert_element_type3A_44, %cond3A_45 : i32
      scf.if %cond3A_46 {
        %dma_wait3A = arith.constant 0 : i32
        %dma_wait3A_47 = arith.constant 0 : i32
        %dma_wait3A_48 = arith.constant 0 : i32
        %dma_wait3A_49 = arith.constant 0 : i32
        %dma_wait3A_50 = tpu.memref_slice %arg9[%dma_wait3A, %dma_wait3A_48, %dma_wait3A_49] : memref<40x128x16xf32, #tpu.memory_space<vmem>> -> memref<1x128x16xf32, #tpu.memory_space<vmem>>
        %dma_wait3A_51 = tpu.memref_squeeze %dma_wait3A_50 : memref<1x128x16xf32, #tpu.memory_space<vmem>> -> memref<128x16xf32, #tpu.memory_space<vmem>>
        %dma_wait3A_52 = arith.constant 0 : i32
        %dma_wait3A_53 = tpu.memref_slice %arg8[%dma_wait3A_47, %dma_wait3A_52] : memref<40x128xi32, #tpu.memory_space<vmem>> -> memref<1x128xi32, #tpu.memory_space<vmem>>
        %dma_wait3A_54 = tpu.memref_squeeze %dma_wait3A_53 : memref<1x128xi32, #tpu.memory_space<vmem>> -> memref<128xi32, #tpu.memory_space<vmem>>
        %dma_wait3A_55 = arith.constant 0 : i32
        %dma_wait3A_56 = arith.constant 0 : i32
        %dma_wait3A_57 = tpu.memref_slice %arg12[%dma_wait3A_55, %dma_wait3A_56] : memref<10000x16xf32, #tpu.memory_space<vmem_shared>> -> memref<10000x16xf32, #tpu.memory_space<vmem_shared>>
        tpu.wait_indirect_dma semaphore(%arg11 : memref<!tpu.dma_semaphore, #tpu.memory_space<semaphore_mem>>) src(%dma_wait3A_51 : memref<128x16xf32, #tpu.memory_space<vmem>>) dst(%dma_wait3A_57 : memref<10000x16xf32, #tpu.memory_space<vmem_shared>>)
      } else {
      }
    }
    %scan3A_36 = arith.constant 40 : i32
    %barrier3A_37 = arith.constant 0 : index
    tpu.barrier barrier_id(%barrier3A_37)
    %mul3A_38 = arith.constant 625 : i32
    %mul3A_39 = arith.muli %arg1, %mul3A_38 : i32
    %mul3A_40 = arith.constant 625 : i32
    %mul3A_41 = arith.muli %arg1, %mul3A_40 : i32
    "tpu.region"() ({
      %run_scoped3A = tpu.sem_alloc : memref<!tpu.dma_semaphore, #tpu.memory_space<semaphore_mem>>
      %dma_start3A = arith.constant 0 : i32
      %dma_start3A_42 = tpu.memref_slice %arg6[%arg0, %mul3A_41, %dma_start3A] : memref<2x10000x16xf32, #tpu.memory_space<hbm>> -> memref<1x625x16xf32, #tpu.memory_space<hbm>>
      %dma_start3A_43 = tpu.memref_squeeze %dma_start3A_42 : memref<1x625x16xf32, #tpu.memory_space<hbm>> -> memref<625x16xf32, #tpu.memory_space<hbm>>
      %dma_start3A_44 = arith.constant 0 : i32
      %dma_start3A_45 = tpu.memref_slice %arg12[%mul3A_39, %dma_start3A_44] : memref<10000x16xf32, #tpu.memory_space<vmem_shared>> -> memref<625x16xf32, #tpu.memory_space<vmem_shared>>
      tpu.enqueue_dma source(%dma_start3A_45 : memref<625x16xf32, #tpu.memory_space<vmem_shared>>) target(%dma_start3A_43 : memref<625x16xf32, #tpu.memory_space<hbm>>) target_semaphore(%run_scoped3A : memref<!tpu.dma_semaphore, #tpu.memory_space<semaphore_mem>>)
      %dma_wait3A = arith.constant 0 : i32
      %dma_wait3A_46 = tpu.memref_slice %arg6[%arg0, %mul3A_41, %dma_wait3A] : memref<2x10000x16xf32, #tpu.memory_space<hbm>> -> memref<1x625x16xf32, #tpu.memory_space<hbm>>
      %dma_wait3A_47 = tpu.memref_squeeze %dma_wait3A_46 : memref<1x625x16xf32, #tpu.memory_space<hbm>> -> memref<625x16xf32, #tpu.memory_space<hbm>>
      %dma_wait3A_48 = arith.constant 0 : i32
      %dma_wait3A_49 = tpu.memref_slice %arg12[%mul3A_39, %dma_wait3A_48] : memref<10000x16xf32, #tpu.memory_space<vmem_shared>> -> memref<625x16xf32, #tpu.memory_space<vmem_shared>>
      tpu.wait_dma2 semaphore(%run_scoped3A : memref<!tpu.dma_semaphore, #tpu.memory_space<semaphore_mem>>) src(%dma_wait3A_49 : memref<625x16xf32, #tpu.memory_space<vmem_shared>>) dst(%dma_wait3A_47 : memref<625x16xf32, #tpu.memory_space<hbm>>)
      tpu.yield
    }) : () -> ()
    return
  }
}

#map = affine_map<(d0, d1) -> (0, 0, 0)>
#map1 = affine_map<(d0, d1) -> (0, 0)>
module attributes {stable_mosaic.version = 14 : i64} {
  func.func @k(%arg0: i32, %arg1: i32, %arg2: memref<2x10000x128xf32, #tpu.memory_space<hbm>>, %arg3: memref<4000x40xi32, #tpu.memory_space<hbm>>, %arg4: memref<4000x40xi32, #tpu.memory_space<hbm>>, %arg5: memref<625x128xf32, #tpu.memory_space<hbm>>, %arg6: memref<2x10000x128xf32, #tpu.memory_space<hbm>>, %arg7: memref<125x40xi32, #tpu.memory_space<vmem>>, %arg8: memref<125x40xi32, #tpu.memory_space<vmem>>, %arg9: memref<8x40x128xf32, #tpu.memory_space<vmem>>, %arg10: memref<!tpu.dma_semaphore, #tpu.memory_space<semaphore_mem>>, %arg11: memref<!tpu.dma_semaphore, #tpu.memory_space<semaphore_mem>>, %arg12: memref<!tpu.dma_semaphore, #tpu.memory_space<semaphore_mem>>, %arg13: memref<!tpu.dma_semaphore, #tpu.memory_space<semaphore_mem>>, %arg14: memref<!tpu.dma_semaphore, #tpu.memory_space<semaphore_mem>>, %arg15: memref<!tpu.dma_semaphore, #tpu.memory_space<semaphore_mem>>, %arg16: memref<!tpu.dma_semaphore, #tpu.memory_space<semaphore_mem>>, %arg17: memref<!tpu.dma_semaphore, #tpu.memory_space<semaphore_mem>>, %arg18: memref<!tpu.dma_semaphore, #tpu.memory_space<semaphore_mem>>, %arg19: memref<!tpu.dma_semaphore, #tpu.memory_space<semaphore_mem>>, %arg20: memref<!tpu.dma_semaphore, #tpu.memory_space<semaphore_mem>>, %arg21: memref<!tpu.dma_semaphore, #tpu.memory_space<semaphore_mem>>, %arg22: memref<!tpu.dma_semaphore, #tpu.memory_space<semaphore_mem>>, %arg23: memref<!tpu.dma_semaphore, #tpu.memory_space<semaphore_mem>>, %arg24: memref<!tpu.dma_semaphore, #tpu.memory_space<semaphore_mem>>, %arg25: memref<!tpu.dma_semaphore, #tpu.memory_space<semaphore_mem>>, %arg26: memref<10000x128xf32, #tpu.memory_space<vmem_shared>>) attributes {dimension_semantics = [#tpu.dimension_semantics<core_parallel>, #tpu.dimension_semantics<subcore_parallel>], iteration_bounds = array<i64: 2, 16>, scalar_prefetch = 0 : i64, scratch_operands = 20 : i64, tpu.core_type = #tpu.core_type<sc_vector_subcore>, window_params = [{transform_indices = #map}, {transform_indices = #map1}, {transform_indices = #map1}, {transform_indices = #map1}, {transform_indices = #map}]} {
    %mul3A = arith.constant 625 : i32
    %mul3A_0 = arith.muli %arg1, %mul3A : i32
    "tpu.region"() ({
      %run_scoped3A = tpu.sem_alloc : memref<!tpu.dma_semaphore, #tpu.memory_space<semaphore_mem>>
      %dma_start3A_470 = arith.constant 0 : i32
      %dma_start3A_471 = tpu.memref_slice %arg26[%mul3A_0, %dma_start3A_470] : memref<10000x128xf32, #tpu.memory_space<vmem_shared>> -> memref<625x128xf32, #tpu.memory_space<vmem_shared>>
      tpu.enqueue_dma source(%arg5 : memref<625x128xf32, #tpu.memory_space<hbm>>) target(%dma_start3A_471 : memref<625x128xf32, #tpu.memory_space<vmem_shared>>) target_semaphore(%run_scoped3A : memref<!tpu.dma_semaphore, #tpu.memory_space<semaphore_mem>>)
      %dma_wait3A_472 = arith.constant 0 : i32
      %dma_wait3A_473 = tpu.memref_slice %arg26[%mul3A_0, %dma_wait3A_472] : memref<10000x128xf32, #tpu.memory_space<vmem_shared>> -> memref<625x128xf32, #tpu.memory_space<vmem_shared>>
      tpu.wait_dma2 semaphore(%run_scoped3A : memref<!tpu.dma_semaphore, #tpu.memory_space<semaphore_mem>>) src(%arg5 : memref<625x128xf32, #tpu.memory_space<hbm>>) dst(%dma_wait3A_473 : memref<625x128xf32, #tpu.memory_space<vmem_shared>>)
      tpu.yield
    }) : () -> ()
    %barrier3A = arith.constant 0 : index
    tpu.barrier barrier_id(%barrier3A)
    %mul3A_1 = arith.constant 250 : i32
    %mul3A_2 = arith.muli %arg1, %mul3A_1 : i32
    %add3A = arith.constant 0 : i32
    %add3A_3 = arith.addi %mul3A_2, %add3A : i32
    "tpu.region"() ({
      %run_scoped3A = tpu.sem_alloc : memref<!tpu.dma_semaphore, #tpu.memory_space<semaphore_mem>>
      %dma_start3A_470 = arith.constant 0 : i32
      %dma_start3A_471 = arith.constant 0 : i32
      %dma_start3A_472 = tpu.memref_slice %arg7[%dma_start3A_470, %dma_start3A_471] : memref<125x40xi32, #tpu.memory_space<vmem>> -> memref<125x40xi32, #tpu.memory_space<vmem>>
      %dma_start3A_473 = arith.constant 0 : i32
      %dma_start3A_474 = tpu.memref_slice %arg3[%add3A_3, %dma_start3A_473] : memref<4000x40xi32, #tpu.memory_space<hbm>> -> memref<125x40xi32, #tpu.memory_space<hbm>>
      %dma_start3A_475 = arith.constant 0 : i32
      %dma_start3A_476 = arith.constant 0 : i32
      %dma_start3A_477 = tpu.memref_slice %arg7[%dma_start3A_475, %dma_start3A_476] : memref<125x40xi32, #tpu.memory_space<vmem>> -> memref<125x40xi32, #tpu.memory_space<vmem>>
      %dma_start3A_478 = arith.constant 0 : i32
      %dma_start3A_479 = tpu.memref_slice %arg3[%add3A_3, %dma_start3A_478] : memref<4000x40xi32, #tpu.memory_space<hbm>> -> memref<125x40xi32, #tpu.memory_space<hbm>>
      tpu.enqueue_dma source(%dma_start3A_479 : memref<125x40xi32, #tpu.memory_space<hbm>>) target(%dma_start3A_477 : memref<125x40xi32, #tpu.memory_space<vmem>>) target_semaphore(%run_scoped3A : memref<!tpu.dma_semaphore, #tpu.memory_space<semaphore_mem>>)
      %dma_wait3A_480 = arith.constant 0 : i32
      %dma_wait3A_481 = arith.constant 0 : i32
      %dma_wait3A_482 = tpu.memref_slice %arg7[%dma_wait3A_480, %dma_wait3A_481] : memref<125x40xi32, #tpu.memory_space<vmem>> -> memref<125x40xi32, #tpu.memory_space<vmem>>
      %dma_wait3A_483 = arith.constant 0 : i32
      %dma_wait3A_484 = tpu.memref_slice %arg3[%add3A_3, %dma_wait3A_483] : memref<4000x40xi32, #tpu.memory_space<hbm>> -> memref<125x40xi32, #tpu.memory_space<hbm>>
      %dma_wait3A_485 = arith.constant 0 : i32
      %dma_wait3A_486 = arith.constant 0 : i32
      %dma_wait3A_487 = tpu.memref_slice %arg7[%dma_wait3A_485, %dma_wait3A_486] : memref<125x40xi32, #tpu.memory_space<vmem>> -> memref<125x40xi32, #tpu.memory_space<vmem>>
      %dma_wait3A_488 = arith.constant 0 : i32
      %dma_wait3A_489 = tpu.memref_slice %arg3[%add3A_3, %dma_wait3A_488] : memref<4000x40xi32, #tpu.memory_space<hbm>> -> memref<125x40xi32, #tpu.memory_space<hbm>>
      tpu.wait_dma2 semaphore(%run_scoped3A : memref<!tpu.dma_semaphore, #tpu.memory_space<semaphore_mem>>) src(%dma_wait3A_489 : memref<125x40xi32, #tpu.memory_space<hbm>>) dst(%dma_wait3A_487 : memref<125x40xi32, #tpu.memory_space<vmem>>)
      tpu.yield
    }) : () -> ()
    "tpu.region"() ({
      %run_scoped3A = tpu.sem_alloc : memref<!tpu.dma_semaphore, #tpu.memory_space<semaphore_mem>>
      %dma_start3A_470 = arith.constant 0 : i32
      %dma_start3A_471 = arith.constant 0 : i32
      %dma_start3A_472 = tpu.memref_slice %arg8[%dma_start3A_470, %dma_start3A_471] : memref<125x40xi32, #tpu.memory_space<vmem>> -> memref<125x40xi32, #tpu.memory_space<vmem>>
      %dma_start3A_473 = arith.constant 0 : i32
      %dma_start3A_474 = tpu.memref_slice %arg4[%add3A_3, %dma_start3A_473] : memref<4000x40xi32, #tpu.memory_space<hbm>> -> memref<125x40xi32, #tpu.memory_space<hbm>>
      %dma_start3A_475 = arith.constant 0 : i32
      %dma_start3A_476 = arith.constant 0 : i32
      %dma_start3A_477 = tpu.memref_slice %arg8[%dma_start3A_475, %dma_start3A_476] : memref<125x40xi32, #tpu.memory_space<vmem>> -> memref<125x40xi32, #tpu.memory_space<vmem>>
      %dma_start3A_478 = arith.constant 0 : i32
      %dma_start3A_479 = tpu.memref_slice %arg4[%add3A_3, %dma_start3A_478] : memref<4000x40xi32, #tpu.memory_space<hbm>> -> memref<125x40xi32, #tpu.memory_space<hbm>>
      tpu.enqueue_dma source(%dma_start3A_479 : memref<125x40xi32, #tpu.memory_space<hbm>>) target(%dma_start3A_477 : memref<125x40xi32, #tpu.memory_space<vmem>>) target_semaphore(%run_scoped3A : memref<!tpu.dma_semaphore, #tpu.memory_space<semaphore_mem>>)
      %dma_wait3A_480 = arith.constant 0 : i32
      %dma_wait3A_481 = arith.constant 0 : i32
      %dma_wait3A_482 = tpu.memref_slice %arg8[%dma_wait3A_480, %dma_wait3A_481] : memref<125x40xi32, #tpu.memory_space<vmem>> -> memref<125x40xi32, #tpu.memory_space<vmem>>
      %dma_wait3A_483 = arith.constant 0 : i32
      %dma_wait3A_484 = tpu.memref_slice %arg4[%add3A_3, %dma_wait3A_483] : memref<4000x40xi32, #tpu.memory_space<hbm>> -> memref<125x40xi32, #tpu.memory_space<hbm>>
      %dma_wait3A_485 = arith.constant 0 : i32
      %dma_wait3A_486 = arith.constant 0 : i32
      %dma_wait3A_487 = tpu.memref_slice %arg8[%dma_wait3A_485, %dma_wait3A_486] : memref<125x40xi32, #tpu.memory_space<vmem>> -> memref<125x40xi32, #tpu.memory_space<vmem>>
      %dma_wait3A_488 = arith.constant 0 : i32
      %dma_wait3A_489 = tpu.memref_slice %arg4[%add3A_3, %dma_wait3A_488] : memref<4000x40xi32, #tpu.memory_space<hbm>> -> memref<125x40xi32, #tpu.memory_space<hbm>>
      tpu.wait_dma2 semaphore(%run_scoped3A : memref<!tpu.dma_semaphore, #tpu.memory_space<semaphore_mem>>) src(%dma_wait3A_489 : memref<125x40xi32, #tpu.memory_space<hbm>>) dst(%dma_wait3A_487 : memref<125x40xi32, #tpu.memory_space<vmem>>)
      tpu.yield
    }) : () -> ()
    %dma_start3A = arith.constant 0 : i32
    %dma_start3A_4 = arith.constant 0 : i32
    %dma_start3A_5 = arith.constant 0 : i32
    %dma_start3A_6 = arith.constant 0 : i32
    %dma_start3A_7 = tpu.memref_slice %arg9[%dma_start3A_4, %dma_start3A_5, %dma_start3A_6] : memref<8x40x128xf32, #tpu.memory_space<vmem>> -> memref<1x40x128xf32, #tpu.memory_space<vmem>>
    %dma_start3A_8 = tpu.memref_squeeze %dma_start3A_7 : memref<1x40x128xf32, #tpu.memory_space<vmem>> -> memref<40x128xf32, #tpu.memory_space<vmem>>
    %dma_start3A_9 = arith.constant 0 : i32
    %dma_start3A_10 = tpu.memref_slice %arg7[%dma_start3A, %dma_start3A_9] : memref<125x40xi32, #tpu.memory_space<vmem>> -> memref<1x40xi32, #tpu.memory_space<vmem>>
    %dma_start3A_11 = tpu.memref_squeeze %dma_start3A_10 : memref<1x40xi32, #tpu.memory_space<vmem>> -> memref<40xi32, #tpu.memory_space<vmem>>
    %dma_start3A_12 = arith.constant 0 : i32
    %dma_start3A_13 = arith.constant 0 : i32
    %dma_start3A_14 = tpu.memref_slice %arg2[%arg0, %dma_start3A_12, %dma_start3A_13] : memref<2x10000x128xf32, #tpu.memory_space<hbm>> -> memref<1x10000x128xf32, #tpu.memory_space<hbm>>
    %dma_start3A_15 = tpu.memref_squeeze %dma_start3A_14 : memref<1x10000x128xf32, #tpu.memory_space<hbm>> -> memref<10000x128xf32, #tpu.memory_space<hbm>>
    %dma_start3A_16 = arith.constant 0 : i32
    %dma_start3A_17 = arith.constant 0 : i32
    %dma_start3A_18 = tpu.memref_slice %dma_start3A_15[%dma_start3A_16, %dma_start3A_17] : memref<10000x128xf32, #tpu.memory_space<hbm>> -> memref<10000x128xf32, #tpu.memory_space<hbm>>
    tpu.enqueue_indirect_dma source(%dma_start3A_18 : memref<10000x128xf32, #tpu.memory_space<hbm>>) target(%dma_start3A_8 : memref<40x128xf32, #tpu.memory_space<vmem>>) offsets(%dma_start3A_11 : memref<40xi32, #tpu.memory_space<vmem>>) semaphore(%arg10 : memref<!tpu.dma_semaphore, #tpu.memory_space<semaphore_mem>>)
    %dma_start3A_19 = arith.constant 1 : i32
    %dma_start3A_20 = arith.constant 1 : i32
    %dma_start3A_21 = arith.constant 0 : i32
    %dma_start3A_22 = arith.constant 0 : i32
    %dma_start3A_23 = tpu.memref_slice %arg9[%dma_start3A_20, %dma_start3A_21, %dma_start3A_22] : memref<8x40x128xf32, #tpu.memory_space<vmem>> -> memref<1x40x128xf32, #tpu.memory_space<vmem>>
    %dma_start3A_24 = tpu.memref_squeeze %dma_start3A_23 : memref<1x40x128xf32, #tpu.memory_space<vmem>> -> memref<40x128xf32, #tpu.memory_space<vmem>>
    %dma_start3A_25 = arith.constant 0 : i32
    %dma_start3A_26 = tpu.memref_slice %arg7[%dma_start3A_19, %dma_start3A_25] : memref<125x40xi32, #tpu.memory_space<vmem>> -> memref<1x40xi32, #tpu.memory_space<vmem>>
    %dma_start3A_27 = tpu.memref_squeeze %dma_start3A_26 : memref<1x40xi32, #tpu.memory_space<vmem>> -> memref<40xi32, #tpu.memory_space<vmem>>
    %dma_start3A_28 = arith.constant 0 : i32
    %dma_start3A_29 = arith.constant 0 : i32
    %dma_start3A_30 = tpu.memref_slice %arg2[%arg0, %dma_start3A_28, %dma_start3A_29] : memref<2x10000x128xf32, #tpu.memory_space<hbm>> -> memref<1x10000x128xf32, #tpu.memory_space<hbm>>
    %dma_start3A_31 = tpu.memref_squeeze %dma_start3A_30 : memref<1x10000x128xf32, #tpu.memory_space<hbm>> -> memref<10000x128xf32, #tpu.memory_space<hbm>>
    %dma_start3A_32 = arith.constant 0 : i32
    %dma_start3A_33 = arith.constant 0 : i32
    %dma_start3A_34 = tpu.memref_slice %dma_start3A_31[%dma_start3A_32, %dma_start3A_33] : memref<10000x128xf32, #tpu.memory_space<hbm>> -> memref<10000x128xf32, #tpu.memory_space<hbm>>
    tpu.enqueue_indirect_dma source(%dma_start3A_34 : memref<10000x128xf32, #tpu.memory_space<hbm>>) target(%dma_start3A_24 : memref<40x128xf32, #tpu.memory_space<vmem>>) offsets(%dma_start3A_27 : memref<40xi32, #tpu.memory_space<vmem>>) semaphore(%arg11 : memref<!tpu.dma_semaphore, #tpu.memory_space<semaphore_mem>>)
    %dma_start3A_35 = arith.constant 2 : i32
    %dma_start3A_36 = arith.constant 2 : i32
    %dma_start3A_37 = arith.constant 0 : i32
    %dma_start3A_38 = arith.constant 0 : i32
    %dma_start3A_39 = tpu.memref_slice %arg9[%dma_start3A_36, %dma_start3A_37, %dma_start3A_38] : memref<8x40x128xf32, #tpu.memory_space<vmem>> -> memref<1x40x128xf32, #tpu.memory_space<vmem>>
    %dma_start3A_40 = tpu.memref_squeeze %dma_start3A_39 : memref<1x40x128xf32, #tpu.memory_space<vmem>> -> memref<40x128xf32, #tpu.memory_space<vmem>>
    %dma_start3A_41 = arith.constant 0 : i32
    %dma_start3A_42 = tpu.memref_slice %arg7[%dma_start3A_35, %dma_start3A_41] : memref<125x40xi32, #tpu.memory_space<vmem>> -> memref<1x40xi32, #tpu.memory_space<vmem>>
    %dma_start3A_43 = tpu.memref_squeeze %dma_start3A_42 : memref<1x40xi32, #tpu.memory_space<vmem>> -> memref<40xi32, #tpu.memory_space<vmem>>
    %dma_start3A_44 = arith.constant 0 : i32
    %dma_start3A_45 = arith.constant 0 : i32
    %dma_start3A_46 = tpu.memref_slice %arg2[%arg0, %dma_start3A_44, %dma_start3A_45] : memref<2x10000x128xf32, #tpu.memory_space<hbm>> -> memref<1x10000x128xf32, #tpu.memory_space<hbm>>
    %dma_start3A_47 = tpu.memref_squeeze %dma_start3A_46 : memref<1x10000x128xf32, #tpu.memory_space<hbm>> -> memref<10000x128xf32, #tpu.memory_space<hbm>>
    %dma_start3A_48 = arith.constant 0 : i32
    %dma_start3A_49 = arith.constant 0 : i32
    %dma_start3A_50 = tpu.memref_slice %dma_start3A_47[%dma_start3A_48, %dma_start3A_49] : memref<10000x128xf32, #tpu.memory_space<hbm>> -> memref<10000x128xf32, #tpu.memory_space<hbm>>
    tpu.enqueue_indirect_dma source(%dma_start3A_50 : memref<10000x128xf32, #tpu.memory_space<hbm>>) target(%dma_start3A_40 : memref<40x128xf32, #tpu.memory_space<vmem>>) offsets(%dma_start3A_43 : memref<40xi32, #tpu.memory_space<vmem>>) semaphore(%arg12 : memref<!tpu.dma_semaphore, #tpu.memory_space<semaphore_mem>>)
    %dma_start3A_51 = arith.constant 3 : i32
    %dma_start3A_52 = arith.constant 3 : i32
    %dma_start3A_53 = arith.constant 0 : i32
    %dma_start3A_54 = arith.constant 0 : i32
    %dma_start3A_55 = tpu.memref_slice %arg9[%dma_start3A_52, %dma_start3A_53, %dma_start3A_54] : memref<8x40x128xf32, #tpu.memory_space<vmem>> -> memref<1x40x128xf32, #tpu.memory_space<vmem>>
    %dma_start3A_56 = tpu.memref_squeeze %dma_start3A_55 : memref<1x40x128xf32, #tpu.memory_space<vmem>> -> memref<40x128xf32, #tpu.memory_space<vmem>>
    %dma_start3A_57 = arith.constant 0 : i32
    %dma_start3A_58 = tpu.memref_slice %arg7[%dma_start3A_51, %dma_start3A_57] : memref<125x40xi32, #tpu.memory_space<vmem>> -> memref<1x40xi32, #tpu.memory_space<vmem>>
    %dma_start3A_59 = tpu.memref_squeeze %dma_start3A_58 : memref<1x40xi32, #tpu.memory_space<vmem>> -> memref<40xi32, #tpu.memory_space<vmem>>
    %dma_start3A_60 = arith.constant 0 : i32
    %dma_start3A_61 = arith.constant 0 : i32
    %dma_start3A_62 = tpu.memref_slice %arg2[%arg0, %dma_start3A_60, %dma_start3A_61] : memref<2x10000x128xf32, #tpu.memory_space<hbm>> -> memref<1x10000x128xf32, #tpu.memory_space<hbm>>
    %dma_start3A_63 = tpu.memref_squeeze %dma_start3A_62 : memref<1x10000x128xf32, #tpu.memory_space<hbm>> -> memref<10000x128xf32, #tpu.memory_space<hbm>>
    %dma_start3A_64 = arith.constant 0 : i32
    %dma_start3A_65 = arith.constant 0 : i32
    %dma_start3A_66 = tpu.memref_slice %dma_start3A_63[%dma_start3A_64, %dma_start3A_65] : memref<10000x128xf32, #tpu.memory_space<hbm>> -> memref<10000x128xf32, #tpu.memory_space<hbm>>
    tpu.enqueue_indirect_dma source(%dma_start3A_66 : memref<10000x128xf32, #tpu.memory_space<hbm>>) target(%dma_start3A_56 : memref<40x128xf32, #tpu.memory_space<vmem>>) offsets(%dma_start3A_59 : memref<40xi32, #tpu.memory_space<vmem>>) semaphore(%arg13 : memref<!tpu.dma_semaphore, #tpu.memory_space<semaphore_mem>>)
    %dma_start3A_67 = arith.constant 4 : i32
    %dma_start3A_68 = arith.constant 4 : i32
    %dma_start3A_69 = arith.constant 0 : i32
    %dma_start3A_70 = arith.constant 0 : i32
    %dma_start3A_71 = tpu.memref_slice %arg9[%dma_start3A_68, %dma_start3A_69, %dma_start3A_70] : memref<8x40x128xf32, #tpu.memory_space<vmem>> -> memref<1x40x128xf32, #tpu.memory_space<vmem>>
    %dma_start3A_72 = tpu.memref_squeeze %dma_start3A_71 : memref<1x40x128xf32, #tpu.memory_space<vmem>> -> memref<40x128xf32, #tpu.memory_space<vmem>>
    %dma_start3A_73 = arith.constant 0 : i32
    %dma_start3A_74 = tpu.memref_slice %arg7[%dma_start3A_67, %dma_start3A_73] : memref<125x40xi32, #tpu.memory_space<vmem>> -> memref<1x40xi32, #tpu.memory_space<vmem>>
    %dma_start3A_75 = tpu.memref_squeeze %dma_start3A_74 : memref<1x40xi32, #tpu.memory_space<vmem>> -> memref<40xi32, #tpu.memory_space<vmem>>
    %dma_start3A_76 = arith.constant 0 : i32
    %dma_start3A_77 = arith.constant 0 : i32
    %dma_start3A_78 = tpu.memref_slice %arg2[%arg0, %dma_start3A_76, %dma_start3A_77] : memref<2x10000x128xf32, #tpu.memory_space<hbm>> -> memref<1x10000x128xf32, #tpu.memory_space<hbm>>
    %dma_start3A_79 = tpu.memref_squeeze %dma_start3A_78 : memref<1x10000x128xf32, #tpu.memory_space<hbm>> -> memref<10000x128xf32, #tpu.memory_space<hbm>>
    %dma_start3A_80 = arith.constant 0 : i32
    %dma_start3A_81 = arith.constant 0 : i32
    %dma_start3A_82 = tpu.memref_slice %dma_start3A_79[%dma_start3A_80, %dma_start3A_81] : memref<10000x128xf32, #tpu.memory_space<hbm>> -> memref<10000x128xf32, #tpu.memory_space<hbm>>
    tpu.enqueue_indirect_dma source(%dma_start3A_82 : memref<10000x128xf32, #tpu.memory_space<hbm>>) target(%dma_start3A_72 : memref<40x128xf32, #tpu.memory_space<vmem>>) offsets(%dma_start3A_75 : memref<40xi32, #tpu.memory_space<vmem>>) semaphore(%arg14 : memref<!tpu.dma_semaphore, #tpu.memory_space<semaphore_mem>>)
    %dma_start3A_83 = arith.constant 5 : i32
    %dma_start3A_84 = arith.constant 5 : i32
    %dma_start3A_85 = arith.constant 0 : i32
    %dma_start3A_86 = arith.constant 0 : i32
    %dma_start3A_87 = tpu.memref_slice %arg9[%dma_start3A_84, %dma_start3A_85, %dma_start3A_86] : memref<8x40x128xf32, #tpu.memory_space<vmem>> -> memref<1x40x128xf32, #tpu.memory_space<vmem>>
    %dma_start3A_88 = tpu.memref_squeeze %dma_start3A_87 : memref<1x40x128xf32, #tpu.memory_space<vmem>> -> memref<40x128xf32, #tpu.memory_space<vmem>>
    %dma_start3A_89 = arith.constant 0 : i32
    %dma_start3A_90 = tpu.memref_slice %arg7[%dma_start3A_83, %dma_start3A_89] : memref<125x40xi32, #tpu.memory_space<vmem>> -> memref<1x40xi32, #tpu.memory_space<vmem>>
    %dma_start3A_91 = tpu.memref_squeeze %dma_start3A_90 : memref<1x40xi32, #tpu.memory_space<vmem>> -> memref<40xi32, #tpu.memory_space<vmem>>
    %dma_start3A_92 = arith.constant 0 : i32
    %dma_start3A_93 = arith.constant 0 : i32
    %dma_start3A_94 = tpu.memref_slice %arg2[%arg0, %dma_start3A_92, %dma_start3A_93] : memref<2x10000x128xf32, #tpu.memory_space<hbm>> -> memref<1x10000x128xf32, #tpu.memory_space<hbm>>
    %dma_start3A_95 = tpu.memref_squeeze %dma_start3A_94 : memref<1x10000x128xf32, #tpu.memory_space<hbm>> -> memref<10000x128xf32, #tpu.memory_space<hbm>>
    %dma_start3A_96 = arith.constant 0 : i32
    %dma_start3A_97 = arith.constant 0 : i32
    %dma_start3A_98 = tpu.memref_slice %dma_start3A_95[%dma_start3A_96, %dma_start3A_97] : memref<10000x128xf32, #tpu.memory_space<hbm>> -> memref<10000x128xf32, #tpu.memory_space<hbm>>
    tpu.enqueue_indirect_dma source(%dma_start3A_98 : memref<10000x128xf32, #tpu.memory_space<hbm>>) target(%dma_start3A_88 : memref<40x128xf32, #tpu.memory_space<vmem>>) offsets(%dma_start3A_91 : memref<40xi32, #tpu.memory_space<vmem>>) semaphore(%arg15 : memref<!tpu.dma_semaphore, #tpu.memory_space<semaphore_mem>>)
    %dma_start3A_99 = arith.constant 6 : i32
    %dma_start3A_100 = arith.constant 6 : i32
    %dma_start3A_101 = arith.constant 0 : i32
    %dma_start3A_102 = arith.constant 0 : i32
    %dma_start3A_103 = tpu.memref_slice %arg9[%dma_start3A_100, %dma_start3A_101, %dma_start3A_102] : memref<8x40x128xf32, #tpu.memory_space<vmem>> -> memref<1x40x128xf32, #tpu.memory_space<vmem>>
    %dma_start3A_104 = tpu.memref_squeeze %dma_start3A_103 : memref<1x40x128xf32, #tpu.memory_space<vmem>> -> memref<40x128xf32, #tpu.memory_space<vmem>>
    %dma_start3A_105 = arith.constant 0 : i32
    %dma_start3A_106 = tpu.memref_slice %arg7[%dma_start3A_99, %dma_start3A_105] : memref<125x40xi32, #tpu.memory_space<vmem>> -> memref<1x40xi32, #tpu.memory_space<vmem>>
    %dma_start3A_107 = tpu.memref_squeeze %dma_start3A_106 : memref<1x40xi32, #tpu.memory_space<vmem>> -> memref<40xi32, #tpu.memory_space<vmem>>
    %dma_start3A_108 = arith.constant 0 : i32
    %dma_start3A_109 = arith.constant 0 : i32
    %dma_start3A_110 = tpu.memref_slice %arg2[%arg0, %dma_start3A_108, %dma_start3A_109] : memref<2x10000x128xf32, #tpu.memory_space<hbm>> -> memref<1x10000x128xf32, #tpu.memory_space<hbm>>
    %dma_start3A_111 = tpu.memref_squeeze %dma_start3A_110 : memref<1x10000x128xf32, #tpu.memory_space<hbm>> -> memref<10000x128xf32, #tpu.memory_space<hbm>>
    %dma_start3A_112 = arith.constant 0 : i32
    %dma_start3A_113 = arith.constant 0 : i32
    %dma_start3A_114 = tpu.memref_slice %dma_start3A_111[%dma_start3A_112, %dma_start3A_113] : memref<10000x128xf32, #tpu.memory_space<hbm>> -> memref<10000x128xf32, #tpu.memory_space<hbm>>
    tpu.enqueue_indirect_dma source(%dma_start3A_114 : memref<10000x128xf32, #tpu.memory_space<hbm>>) target(%dma_start3A_104 : memref<40x128xf32, #tpu.memory_space<vmem>>) offsets(%dma_start3A_107 : memref<40xi32, #tpu.memory_space<vmem>>) semaphore(%arg16 : memref<!tpu.dma_semaphore, #tpu.memory_space<semaphore_mem>>)
    %dma_start3A_115 = arith.constant 7 : i32
    %dma_start3A_116 = arith.constant 7 : i32
    %dma_start3A_117 = arith.constant 0 : i32
    %dma_start3A_118 = arith.constant 0 : i32
    %dma_start3A_119 = tpu.memref_slice %arg9[%dma_start3A_116, %dma_start3A_117, %dma_start3A_118] : memref<8x40x128xf32, #tpu.memory_space<vmem>> -> memref<1x40x128xf32, #tpu.memory_space<vmem>>
    %dma_start3A_120 = tpu.memref_squeeze %dma_start3A_119 : memref<1x40x128xf32, #tpu.memory_space<vmem>> -> memref<40x128xf32, #tpu.memory_space<vmem>>
    %dma_start3A_121 = arith.constant 0 : i32
    %dma_start3A_122 = tpu.memref_slice %arg7[%dma_start3A_115, %dma_start3A_121] : memref<125x40xi32, #tpu.memory_space<vmem>> -> memref<1x40xi32, #tpu.memory_space<vmem>>
    %dma_start3A_123 = tpu.memref_squeeze %dma_start3A_122 : memref<1x40xi32, #tpu.memory_space<vmem>> -> memref<40xi32, #tpu.memory_space<vmem>>
    %dma_start3A_124 = arith.constant 0 : i32
    %dma_start3A_125 = arith.constant 0 : i32
    %dma_start3A_126 = tpu.memref_slice %arg2[%arg0, %dma_start3A_124, %dma_start3A_125] : memref<2x10000x128xf32, #tpu.memory_space<hbm>> -> memref<1x10000x128xf32, #tpu.memory_space<hbm>>
    %dma_start3A_127 = tpu.memref_squeeze %dma_start3A_126 : memref<1x10000x128xf32, #tpu.memory_space<hbm>> -> memref<10000x128xf32, #tpu.memory_space<hbm>>
    %dma_start3A_128 = arith.constant 0 : i32
    %dma_start3A_129 = arith.constant 0 : i32
    %dma_start3A_130 = tpu.memref_slice %dma_start3A_127[%dma_start3A_128, %dma_start3A_129] : memref<10000x128xf32, #tpu.memory_space<hbm>> -> memref<10000x128xf32, #tpu.memory_space<hbm>>
    tpu.enqueue_indirect_dma source(%dma_start3A_130 : memref<10000x128xf32, #tpu.memory_space<hbm>>) target(%dma_start3A_120 : memref<40x128xf32, #tpu.memory_space<vmem>>) offsets(%dma_start3A_123 : memref<40xi32, #tpu.memory_space<vmem>>) semaphore(%arg17 : memref<!tpu.dma_semaphore, #tpu.memory_space<semaphore_mem>>)
    %scan3A = arith.constant 0 : i32
    %scan3A_131 = arith.constant 0 : i32
    %scan3A_132 = arith.constant 16 : i32
    %scan3A_133 = arith.addi %scan3A_131, %scan3A_132 : i32
    %scan3A_134 = arith.constant 1 : i32
    scf.for %scan3A_470 = %scan3A_131 to %scan3A_133 step %scan3A_134  : i32 {
      %mul3A_471 = arith.constant 8 : i32
      %mul3A_472 = arith.muli %scan3A_470, %mul3A_471 : i32
      %add3A_473 = arith.constant 0 : i32
      %add3A_474 = arith.addi %mul3A_472, %add3A_473 : i32
      %lt3A = arith.constant 125 : i32
      %lt3A_475 = arith.cmpi slt, %add3A_474, %lt3A : i32
      %convert_element_type3A = arith.extui %lt3A_475 : i1 to i32
      %cond3A = arith.constant 0 : i32
      %cond3A_476 = arith.cmpi ne, %convert_element_type3A, %cond3A : i32
      scf.if %cond3A_476 {
        %dma_wait3A_628 = arith.constant 0 : i32
        %dma_wait3A_629 = arith.constant 0 : i32
        %dma_wait3A_630 = arith.constant 0 : i32
        %dma_wait3A_631 = tpu.memref_slice %arg9[%dma_wait3A_628, %dma_wait3A_629, %dma_wait3A_630] : memref<8x40x128xf32, #tpu.memory_space<vmem>> -> memref<1x40x128xf32, #tpu.memory_space<vmem>>
        %dma_wait3A_632 = tpu.memref_squeeze %dma_wait3A_631 : memref<1x40x128xf32, #tpu.memory_space<vmem>> -> memref<40x128xf32, #tpu.memory_space<vmem>>
        %dma_wait3A_633 = arith.constant 0 : i32
        %dma_wait3A_634 = tpu.memref_slice %arg7[%add3A_474, %dma_wait3A_633] : memref<125x40xi32, #tpu.memory_space<vmem>> -> memref<1x40xi32, #tpu.memory_space<vmem>>
        %dma_wait3A_635 = tpu.memref_squeeze %dma_wait3A_634 : memref<1x40xi32, #tpu.memory_space<vmem>> -> memref<40xi32, #tpu.memory_space<vmem>>
        %dma_wait3A_636 = arith.constant 0 : i32
        %dma_wait3A_637 = arith.constant 0 : i32
        %dma_wait3A_638 = tpu.memref_slice %arg2[%arg0, %dma_wait3A_636, %dma_wait3A_637] : memref<2x10000x128xf32, #tpu.memory_space<hbm>> -> memref<1x10000x128xf32, #tpu.memory_space<hbm>>
        %dma_wait3A_639 = tpu.memref_squeeze %dma_wait3A_638 : memref<1x10000x128xf32, #tpu.memory_space<hbm>> -> memref<10000x128xf32, #tpu.memory_space<hbm>>
        %dma_wait3A_640 = arith.constant 0 : i32
        %dma_wait3A_641 = arith.constant 0 : i32
        %dma_wait3A_642 = tpu.memref_slice %dma_wait3A_639[%dma_wait3A_640, %dma_wait3A_641] : memref<10000x128xf32, #tpu.memory_space<hbm>> -> memref<10000x128xf32, #tpu.memory_space<hbm>>
        tpu.wait_indirect_dma semaphore(%arg10 : memref<!tpu.dma_semaphore, #tpu.memory_space<semaphore_mem>>) src(%dma_wait3A_642 : memref<10000x128xf32, #tpu.memory_space<hbm>>) dst(%dma_wait3A_632 : memref<40x128xf32, #tpu.memory_space<vmem>>)
        %dma_start3A_643 = arith.constant 0 : i32
        %dma_start3A_644 = arith.constant 0 : i32
        %dma_start3A_645 = arith.constant 0 : i32
        %dma_start3A_646 = tpu.memref_slice %arg9[%dma_start3A_643, %dma_start3A_644, %dma_start3A_645] : memref<8x40x128xf32, #tpu.memory_space<vmem>> -> memref<1x40x128xf32, #tpu.memory_space<vmem>>
        %dma_start3A_647 = tpu.memref_squeeze %dma_start3A_646 : memref<1x40x128xf32, #tpu.memory_space<vmem>> -> memref<40x128xf32, #tpu.memory_space<vmem>>
        %dma_start3A_648 = arith.constant 0 : i32
        %dma_start3A_649 = tpu.memref_slice %arg8[%add3A_474, %dma_start3A_648] : memref<125x40xi32, #tpu.memory_space<vmem>> -> memref<1x40xi32, #tpu.memory_space<vmem>>
        %dma_start3A_650 = tpu.memref_squeeze %dma_start3A_649 : memref<1x40xi32, #tpu.memory_space<vmem>> -> memref<40xi32, #tpu.memory_space<vmem>>
        %dma_start3A_651 = arith.constant 0 : i32
        %dma_start3A_652 = arith.constant 0 : i32
        %dma_start3A_653 = tpu.memref_slice %arg26[%dma_start3A_651, %dma_start3A_652] : memref<10000x128xf32, #tpu.memory_space<vmem_shared>> -> memref<10000x128xf32, #tpu.memory_space<vmem_shared>>
        tpu.enqueue_indirect_dma source(%dma_start3A_647 : memref<40x128xf32, #tpu.memory_space<vmem>>) target(%dma_start3A_653 : memref<10000x128xf32, #tpu.memory_space<vmem_shared>>) offsets(%dma_start3A_650 : memref<40xi32, #tpu.memory_space<vmem>>) semaphore(%arg18 : memref<!tpu.dma_semaphore, #tpu.memory_space<semaphore_mem>>) {add = true}
      } else {
      }
      %mul3A_477 = arith.constant 8 : i32
      %mul3A_478 = arith.muli %scan3A_470, %mul3A_477 : i32
      %add3A_479 = arith.constant 1 : i32
      %add3A_480 = arith.addi %mul3A_478, %add3A_479 : i32
      %lt3A_481 = arith.constant 125 : i32
      %lt3A_482 = arith.cmpi slt, %add3A_480, %lt3A_481 : i32
      %convert_element_type3A_483 = arith.extui %lt3A_482 : i1 to i32
      %cond3A_484 = arith.constant 0 : i32
      %cond3A_485 = arith.cmpi ne, %convert_element_type3A_483, %cond3A_484 : i32
      scf.if %cond3A_485 {
        %dma_wait3A_628 = arith.constant 1 : i32
        %dma_wait3A_629 = arith.constant 0 : i32
        %dma_wait3A_630 = arith.constant 0 : i32
        %dma_wait3A_631 = tpu.memref_slice %arg9[%dma_wait3A_628, %dma_wait3A_629, %dma_wait3A_630] : memref<8x40x128xf32, #tpu.memory_space<vmem>> -> memref<1x40x128xf32, #tpu.memory_space<vmem>>
        %dma_wait3A_632 = tpu.memref_squeeze %dma_wait3A_631 : memref<1x40x128xf32, #tpu.memory_space<vmem>> -> memref<40x128xf32, #tpu.memory_space<vmem>>
        %dma_wait3A_633 = arith.constant 0 : i32
        %dma_wait3A_634 = tpu.memref_slice %arg7[%add3A_480, %dma_wait3A_633] : memref<125x40xi32, #tpu.memory_space<vmem>> -> memref<1x40xi32, #tpu.memory_space<vmem>>
        %dma_wait3A_635 = tpu.memref_squeeze %dma_wait3A_634 : memref<1x40xi32, #tpu.memory_space<vmem>> -> memref<40xi32, #tpu.memory_space<vmem>>
        %dma_wait3A_636 = arith.constant 0 : i32
        %dma_wait3A_637 = arith.constant 0 : i32
        %dma_wait3A_638 = tpu.memref_slice %arg2[%arg0, %dma_wait3A_636, %dma_wait3A_637] : memref<2x10000x128xf32, #tpu.memory_space<hbm>> -> memref<1x10000x128xf32, #tpu.memory_space<hbm>>
        %dma_wait3A_639 = tpu.memref_squeeze %dma_wait3A_638 : memref<1x10000x128xf32, #tpu.memory_space<hbm>> -> memref<10000x128xf32, #tpu.memory_space<hbm>>
        %dma_wait3A_640 = arith.constant 0 : i32
        %dma_wait3A_641 = arith.constant 0 : i32
        %dma_wait3A_642 = tpu.memref_slice %dma_wait3A_639[%dma_wait3A_640, %dma_wait3A_641] : memref<10000x128xf32, #tpu.memory_space<hbm>> -> memref<10000x128xf32, #tpu.memory_space<hbm>>
        tpu.wait_indirect_dma semaphore(%arg11 : memref<!tpu.dma_semaphore, #tpu.memory_space<semaphore_mem>>) src(%dma_wait3A_642 : memref<10000x128xf32, #tpu.memory_space<hbm>>) dst(%dma_wait3A_632 : memref<40x128xf32, #tpu.memory_space<vmem>>)
        %dma_start3A_643 = arith.constant 1 : i32
        %dma_start3A_644 = arith.constant 0 : i32
        %dma_start3A_645 = arith.constant 0 : i32
        %dma_start3A_646 = tpu.memref_slice %arg9[%dma_start3A_643, %dma_start3A_644, %dma_start3A_645] : memref<8x40x128xf32, #tpu.memory_space<vmem>> -> memref<1x40x128xf32, #tpu.memory_space<vmem>>
        %dma_start3A_647 = tpu.memref_squeeze %dma_start3A_646 : memref<1x40x128xf32, #tpu.memory_space<vmem>> -> memref<40x128xf32, #tpu.memory_space<vmem>>
        %dma_start3A_648 = arith.constant 0 : i32
        %dma_start3A_649 = tpu.memref_slice %arg8[%add3A_480, %dma_start3A_648] : memref<125x40xi32, #tpu.memory_space<vmem>> -> memref<1x40xi32, #tpu.memory_space<vmem>>
        %dma_start3A_650 = tpu.memref_squeeze %dma_start3A_649 : memref<1x40xi32, #tpu.memory_space<vmem>> -> memref<40xi32, #tpu.memory_space<vmem>>
        %dma_start3A_651 = arith.constant 0 : i32
        %dma_start3A_652 = arith.constant 0 : i32
        %dma_start3A_653 = tpu.memref_slice %arg26[%dma_start3A_651, %dma_start3A_652] : memref<10000x128xf32, #tpu.memory_space<vmem_shared>> -> memref<10000x128xf32, #tpu.memory_space<vmem_shared>>
        tpu.enqueue_indirect_dma source(%dma_start3A_647 : memref<40x128xf32, #tpu.memory_space<vmem>>) target(%dma_start3A_653 : memref<10000x128xf32, #tpu.memory_space<vmem_shared>>) offsets(%dma_start3A_650 : memref<40xi32, #tpu.memory_space<vmem>>) semaphore(%arg19 : memref<!tpu.dma_semaphore, #tpu.memory_space<semaphore_mem>>) {add = true}
      } else {
      }
      %mul3A_486 = arith.constant 8 : i32
      %mul3A_487 = arith.muli %scan3A_470, %mul3A_486 : i32
      %add3A_488 = arith.constant 2 : i32
      %add3A_489 = arith.addi %mul3A_487, %add3A_488 : i32
      %lt3A_490 = arith.constant 125 : i32
      %lt3A_491 = arith.cmpi slt, %add3A_489, %lt3A_490 : i32
      %convert_element_type3A_492 = arith.extui %lt3A_491 : i1 to i32
      %cond3A_493 = arith.constant 0 : i32
      %cond3A_494 = arith.cmpi ne, %convert_element_type3A_492, %cond3A_493 : i32
      scf.if %cond3A_494 {
        %dma_wait3A_628 = arith.constant 2 : i32
        %dma_wait3A_629 = arith.constant 0 : i32
        %dma_wait3A_630 = arith.constant 0 : i32
        %dma_wait3A_631 = tpu.memref_slice %arg9[%dma_wait3A_628, %dma_wait3A_629, %dma_wait3A_630] : memref<8x40x128xf32, #tpu.memory_space<vmem>> -> memref<1x40x128xf32, #tpu.memory_space<vmem>>
        %dma_wait3A_632 = tpu.memref_squeeze %dma_wait3A_631 : memref<1x40x128xf32, #tpu.memory_space<vmem>> -> memref<40x128xf32, #tpu.memory_space<vmem>>
        %dma_wait3A_633 = arith.constant 0 : i32
        %dma_wait3A_634 = tpu.memref_slice %arg7[%add3A_489, %dma_wait3A_633] : memref<125x40xi32, #tpu.memory_space<vmem>> -> memref<1x40xi32, #tpu.memory_space<vmem>>
        %dma_wait3A_635 = tpu.memref_squeeze %dma_wait3A_634 : memref<1x40xi32, #tpu.memory_space<vmem>> -> memref<40xi32, #tpu.memory_space<vmem>>
        %dma_wait3A_636 = arith.constant 0 : i32
        %dma_wait3A_637 = arith.constant 0 : i32
        %dma_wait3A_638 = tpu.memref_slice %arg2[%arg0, %dma_wait3A_636, %dma_wait3A_637] : memref<2x10000x128xf32, #tpu.memory_space<hbm>> -> memref<1x10000x128xf32, #tpu.memory_space<hbm>>
        %dma_wait3A_639 = tpu.memref_squeeze %dma_wait3A_638 : memref<1x10000x128xf32, #tpu.memory_space<hbm>> -> memref<10000x128xf32, #tpu.memory_space<hbm>>
        %dma_wait3A_640 = arith.constant 0 : i32
        %dma_wait3A_641 = arith.constant 0 : i32
        %dma_wait3A_642 = tpu.memref_slice %dma_wait3A_639[%dma_wait3A_640, %dma_wait3A_641] : memref<10000x128xf32, #tpu.memory_space<hbm>> -> memref<10000x128xf32, #tpu.memory_space<hbm>>
        tpu.wait_indirect_dma semaphore(%arg12 : memref<!tpu.dma_semaphore, #tpu.memory_space<semaphore_mem>>) src(%dma_wait3A_642 : memref<10000x128xf32, #tpu.memory_space<hbm>>) dst(%dma_wait3A_632 : memref<40x128xf32, #tpu.memory_space<vmem>>)
        %dma_start3A_643 = arith.constant 2 : i32
        %dma_start3A_644 = arith.constant 0 : i32
        %dma_start3A_645 = arith.constant 0 : i32
        %dma_start3A_646 = tpu.memref_slice %arg9[%dma_start3A_643, %dma_start3A_644, %dma_start3A_645] : memref<8x40x128xf32, #tpu.memory_space<vmem>> -> memref<1x40x128xf32, #tpu.memory_space<vmem>>
        %dma_start3A_647 = tpu.memref_squeeze %dma_start3A_646 : memref<1x40x128xf32, #tpu.memory_space<vmem>> -> memref<40x128xf32, #tpu.memory_space<vmem>>
        %dma_start3A_648 = arith.constant 0 : i32
        %dma_start3A_649 = tpu.memref_slice %arg8[%add3A_489, %dma_start3A_648] : memref<125x40xi32, #tpu.memory_space<vmem>> -> memref<1x40xi32, #tpu.memory_space<vmem>>
        %dma_start3A_650 = tpu.memref_squeeze %dma_start3A_649 : memref<1x40xi32, #tpu.memory_space<vmem>> -> memref<40xi32, #tpu.memory_space<vmem>>
        %dma_start3A_651 = arith.constant 0 : i32
        %dma_start3A_652 = arith.constant 0 : i32
        %dma_start3A_653 = tpu.memref_slice %arg26[%dma_start3A_651, %dma_start3A_652] : memref<10000x128xf32, #tpu.memory_space<vmem_shared>> -> memref<10000x128xf32, #tpu.memory_space<vmem_shared>>
        tpu.enqueue_indirect_dma source(%dma_start3A_647 : memref<40x128xf32, #tpu.memory_space<vmem>>) target(%dma_start3A_653 : memref<10000x128xf32, #tpu.memory_space<vmem_shared>>) offsets(%dma_start3A_650 : memref<40xi32, #tpu.memory_space<vmem>>) semaphore(%arg20 : memref<!tpu.dma_semaphore, #tpu.memory_space<semaphore_mem>>) {add = true}
      } else {
      }
      %mul3A_495 = arith.constant 8 : i32
      %mul3A_496 = arith.muli %scan3A_470, %mul3A_495 : i32
      %add3A_497 = arith.constant 3 : i32
      %add3A_498 = arith.addi %mul3A_496, %add3A_497 : i32
      %lt3A_499 = arith.constant 125 : i32
      %lt3A_500 = arith.cmpi slt, %add3A_498, %lt3A_499 : i32
      %convert_element_type3A_501 = arith.extui %lt3A_500 : i1 to i32
      %cond3A_502 = arith.constant 0 : i32
      %cond3A_503 = arith.cmpi ne, %convert_element_type3A_501, %cond3A_502 : i32
      scf.if %cond3A_503 {
        %dma_wait3A_628 = arith.constant 3 : i32
        %dma_wait3A_629 = arith.constant 0 : i32
        %dma_wait3A_630 = arith.constant 0 : i32
        %dma_wait3A_631 = tpu.memref_slice %arg9[%dma_wait3A_628, %dma_wait3A_629, %dma_wait3A_630] : memref<8x40x128xf32, #tpu.memory_space<vmem>> -> memref<1x40x128xf32, #tpu.memory_space<vmem>>
        %dma_wait3A_632 = tpu.memref_squeeze %dma_wait3A_631 : memref<1x40x128xf32, #tpu.memory_space<vmem>> -> memref<40x128xf32, #tpu.memory_space<vmem>>
        %dma_wait3A_633 = arith.constant 0 : i32
        %dma_wait3A_634 = tpu.memref_slice %arg7[%add3A_498, %dma_wait3A_633] : memref<125x40xi32, #tpu.memory_space<vmem>> -> memref<1x40xi32, #tpu.memory_space<vmem>>
        %dma_wait3A_635 = tpu.memref_squeeze %dma_wait3A_634 : memref<1x40xi32, #tpu.memory_space<vmem>> -> memref<40xi32, #tpu.memory_space<vmem>>
        %dma_wait3A_636 = arith.constant 0 : i32
        %dma_wait3A_637 = arith.constant 0 : i32
        %dma_wait3A_638 = tpu.memref_slice %arg2[%arg0, %dma_wait3A_636, %dma_wait3A_637] : memref<2x10000x128xf32, #tpu.memory_space<hbm>> -> memref<1x10000x128xf32, #tpu.memory_space<hbm>>
        %dma_wait3A_639 = tpu.memref_squeeze %dma_wait3A_638 : memref<1x10000x128xf32, #tpu.memory_space<hbm>> -> memref<10000x128xf32, #tpu.memory_space<hbm>>
        %dma_wait3A_640 = arith.constant 0 : i32
        %dma_wait3A_641 = arith.constant 0 : i32
        %dma_wait3A_642 = tpu.memref_slice %dma_wait3A_639[%dma_wait3A_640, %dma_wait3A_641] : memref<10000x128xf32, #tpu.memory_space<hbm>> -> memref<10000x128xf32, #tpu.memory_space<hbm>>
        tpu.wait_indirect_dma semaphore(%arg13 : memref<!tpu.dma_semaphore, #tpu.memory_space<semaphore_mem>>) src(%dma_wait3A_642 : memref<10000x128xf32, #tpu.memory_space<hbm>>) dst(%dma_wait3A_632 : memref<40x128xf32, #tpu.memory_space<vmem>>)
        %dma_start3A_643 = arith.constant 3 : i32
        %dma_start3A_644 = arith.constant 0 : i32
        %dma_start3A_645 = arith.constant 0 : i32
        %dma_start3A_646 = tpu.memref_slice %arg9[%dma_start3A_643, %dma_start3A_644, %dma_start3A_645] : memref<8x40x128xf32, #tpu.memory_space<vmem>> -> memref<1x40x128xf32, #tpu.memory_space<vmem>>
        %dma_start3A_647 = tpu.memref_squeeze %dma_start3A_646 : memref<1x40x128xf32, #tpu.memory_space<vmem>> -> memref<40x128xf32, #tpu.memory_space<vmem>>
        %dma_start3A_648 = arith.constant 0 : i32
        %dma_start3A_649 = tpu.memref_slice %arg8[%add3A_498, %dma_start3A_648] : memref<125x40xi32, #tpu.memory_space<vmem>> -> memref<1x40xi32, #tpu.memory_space<vmem>>
        %dma_start3A_650 = tpu.memref_squeeze %dma_start3A_649 : memref<1x40xi32, #tpu.memory_space<vmem>> -> memref<40xi32, #tpu.memory_space<vmem>>
        %dma_start3A_651 = arith.constant 0 : i32
        %dma_start3A_652 = arith.constant 0 : i32
        %dma_start3A_653 = tpu.memref_slice %arg26[%dma_start3A_651, %dma_start3A_652] : memref<10000x128xf32, #tpu.memory_space<vmem_shared>> -> memref<10000x128xf32, #tpu.memory_space<vmem_shared>>
        tpu.enqueue_indirect_dma source(%dma_start3A_647 : memref<40x128xf32, #tpu.memory_space<vmem>>) target(%dma_start3A_653 : memref<10000x128xf32, #tpu.memory_space<vmem_shared>>) offsets(%dma_start3A_650 : memref<40xi32, #tpu.memory_space<vmem>>) semaphore(%arg21 : memref<!tpu.dma_semaphore, #tpu.memory_space<semaphore_mem>>) {add = true}
      } else {
      }
      %mul3A_504 = arith.constant 8 : i32
      %mul3A_505 = arith.muli %scan3A_470, %mul3A_504 : i32
      %add3A_506 = arith.constant 4 : i32
      %add3A_507 = arith.addi %mul3A_505, %add3A_506 : i32
      %lt3A_508 = arith.constant 125 : i32
      %lt3A_509 = arith.cmpi slt, %add3A_507, %lt3A_508 : i32
      %convert_element_type3A_510 = arith.extui %lt3A_509 : i1 to i32
      %cond3A_511 = arith.constant 0 : i32
      %cond3A_512 = arith.cmpi ne, %convert_element_type3A_510, %cond3A_511 : i32
      scf.if %cond3A_512 {
        %dma_wait3A_628 = arith.constant 4 : i32
        %dma_wait3A_629 = arith.constant 0 : i32
        %dma_wait3A_630 = arith.constant 0 : i32
        %dma_wait3A_631 = tpu.memref_slice %arg9[%dma_wait3A_628, %dma_wait3A_629, %dma_wait3A_630] : memref<8x40x128xf32, #tpu.memory_space<vmem>> -> memref<1x40x128xf32, #tpu.memory_space<vmem>>
        %dma_wait3A_632 = tpu.memref_squeeze %dma_wait3A_631 : memref<1x40x128xf32, #tpu.memory_space<vmem>> -> memref<40x128xf32, #tpu.memory_space<vmem>>
        %dma_wait3A_633 = arith.constant 0 : i32
        %dma_wait3A_634 = tpu.memref_slice %arg7[%add3A_507, %dma_wait3A_633] : memref<125x40xi32, #tpu.memory_space<vmem>> -> memref<1x40xi32, #tpu.memory_space<vmem>>
        %dma_wait3A_635 = tpu.memref_squeeze %dma_wait3A_634 : memref<1x40xi32, #tpu.memory_space<vmem>> -> memref<40xi32, #tpu.memory_space<vmem>>
        %dma_wait3A_636 = arith.constant 0 : i32
        %dma_wait3A_637 = arith.constant 0 : i32
        %dma_wait3A_638 = tpu.memref_slice %arg2[%arg0, %dma_wait3A_636, %dma_wait3A_637] : memref<2x10000x128xf32, #tpu.memory_space<hbm>> -> memref<1x10000x128xf32, #tpu.memory_space<hbm>>
        %dma_wait3A_639 = tpu.memref_squeeze %dma_wait3A_638 : memref<1x10000x128xf32, #tpu.memory_space<hbm>> -> memref<10000x128xf32, #tpu.memory_space<hbm>>
        %dma_wait3A_640 = arith.constant 0 : i32
        %dma_wait3A_641 = arith.constant 0 : i32
        %dma_wait3A_642 = tpu.memref_slice %dma_wait3A_639[%dma_wait3A_640, %dma_wait3A_641] : memref<10000x128xf32, #tpu.memory_space<hbm>> -> memref<10000x128xf32, #tpu.memory_space<hbm>>
        tpu.wait_indirect_dma semaphore(%arg14 : memref<!tpu.dma_semaphore, #tpu.memory_space<semaphore_mem>>) src(%dma_wait3A_642 : memref<10000x128xf32, #tpu.memory_space<hbm>>) dst(%dma_wait3A_632 : memref<40x128xf32, #tpu.memory_space<vmem>>)
        %dma_start3A_643 = arith.constant 4 : i32
        %dma_start3A_644 = arith.constant 0 : i32
        %dma_start3A_645 = arith.constant 0 : i32
        %dma_start3A_646 = tpu.memref_slice %arg9[%dma_start3A_643, %dma_start3A_644, %dma_start3A_645] : memref<8x40x128xf32, #tpu.memory_space<vmem>> -> memref<1x40x128xf32, #tpu.memory_space<vmem>>
        %dma_start3A_647 = tpu.memref_squeeze %dma_start3A_646 : memref<1x40x128xf32, #tpu.memory_space<vmem>> -> memref<40x128xf32, #tpu.memory_space<vmem>>
        %dma_start3A_648 = arith.constant 0 : i32
        %dma_start3A_649 = tpu.memref_slice %arg8[%add3A_507, %dma_start3A_648] : memref<125x40xi32, #tpu.memory_space<vmem>> -> memref<1x40xi32, #tpu.memory_space<vmem>>
        %dma_start3A_650 = tpu.memref_squeeze %dma_start3A_649 : memref<1x40xi32, #tpu.memory_space<vmem>> -> memref<40xi32, #tpu.memory_space<vmem>>
        %dma_start3A_651 = arith.constant 0 : i32
        %dma_start3A_652 = arith.constant 0 : i32
        %dma_start3A_653 = tpu.memref_slice %arg26[%dma_start3A_651, %dma_start3A_652] : memref<10000x128xf32, #tpu.memory_space<vmem_shared>> -> memref<10000x128xf32, #tpu.memory_space<vmem_shared>>
        tpu.enqueue_indirect_dma source(%dma_start3A_647 : memref<40x128xf32, #tpu.memory_space<vmem>>) target(%dma_start3A_653 : memref<10000x128xf32, #tpu.memory_space<vmem_shared>>) offsets(%dma_start3A_650 : memref<40xi32, #tpu.memory_space<vmem>>) semaphore(%arg22 : memref<!tpu.dma_semaphore, #tpu.memory_space<semaphore_mem>>) {add = true}
      } else {
      }
      %mul3A_513 = arith.constant 8 : i32
      %mul3A_514 = arith.muli %scan3A_470, %mul3A_513 : i32
      %add3A_515 = arith.constant 5 : i32
      %add3A_516 = arith.addi %mul3A_514, %add3A_515 : i32
      %lt3A_517 = arith.constant 125 : i32
      %lt3A_518 = arith.cmpi slt, %add3A_516, %lt3A_517 : i32
      %convert_element_type3A_519 = arith.extui %lt3A_518 : i1 to i32
      %cond3A_520 = arith.constant 0 : i32
      %cond3A_521 = arith.cmpi ne, %convert_element_type3A_519, %cond3A_520 : i32
      scf.if %cond3A_521 {
        %dma_wait3A_628 = arith.constant 5 : i32
        %dma_wait3A_629 = arith.constant 0 : i32
        %dma_wait3A_630 = arith.constant 0 : i32
        %dma_wait3A_631 = tpu.memref_slice %arg9[%dma_wait3A_628, %dma_wait3A_629, %dma_wait3A_630] : memref<8x40x128xf32, #tpu.memory_space<vmem>> -> memref<1x40x128xf32, #tpu.memory_space<vmem>>
        %dma_wait3A_632 = tpu.memref_squeeze %dma_wait3A_631 : memref<1x40x128xf32, #tpu.memory_space<vmem>> -> memref<40x128xf32, #tpu.memory_space<vmem>>
        %dma_wait3A_633 = arith.constant 0 : i32
        %dma_wait3A_634 = tpu.memref_slice %arg7[%add3A_516, %dma_wait3A_633] : memref<125x40xi32, #tpu.memory_space<vmem>> -> memref<1x40xi32, #tpu.memory_space<vmem>>
        %dma_wait3A_635 = tpu.memref_squeeze %dma_wait3A_634 : memref<1x40xi32, #tpu.memory_space<vmem>> -> memref<40xi32, #tpu.memory_space<vmem>>
        %dma_wait3A_636 = arith.constant 0 : i32
        %dma_wait3A_637 = arith.constant 0 : i32
        %dma_wait3A_638 = tpu.memref_slice %arg2[%arg0, %dma_wait3A_636, %dma_wait3A_637] : memref<2x10000x128xf32, #tpu.memory_space<hbm>> -> memref<1x10000x128xf32, #tpu.memory_space<hbm>>
        %dma_wait3A_639 = tpu.memref_squeeze %dma_wait3A_638 : memref<1x10000x128xf32, #tpu.memory_space<hbm>> -> memref<10000x128xf32, #tpu.memory_space<hbm>>
        %dma_wait3A_640 = arith.constant 0 : i32
        %dma_wait3A_641 = arith.constant 0 : i32
        %dma_wait3A_642 = tpu.memref_slice %dma_wait3A_639[%dma_wait3A_640, %dma_wait3A_641] : memref<10000x128xf32, #tpu.memory_space<hbm>> -> memref<10000x128xf32, #tpu.memory_space<hbm>>
        tpu.wait_indirect_dma semaphore(%arg15 : memref<!tpu.dma_semaphore, #tpu.memory_space<semaphore_mem>>) src(%dma_wait3A_642 : memref<10000x128xf32, #tpu.memory_space<hbm>>) dst(%dma_wait3A_632 : memref<40x128xf32, #tpu.memory_space<vmem>>)
        %dma_start3A_643 = arith.constant 5 : i32
        %dma_start3A_644 = arith.constant 0 : i32
        %dma_start3A_645 = arith.constant 0 : i32
        %dma_start3A_646 = tpu.memref_slice %arg9[%dma_start3A_643, %dma_start3A_644, %dma_start3A_645] : memref<8x40x128xf32, #tpu.memory_space<vmem>> -> memref<1x40x128xf32, #tpu.memory_space<vmem>>
        %dma_start3A_647 = tpu.memref_squeeze %dma_start3A_646 : memref<1x40x128xf32, #tpu.memory_space<vmem>> -> memref<40x128xf32, #tpu.memory_space<vmem>>
        %dma_start3A_648 = arith.constant 0 : i32
        %dma_start3A_649 = tpu.memref_slice %arg8[%add3A_516, %dma_start3A_648] : memref<125x40xi32, #tpu.memory_space<vmem>> -> memref<1x40xi32, #tpu.memory_space<vmem>>
        %dma_start3A_650 = tpu.memref_squeeze %dma_start3A_649 : memref<1x40xi32, #tpu.memory_space<vmem>> -> memref<40xi32, #tpu.memory_space<vmem>>
        %dma_start3A_651 = arith.constant 0 : i32
        %dma_start3A_652 = arith.constant 0 : i32
        %dma_start3A_653 = tpu.memref_slice %arg26[%dma_start3A_651, %dma_start3A_652] : memref<10000x128xf32, #tpu.memory_space<vmem_shared>> -> memref<10000x128xf32, #tpu.memory_space<vmem_shared>>
        tpu.enqueue_indirect_dma source(%dma_start3A_647 : memref<40x128xf32, #tpu.memory_space<vmem>>) target(%dma_start3A_653 : memref<10000x128xf32, #tpu.memory_space<vmem_shared>>) offsets(%dma_start3A_650 : memref<40xi32, #tpu.memory_space<vmem>>) semaphore(%arg23 : memref<!tpu.dma_semaphore, #tpu.memory_space<semaphore_mem>>) {add = true}
      } else {
      }
      %mul3A_522 = arith.constant 8 : i32
      %mul3A_523 = arith.muli %scan3A_470, %mul3A_522 : i32
      %add3A_524 = arith.constant 6 : i32
      %add3A_525 = arith.addi %mul3A_523, %add3A_524 : i32
      %lt3A_526 = arith.constant 125 : i32
      %lt3A_527 = arith.cmpi slt, %add3A_525, %lt3A_526 : i32
      %convert_element_type3A_528 = arith.extui %lt3A_527 : i1 to i32
      %cond3A_529 = arith.constant 0 : i32
      %cond3A_530 = arith.cmpi ne, %convert_element_type3A_528, %cond3A_529 : i32
      scf.if %cond3A_530 {
        %dma_wait3A_628 = arith.constant 6 : i32
        %dma_wait3A_629 = arith.constant 0 : i32
        %dma_wait3A_630 = arith.constant 0 : i32
        %dma_wait3A_631 = tpu.memref_slice %arg9[%dma_wait3A_628, %dma_wait3A_629, %dma_wait3A_630] : memref<8x40x128xf32, #tpu.memory_space<vmem>> -> memref<1x40x128xf32, #tpu.memory_space<vmem>>
        %dma_wait3A_632 = tpu.memref_squeeze %dma_wait3A_631 : memref<1x40x128xf32, #tpu.memory_space<vmem>> -> memref<40x128xf32, #tpu.memory_space<vmem>>
        %dma_wait3A_633 = arith.constant 0 : i32
        %dma_wait3A_634 = tpu.memref_slice %arg7[%add3A_525, %dma_wait3A_633] : memref<125x40xi32, #tpu.memory_space<vmem>> -> memref<1x40xi32, #tpu.memory_space<vmem>>
        %dma_wait3A_635 = tpu.memref_squeeze %dma_wait3A_634 : memref<1x40xi32, #tpu.memory_space<vmem>> -> memref<40xi32, #tpu.memory_space<vmem>>
        %dma_wait3A_636 = arith.constant 0 : i32
        %dma_wait3A_637 = arith.constant 0 : i32
        %dma_wait3A_638 = tpu.memref_slice %arg2[%arg0, %dma_wait3A_636, %dma_wait3A_637] : memref<2x10000x128xf32, #tpu.memory_space<hbm>> -> memref<1x10000x128xf32, #tpu.memory_space<hbm>>
        %dma_wait3A_639 = tpu.memref_squeeze %dma_wait3A_638 : memref<1x10000x128xf32, #tpu.memory_space<hbm>> -> memref<10000x128xf32, #tpu.memory_space<hbm>>
        %dma_wait3A_640 = arith.constant 0 : i32
        %dma_wait3A_641 = arith.constant 0 : i32
        %dma_wait3A_642 = tpu.memref_slice %dma_wait3A_639[%dma_wait3A_640, %dma_wait3A_641] : memref<10000x128xf32, #tpu.memory_space<hbm>> -> memref<10000x128xf32, #tpu.memory_space<hbm>>
        tpu.wait_indirect_dma semaphore(%arg16 : memref<!tpu.dma_semaphore, #tpu.memory_space<semaphore_mem>>) src(%dma_wait3A_642 : memref<10000x128xf32, #tpu.memory_space<hbm>>) dst(%dma_wait3A_632 : memref<40x128xf32, #tpu.memory_space<vmem>>)
        %dma_start3A_643 = arith.constant 6 : i32
        %dma_start3A_644 = arith.constant 0 : i32
        %dma_start3A_645 = arith.constant 0 : i32
        %dma_start3A_646 = tpu.memref_slice %arg9[%dma_start3A_643, %dma_start3A_644, %dma_start3A_645] : memref<8x40x128xf32, #tpu.memory_space<vmem>> -> memref<1x40x128xf32, #tpu.memory_space<vmem>>
        %dma_start3A_647 = tpu.memref_squeeze %dma_start3A_646 : memref<1x40x128xf32, #tpu.memory_space<vmem>> -> memref<40x128xf32, #tpu.memory_space<vmem>>
        %dma_start3A_648 = arith.constant 0 : i32
        %dma_start3A_649 = tpu.memref_slice %arg8[%add3A_525, %dma_start3A_648] : memref<125x40xi32, #tpu.memory_space<vmem>> -> memref<1x40xi32, #tpu.memory_space<vmem>>
        %dma_start3A_650 = tpu.memref_squeeze %dma_start3A_649 : memref<1x40xi32, #tpu.memory_space<vmem>> -> memref<40xi32, #tpu.memory_space<vmem>>
        %dma_start3A_651 = arith.constant 0 : i32
        %dma_start3A_652 = arith.constant 0 : i32
        %dma_start3A_653 = tpu.memref_slice %arg26[%dma_start3A_651, %dma_start3A_652] : memref<10000x128xf32, #tpu.memory_space<vmem_shared>> -> memref<10000x128xf32, #tpu.memory_space<vmem_shared>>
        tpu.enqueue_indirect_dma source(%dma_start3A_647 : memref<40x128xf32, #tpu.memory_space<vmem>>) target(%dma_start3A_653 : memref<10000x128xf32, #tpu.memory_space<vmem_shared>>) offsets(%dma_start3A_650 : memref<40xi32, #tpu.memory_space<vmem>>) semaphore(%arg24 : memref<!tpu.dma_semaphore, #tpu.memory_space<semaphore_mem>>) {add = true}
      } else {
      }
      %mul3A_531 = arith.constant 8 : i32
      %mul3A_532 = arith.muli %scan3A_470, %mul3A_531 : i32
      %add3A_533 = arith.constant 7 : i32
      %add3A_534 = arith.addi %mul3A_532, %add3A_533 : i32
      %lt3A_535 = arith.constant 125 : i32
      %lt3A_536 = arith.cmpi slt, %add3A_534, %lt3A_535 : i32
      %convert_element_type3A_537 = arith.extui %lt3A_536 : i1 to i32
      %cond3A_538 = arith.constant 0 : i32
      %cond3A_539 = arith.cmpi ne, %convert_element_type3A_537, %cond3A_538 : i32
      scf.if %cond3A_539 {
        %dma_wait3A_628 = arith.constant 7 : i32
        %dma_wait3A_629 = arith.constant 0 : i32
        %dma_wait3A_630 = arith.constant 0 : i32
        %dma_wait3A_631 = tpu.memref_slice %arg9[%dma_wait3A_628, %dma_wait3A_629, %dma_wait3A_630] : memref<8x40x128xf32, #tpu.memory_space<vmem>> -> memref<1x40x128xf32, #tpu.memory_space<vmem>>
        %dma_wait3A_632 = tpu.memref_squeeze %dma_wait3A_631 : memref<1x40x128xf32, #tpu.memory_space<vmem>> -> memref<40x128xf32, #tpu.memory_space<vmem>>
        %dma_wait3A_633 = arith.constant 0 : i32
        %dma_wait3A_634 = tpu.memref_slice %arg7[%add3A_534, %dma_wait3A_633] : memref<125x40xi32, #tpu.memory_space<vmem>> -> memref<1x40xi32, #tpu.memory_space<vmem>>
        %dma_wait3A_635 = tpu.memref_squeeze %dma_wait3A_634 : memref<1x40xi32, #tpu.memory_space<vmem>> -> memref<40xi32, #tpu.memory_space<vmem>>
        %dma_wait3A_636 = arith.constant 0 : i32
        %dma_wait3A_637 = arith.constant 0 : i32
        %dma_wait3A_638 = tpu.memref_slice %arg2[%arg0, %dma_wait3A_636, %dma_wait3A_637] : memref<2x10000x128xf32, #tpu.memory_space<hbm>> -> memref<1x10000x128xf32, #tpu.memory_space<hbm>>
        %dma_wait3A_639 = tpu.memref_squeeze %dma_wait3A_638 : memref<1x10000x128xf32, #tpu.memory_space<hbm>> -> memref<10000x128xf32, #tpu.memory_space<hbm>>
        %dma_wait3A_640 = arith.constant 0 : i32
        %dma_wait3A_641 = arith.constant 0 : i32
        %dma_wait3A_642 = tpu.memref_slice %dma_wait3A_639[%dma_wait3A_640, %dma_wait3A_641] : memref<10000x128xf32, #tpu.memory_space<hbm>> -> memref<10000x128xf32, #tpu.memory_space<hbm>>
        tpu.wait_indirect_dma semaphore(%arg17 : memref<!tpu.dma_semaphore, #tpu.memory_space<semaphore_mem>>) src(%dma_wait3A_642 : memref<10000x128xf32, #tpu.memory_space<hbm>>) dst(%dma_wait3A_632 : memref<40x128xf32, #tpu.memory_space<vmem>>)
        %dma_start3A_643 = arith.constant 7 : i32
        %dma_start3A_644 = arith.constant 0 : i32
        %dma_start3A_645 = arith.constant 0 : i32
        %dma_start3A_646 = tpu.memref_slice %arg9[%dma_start3A_643, %dma_start3A_644, %dma_start3A_645] : memref<8x40x128xf32, #tpu.memory_space<vmem>> -> memref<1x40x128xf32, #tpu.memory_space<vmem>>
        %dma_start3A_647 = tpu.memref_squeeze %dma_start3A_646 : memref<1x40x128xf32, #tpu.memory_space<vmem>> -> memref<40x128xf32, #tpu.memory_space<vmem>>
        %dma_start3A_648 = arith.constant 0 : i32
        %dma_start3A_649 = tpu.memref_slice %arg8[%add3A_534, %dma_start3A_648] : memref<125x40xi32, #tpu.memory_space<vmem>> -> memref<1x40xi32, #tpu.memory_space<vmem>>
        %dma_start3A_650 = tpu.memref_squeeze %dma_start3A_649 : memref<1x40xi32, #tpu.memory_space<vmem>> -> memref<40xi32, #tpu.memory_space<vmem>>
        %dma_start3A_651 = arith.constant 0 : i32
        %dma_start3A_652 = arith.constant 0 : i32
        %dma_start3A_653 = tpu.memref_slice %arg26[%dma_start3A_651, %dma_start3A_652] : memref<10000x128xf32, #tpu.memory_space<vmem_shared>> -> memref<10000x128xf32, #tpu.memory_space<vmem_shared>>
        tpu.enqueue_indirect_dma source(%dma_start3A_647 : memref<40x128xf32, #tpu.memory_space<vmem>>) target(%dma_start3A_653 : memref<10000x128xf32, #tpu.memory_space<vmem_shared>>) offsets(%dma_start3A_650 : memref<40xi32, #tpu.memory_space<vmem>>) semaphore(%arg25 : memref<!tpu.dma_semaphore, #tpu.memory_space<semaphore_mem>>) {add = true}
      } else {
      }
      %add3A_540 = arith.constant 1 : i32
      %add3A_541 = arith.addi %scan3A_470, %add3A_540 : i32
      %mul3A_542 = arith.constant 8 : i32
      %mul3A_543 = arith.muli %add3A_541, %mul3A_542 : i32
      %add3A_544 = arith.constant 0 : i32
      %add3A_545 = arith.addi %mul3A_543, %add3A_544 : i32
      %lt3A_546 = arith.constant 125 : i32
      %lt3A_547 = arith.cmpi slt, %add3A_545, %lt3A_546 : i32
      %convert_element_type3A_548 = arith.extui %lt3A_547 : i1 to i32
      %cond3A_549 = arith.constant 0 : i32
      %cond3A_550 = arith.cmpi ne, %convert_element_type3A_548, %cond3A_549 : i32
      scf.if %cond3A_550 {
        %dma_wait3A_628 = arith.constant 0 : i32
        %dma_wait3A_629 = arith.constant 0 : i32
        %dma_wait3A_630 = arith.constant 0 : i32
        %dma_wait3A_631 = arith.constant 0 : i32
        %dma_wait3A_632 = tpu.memref_slice %arg9[%dma_wait3A_628, %dma_wait3A_630, %dma_wait3A_631] : memref<8x40x128xf32, #tpu.memory_space<vmem>> -> memref<1x40x128xf32, #tpu.memory_space<vmem>>
        %dma_wait3A_633 = tpu.memref_squeeze %dma_wait3A_632 : memref<1x40x128xf32, #tpu.memory_space<vmem>> -> memref<40x128xf32, #tpu.memory_space<vmem>>
        %dma_wait3A_634 = arith.constant 0 : i32
        %dma_wait3A_635 = tpu.memref_slice %arg8[%dma_wait3A_629, %dma_wait3A_634] : memref<125x40xi32, #tpu.memory_space<vmem>> -> memref<1x40xi32, #tpu.memory_space<vmem>>
        %dma_wait3A_636 = tpu.memref_squeeze %dma_wait3A_635 : memref<1x40xi32, #tpu.memory_space<vmem>> -> memref<40xi32, #tpu.memory_space<vmem>>
        %dma_wait3A_637 = arith.constant 0 : i32
        %dma_wait3A_638 = arith.constant 0 : i32
        %dma_wait3A_639 = tpu.memref_slice %arg26[%dma_wait3A_637, %dma_wait3A_638] : memref<10000x128xf32, #tpu.memory_space<vmem_shared>> -> memref<10000x128xf32, #tpu.memory_space<vmem_shared>>
        tpu.wait_indirect_dma semaphore(%arg18 : memref<!tpu.dma_semaphore, #tpu.memory_space<semaphore_mem>>) src(%dma_wait3A_633 : memref<40x128xf32, #tpu.memory_space<vmem>>) dst(%dma_wait3A_639 : memref<10000x128xf32, #tpu.memory_space<vmem_shared>>)
        %dma_start3A_640 = arith.constant 0 : i32
        %dma_start3A_641 = arith.constant 0 : i32
        %dma_start3A_642 = arith.constant 0 : i32
        %dma_start3A_643 = tpu.memref_slice %arg9[%dma_start3A_640, %dma_start3A_641, %dma_start3A_642] : memref<8x40x128xf32, #tpu.memory_space<vmem>> -> memref<1x40x128xf32, #tpu.memory_space<vmem>>
        %dma_start3A_644 = tpu.memref_squeeze %dma_start3A_643 : memref<1x40x128xf32, #tpu.memory_space<vmem>> -> memref<40x128xf32, #tpu.memory_space<vmem>>
        %dma_start3A_645 = arith.constant 0 : i32
        %dma_start3A_646 = tpu.memref_slice %arg7[%add3A_545, %dma_start3A_645] : memref<125x40xi32, #tpu.memory_space<vmem>> -> memref<1x40xi32, #tpu.memory_space<vmem>>
        %dma_start3A_647 = tpu.memref_squeeze %dma_start3A_646 : memref<1x40xi32, #tpu.memory_space<vmem>> -> memref<40xi32, #tpu.memory_space<vmem>>
        %dma_start3A_648 = arith.constant 0 : i32
        %dma_start3A_649 = arith.constant 0 : i32
        %dma_start3A_650 = tpu.memref_slice %arg2[%arg0, %dma_start3A_648, %dma_start3A_649] : memref<2x10000x128xf32, #tpu.memory_space<hbm>> -> memref<1x10000x128xf32, #tpu.memory_space<hbm>>
        %dma_start3A_651 = tpu.memref_squeeze %dma_start3A_650 : memref<1x10000x128xf32, #tpu.memory_space<hbm>> -> memref<10000x128xf32, #tpu.memory_space<hbm>>
        %dma_start3A_652 = arith.constant 0 : i32
        %dma_start3A_653 = arith.constant 0 : i32
        %dma_start3A_654 = tpu.memref_slice %dma_start3A_651[%dma_start3A_652, %dma_start3A_653] : memref<10000x128xf32, #tpu.memory_space<hbm>> -> memref<10000x128xf32, #tpu.memory_space<hbm>>
        tpu.enqueue_indirect_dma source(%dma_start3A_654 : memref<10000x128xf32, #tpu.memory_space<hbm>>) target(%dma_start3A_644 : memref<40x128xf32, #tpu.memory_space<vmem>>) offsets(%dma_start3A_647 : memref<40xi32, #tpu.memory_space<vmem>>) semaphore(%arg10 : memref<!tpu.dma_semaphore, #tpu.memory_space<semaphore_mem>>)
      } else {
      }
      %add3A_551 = arith.constant 1 : i32
      %add3A_552 = arith.addi %scan3A_470, %add3A_551 : i32
      %mul3A_553 = arith.constant 8 : i32
      %mul3A_554 = arith.muli %add3A_552, %mul3A_553 : i32
      %add3A_555 = arith.constant 1 : i32
      %add3A_556 = arith.addi %mul3A_554, %add3A_555 : i32
      %lt3A_557 = arith.constant 125 : i32
      %lt3A_558 = arith.cmpi slt, %add3A_556, %lt3A_557 : i32
      %convert_element_type3A_559 = arith.extui %lt3A_558 : i1 to i32
      %cond3A_560 = arith.constant 0 : i32
      %cond3A_561 = arith.cmpi ne, %convert_element_type3A_559, %cond3A_560 : i32
      scf.if %cond3A_561 {
        %dma_wait3A_628 = arith.constant 1 : i32
        %dma_wait3A_629 = arith.constant 0 : i32
        %dma_wait3A_630 = arith.constant 0 : i32
        %dma_wait3A_631 = arith.constant 0 : i32
        %dma_wait3A_632 = tpu.memref_slice %arg9[%dma_wait3A_628, %dma_wait3A_630, %dma_wait3A_631] : memref<8x40x128xf32, #tpu.memory_space<vmem>> -> memref<1x40x128xf32, #tpu.memory_space<vmem>>
        %dma_wait3A_633 = tpu.memref_squeeze %dma_wait3A_632 : memref<1x40x128xf32, #tpu.memory_space<vmem>> -> memref<40x128xf32, #tpu.memory_space<vmem>>
        %dma_wait3A_634 = arith.constant 0 : i32
        %dma_wait3A_635 = tpu.memref_slice %arg8[%dma_wait3A_629, %dma_wait3A_634] : memref<125x40xi32, #tpu.memory_space<vmem>> -> memref<1x40xi32, #tpu.memory_space<vmem>>
        %dma_wait3A_636 = tpu.memref_squeeze %dma_wait3A_635 : memref<1x40xi32, #tpu.memory_space<vmem>> -> memref<40xi32, #tpu.memory_space<vmem>>
        %dma_wait3A_637 = arith.constant 0 : i32
        %dma_wait3A_638 = arith.constant 0 : i32
        %dma_wait3A_639 = tpu.memref_slice %arg26[%dma_wait3A_637, %dma_wait3A_638] : memref<10000x128xf32, #tpu.memory_space<vmem_shared>> -> memref<10000x128xf32, #tpu.memory_space<vmem_shared>>
        tpu.wait_indirect_dma semaphore(%arg19 : memref<!tpu.dma_semaphore, #tpu.memory_space<semaphore_mem>>) src(%dma_wait3A_633 : memref<40x128xf32, #tpu.memory_space<vmem>>) dst(%dma_wait3A_639 : memref<10000x128xf32, #tpu.memory_space<vmem_shared>>)
        %dma_start3A_640 = arith.constant 1 : i32
        %dma_start3A_641 = arith.constant 0 : i32
        %dma_start3A_642 = arith.constant 0 : i32
        %dma_start3A_643 = tpu.memref_slice %arg9[%dma_start3A_640, %dma_start3A_641, %dma_start3A_642] : memref<8x40x128xf32, #tpu.memory_space<vmem>> -> memref<1x40x128xf32, #tpu.memory_space<vmem>>
        %dma_start3A_644 = tpu.memref_squeeze %dma_start3A_643 : memref<1x40x128xf32, #tpu.memory_space<vmem>> -> memref<40x128xf32, #tpu.memory_space<vmem>>
        %dma_start3A_645 = arith.constant 0 : i32
        %dma_start3A_646 = tpu.memref_slice %arg7[%add3A_556, %dma_start3A_645] : memref<125x40xi32, #tpu.memory_space<vmem>> -> memref<1x40xi32, #tpu.memory_space<vmem>>
        %dma_start3A_647 = tpu.memref_squeeze %dma_start3A_646 : memref<1x40xi32, #tpu.memory_space<vmem>> -> memref<40xi32, #tpu.memory_space<vmem>>
        %dma_start3A_648 = arith.constant 0 : i32
        %dma_start3A_649 = arith.constant 0 : i32
        %dma_start3A_650 = tpu.memref_slice %arg2[%arg0, %dma_start3A_648, %dma_start3A_649] : memref<2x10000x128xf32, #tpu.memory_space<hbm>> -> memref<1x10000x128xf32, #tpu.memory_space<hbm>>
        %dma_start3A_651 = tpu.memref_squeeze %dma_start3A_650 : memref<1x10000x128xf32, #tpu.memory_space<hbm>> -> memref<10000x128xf32, #tpu.memory_space<hbm>>
        %dma_start3A_652 = arith.constant 0 : i32
        %dma_start3A_653 = arith.constant 0 : i32
        %dma_start3A_654 = tpu.memref_slice %dma_start3A_651[%dma_start3A_652, %dma_start3A_653] : memref<10000x128xf32, #tpu.memory_space<hbm>> -> memref<10000x128xf32, #tpu.memory_space<hbm>>
        tpu.enqueue_indirect_dma source(%dma_start3A_654 : memref<10000x128xf32, #tpu.memory_space<hbm>>) target(%dma_start3A_644 : memref<40x128xf32, #tpu.memory_space<vmem>>) offsets(%dma_start3A_647 : memref<40xi32, #tpu.memory_space<vmem>>) semaphore(%arg11 : memref<!tpu.dma_semaphore, #tpu.memory_space<semaphore_mem>>)
      } else {
      }
      %add3A_562 = arith.constant 1 : i32
      %add3A_563 = arith.addi %scan3A_470, %add3A_562 : i32
      %mul3A_564 = arith.constant 8 : i32
      %mul3A_565 = arith.muli %add3A_563, %mul3A_564 : i32
      %add3A_566 = arith.constant 2 : i32
      %add3A_567 = arith.addi %mul3A_565, %add3A_566 : i32
      %lt3A_568 = arith.constant 125 : i32
      %lt3A_569 = arith.cmpi slt, %add3A_567, %lt3A_568 : i32
      %convert_element_type3A_570 = arith.extui %lt3A_569 : i1 to i32
      %cond3A_571 = arith.constant 0 : i32
      %cond3A_572 = arith.cmpi ne, %convert_element_type3A_570, %cond3A_571 : i32
      scf.if %cond3A_572 {
        %dma_wait3A_628 = arith.constant 2 : i32
        %dma_wait3A_629 = arith.constant 0 : i32
        %dma_wait3A_630 = arith.constant 0 : i32
        %dma_wait3A_631 = arith.constant 0 : i32
        %dma_wait3A_632 = tpu.memref_slice %arg9[%dma_wait3A_628, %dma_wait3A_630, %dma_wait3A_631] : memref<8x40x128xf32, #tpu.memory_space<vmem>> -> memref<1x40x128xf32, #tpu.memory_space<vmem>>
        %dma_wait3A_633 = tpu.memref_squeeze %dma_wait3A_632 : memref<1x40x128xf32, #tpu.memory_space<vmem>> -> memref<40x128xf32, #tpu.memory_space<vmem>>
        %dma_wait3A_634 = arith.constant 0 : i32
        %dma_wait3A_635 = tpu.memref_slice %arg8[%dma_wait3A_629, %dma_wait3A_634] : memref<125x40xi32, #tpu.memory_space<vmem>> -> memref<1x40xi32, #tpu.memory_space<vmem>>
        %dma_wait3A_636 = tpu.memref_squeeze %dma_wait3A_635 : memref<1x40xi32, #tpu.memory_space<vmem>> -> memref<40xi32, #tpu.memory_space<vmem>>
        %dma_wait3A_637 = arith.constant 0 : i32
        %dma_wait3A_638 = arith.constant 0 : i32
        %dma_wait3A_639 = tpu.memref_slice %arg26[%dma_wait3A_637, %dma_wait3A_638] : memref<10000x128xf32, #tpu.memory_space<vmem_shared>> -> memref<10000x128xf32, #tpu.memory_space<vmem_shared>>
        tpu.wait_indirect_dma semaphore(%arg20 : memref<!tpu.dma_semaphore, #tpu.memory_space<semaphore_mem>>) src(%dma_wait3A_633 : memref<40x128xf32, #tpu.memory_space<vmem>>) dst(%dma_wait3A_639 : memref<10000x128xf32, #tpu.memory_space<vmem_shared>>)
        %dma_start3A_640 = arith.constant 2 : i32
        %dma_start3A_641 = arith.constant 0 : i32
        %dma_start3A_642 = arith.constant 0 : i32
        %dma_start3A_643 = tpu.memref_slice %arg9[%dma_start3A_640, %dma_start3A_641, %dma_start3A_642] : memref<8x40x128xf32, #tpu.memory_space<vmem>> -> memref<1x40x128xf32, #tpu.memory_space<vmem>>
        %dma_start3A_644 = tpu.memref_squeeze %dma_start3A_643 : memref<1x40x128xf32, #tpu.memory_space<vmem>> -> memref<40x128xf32, #tpu.memory_space<vmem>>
        %dma_start3A_645 = arith.constant 0 : i32
        %dma_start3A_646 = tpu.memref_slice %arg7[%add3A_567, %dma_start3A_645] : memref<125x40xi32, #tpu.memory_space<vmem>> -> memref<1x40xi32, #tpu.memory_space<vmem>>
        %dma_start3A_647 = tpu.memref_squeeze %dma_start3A_646 : memref<1x40xi32, #tpu.memory_space<vmem>> -> memref<40xi32, #tpu.memory_space<vmem>>
        %dma_start3A_648 = arith.constant 0 : i32
        %dma_start3A_649 = arith.constant 0 : i32
        %dma_start3A_650 = tpu.memref_slice %arg2[%arg0, %dma_start3A_648, %dma_start3A_649] : memref<2x10000x128xf32, #tpu.memory_space<hbm>> -> memref<1x10000x128xf32, #tpu.memory_space<hbm>>
        %dma_start3A_651 = tpu.memref_squeeze %dma_start3A_650 : memref<1x10000x128xf32, #tpu.memory_space<hbm>> -> memref<10000x128xf32, #tpu.memory_space<hbm>>
        %dma_start3A_652 = arith.constant 0 : i32
        %dma_start3A_653 = arith.constant 0 : i32
        %dma_start3A_654 = tpu.memref_slice %dma_start3A_651[%dma_start3A_652, %dma_start3A_653] : memref<10000x128xf32, #tpu.memory_space<hbm>> -> memref<10000x128xf32, #tpu.memory_space<hbm>>
        tpu.enqueue_indirect_dma source(%dma_start3A_654 : memref<10000x128xf32, #tpu.memory_space<hbm>>) target(%dma_start3A_644 : memref<40x128xf32, #tpu.memory_space<vmem>>) offsets(%dma_start3A_647 : memref<40xi32, #tpu.memory_space<vmem>>) semaphore(%arg12 : memref<!tpu.dma_semaphore, #tpu.memory_space<semaphore_mem>>)
      } else {
      }
      %add3A_573 = arith.constant 1 : i32
      %add3A_574 = arith.addi %scan3A_470, %add3A_573 : i32
      %mul3A_575 = arith.constant 8 : i32
      %mul3A_576 = arith.muli %add3A_574, %mul3A_575 : i32
      %add3A_577 = arith.constant 3 : i32
      %add3A_578 = arith.addi %mul3A_576, %add3A_577 : i32
      %lt3A_579 = arith.constant 125 : i32
      %lt3A_580 = arith.cmpi slt, %add3A_578, %lt3A_579 : i32
      %convert_element_type3A_581 = arith.extui %lt3A_580 : i1 to i32
      %cond3A_582 = arith.constant 0 : i32
      %cond3A_583 = arith.cmpi ne, %convert_element_type3A_581, %cond3A_582 : i32
      scf.if %cond3A_583 {
        %dma_wait3A_628 = arith.constant 3 : i32
        %dma_wait3A_629 = arith.constant 0 : i32
        %dma_wait3A_630 = arith.constant 0 : i32
        %dma_wait3A_631 = arith.constant 0 : i32
        %dma_wait3A_632 = tpu.memref_slice %arg9[%dma_wait3A_628, %dma_wait3A_630, %dma_wait3A_631] : memref<8x40x128xf32, #tpu.memory_space<vmem>> -> memref<1x40x128xf32, #tpu.memory_space<vmem>>
        %dma_wait3A_633 = tpu.memref_squeeze %dma_wait3A_632 : memref<1x40x128xf32, #tpu.memory_space<vmem>> -> memref<40x128xf32, #tpu.memory_space<vmem>>
        %dma_wait3A_634 = arith.constant 0 : i32
        %dma_wait3A_635 = tpu.memref_slice %arg8[%dma_wait3A_629, %dma_wait3A_634] : memref<125x40xi32, #tpu.memory_space<vmem>> -> memref<1x40xi32, #tpu.memory_space<vmem>>
        %dma_wait3A_636 = tpu.memref_squeeze %dma_wait3A_635 : memref<1x40xi32, #tpu.memory_space<vmem>> -> memref<40xi32, #tpu.memory_space<vmem>>
        %dma_wait3A_637 = arith.constant 0 : i32
        %dma_wait3A_638 = arith.constant 0 : i32
        %dma_wait3A_639 = tpu.memref_slice %arg26[%dma_wait3A_637, %dma_wait3A_638] : memref<10000x128xf32, #tpu.memory_space<vmem_shared>> -> memref<10000x128xf32, #tpu.memory_space<vmem_shared>>
        tpu.wait_indirect_dma semaphore(%arg21 : memref<!tpu.dma_semaphore, #tpu.memory_space<semaphore_mem>>) src(%dma_wait3A_633 : memref<40x128xf32, #tpu.memory_space<vmem>>) dst(%dma_wait3A_639 : memref<10000x128xf32, #tpu.memory_space<vmem_shared>>)
        %dma_start3A_640 = arith.constant 3 : i32
        %dma_start3A_641 = arith.constant 0 : i32
        %dma_start3A_642 = arith.constant 0 : i32
        %dma_start3A_643 = tpu.memref_slice %arg9[%dma_start3A_640, %dma_start3A_641, %dma_start3A_642] : memref<8x40x128xf32, #tpu.memory_space<vmem>> -> memref<1x40x128xf32, #tpu.memory_space<vmem>>
        %dma_start3A_644 = tpu.memref_squeeze %dma_start3A_643 : memref<1x40x128xf32, #tpu.memory_space<vmem>> -> memref<40x128xf32, #tpu.memory_space<vmem>>
        %dma_start3A_645 = arith.constant 0 : i32
        %dma_start3A_646 = tpu.memref_slice %arg7[%add3A_578, %dma_start3A_645] : memref<125x40xi32, #tpu.memory_space<vmem>> -> memref<1x40xi32, #tpu.memory_space<vmem>>
        %dma_start3A_647 = tpu.memref_squeeze %dma_start3A_646 : memref<1x40xi32, #tpu.memory_space<vmem>> -> memref<40xi32, #tpu.memory_space<vmem>>
        %dma_start3A_648 = arith.constant 0 : i32
        %dma_start3A_649 = arith.constant 0 : i32
        %dma_start3A_650 = tpu.memref_slice %arg2[%arg0, %dma_start3A_648, %dma_start3A_649] : memref<2x10000x128xf32, #tpu.memory_space<hbm>> -> memref<1x10000x128xf32, #tpu.memory_space<hbm>>
        %dma_start3A_651 = tpu.memref_squeeze %dma_start3A_650 : memref<1x10000x128xf32, #tpu.memory_space<hbm>> -> memref<10000x128xf32, #tpu.memory_space<hbm>>
        %dma_start3A_652 = arith.constant 0 : i32
        %dma_start3A_653 = arith.constant 0 : i32
        %dma_start3A_654 = tpu.memref_slice %dma_start3A_651[%dma_start3A_652, %dma_start3A_653] : memref<10000x128xf32, #tpu.memory_space<hbm>> -> memref<10000x128xf32, #tpu.memory_space<hbm>>
        tpu.enqueue_indirect_dma source(%dma_start3A_654 : memref<10000x128xf32, #tpu.memory_space<hbm>>) target(%dma_start3A_644 : memref<40x128xf32, #tpu.memory_space<vmem>>) offsets(%dma_start3A_647 : memref<40xi32, #tpu.memory_space<vmem>>) semaphore(%arg13 : memref<!tpu.dma_semaphore, #tpu.memory_space<semaphore_mem>>)
      } else {
      }
      %add3A_584 = arith.constant 1 : i32
      %add3A_585 = arith.addi %scan3A_470, %add3A_584 : i32
      %mul3A_586 = arith.constant 8 : i32
      %mul3A_587 = arith.muli %add3A_585, %mul3A_586 : i32
      %add3A_588 = arith.constant 4 : i32
      %add3A_589 = arith.addi %mul3A_587, %add3A_588 : i32
      %lt3A_590 = arith.constant 125 : i32
      %lt3A_591 = arith.cmpi slt, %add3A_589, %lt3A_590 : i32
      %convert_element_type3A_592 = arith.extui %lt3A_591 : i1 to i32
      %cond3A_593 = arith.constant 0 : i32
      %cond3A_594 = arith.cmpi ne, %convert_element_type3A_592, %cond3A_593 : i32
      scf.if %cond3A_594 {
        %dma_wait3A_628 = arith.constant 4 : i32
        %dma_wait3A_629 = arith.constant 0 : i32
        %dma_wait3A_630 = arith.constant 0 : i32
        %dma_wait3A_631 = arith.constant 0 : i32
        %dma_wait3A_632 = tpu.memref_slice %arg9[%dma_wait3A_628, %dma_wait3A_630, %dma_wait3A_631] : memref<8x40x128xf32, #tpu.memory_space<vmem>> -> memref<1x40x128xf32, #tpu.memory_space<vmem>>
        %dma_wait3A_633 = tpu.memref_squeeze %dma_wait3A_632 : memref<1x40x128xf32, #tpu.memory_space<vmem>> -> memref<40x128xf32, #tpu.memory_space<vmem>>
        %dma_wait3A_634 = arith.constant 0 : i32
        %dma_wait3A_635 = tpu.memref_slice %arg8[%dma_wait3A_629, %dma_wait3A_634] : memref<125x40xi32, #tpu.memory_space<vmem>> -> memref<1x40xi32, #tpu.memory_space<vmem>>
        %dma_wait3A_636 = tpu.memref_squeeze %dma_wait3A_635 : memref<1x40xi32, #tpu.memory_space<vmem>> -> memref<40xi32, #tpu.memory_space<vmem>>
        %dma_wait3A_637 = arith.constant 0 : i32
        %dma_wait3A_638 = arith.constant 0 : i32
        %dma_wait3A_639 = tpu.memref_slice %arg26[%dma_wait3A_637, %dma_wait3A_638] : memref<10000x128xf32, #tpu.memory_space<vmem_shared>> -> memref<10000x128xf32, #tpu.memory_space<vmem_shared>>
        tpu.wait_indirect_dma semaphore(%arg22 : memref<!tpu.dma_semaphore, #tpu.memory_space<semaphore_mem>>) src(%dma_wait3A_633 : memref<40x128xf32, #tpu.memory_space<vmem>>) dst(%dma_wait3A_639 : memref<10000x128xf32, #tpu.memory_space<vmem_shared>>)
        %dma_start3A_640 = arith.constant 4 : i32
        %dma_start3A_641 = arith.constant 0 : i32
        %dma_start3A_642 = arith.constant 0 : i32
        %dma_start3A_643 = tpu.memref_slice %arg9[%dma_start3A_640, %dma_start3A_641, %dma_start3A_642] : memref<8x40x128xf32, #tpu.memory_space<vmem>> -> memref<1x40x128xf32, #tpu.memory_space<vmem>>
        %dma_start3A_644 = tpu.memref_squeeze %dma_start3A_643 : memref<1x40x128xf32, #tpu.memory_space<vmem>> -> memref<40x128xf32, #tpu.memory_space<vmem>>
        %dma_start3A_645 = arith.constant 0 : i32
        %dma_start3A_646 = tpu.memref_slice %arg7[%add3A_589, %dma_start3A_645] : memref<125x40xi32, #tpu.memory_space<vmem>> -> memref<1x40xi32, #tpu.memory_space<vmem>>
        %dma_start3A_647 = tpu.memref_squeeze %dma_start3A_646 : memref<1x40xi32, #tpu.memory_space<vmem>> -> memref<40xi32, #tpu.memory_space<vmem>>
        %dma_start3A_648 = arith.constant 0 : i32
        %dma_start3A_649 = arith.constant 0 : i32
        %dma_start3A_650 = tpu.memref_slice %arg2[%arg0, %dma_start3A_648, %dma_start3A_649] : memref<2x10000x128xf32, #tpu.memory_space<hbm>> -> memref<1x10000x128xf32, #tpu.memory_space<hbm>>
        %dma_start3A_651 = tpu.memref_squeeze %dma_start3A_650 : memref<1x10000x128xf32, #tpu.memory_space<hbm>> -> memref<10000x128xf32, #tpu.memory_space<hbm>>
        %dma_start3A_652 = arith.constant 0 : i32
        %dma_start3A_653 = arith.constant 0 : i32
        %dma_start3A_654 = tpu.memref_slice %dma_start3A_651[%dma_start3A_652, %dma_start3A_653] : memref<10000x128xf32, #tpu.memory_space<hbm>> -> memref<10000x128xf32, #tpu.memory_space<hbm>>
        tpu.enqueue_indirect_dma source(%dma_start3A_654 : memref<10000x128xf32, #tpu.memory_space<hbm>>) target(%dma_start3A_644 : memref<40x128xf32, #tpu.memory_space<vmem>>) offsets(%dma_start3A_647 : memref<40xi32, #tpu.memory_space<vmem>>) semaphore(%arg14 : memref<!tpu.dma_semaphore, #tpu.memory_space<semaphore_mem>>)
      } else {
      }
      %add3A_595 = arith.constant 1 : i32
      %add3A_596 = arith.addi %scan3A_470, %add3A_595 : i32
      %mul3A_597 = arith.constant 8 : i32
      %mul3A_598 = arith.muli %add3A_596, %mul3A_597 : i32
      %add3A_599 = arith.constant 5 : i32
      %add3A_600 = arith.addi %mul3A_598, %add3A_599 : i32
      %lt3A_601 = arith.constant 125 : i32
      %lt3A_602 = arith.cmpi slt, %add3A_600, %lt3A_601 : i32
      %convert_element_type3A_603 = arith.extui %lt3A_602 : i1 to i32
      %cond3A_604 = arith.constant 0 : i32
      %cond3A_605 = arith.cmpi ne, %convert_element_type3A_603, %cond3A_604 : i32
      scf.if %cond3A_605 {
        %dma_wait3A_628 = arith.constant 5 : i32
        %dma_wait3A_629 = arith.constant 0 : i32
        %dma_wait3A_630 = arith.constant 0 : i32
        %dma_wait3A_631 = arith.constant 0 : i32
        %dma_wait3A_632 = tpu.memref_slice %arg9[%dma_wait3A_628, %dma_wait3A_630, %dma_wait3A_631] : memref<8x40x128xf32, #tpu.memory_space<vmem>> -> memref<1x40x128xf32, #tpu.memory_space<vmem>>
        %dma_wait3A_633 = tpu.memref_squeeze %dma_wait3A_632 : memref<1x40x128xf32, #tpu.memory_space<vmem>> -> memref<40x128xf32, #tpu.memory_space<vmem>>
        %dma_wait3A_634 = arith.constant 0 : i32
        %dma_wait3A_635 = tpu.memref_slice %arg8[%dma_wait3A_629, %dma_wait3A_634] : memref<125x40xi32, #tpu.memory_space<vmem>> -> memref<1x40xi32, #tpu.memory_space<vmem>>
        %dma_wait3A_636 = tpu.memref_squeeze %dma_wait3A_635 : memref<1x40xi32, #tpu.memory_space<vmem>> -> memref<40xi32, #tpu.memory_space<vmem>>
        %dma_wait3A_637 = arith.constant 0 : i32
        %dma_wait3A_638 = arith.constant 0 : i32
        %dma_wait3A_639 = tpu.memref_slice %arg26[%dma_wait3A_637, %dma_wait3A_638] : memref<10000x128xf32, #tpu.memory_space<vmem_shared>> -> memref<10000x128xf32, #tpu.memory_space<vmem_shared>>
        tpu.wait_indirect_dma semaphore(%arg23 : memref<!tpu.dma_semaphore, #tpu.memory_space<semaphore_mem>>) src(%dma_wait3A_633 : memref<40x128xf32, #tpu.memory_space<vmem>>) dst(%dma_wait3A_639 : memref<10000x128xf32, #tpu.memory_space<vmem_shared>>)
        %dma_start3A_640 = arith.constant 5 : i32
        %dma_start3A_641 = arith.constant 0 : i32
        %dma_start3A_642 = arith.constant 0 : i32
        %dma_start3A_643 = tpu.memref_slice %arg9[%dma_start3A_640, %dma_start3A_641, %dma_start3A_642] : memref<8x40x128xf32, #tpu.memory_space<vmem>> -> memref<1x40x128xf32, #tpu.memory_space<vmem>>
        %dma_start3A_644 = tpu.memref_squeeze %dma_start3A_643 : memref<1x40x128xf32, #tpu.memory_space<vmem>> -> memref<40x128xf32, #tpu.memory_space<vmem>>
        %dma_start3A_645 = arith.constant 0 : i32
        %dma_start3A_646 = tpu.memref_slice %arg7[%add3A_600, %dma_start3A_645] : memref<125x40xi32, #tpu.memory_space<vmem>> -> memref<1x40xi32, #tpu.memory_space<vmem>>
        %dma_start3A_647 = tpu.memref_squeeze %dma_start3A_646 : memref<1x40xi32, #tpu.memory_space<vmem>> -> memref<40xi32, #tpu.memory_space<vmem>>
        %dma_start3A_648 = arith.constant 0 : i32
        %dma_start3A_649 = arith.constant 0 : i32
        %dma_start3A_650 = tpu.memref_slice %arg2[%arg0, %dma_start3A_648, %dma_start3A_649] : memref<2x10000x128xf32, #tpu.memory_space<hbm>> -> memref<1x10000x128xf32, #tpu.memory_space<hbm>>
        %dma_start3A_651 = tpu.memref_squeeze %dma_start3A_650 : memref<1x10000x128xf32, #tpu.memory_space<hbm>> -> memref<10000x128xf32, #tpu.memory_space<hbm>>
        %dma_start3A_652 = arith.constant 0 : i32
        %dma_start3A_653 = arith.constant 0 : i32
        %dma_start3A_654 = tpu.memref_slice %dma_start3A_651[%dma_start3A_652, %dma_start3A_653] : memref<10000x128xf32, #tpu.memory_space<hbm>> -> memref<10000x128xf32, #tpu.memory_space<hbm>>
        tpu.enqueue_indirect_dma source(%dma_start3A_654 : memref<10000x128xf32, #tpu.memory_space<hbm>>) target(%dma_start3A_644 : memref<40x128xf32, #tpu.memory_space<vmem>>) offsets(%dma_start3A_647 : memref<40xi32, #tpu.memory_space<vmem>>) semaphore(%arg15 : memref<!tpu.dma_semaphore, #tpu.memory_space<semaphore_mem>>)
      } else {
      }
      %add3A_606 = arith.constant 1 : i32
      %add3A_607 = arith.addi %scan3A_470, %add3A_606 : i32
      %mul3A_608 = arith.constant 8 : i32
      %mul3A_609 = arith.muli %add3A_607, %mul3A_608 : i32
      %add3A_610 = arith.constant 6 : i32
      %add3A_611 = arith.addi %mul3A_609, %add3A_610 : i32
      %lt3A_612 = arith.constant 125 : i32
      %lt3A_613 = arith.cmpi slt, %add3A_611, %lt3A_612 : i32
      %convert_element_type3A_614 = arith.extui %lt3A_613 : i1 to i32
      %cond3A_615 = arith.constant 0 : i32
      %cond3A_616 = arith.cmpi ne, %convert_element_type3A_614, %cond3A_615 : i32
      scf.if %cond3A_616 {
        %dma_wait3A_628 = arith.constant 6 : i32
        %dma_wait3A_629 = arith.constant 0 : i32
        %dma_wait3A_630 = arith.constant 0 : i32
        %dma_wait3A_631 = arith.constant 0 : i32
        %dma_wait3A_632 = tpu.memref_slice %arg9[%dma_wait3A_628, %dma_wait3A_630, %dma_wait3A_631] : memref<8x40x128xf32, #tpu.memory_space<vmem>> -> memref<1x40x128xf32, #tpu.memory_space<vmem>>
        %dma_wait3A_633 = tpu.memref_squeeze %dma_wait3A_632 : memref<1x40x128xf32, #tpu.memory_space<vmem>> -> memref<40x128xf32, #tpu.memory_space<vmem>>
        %dma_wait3A_634 = arith.constant 0 : i32
        %dma_wait3A_635 = tpu.memref_slice %arg8[%dma_wait3A_629, %dma_wait3A_634] : memref<125x40xi32, #tpu.memory_space<vmem>> -> memref<1x40xi32, #tpu.memory_space<vmem>>
        %dma_wait3A_636 = tpu.memref_squeeze %dma_wait3A_635 : memref<1x40xi32, #tpu.memory_space<vmem>> -> memref<40xi32, #tpu.memory_space<vmem>>
        %dma_wait3A_637 = arith.constant 0 : i32
        %dma_wait3A_638 = arith.constant 0 : i32
        %dma_wait3A_639 = tpu.memref_slice %arg26[%dma_wait3A_637, %dma_wait3A_638] : memref<10000x128xf32, #tpu.memory_space<vmem_shared>> -> memref<10000x128xf32, #tpu.memory_space<vmem_shared>>
        tpu.wait_indirect_dma semaphore(%arg24 : memref<!tpu.dma_semaphore, #tpu.memory_space<semaphore_mem>>) src(%dma_wait3A_633 : memref<40x128xf32, #tpu.memory_space<vmem>>) dst(%dma_wait3A_639 : memref<10000x128xf32, #tpu.memory_space<vmem_shared>>)
        %dma_start3A_640 = arith.constant 6 : i32
        %dma_start3A_641 = arith.constant 0 : i32
        %dma_start3A_642 = arith.constant 0 : i32
        %dma_start3A_643 = tpu.memref_slice %arg9[%dma_start3A_640, %dma_start3A_641, %dma_start3A_642] : memref<8x40x128xf32, #tpu.memory_space<vmem>> -> memref<1x40x128xf32, #tpu.memory_space<vmem>>
        %dma_start3A_644 = tpu.memref_squeeze %dma_start3A_643 : memref<1x40x128xf32, #tpu.memory_space<vmem>> -> memref<40x128xf32, #tpu.memory_space<vmem>>
        %dma_start3A_645 = arith.constant 0 : i32
        %dma_start3A_646 = tpu.memref_slice %arg7[%add3A_611, %dma_start3A_645] : memref<125x40xi32, #tpu.memory_space<vmem>> -> memref<1x40xi32, #tpu.memory_space<vmem>>
        %dma_start3A_647 = tpu.memref_squeeze %dma_start3A_646 : memref<1x40xi32, #tpu.memory_space<vmem>> -> memref<40xi32, #tpu.memory_space<vmem>>
        %dma_start3A_648 = arith.constant 0 : i32
        %dma_start3A_649 = arith.constant 0 : i32
        %dma_start3A_650 = tpu.memref_slice %arg2[%arg0, %dma_start3A_648, %dma_start3A_649] : memref<2x10000x128xf32, #tpu.memory_space<hbm>> -> memref<1x10000x128xf32, #tpu.memory_space<hbm>>
        %dma_start3A_651 = tpu.memref_squeeze %dma_start3A_650 : memref<1x10000x128xf32, #tpu.memory_space<hbm>> -> memref<10000x128xf32, #tpu.memory_space<hbm>>
        %dma_start3A_652 = arith.constant 0 : i32
        %dma_start3A_653 = arith.constant 0 : i32
        %dma_start3A_654 = tpu.memref_slice %dma_start3A_651[%dma_start3A_652, %dma_start3A_653] : memref<10000x128xf32, #tpu.memory_space<hbm>> -> memref<10000x128xf32, #tpu.memory_space<hbm>>
        tpu.enqueue_indirect_dma source(%dma_start3A_654 : memref<10000x128xf32, #tpu.memory_space<hbm>>) target(%dma_start3A_644 : memref<40x128xf32, #tpu.memory_space<vmem>>) offsets(%dma_start3A_647 : memref<40xi32, #tpu.memory_space<vmem>>) semaphore(%arg16 : memref<!tpu.dma_semaphore, #tpu.memory_space<semaphore_mem>>)
      } else {
      }
      %add3A_617 = arith.constant 1 : i32
      %add3A_618 = arith.addi %scan3A_470, %add3A_617 : i32
      %mul3A_619 = arith.constant 8 : i32
      %mul3A_620 = arith.muli %add3A_618, %mul3A_619 : i32
      %add3A_621 = arith.constant 7 : i32
      %add3A_622 = arith.addi %mul3A_620, %add3A_621 : i32
      %lt3A_623 = arith.constant 125 : i32
      %lt3A_624 = arith.cmpi slt, %add3A_622, %lt3A_623 : i32
      %convert_element_type3A_625 = arith.extui %lt3A_624 : i1 to i32
      %cond3A_626 = arith.constant 0 : i32
      %cond3A_627 = arith.cmpi ne, %convert_element_type3A_625, %cond3A_626 : i32
      scf.if %cond3A_627 {
        %dma_wait3A_628 = arith.constant 7 : i32
        %dma_wait3A_629 = arith.constant 0 : i32
        %dma_wait3A_630 = arith.constant 0 : i32
        %dma_wait3A_631 = arith.constant 0 : i32
        %dma_wait3A_632 = tpu.memref_slice %arg9[%dma_wait3A_628, %dma_wait3A_630, %dma_wait3A_631] : memref<8x40x128xf32, #tpu.memory_space<vmem>> -> memref<1x40x128xf32, #tpu.memory_space<vmem>>
        %dma_wait3A_633 = tpu.memref_squeeze %dma_wait3A_632 : memref<1x40x128xf32, #tpu.memory_space<vmem>> -> memref<40x128xf32, #tpu.memory_space<vmem>>
        %dma_wait3A_634 = arith.constant 0 : i32
        %dma_wait3A_635 = tpu.memref_slice %arg8[%dma_wait3A_629, %dma_wait3A_634] : memref<125x40xi32, #tpu.memory_space<vmem>> -> memref<1x40xi32, #tpu.memory_space<vmem>>
        %dma_wait3A_636 = tpu.memref_squeeze %dma_wait3A_635 : memref<1x40xi32, #tpu.memory_space<vmem>> -> memref<40xi32, #tpu.memory_space<vmem>>
        %dma_wait3A_637 = arith.constant 0 : i32
        %dma_wait3A_638 = arith.constant 0 : i32
        %dma_wait3A_639 = tpu.memref_slice %arg26[%dma_wait3A_637, %dma_wait3A_638] : memref<10000x128xf32, #tpu.memory_space<vmem_shared>> -> memref<10000x128xf32, #tpu.memory_space<vmem_shared>>
        tpu.wait_indirect_dma semaphore(%arg25 : memref<!tpu.dma_semaphore, #tpu.memory_space<semaphore_mem>>) src(%dma_wait3A_633 : memref<40x128xf32, #tpu.memory_space<vmem>>) dst(%dma_wait3A_639 : memref<10000x128xf32, #tpu.memory_space<vmem_shared>>)
        %dma_start3A_640 = arith.constant 7 : i32
        %dma_start3A_641 = arith.constant 0 : i32
        %dma_start3A_642 = arith.constant 0 : i32
        %dma_start3A_643 = tpu.memref_slice %arg9[%dma_start3A_640, %dma_start3A_641, %dma_start3A_642] : memref<8x40x128xf32, #tpu.memory_space<vmem>> -> memref<1x40x128xf32, #tpu.memory_space<vmem>>
        %dma_start3A_644 = tpu.memref_squeeze %dma_start3A_643 : memref<1x40x128xf32, #tpu.memory_space<vmem>> -> memref<40x128xf32, #tpu.memory_space<vmem>>
        %dma_start3A_645 = arith.constant 0 : i32
        %dma_start3A_646 = tpu.memref_slice %arg7[%add3A_622, %dma_start3A_645] : memref<125x40xi32, #tpu.memory_space<vmem>> -> memref<1x40xi32, #tpu.memory_space<vmem>>
        %dma_start3A_647 = tpu.memref_squeeze %dma_start3A_646 : memref<1x40xi32, #tpu.memory_space<vmem>> -> memref<40xi32, #tpu.memory_space<vmem>>
        %dma_start3A_648 = arith.constant 0 : i32
        %dma_start3A_649 = arith.constant 0 : i32
        %dma_start3A_650 = tpu.memref_slice %arg2[%arg0, %dma_start3A_648, %dma_start3A_649] : memref<2x10000x128xf32, #tpu.memory_space<hbm>> -> memref<1x10000x128xf32, #tpu.memory_space<hbm>>
        %dma_start3A_651 = tpu.memref_squeeze %dma_start3A_650 : memref<1x10000x128xf32, #tpu.memory_space<hbm>> -> memref<10000x128xf32, #tpu.memory_space<hbm>>
        %dma_start3A_652 = arith.constant 0 : i32
        %dma_start3A_653 = arith.constant 0 : i32
        %dma_start3A_654 = tpu.memref_slice %dma_start3A_651[%dma_start3A_652, %dma_start3A_653] : memref<10000x128xf32, #tpu.memory_space<hbm>> -> memref<10000x128xf32, #tpu.memory_space<hbm>>
        tpu.enqueue_indirect_dma source(%dma_start3A_654 : memref<10000x128xf32, #tpu.memory_space<hbm>>) target(%dma_start3A_644 : memref<40x128xf32, #tpu.memory_space<vmem>>) offsets(%dma_start3A_647 : memref<40xi32, #tpu.memory_space<vmem>>) semaphore(%arg17 : memref<!tpu.dma_semaphore, #tpu.memory_space<semaphore_mem>>)
      } else {
      }
    }
    %scan3A_135 = arith.constant 16 : i32
    %dma_wait3A = arith.constant 0 : i32
    %dma_wait3A_136 = arith.constant 0 : i32
    %dma_wait3A_137 = arith.constant 0 : i32
    %dma_wait3A_138 = arith.constant 0 : i32
    %dma_wait3A_139 = tpu.memref_slice %arg9[%dma_wait3A, %dma_wait3A_137, %dma_wait3A_138] : memref<8x40x128xf32, #tpu.memory_space<vmem>> -> memref<1x40x128xf32, #tpu.memory_space<vmem>>
    %dma_wait3A_140 = tpu.memref_squeeze %dma_wait3A_139 : memref<1x40x128xf32, #tpu.memory_space<vmem>> -> memref<40x128xf32, #tpu.memory_space<vmem>>
    %dma_wait3A_141 = arith.constant 0 : i32
    %dma_wait3A_142 = tpu.memref_slice %arg8[%dma_wait3A_136, %dma_wait3A_141] : memref<125x40xi32, #tpu.memory_space<vmem>> -> memref<1x40xi32, #tpu.memory_space<vmem>>
    %dma_wait3A_143 = tpu.memref_squeeze %dma_wait3A_142 : memref<1x40xi32, #tpu.memory_space<vmem>> -> memref<40xi32, #tpu.memory_space<vmem>>
    %dma_wait3A_144 = arith.constant 0 : i32
    %dma_wait3A_145 = arith.constant 0 : i32
    %dma_wait3A_146 = tpu.memref_slice %arg26[%dma_wait3A_144, %dma_wait3A_145] : memref<10000x128xf32, #tpu.memory_space<vmem_shared>> -> memref<10000x128xf32, #tpu.memory_space<vmem_shared>>
    tpu.wait_indirect_dma semaphore(%arg18 : memref<!tpu.dma_semaphore, #tpu.memory_space<semaphore_mem>>) src(%dma_wait3A_140 : memref<40x128xf32, #tpu.memory_space<vmem>>) dst(%dma_wait3A_146 : memref<10000x128xf32, #tpu.memory_space<vmem_shared>>)
    %dma_wait3A_147 = arith.constant 1 : i32
    %dma_wait3A_148 = arith.constant 0 : i32
    %dma_wait3A_149 = arith.constant 0 : i32
    %dma_wait3A_150 = arith.constant 0 : i32
    %dma_wait3A_151 = tpu.memref_slice %arg9[%dma_wait3A_147, %dma_wait3A_149, %dma_wait3A_150] : memref<8x40x128xf32, #tpu.memory_space<vmem>> -> memref<1x40x128xf32, #tpu.memory_space<vmem>>
    %dma_wait3A_152 = tpu.memref_squeeze %dma_wait3A_151 : memref<1x40x128xf32, #tpu.memory_space<vmem>> -> memref<40x128xf32, #tpu.memory_space<vmem>>
    %dma_wait3A_153 = arith.constant 0 : i32
    %dma_wait3A_154 = tpu.memref_slice %arg8[%dma_wait3A_148, %dma_wait3A_153] : memref<125x40xi32, #tpu.memory_space<vmem>> -> memref<1x40xi32, #tpu.memory_space<vmem>>
    %dma_wait3A_155 = tpu.memref_squeeze %dma_wait3A_154 : memref<1x40xi32, #tpu.memory_space<vmem>> -> memref<40xi32, #tpu.memory_space<vmem>>
    %dma_wait3A_156 = arith.constant 0 : i32
    %dma_wait3A_157 = arith.constant 0 : i32
    %dma_wait3A_158 = tpu.memref_slice %arg26[%dma_wait3A_156, %dma_wait3A_157] : memref<10000x128xf32, #tpu.memory_space<vmem_shared>> -> memref<10000x128xf32, #tpu.memory_space<vmem_shared>>
    tpu.wait_indirect_dma semaphore(%arg19 : memref<!tpu.dma_semaphore, #tpu.memory_space<semaphore_mem>>) src(%dma_wait3A_152 : memref<40x128xf32, #tpu.memory_space<vmem>>) dst(%dma_wait3A_158 : memref<10000x128xf32, #tpu.memory_space<vmem_shared>>)
    %dma_wait3A_159 = arith.constant 2 : i32
    %dma_wait3A_160 = arith.constant 0 : i32
    %dma_wait3A_161 = arith.constant 0 : i32
    %dma_wait3A_162 = arith.constant 0 : i32
    %dma_wait3A_163 = tpu.memref_slice %arg9[%dma_wait3A_159, %dma_wait3A_161, %dma_wait3A_162] : memref<8x40x128xf32, #tpu.memory_space<vmem>> -> memref<1x40x128xf32, #tpu.memory_space<vmem>>
    %dma_wait3A_164 = tpu.memref_squeeze %dma_wait3A_163 : memref<1x40x128xf32, #tpu.memory_space<vmem>> -> memref<40x128xf32, #tpu.memory_space<vmem>>
    %dma_wait3A_165 = arith.constant 0 : i32
    %dma_wait3A_166 = tpu.memref_slice %arg8[%dma_wait3A_160, %dma_wait3A_165] : memref<125x40xi32, #tpu.memory_space<vmem>> -> memref<1x40xi32, #tpu.memory_space<vmem>>
    %dma_wait3A_167 = tpu.memref_squeeze %dma_wait3A_166 : memref<1x40xi32, #tpu.memory_space<vmem>> -> memref<40xi32, #tpu.memory_space<vmem>>
    %dma_wait3A_168 = arith.constant 0 : i32
    %dma_wait3A_169 = arith.constant 0 : i32
    %dma_wait3A_170 = tpu.memref_slice %arg26[%dma_wait3A_168, %dma_wait3A_169] : memref<10000x128xf32, #tpu.memory_space<vmem_shared>> -> memref<10000x128xf32, #tpu.memory_space<vmem_shared>>
    tpu.wait_indirect_dma semaphore(%arg20 : memref<!tpu.dma_semaphore, #tpu.memory_space<semaphore_mem>>) src(%dma_wait3A_164 : memref<40x128xf32, #tpu.memory_space<vmem>>) dst(%dma_wait3A_170 : memref<10000x128xf32, #tpu.memory_space<vmem_shared>>)
    %dma_wait3A_171 = arith.constant 3 : i32
    %dma_wait3A_172 = arith.constant 0 : i32
    %dma_wait3A_173 = arith.constant 0 : i32
    %dma_wait3A_174 = arith.constant 0 : i32
    %dma_wait3A_175 = tpu.memref_slice %arg9[%dma_wait3A_171, %dma_wait3A_173, %dma_wait3A_174] : memref<8x40x128xf32, #tpu.memory_space<vmem>> -> memref<1x40x128xf32, #tpu.memory_space<vmem>>
    %dma_wait3A_176 = tpu.memref_squeeze %dma_wait3A_175 : memref<1x40x128xf32, #tpu.memory_space<vmem>> -> memref<40x128xf32, #tpu.memory_space<vmem>>
    %dma_wait3A_177 = arith.constant 0 : i32
    %dma_wait3A_178 = tpu.memref_slice %arg8[%dma_wait3A_172, %dma_wait3A_177] : memref<125x40xi32, #tpu.memory_space<vmem>> -> memref<1x40xi32, #tpu.memory_space<vmem>>
    %dma_wait3A_179 = tpu.memref_squeeze %dma_wait3A_178 : memref<1x40xi32, #tpu.memory_space<vmem>> -> memref<40xi32, #tpu.memory_space<vmem>>
    %dma_wait3A_180 = arith.constant 0 : i32
    %dma_wait3A_181 = arith.constant 0 : i32
    %dma_wait3A_182 = tpu.memref_slice %arg26[%dma_wait3A_180, %dma_wait3A_181] : memref<10000x128xf32, #tpu.memory_space<vmem_shared>> -> memref<10000x128xf32, #tpu.memory_space<vmem_shared>>
    tpu.wait_indirect_dma semaphore(%arg21 : memref<!tpu.dma_semaphore, #tpu.memory_space<semaphore_mem>>) src(%dma_wait3A_176 : memref<40x128xf32, #tpu.memory_space<vmem>>) dst(%dma_wait3A_182 : memref<10000x128xf32, #tpu.memory_space<vmem_shared>>)
    %dma_wait3A_183 = arith.constant 4 : i32
    %dma_wait3A_184 = arith.constant 0 : i32
    %dma_wait3A_185 = arith.constant 0 : i32
    %dma_wait3A_186 = arith.constant 0 : i32
    %dma_wait3A_187 = tpu.memref_slice %arg9[%dma_wait3A_183, %dma_wait3A_185, %dma_wait3A_186] : memref<8x40x128xf32, #tpu.memory_space<vmem>> -> memref<1x40x128xf32, #tpu.memory_space<vmem>>
    %dma_wait3A_188 = tpu.memref_squeeze %dma_wait3A_187 : memref<1x40x128xf32, #tpu.memory_space<vmem>> -> memref<40x128xf32, #tpu.memory_space<vmem>>
    %dma_wait3A_189 = arith.constant 0 : i32
    %dma_wait3A_190 = tpu.memref_slice %arg8[%dma_wait3A_184, %dma_wait3A_189] : memref<125x40xi32, #tpu.memory_space<vmem>> -> memref<1x40xi32, #tpu.memory_space<vmem>>
    %dma_wait3A_191 = tpu.memref_squeeze %dma_wait3A_190 : memref<1x40xi32, #tpu.memory_space<vmem>> -> memref<40xi32, #tpu.memory_space<vmem>>
    %dma_wait3A_192 = arith.constant 0 : i32
    %dma_wait3A_193 = arith.constant 0 : i32
    %dma_wait3A_194 = tpu.memref_slice %arg26[%dma_wait3A_192, %dma_wait3A_193] : memref<10000x128xf32, #tpu.memory_space<vmem_shared>> -> memref<10000x128xf32, #tpu.memory_space<vmem_shared>>
    tpu.wait_indirect_dma semaphore(%arg22 : memref<!tpu.dma_semaphore, #tpu.memory_space<semaphore_mem>>) src(%dma_wait3A_188 : memref<40x128xf32, #tpu.memory_space<vmem>>) dst(%dma_wait3A_194 : memref<10000x128xf32, #tpu.memory_space<vmem_shared>>)
    %dma_wait3A_195 = arith.constant 5 : i32
    %dma_wait3A_196 = arith.constant 0 : i32
    %dma_wait3A_197 = arith.constant 0 : i32
    %dma_wait3A_198 = arith.constant 0 : i32
    %dma_wait3A_199 = tpu.memref_slice %arg9[%dma_wait3A_195, %dma_wait3A_197, %dma_wait3A_198] : memref<8x40x128xf32, #tpu.memory_space<vmem>> -> memref<1x40x128xf32, #tpu.memory_space<vmem>>
    %dma_wait3A_200 = tpu.memref_squeeze %dma_wait3A_199 : memref<1x40x128xf32, #tpu.memory_space<vmem>> -> memref<40x128xf32, #tpu.memory_space<vmem>>
    %dma_wait3A_201 = arith.constant 0 : i32
    %dma_wait3A_202 = tpu.memref_slice %arg8[%dma_wait3A_196, %dma_wait3A_201] : memref<125x40xi32, #tpu.memory_space<vmem>> -> memref<1x40xi32, #tpu.memory_space<vmem>>
    %dma_wait3A_203 = tpu.memref_squeeze %dma_wait3A_202 : memref<1x40xi32, #tpu.memory_space<vmem>> -> memref<40xi32, #tpu.memory_space<vmem>>
    %dma_wait3A_204 = arith.constant 0 : i32
    %dma_wait3A_205 = arith.constant 0 : i32
    %dma_wait3A_206 = tpu.memref_slice %arg26[%dma_wait3A_204, %dma_wait3A_205] : memref<10000x128xf32, #tpu.memory_space<vmem_shared>> -> memref<10000x128xf32, #tpu.memory_space<vmem_shared>>
    tpu.wait_indirect_dma semaphore(%arg23 : memref<!tpu.dma_semaphore, #tpu.memory_space<semaphore_mem>>) src(%dma_wait3A_200 : memref<40x128xf32, #tpu.memory_space<vmem>>) dst(%dma_wait3A_206 : memref<10000x128xf32, #tpu.memory_space<vmem_shared>>)
    %dma_wait3A_207 = arith.constant 6 : i32
    %dma_wait3A_208 = arith.constant 0 : i32
    %dma_wait3A_209 = arith.constant 0 : i32
    %dma_wait3A_210 = arith.constant 0 : i32
    %dma_wait3A_211 = tpu.memref_slice %arg9[%dma_wait3A_207, %dma_wait3A_209, %dma_wait3A_210] : memref<8x40x128xf32, #tpu.memory_space<vmem>> -> memref<1x40x128xf32, #tpu.memory_space<vmem>>
    %dma_wait3A_212 = tpu.memref_squeeze %dma_wait3A_211 : memref<1x40x128xf32, #tpu.memory_space<vmem>> -> memref<40x128xf32, #tpu.memory_space<vmem>>
    %dma_wait3A_213 = arith.constant 0 : i32
    %dma_wait3A_214 = tpu.memref_slice %arg8[%dma_wait3A_208, %dma_wait3A_213] : memref<125x40xi32, #tpu.memory_space<vmem>> -> memref<1x40xi32, #tpu.memory_space<vmem>>
    %dma_wait3A_215 = tpu.memref_squeeze %dma_wait3A_214 : memref<1x40xi32, #tpu.memory_space<vmem>> -> memref<40xi32, #tpu.memory_space<vmem>>
    %dma_wait3A_216 = arith.constant 0 : i32
    %dma_wait3A_217 = arith.constant 0 : i32
    %dma_wait3A_218 = tpu.memref_slice %arg26[%dma_wait3A_216, %dma_wait3A_217] : memref<10000x128xf32, #tpu.memory_space<vmem_shared>> -> memref<10000x128xf32, #tpu.memory_space<vmem_shared>>
    tpu.wait_indirect_dma semaphore(%arg24 : memref<!tpu.dma_semaphore, #tpu.memory_space<semaphore_mem>>) src(%dma_wait3A_212 : memref<40x128xf32, #tpu.memory_space<vmem>>) dst(%dma_wait3A_218 : memref<10000x128xf32, #tpu.memory_space<vmem_shared>>)
    %dma_wait3A_219 = arith.constant 7 : i32
    %dma_wait3A_220 = arith.constant 0 : i32
    %dma_wait3A_221 = arith.constant 0 : i32
    %dma_wait3A_222 = arith.constant 0 : i32
    %dma_wait3A_223 = tpu.memref_slice %arg9[%dma_wait3A_219, %dma_wait3A_221, %dma_wait3A_222] : memref<8x40x128xf32, #tpu.memory_space<vmem>> -> memref<1x40x128xf32, #tpu.memory_space<vmem>>
    %dma_wait3A_224 = tpu.memref_squeeze %dma_wait3A_223 : memref<1x40x128xf32, #tpu.memory_space<vmem>> -> memref<40x128xf32, #tpu.memory_space<vmem>>
    %dma_wait3A_225 = arith.constant 0 : i32
    %dma_wait3A_226 = tpu.memref_slice %arg8[%dma_wait3A_220, %dma_wait3A_225] : memref<125x40xi32, #tpu.memory_space<vmem>> -> memref<1x40xi32, #tpu.memory_space<vmem>>
    %dma_wait3A_227 = tpu.memref_squeeze %dma_wait3A_226 : memref<1x40xi32, #tpu.memory_space<vmem>> -> memref<40xi32, #tpu.memory_space<vmem>>
    %dma_wait3A_228 = arith.constant 0 : i32
    %dma_wait3A_229 = arith.constant 0 : i32
    %dma_wait3A_230 = tpu.memref_slice %arg26[%dma_wait3A_228, %dma_wait3A_229] : memref<10000x128xf32, #tpu.memory_space<vmem_shared>> -> memref<10000x128xf32, #tpu.memory_space<vmem_shared>>
    tpu.wait_indirect_dma semaphore(%arg25 : memref<!tpu.dma_semaphore, #tpu.memory_space<semaphore_mem>>) src(%dma_wait3A_224 : memref<40x128xf32, #tpu.memory_space<vmem>>) dst(%dma_wait3A_230 : memref<10000x128xf32, #tpu.memory_space<vmem_shared>>)
    %mul3A_231 = arith.constant 250 : i32
    %mul3A_232 = arith.muli %arg1, %mul3A_231 : i32
    %add3A_233 = arith.constant 125 : i32
    %add3A_234 = arith.addi %mul3A_232, %add3A_233 : i32
    "tpu.region"() ({
      %run_scoped3A = tpu.sem_alloc : memref<!tpu.dma_semaphore, #tpu.memory_space<semaphore_mem>>
      %dma_start3A_470 = arith.constant 0 : i32
      %dma_start3A_471 = arith.constant 0 : i32
      %dma_start3A_472 = tpu.memref_slice %arg7[%dma_start3A_470, %dma_start3A_471] : memref<125x40xi32, #tpu.memory_space<vmem>> -> memref<125x40xi32, #tpu.memory_space<vmem>>
      %dma_start3A_473 = arith.constant 0 : i32
      %dma_start3A_474 = tpu.memref_slice %arg3[%add3A_234, %dma_start3A_473] : memref<4000x40xi32, #tpu.memory_space<hbm>> -> memref<125x40xi32, #tpu.memory_space<hbm>>
      %dma_start3A_475 = arith.constant 0 : i32
      %dma_start3A_476 = arith.constant 0 : i32
      %dma_start3A_477 = tpu.memref_slice %arg7[%dma_start3A_475, %dma_start3A_476] : memref<125x40xi32, #tpu.memory_space<vmem>> -> memref<125x40xi32, #tpu.memory_space<vmem>>
      %dma_start3A_478 = arith.constant 0 : i32
      %dma_start3A_479 = tpu.memref_slice %arg3[%add3A_234, %dma_start3A_478] : memref<4000x40xi32, #tpu.memory_space<hbm>> -> memref<125x40xi32, #tpu.memory_space<hbm>>
      tpu.enqueue_dma source(%dma_start3A_479 : memref<125x40xi32, #tpu.memory_space<hbm>>) target(%dma_start3A_477 : memref<125x40xi32, #tpu.memory_space<vmem>>) target_semaphore(%run_scoped3A : memref<!tpu.dma_semaphore, #tpu.memory_space<semaphore_mem>>)
      %dma_wait3A_480 = arith.constant 0 : i32
      %dma_wait3A_481 = arith.constant 0 : i32
      %dma_wait3A_482 = tpu.memref_slice %arg7[%dma_wait3A_480, %dma_wait3A_481] : memref<125x40xi32, #tpu.memory_space<vmem>> -> memref<125x40xi32, #tpu.memory_space<vmem>>
      %dma_wait3A_483 = arith.constant 0 : i32
      %dma_wait3A_484 = tpu.memref_slice %arg3[%add3A_234, %dma_wait3A_483] : memref<4000x40xi32, #tpu.memory_space<hbm>> -> memref<125x40xi32, #tpu.memory_space<hbm>>
      %dma_wait3A_485 = arith.constant 0 : i32
      %dma_wait3A_486 = arith.constant 0 : i32
      %dma_wait3A_487 = tpu.memref_slice %arg7[%dma_wait3A_485, %dma_wait3A_486] : memref<125x40xi32, #tpu.memory_space<vmem>> -> memref<125x40xi32, #tpu.memory_space<vmem>>
      %dma_wait3A_488 = arith.constant 0 : i32
      %dma_wait3A_489 = tpu.memref_slice %arg3[%add3A_234, %dma_wait3A_488] : memref<4000x40xi32, #tpu.memory_space<hbm>> -> memref<125x40xi32, #tpu.memory_space<hbm>>
      tpu.wait_dma2 semaphore(%run_scoped3A : memref<!tpu.dma_semaphore, #tpu.memory_space<semaphore_mem>>) src(%dma_wait3A_489 : memref<125x40xi32, #tpu.memory_space<hbm>>) dst(%dma_wait3A_487 : memref<125x40xi32, #tpu.memory_space<vmem>>)
      tpu.yield
    }) : () -> ()
    "tpu.region"() ({
      %run_scoped3A = tpu.sem_alloc : memref<!tpu.dma_semaphore, #tpu.memory_space<semaphore_mem>>
      %dma_start3A_470 = arith.constant 0 : i32
      %dma_start3A_471 = arith.constant 0 : i32
      %dma_start3A_472 = tpu.memref_slice %arg8[%dma_start3A_470, %dma_start3A_471] : memref<125x40xi32, #tpu.memory_space<vmem>> -> memref<125x40xi32, #tpu.memory_space<vmem>>
      %dma_start3A_473 = arith.constant 0 : i32
      %dma_start3A_474 = tpu.memref_slice %arg4[%add3A_234, %dma_start3A_473] : memref<4000x40xi32, #tpu.memory_space<hbm>> -> memref<125x40xi32, #tpu.memory_space<hbm>>
      %dma_start3A_475 = arith.constant 0 : i32
      %dma_start3A_476 = arith.constant 0 : i32
      %dma_start3A_477 = tpu.memref_slice %arg8[%dma_start3A_475, %dma_start3A_476] : memref<125x40xi32, #tpu.memory_space<vmem>> -> memref<125x40xi32, #tpu.memory_space<vmem>>
      %dma_start3A_478 = arith.constant 0 : i32
      %dma_start3A_479 = tpu.memref_slice %arg4[%add3A_234, %dma_start3A_478] : memref<4000x40xi32, #tpu.memory_space<hbm>> -> memref<125x40xi32, #tpu.memory_space<hbm>>
      tpu.enqueue_dma source(%dma_start3A_479 : memref<125x40xi32, #tpu.memory_space<hbm>>) target(%dma_start3A_477 : memref<125x40xi32, #tpu.memory_space<vmem>>) target_semaphore(%run_scoped3A : memref<!tpu.dma_semaphore, #tpu.memory_space<semaphore_mem>>)
      %dma_wait3A_480 = arith.constant 0 : i32
      %dma_wait3A_481 = arith.constant 0 : i32
      %dma_wait3A_482 = tpu.memref_slice %arg8[%dma_wait3A_480, %dma_wait3A_481] : memref<125x40xi32, #tpu.memory_space<vmem>> -> memref<125x40xi32, #tpu.memory_space<vmem>>
      %dma_wait3A_483 = arith.constant 0 : i32
      %dma_wait3A_484 = tpu.memref_slice %arg4[%add3A_234, %dma_wait3A_483] : memref<4000x40xi32, #tpu.memory_space<hbm>> -> memref<125x40xi32, #tpu.memory_space<hbm>>
      %dma_wait3A_485 = arith.constant 0 : i32
      %dma_wait3A_486 = arith.constant 0 : i32
      %dma_wait3A_487 = tpu.memref_slice %arg8[%dma_wait3A_485, %dma_wait3A_486] : memref<125x40xi32, #tpu.memory_space<vmem>> -> memref<125x40xi32, #tpu.memory_space<vmem>>
      %dma_wait3A_488 = arith.constant 0 : i32
      %dma_wait3A_489 = tpu.memref_slice %arg4[%add3A_234, %dma_wait3A_488] : memref<4000x40xi32, #tpu.memory_space<hbm>> -> memref<125x40xi32, #tpu.memory_space<hbm>>
      tpu.wait_dma2 semaphore(%run_scoped3A : memref<!tpu.dma_semaphore, #tpu.memory_space<semaphore_mem>>) src(%dma_wait3A_489 : memref<125x40xi32, #tpu.memory_space<hbm>>) dst(%dma_wait3A_487 : memref<125x40xi32, #tpu.memory_space<vmem>>)
      tpu.yield
    }) : () -> ()
    %dma_start3A_235 = arith.constant 0 : i32
    %dma_start3A_236 = arith.constant 0 : i32
    %dma_start3A_237 = arith.constant 0 : i32
    %dma_start3A_238 = arith.constant 0 : i32
    %dma_start3A_239 = tpu.memref_slice %arg9[%dma_start3A_236, %dma_start3A_237, %dma_start3A_238] : memref<8x40x128xf32, #tpu.memory_space<vmem>> -> memref<1x40x128xf32, #tpu.memory_space<vmem>>
    %dma_start3A_240 = tpu.memref_squeeze %dma_start3A_239 : memref<1x40x128xf32, #tpu.memory_space<vmem>> -> memref<40x128xf32, #tpu.memory_space<vmem>>
    %dma_start3A_241 = arith.constant 0 : i32
    %dma_start3A_242 = tpu.memref_slice %arg7[%dma_start3A_235, %dma_start3A_241] : memref<125x40xi32, #tpu.memory_space<vmem>> -> memref<1x40xi32, #tpu.memory_space<vmem>>
    %dma_start3A_243 = tpu.memref_squeeze %dma_start3A_242 : memref<1x40xi32, #tpu.memory_space<vmem>> -> memref<40xi32, #tpu.memory_space<vmem>>
    %dma_start3A_244 = arith.constant 0 : i32
    %dma_start3A_245 = arith.constant 0 : i32
    %dma_start3A_246 = tpu.memref_slice %arg2[%arg0, %dma_start3A_244, %dma_start3A_245] : memref<2x10000x128xf32, #tpu.memory_space<hbm>> -> memref<1x10000x128xf32, #tpu.memory_space<hbm>>
    %dma_start3A_247 = tpu.memref_squeeze %dma_start3A_246 : memref<1x10000x128xf32, #tpu.memory_space<hbm>> -> memref<10000x128xf32, #tpu.memory_space<hbm>>
    %dma_start3A_248 = arith.constant 0 : i32
    %dma_start3A_249 = arith.constant 0 : i32
    %dma_start3A_250 = tpu.memref_slice %dma_start3A_247[%dma_start3A_248, %dma_start3A_249] : memref<10000x128xf32, #tpu.memory_space<hbm>> -> memref<10000x128xf32, #tpu.memory_space<hbm>>
    tpu.enqueue_indirect_dma source(%dma_start3A_250 : memref<10000x128xf32, #tpu.memory_space<hbm>>) target(%dma_start3A_240 : memref<40x128xf32, #tpu.memory_space<vmem>>) offsets(%dma_start3A_243 : memref<40xi32, #tpu.memory_space<vmem>>) semaphore(%arg10 : memref<!tpu.dma_semaphore, #tpu.memory_space<semaphore_mem>>)
    %dma_start3A_251 = arith.constant 1 : i32
    %dma_start3A_252 = arith.constant 1 : i32
    %dma_start3A_253 = arith.constant 0 : i32
    %dma_start3A_254 = arith.constant 0 : i32
    %dma_start3A_255 = tpu.memref_slice %arg9[%dma_start3A_252, %dma_start3A_253, %dma_start3A_254] : memref<8x40x128xf32, #tpu.memory_space<vmem>> -> memref<1x40x128xf32, #tpu.memory_space<vmem>>
    %dma_start3A_256 = tpu.memref_squeeze %dma_start3A_255 : memref<1x40x128xf32, #tpu.memory_space<vmem>> -> memref<40x128xf32, #tpu.memory_space<vmem>>
    %dma_start3A_257 = arith.constant 0 : i32
    %dma_start3A_258 = tpu.memref_slice %arg7[%dma_start3A_251, %dma_start3A_257] : memref<125x40xi32, #tpu.memory_space<vmem>> -> memref<1x40xi32, #tpu.memory_space<vmem>>
    %dma_start3A_259 = tpu.memref_squeeze %dma_start3A_258 : memref<1x40xi32, #tpu.memory_space<vmem>> -> memref<40xi32, #tpu.memory_space<vmem>>
    %dma_start3A_260 = arith.constant 0 : i32
    %dma_start3A_261 = arith.constant 0 : i32
    %dma_start3A_262 = tpu.memref_slice %arg2[%arg0, %dma_start3A_260, %dma_start3A_261] : memref<2x10000x128xf32, #tpu.memory_space<hbm>> -> memref<1x10000x128xf32, #tpu.memory_space<hbm>>
    %dma_start3A_263 = tpu.memref_squeeze %dma_start3A_262 : memref<1x10000x128xf32, #tpu.memory_space<hbm>> -> memref<10000x128xf32, #tpu.memory_space<hbm>>
    %dma_start3A_264 = arith.constant 0 : i32
    %dma_start3A_265 = arith.constant 0 : i32
    %dma_start3A_266 = tpu.memref_slice %dma_start3A_263[%dma_start3A_264, %dma_start3A_265] : memref<10000x128xf32, #tpu.memory_space<hbm>> -> memref<10000x128xf32, #tpu.memory_space<hbm>>
    tpu.enqueue_indirect_dma source(%dma_start3A_266 : memref<10000x128xf32, #tpu.memory_space<hbm>>) target(%dma_start3A_256 : memref<40x128xf32, #tpu.memory_space<vmem>>) offsets(%dma_start3A_259 : memref<40xi32, #tpu.memory_space<vmem>>) semaphore(%arg11 : memref<!tpu.dma_semaphore, #tpu.memory_space<semaphore_mem>>)
    %dma_start3A_267 = arith.constant 2 : i32
    %dma_start3A_268 = arith.constant 2 : i32
    %dma_start3A_269 = arith.constant 0 : i32
    %dma_start3A_270 = arith.constant 0 : i32
    %dma_start3A_271 = tpu.memref_slice %arg9[%dma_start3A_268, %dma_start3A_269, %dma_start3A_270] : memref<8x40x128xf32, #tpu.memory_space<vmem>> -> memref<1x40x128xf32, #tpu.memory_space<vmem>>
    %dma_start3A_272 = tpu.memref_squeeze %dma_start3A_271 : memref<1x40x128xf32, #tpu.memory_space<vmem>> -> memref<40x128xf32, #tpu.memory_space<vmem>>
    %dma_start3A_273 = arith.constant 0 : i32
    %dma_start3A_274 = tpu.memref_slice %arg7[%dma_start3A_267, %dma_start3A_273] : memref<125x40xi32, #tpu.memory_space<vmem>> -> memref<1x40xi32, #tpu.memory_space<vmem>>
    %dma_start3A_275 = tpu.memref_squeeze %dma_start3A_274 : memref<1x40xi32, #tpu.memory_space<vmem>> -> memref<40xi32, #tpu.memory_space<vmem>>
    %dma_start3A_276 = arith.constant 0 : i32
    %dma_start3A_277 = arith.constant 0 : i32
    %dma_start3A_278 = tpu.memref_slice %arg2[%arg0, %dma_start3A_276, %dma_start3A_277] : memref<2x10000x128xf32, #tpu.memory_space<hbm>> -> memref<1x10000x128xf32, #tpu.memory_space<hbm>>
    %dma_start3A_279 = tpu.memref_squeeze %dma_start3A_278 : memref<1x10000x128xf32, #tpu.memory_space<hbm>> -> memref<10000x128xf32, #tpu.memory_space<hbm>>
    %dma_start3A_280 = arith.constant 0 : i32
    %dma_start3A_281 = arith.constant 0 : i32
    %dma_start3A_282 = tpu.memref_slice %dma_start3A_279[%dma_start3A_280, %dma_start3A_281] : memref<10000x128xf32, #tpu.memory_space<hbm>> -> memref<10000x128xf32, #tpu.memory_space<hbm>>
    tpu.enqueue_indirect_dma source(%dma_start3A_282 : memref<10000x128xf32, #tpu.memory_space<hbm>>) target(%dma_start3A_272 : memref<40x128xf32, #tpu.memory_space<vmem>>) offsets(%dma_start3A_275 : memref<40xi32, #tpu.memory_space<vmem>>) semaphore(%arg12 : memref<!tpu.dma_semaphore, #tpu.memory_space<semaphore_mem>>)
    %dma_start3A_283 = arith.constant 3 : i32
    %dma_start3A_284 = arith.constant 3 : i32
    %dma_start3A_285 = arith.constant 0 : i32
    %dma_start3A_286 = arith.constant 0 : i32
    %dma_start3A_287 = tpu.memref_slice %arg9[%dma_start3A_284, %dma_start3A_285, %dma_start3A_286] : memref<8x40x128xf32, #tpu.memory_space<vmem>> -> memref<1x40x128xf32, #tpu.memory_space<vmem>>
    %dma_start3A_288 = tpu.memref_squeeze %dma_start3A_287 : memref<1x40x128xf32, #tpu.memory_space<vmem>> -> memref<40x128xf32, #tpu.memory_space<vmem>>
    %dma_start3A_289 = arith.constant 0 : i32
    %dma_start3A_290 = tpu.memref_slice %arg7[%dma_start3A_283, %dma_start3A_289] : memref<125x40xi32, #tpu.memory_space<vmem>> -> memref<1x40xi32, #tpu.memory_space<vmem>>
    %dma_start3A_291 = tpu.memref_squeeze %dma_start3A_290 : memref<1x40xi32, #tpu.memory_space<vmem>> -> memref<40xi32, #tpu.memory_space<vmem>>
    %dma_start3A_292 = arith.constant 0 : i32
    %dma_start3A_293 = arith.constant 0 : i32
    %dma_start3A_294 = tpu.memref_slice %arg2[%arg0, %dma_start3A_292, %dma_start3A_293] : memref<2x10000x128xf32, #tpu.memory_space<hbm>> -> memref<1x10000x128xf32, #tpu.memory_space<hbm>>
    %dma_start3A_295 = tpu.memref_squeeze %dma_start3A_294 : memref<1x10000x128xf32, #tpu.memory_space<hbm>> -> memref<10000x128xf32, #tpu.memory_space<hbm>>
    %dma_start3A_296 = arith.constant 0 : i32
    %dma_start3A_297 = arith.constant 0 : i32
    %dma_start3A_298 = tpu.memref_slice %dma_start3A_295[%dma_start3A_296, %dma_start3A_297] : memref<10000x128xf32, #tpu.memory_space<hbm>> -> memref<10000x128xf32, #tpu.memory_space<hbm>>
    tpu.enqueue_indirect_dma source(%dma_start3A_298 : memref<10000x128xf32, #tpu.memory_space<hbm>>) target(%dma_start3A_288 : memref<40x128xf32, #tpu.memory_space<vmem>>) offsets(%dma_start3A_291 : memref<40xi32, #tpu.memory_space<vmem>>) semaphore(%arg13 : memref<!tpu.dma_semaphore, #tpu.memory_space<semaphore_mem>>)
    %dma_start3A_299 = arith.constant 4 : i32
    %dma_start3A_300 = arith.constant 4 : i32
    %dma_start3A_301 = arith.constant 0 : i32
    %dma_start3A_302 = arith.constant 0 : i32
    %dma_start3A_303 = tpu.memref_slice %arg9[%dma_start3A_300, %dma_start3A_301, %dma_start3A_302] : memref<8x40x128xf32, #tpu.memory_space<vmem>> -> memref<1x40x128xf32, #tpu.memory_space<vmem>>
    %dma_start3A_304 = tpu.memref_squeeze %dma_start3A_303 : memref<1x40x128xf32, #tpu.memory_space<vmem>> -> memref<40x128xf32, #tpu.memory_space<vmem>>
    %dma_start3A_305 = arith.constant 0 : i32
    %dma_start3A_306 = tpu.memref_slice %arg7[%dma_start3A_299, %dma_start3A_305] : memref<125x40xi32, #tpu.memory_space<vmem>> -> memref<1x40xi32, #tpu.memory_space<vmem>>
    %dma_start3A_307 = tpu.memref_squeeze %dma_start3A_306 : memref<1x40xi32, #tpu.memory_space<vmem>> -> memref<40xi32, #tpu.memory_space<vmem>>
    %dma_start3A_308 = arith.constant 0 : i32
    %dma_start3A_309 = arith.constant 0 : i32
    %dma_start3A_310 = tpu.memref_slice %arg2[%arg0, %dma_start3A_308, %dma_start3A_309] : memref<2x10000x128xf32, #tpu.memory_space<hbm>> -> memref<1x10000x128xf32, #tpu.memory_space<hbm>>
    %dma_start3A_311 = tpu.memref_squeeze %dma_start3A_310 : memref<1x10000x128xf32, #tpu.memory_space<hbm>> -> memref<10000x128xf32, #tpu.memory_space<hbm>>
    %dma_start3A_312 = arith.constant 0 : i32
    %dma_start3A_313 = arith.constant 0 : i32
    %dma_start3A_314 = tpu.memref_slice %dma_start3A_311[%dma_start3A_312, %dma_start3A_313] : memref<10000x128xf32, #tpu.memory_space<hbm>> -> memref<10000x128xf32, #tpu.memory_space<hbm>>
    tpu.enqueue_indirect_dma source(%dma_start3A_314 : memref<10000x128xf32, #tpu.memory_space<hbm>>) target(%dma_start3A_304 : memref<40x128xf32, #tpu.memory_space<vmem>>) offsets(%dma_start3A_307 : memref<40xi32, #tpu.memory_space<vmem>>) semaphore(%arg14 : memref<!tpu.dma_semaphore, #tpu.memory_space<semaphore_mem>>)
    %dma_start3A_315 = arith.constant 5 : i32
    %dma_start3A_316 = arith.constant 5 : i32
    %dma_start3A_317 = arith.constant 0 : i32
    %dma_start3A_318 = arith.constant 0 : i32
    %dma_start3A_319 = tpu.memref_slice %arg9[%dma_start3A_316, %dma_start3A_317, %dma_start3A_318] : memref<8x40x128xf32, #tpu.memory_space<vmem>> -> memref<1x40x128xf32, #tpu.memory_space<vmem>>
    %dma_start3A_320 = tpu.memref_squeeze %dma_start3A_319 : memref<1x40x128xf32, #tpu.memory_space<vmem>> -> memref<40x128xf32, #tpu.memory_space<vmem>>
    %dma_start3A_321 = arith.constant 0 : i32
    %dma_start3A_322 = tpu.memref_slice %arg7[%dma_start3A_315, %dma_start3A_321] : memref<125x40xi32, #tpu.memory_space<vmem>> -> memref<1x40xi32, #tpu.memory_space<vmem>>
    %dma_start3A_323 = tpu.memref_squeeze %dma_start3A_322 : memref<1x40xi32, #tpu.memory_space<vmem>> -> memref<40xi32, #tpu.memory_space<vmem>>
    %dma_start3A_324 = arith.constant 0 : i32
    %dma_start3A_325 = arith.constant 0 : i32
    %dma_start3A_326 = tpu.memref_slice %arg2[%arg0, %dma_start3A_324, %dma_start3A_325] : memref<2x10000x128xf32, #tpu.memory_space<hbm>> -> memref<1x10000x128xf32, #tpu.memory_space<hbm>>
    %dma_start3A_327 = tpu.memref_squeeze %dma_start3A_326 : memref<1x10000x128xf32, #tpu.memory_space<hbm>> -> memref<10000x128xf32, #tpu.memory_space<hbm>>
    %dma_start3A_328 = arith.constant 0 : i32
    %dma_start3A_329 = arith.constant 0 : i32
    %dma_start3A_330 = tpu.memref_slice %dma_start3A_327[%dma_start3A_328, %dma_start3A_329] : memref<10000x128xf32, #tpu.memory_space<hbm>> -> memref<10000x128xf32, #tpu.memory_space<hbm>>
    tpu.enqueue_indirect_dma source(%dma_start3A_330 : memref<10000x128xf32, #tpu.memory_space<hbm>>) target(%dma_start3A_320 : memref<40x128xf32, #tpu.memory_space<vmem>>) offsets(%dma_start3A_323 : memref<40xi32, #tpu.memory_space<vmem>>) semaphore(%arg15 : memref<!tpu.dma_semaphore, #tpu.memory_space<semaphore_mem>>)
    %dma_start3A_331 = arith.constant 6 : i32
    %dma_start3A_332 = arith.constant 6 : i32
    %dma_start3A_333 = arith.constant 0 : i32
    %dma_start3A_334 = arith.constant 0 : i32
    %dma_start3A_335 = tpu.memref_slice %arg9[%dma_start3A_332, %dma_start3A_333, %dma_start3A_334] : memref<8x40x128xf32, #tpu.memory_space<vmem>> -> memref<1x40x128xf32, #tpu.memory_space<vmem>>
    %dma_start3A_336 = tpu.memref_squeeze %dma_start3A_335 : memref<1x40x128xf32, #tpu.memory_space<vmem>> -> memref<40x128xf32, #tpu.memory_space<vmem>>
    %dma_start3A_337 = arith.constant 0 : i32
    %dma_start3A_338 = tpu.memref_slice %arg7[%dma_start3A_331, %dma_start3A_337] : memref<125x40xi32, #tpu.memory_space<vmem>> -> memref<1x40xi32, #tpu.memory_space<vmem>>
    %dma_start3A_339 = tpu.memref_squeeze %dma_start3A_338 : memref<1x40xi32, #tpu.memory_space<vmem>> -> memref<40xi32, #tpu.memory_space<vmem>>
    %dma_start3A_340 = arith.constant 0 : i32
    %dma_start3A_341 = arith.constant 0 : i32
    %dma_start3A_342 = tpu.memref_slice %arg2[%arg0, %dma_start3A_340, %dma_start3A_341] : memref<2x10000x128xf32, #tpu.memory_space<hbm>> -> memref<1x10000x128xf32, #tpu.memory_space<hbm>>
    %dma_start3A_343 = tpu.memref_squeeze %dma_start3A_342 : memref<1x10000x128xf32, #tpu.memory_space<hbm>> -> memref<10000x128xf32, #tpu.memory_space<hbm>>
    %dma_start3A_344 = arith.constant 0 : i32
    %dma_start3A_345 = arith.constant 0 : i32
    %dma_start3A_346 = tpu.memref_slice %dma_start3A_343[%dma_start3A_344, %dma_start3A_345] : memref<10000x128xf32, #tpu.memory_space<hbm>> -> memref<10000x128xf32, #tpu.memory_space<hbm>>
    tpu.enqueue_indirect_dma source(%dma_start3A_346 : memref<10000x128xf32, #tpu.memory_space<hbm>>) target(%dma_start3A_336 : memref<40x128xf32, #tpu.memory_space<vmem>>) offsets(%dma_start3A_339 : memref<40xi32, #tpu.memory_space<vmem>>) semaphore(%arg16 : memref<!tpu.dma_semaphore, #tpu.memory_space<semaphore_mem>>)
    %dma_start3A_347 = arith.constant 7 : i32
    %dma_start3A_348 = arith.constant 7 : i32
    %dma_start3A_349 = arith.constant 0 : i32
    %dma_start3A_350 = arith.constant 0 : i32
    %dma_start3A_351 = tpu.memref_slice %arg9[%dma_start3A_348, %dma_start3A_349, %dma_start3A_350] : memref<8x40x128xf32, #tpu.memory_space<vmem>> -> memref<1x40x128xf32, #tpu.memory_space<vmem>>
    %dma_start3A_352 = tpu.memref_squeeze %dma_start3A_351 : memref<1x40x128xf32, #tpu.memory_space<vmem>> -> memref<40x128xf32, #tpu.memory_space<vmem>>
    %dma_start3A_353 = arith.constant 0 : i32
    %dma_start3A_354 = tpu.memref_slice %arg7[%dma_start3A_347, %dma_start3A_353] : memref<125x40xi32, #tpu.memory_space<vmem>> -> memref<1x40xi32, #tpu.memory_space<vmem>>
    %dma_start3A_355 = tpu.memref_squeeze %dma_start3A_354 : memref<1x40xi32, #tpu.memory_space<vmem>> -> memref<40xi32, #tpu.memory_space<vmem>>
    %dma_start3A_356 = arith.constant 0 : i32
    %dma_start3A_357 = arith.constant 0 : i32
    %dma_start3A_358 = tpu.memref_slice %arg2[%arg0, %dma_start3A_356, %dma_start3A_357] : memref<2x10000x128xf32, #tpu.memory_space<hbm>> -> memref<1x10000x128xf32, #tpu.memory_space<hbm>>
    %dma_start3A_359 = tpu.memref_squeeze %dma_start3A_358 : memref<1x10000x128xf32, #tpu.memory_space<hbm>> -> memref<10000x128xf32, #tpu.memory_space<hbm>>
    %dma_start3A_360 = arith.constant 0 : i32
    %dma_start3A_361 = arith.constant 0 : i32
    %dma_start3A_362 = tpu.memref_slice %dma_start3A_359[%dma_start3A_360, %dma_start3A_361] : memref<10000x128xf32, #tpu.memory_space<hbm>> -> memref<10000x128xf32, #tpu.memory_space<hbm>>
    tpu.enqueue_indirect_dma source(%dma_start3A_362 : memref<10000x128xf32, #tpu.memory_space<hbm>>) target(%dma_start3A_352 : memref<40x128xf32, #tpu.memory_space<vmem>>) offsets(%dma_start3A_355 : memref<40xi32, #tpu.memory_space<vmem>>) semaphore(%arg17 : memref<!tpu.dma_semaphore, #tpu.memory_space<semaphore_mem>>)
    %scan3A_363 = arith.constant 0 : i32
    %scan3A_364 = arith.constant 0 : i32
    %scan3A_365 = arith.constant 16 : i32
    %scan3A_366 = arith.addi %scan3A_364, %scan3A_365 : i32
    %scan3A_367 = arith.constant 1 : i32
    scf.for %scan3A_470 = %scan3A_364 to %scan3A_366 step %scan3A_367  : i32 {
      %mul3A_471 = arith.constant 8 : i32
      %mul3A_472 = arith.muli %scan3A_470, %mul3A_471 : i32
      %add3A_473 = arith.constant 0 : i32
      %add3A_474 = arith.addi %mul3A_472, %add3A_473 : i32
      %lt3A = arith.constant 125 : i32
      %lt3A_475 = arith.cmpi slt, %add3A_474, %lt3A : i32
      %convert_element_type3A = arith.extui %lt3A_475 : i1 to i32
      %cond3A = arith.constant 0 : i32
      %cond3A_476 = arith.cmpi ne, %convert_element_type3A, %cond3A : i32
      scf.if %cond3A_476 {
        %dma_wait3A_628 = arith.constant 0 : i32
        %dma_wait3A_629 = arith.constant 0 : i32
        %dma_wait3A_630 = arith.constant 0 : i32
        %dma_wait3A_631 = tpu.memref_slice %arg9[%dma_wait3A_628, %dma_wait3A_629, %dma_wait3A_630] : memref<8x40x128xf32, #tpu.memory_space<vmem>> -> memref<1x40x128xf32, #tpu.memory_space<vmem>>
        %dma_wait3A_632 = tpu.memref_squeeze %dma_wait3A_631 : memref<1x40x128xf32, #tpu.memory_space<vmem>> -> memref<40x128xf32, #tpu.memory_space<vmem>>
        %dma_wait3A_633 = arith.constant 0 : i32
        %dma_wait3A_634 = tpu.memref_slice %arg7[%add3A_474, %dma_wait3A_633] : memref<125x40xi32, #tpu.memory_space<vmem>> -> memref<1x40xi32, #tpu.memory_space<vmem>>
        %dma_wait3A_635 = tpu.memref_squeeze %dma_wait3A_634 : memref<1x40xi32, #tpu.memory_space<vmem>> -> memref<40xi32, #tpu.memory_space<vmem>>
        %dma_wait3A_636 = arith.constant 0 : i32
        %dma_wait3A_637 = arith.constant 0 : i32
        %dma_wait3A_638 = tpu.memref_slice %arg2[%arg0, %dma_wait3A_636, %dma_wait3A_637] : memref<2x10000x128xf32, #tpu.memory_space<hbm>> -> memref<1x10000x128xf32, #tpu.memory_space<hbm>>
        %dma_wait3A_639 = tpu.memref_squeeze %dma_wait3A_638 : memref<1x10000x128xf32, #tpu.memory_space<hbm>> -> memref<10000x128xf32, #tpu.memory_space<hbm>>
        %dma_wait3A_640 = arith.constant 0 : i32
        %dma_wait3A_641 = arith.constant 0 : i32
        %dma_wait3A_642 = tpu.memref_slice %dma_wait3A_639[%dma_wait3A_640, %dma_wait3A_641] : memref<10000x128xf32, #tpu.memory_space<hbm>> -> memref<10000x128xf32, #tpu.memory_space<hbm>>
        tpu.wait_indirect_dma semaphore(%arg10 : memref<!tpu.dma_semaphore, #tpu.memory_space<semaphore_mem>>) src(%dma_wait3A_642 : memref<10000x128xf32, #tpu.memory_space<hbm>>) dst(%dma_wait3A_632 : memref<40x128xf32, #tpu.memory_space<vmem>>)
        %dma_start3A_643 = arith.constant 0 : i32
        %dma_start3A_644 = arith.constant 0 : i32
        %dma_start3A_645 = arith.constant 0 : i32
        %dma_start3A_646 = tpu.memref_slice %arg9[%dma_start3A_643, %dma_start3A_644, %dma_start3A_645] : memref<8x40x128xf32, #tpu.memory_space<vmem>> -> memref<1x40x128xf32, #tpu.memory_space<vmem>>
        %dma_start3A_647 = tpu.memref_squeeze %dma_start3A_646 : memref<1x40x128xf32, #tpu.memory_space<vmem>> -> memref<40x128xf32, #tpu.memory_space<vmem>>
        %dma_start3A_648 = arith.constant 0 : i32
        %dma_start3A_649 = tpu.memref_slice %arg8[%add3A_474, %dma_start3A_648] : memref<125x40xi32, #tpu.memory_space<vmem>> -> memref<1x40xi32, #tpu.memory_space<vmem>>
        %dma_start3A_650 = tpu.memref_squeeze %dma_start3A_649 : memref<1x40xi32, #tpu.memory_space<vmem>> -> memref<40xi32, #tpu.memory_space<vmem>>
        %dma_start3A_651 = arith.constant 0 : i32
        %dma_start3A_652 = arith.constant 0 : i32
        %dma_start3A_653 = tpu.memref_slice %arg26[%dma_start3A_651, %dma_start3A_652] : memref<10000x128xf32, #tpu.memory_space<vmem_shared>> -> memref<10000x128xf32, #tpu.memory_space<vmem_shared>>
        tpu.enqueue_indirect_dma source(%dma_start3A_647 : memref<40x128xf32, #tpu.memory_space<vmem>>) target(%dma_start3A_653 : memref<10000x128xf32, #tpu.memory_space<vmem_shared>>) offsets(%dma_start3A_650 : memref<40xi32, #tpu.memory_space<vmem>>) semaphore(%arg18 : memref<!tpu.dma_semaphore, #tpu.memory_space<semaphore_mem>>) {add = true}
      } else {
      }
      %mul3A_477 = arith.constant 8 : i32
      %mul3A_478 = arith.muli %scan3A_470, %mul3A_477 : i32
      %add3A_479 = arith.constant 1 : i32
      %add3A_480 = arith.addi %mul3A_478, %add3A_479 : i32
      %lt3A_481 = arith.constant 125 : i32
      %lt3A_482 = arith.cmpi slt, %add3A_480, %lt3A_481 : i32
      %convert_element_type3A_483 = arith.extui %lt3A_482 : i1 to i32
      %cond3A_484 = arith.constant 0 : i32
      %cond3A_485 = arith.cmpi ne, %convert_element_type3A_483, %cond3A_484 : i32
      scf.if %cond3A_485 {
        %dma_wait3A_628 = arith.constant 1 : i32
        %dma_wait3A_629 = arith.constant 0 : i32
        %dma_wait3A_630 = arith.constant 0 : i32
        %dma_wait3A_631 = tpu.memref_slice %arg9[%dma_wait3A_628, %dma_wait3A_629, %dma_wait3A_630] : memref<8x40x128xf32, #tpu.memory_space<vmem>> -> memref<1x40x128xf32, #tpu.memory_space<vmem>>
        %dma_wait3A_632 = tpu.memref_squeeze %dma_wait3A_631 : memref<1x40x128xf32, #tpu.memory_space<vmem>> -> memref<40x128xf32, #tpu.memory_space<vmem>>
        %dma_wait3A_633 = arith.constant 0 : i32
        %dma_wait3A_634 = tpu.memref_slice %arg7[%add3A_480, %dma_wait3A_633] : memref<125x40xi32, #tpu.memory_space<vmem>> -> memref<1x40xi32, #tpu.memory_space<vmem>>
        %dma_wait3A_635 = tpu.memref_squeeze %dma_wait3A_634 : memref<1x40xi32, #tpu.memory_space<vmem>> -> memref<40xi32, #tpu.memory_space<vmem>>
        %dma_wait3A_636 = arith.constant 0 : i32
        %dma_wait3A_637 = arith.constant 0 : i32
        %dma_wait3A_638 = tpu.memref_slice %arg2[%arg0, %dma_wait3A_636, %dma_wait3A_637] : memref<2x10000x128xf32, #tpu.memory_space<hbm>> -> memref<1x10000x128xf32, #tpu.memory_space<hbm>>
        %dma_wait3A_639 = tpu.memref_squeeze %dma_wait3A_638 : memref<1x10000x128xf32, #tpu.memory_space<hbm>> -> memref<10000x128xf32, #tpu.memory_space<hbm>>
        %dma_wait3A_640 = arith.constant 0 : i32
        %dma_wait3A_641 = arith.constant 0 : i32
        %dma_wait3A_642 = tpu.memref_slice %dma_wait3A_639[%dma_wait3A_640, %dma_wait3A_641] : memref<10000x128xf32, #tpu.memory_space<hbm>> -> memref<10000x128xf32, #tpu.memory_space<hbm>>
        tpu.wait_indirect_dma semaphore(%arg11 : memref<!tpu.dma_semaphore, #tpu.memory_space<semaphore_mem>>) src(%dma_wait3A_642 : memref<10000x128xf32, #tpu.memory_space<hbm>>) dst(%dma_wait3A_632 : memref<40x128xf32, #tpu.memory_space<vmem>>)
        %dma_start3A_643 = arith.constant 1 : i32
        %dma_start3A_644 = arith.constant 0 : i32
        %dma_start3A_645 = arith.constant 0 : i32
        %dma_start3A_646 = tpu.memref_slice %arg9[%dma_start3A_643, %dma_start3A_644, %dma_start3A_645] : memref<8x40x128xf32, #tpu.memory_space<vmem>> -> memref<1x40x128xf32, #tpu.memory_space<vmem>>
        %dma_start3A_647 = tpu.memref_squeeze %dma_start3A_646 : memref<1x40x128xf32, #tpu.memory_space<vmem>> -> memref<40x128xf32, #tpu.memory_space<vmem>>
        %dma_start3A_648 = arith.constant 0 : i32
        %dma_start3A_649 = tpu.memref_slice %arg8[%add3A_480, %dma_start3A_648] : memref<125x40xi32, #tpu.memory_space<vmem>> -> memref<1x40xi32, #tpu.memory_space<vmem>>
        %dma_start3A_650 = tpu.memref_squeeze %dma_start3A_649 : memref<1x40xi32, #tpu.memory_space<vmem>> -> memref<40xi32, #tpu.memory_space<vmem>>
        %dma_start3A_651 = arith.constant 0 : i32
        %dma_start3A_652 = arith.constant 0 : i32
        %dma_start3A_653 = tpu.memref_slice %arg26[%dma_start3A_651, %dma_start3A_652] : memref<10000x128xf32, #tpu.memory_space<vmem_shared>> -> memref<10000x128xf32, #tpu.memory_space<vmem_shared>>
        tpu.enqueue_indirect_dma source(%dma_start3A_647 : memref<40x128xf32, #tpu.memory_space<vmem>>) target(%dma_start3A_653 : memref<10000x128xf32, #tpu.memory_space<vmem_shared>>) offsets(%dma_start3A_650 : memref<40xi32, #tpu.memory_space<vmem>>) semaphore(%arg19 : memref<!tpu.dma_semaphore, #tpu.memory_space<semaphore_mem>>) {add = true}
      } else {
      }
      %mul3A_486 = arith.constant 8 : i32
      %mul3A_487 = arith.muli %scan3A_470, %mul3A_486 : i32
      %add3A_488 = arith.constant 2 : i32
      %add3A_489 = arith.addi %mul3A_487, %add3A_488 : i32
      %lt3A_490 = arith.constant 125 : i32
      %lt3A_491 = arith.cmpi slt, %add3A_489, %lt3A_490 : i32
      %convert_element_type3A_492 = arith.extui %lt3A_491 : i1 to i32
      %cond3A_493 = arith.constant 0 : i32
      %cond3A_494 = arith.cmpi ne, %convert_element_type3A_492, %cond3A_493 : i32
      scf.if %cond3A_494 {
        %dma_wait3A_628 = arith.constant 2 : i32
        %dma_wait3A_629 = arith.constant 0 : i32
        %dma_wait3A_630 = arith.constant 0 : i32
        %dma_wait3A_631 = tpu.memref_slice %arg9[%dma_wait3A_628, %dma_wait3A_629, %dma_wait3A_630] : memref<8x40x128xf32, #tpu.memory_space<vmem>> -> memref<1x40x128xf32, #tpu.memory_space<vmem>>
        %dma_wait3A_632 = tpu.memref_squeeze %dma_wait3A_631 : memref<1x40x128xf32, #tpu.memory_space<vmem>> -> memref<40x128xf32, #tpu.memory_space<vmem>>
        %dma_wait3A_633 = arith.constant 0 : i32
        %dma_wait3A_634 = tpu.memref_slice %arg7[%add3A_489, %dma_wait3A_633] : memref<125x40xi32, #tpu.memory_space<vmem>> -> memref<1x40xi32, #tpu.memory_space<vmem>>
        %dma_wait3A_635 = tpu.memref_squeeze %dma_wait3A_634 : memref<1x40xi32, #tpu.memory_space<vmem>> -> memref<40xi32, #tpu.memory_space<vmem>>
        %dma_wait3A_636 = arith.constant 0 : i32
        %dma_wait3A_637 = arith.constant 0 : i32
        %dma_wait3A_638 = tpu.memref_slice %arg2[%arg0, %dma_wait3A_636, %dma_wait3A_637] : memref<2x10000x128xf32, #tpu.memory_space<hbm>> -> memref<1x10000x128xf32, #tpu.memory_space<hbm>>
        %dma_wait3A_639 = tpu.memref_squeeze %dma_wait3A_638 : memref<1x10000x128xf32, #tpu.memory_space<hbm>> -> memref<10000x128xf32, #tpu.memory_space<hbm>>
        %dma_wait3A_640 = arith.constant 0 : i32
        %dma_wait3A_641 = arith.constant 0 : i32
        %dma_wait3A_642 = tpu.memref_slice %dma_wait3A_639[%dma_wait3A_640, %dma_wait3A_641] : memref<10000x128xf32, #tpu.memory_space<hbm>> -> memref<10000x128xf32, #tpu.memory_space<hbm>>
        tpu.wait_indirect_dma semaphore(%arg12 : memref<!tpu.dma_semaphore, #tpu.memory_space<semaphore_mem>>) src(%dma_wait3A_642 : memref<10000x128xf32, #tpu.memory_space<hbm>>) dst(%dma_wait3A_632 : memref<40x128xf32, #tpu.memory_space<vmem>>)
        %dma_start3A_643 = arith.constant 2 : i32
        %dma_start3A_644 = arith.constant 0 : i32
        %dma_start3A_645 = arith.constant 0 : i32
        %dma_start3A_646 = tpu.memref_slice %arg9[%dma_start3A_643, %dma_start3A_644, %dma_start3A_645] : memref<8x40x128xf32, #tpu.memory_space<vmem>> -> memref<1x40x128xf32, #tpu.memory_space<vmem>>
        %dma_start3A_647 = tpu.memref_squeeze %dma_start3A_646 : memref<1x40x128xf32, #tpu.memory_space<vmem>> -> memref<40x128xf32, #tpu.memory_space<vmem>>
        %dma_start3A_648 = arith.constant 0 : i32
        %dma_start3A_649 = tpu.memref_slice %arg8[%add3A_489, %dma_start3A_648] : memref<125x40xi32, #tpu.memory_space<vmem>> -> memref<1x40xi32, #tpu.memory_space<vmem>>
        %dma_start3A_650 = tpu.memref_squeeze %dma_start3A_649 : memref<1x40xi32, #tpu.memory_space<vmem>> -> memref<40xi32, #tpu.memory_space<vmem>>
        %dma_start3A_651 = arith.constant 0 : i32
        %dma_start3A_652 = arith.constant 0 : i32
        %dma_start3A_653 = tpu.memref_slice %arg26[%dma_start3A_651, %dma_start3A_652] : memref<10000x128xf32, #tpu.memory_space<vmem_shared>> -> memref<10000x128xf32, #tpu.memory_space<vmem_shared>>
        tpu.enqueue_indirect_dma source(%dma_start3A_647 : memref<40x128xf32, #tpu.memory_space<vmem>>) target(%dma_start3A_653 : memref<10000x128xf32, #tpu.memory_space<vmem_shared>>) offsets(%dma_start3A_650 : memref<40xi32, #tpu.memory_space<vmem>>) semaphore(%arg20 : memref<!tpu.dma_semaphore, #tpu.memory_space<semaphore_mem>>) {add = true}
      } else {
      }
      %mul3A_495 = arith.constant 8 : i32
      %mul3A_496 = arith.muli %scan3A_470, %mul3A_495 : i32
      %add3A_497 = arith.constant 3 : i32
      %add3A_498 = arith.addi %mul3A_496, %add3A_497 : i32
      %lt3A_499 = arith.constant 125 : i32
      %lt3A_500 = arith.cmpi slt, %add3A_498, %lt3A_499 : i32
      %convert_element_type3A_501 = arith.extui %lt3A_500 : i1 to i32
      %cond3A_502 = arith.constant 0 : i32
      %cond3A_503 = arith.cmpi ne, %convert_element_type3A_501, %cond3A_502 : i32
      scf.if %cond3A_503 {
        %dma_wait3A_628 = arith.constant 3 : i32
        %dma_wait3A_629 = arith.constant 0 : i32
        %dma_wait3A_630 = arith.constant 0 : i32
        %dma_wait3A_631 = tpu.memref_slice %arg9[%dma_wait3A_628, %dma_wait3A_629, %dma_wait3A_630] : memref<8x40x128xf32, #tpu.memory_space<vmem>> -> memref<1x40x128xf32, #tpu.memory_space<vmem>>
        %dma_wait3A_632 = tpu.memref_squeeze %dma_wait3A_631 : memref<1x40x128xf32, #tpu.memory_space<vmem>> -> memref<40x128xf32, #tpu.memory_space<vmem>>
        %dma_wait3A_633 = arith.constant 0 : i32
        %dma_wait3A_634 = tpu.memref_slice %arg7[%add3A_498, %dma_wait3A_633] : memref<125x40xi32, #tpu.memory_space<vmem>> -> memref<1x40xi32, #tpu.memory_space<vmem>>
        %dma_wait3A_635 = tpu.memref_squeeze %dma_wait3A_634 : memref<1x40xi32, #tpu.memory_space<vmem>> -> memref<40xi32, #tpu.memory_space<vmem>>
        %dma_wait3A_636 = arith.constant 0 : i32
        %dma_wait3A_637 = arith.constant 0 : i32
        %dma_wait3A_638 = tpu.memref_slice %arg2[%arg0, %dma_wait3A_636, %dma_wait3A_637] : memref<2x10000x128xf32, #tpu.memory_space<hbm>> -> memref<1x10000x128xf32, #tpu.memory_space<hbm>>
        %dma_wait3A_639 = tpu.memref_squeeze %dma_wait3A_638 : memref<1x10000x128xf32, #tpu.memory_space<hbm>> -> memref<10000x128xf32, #tpu.memory_space<hbm>>
        %dma_wait3A_640 = arith.constant 0 : i32
        %dma_wait3A_641 = arith.constant 0 : i32
        %dma_wait3A_642 = tpu.memref_slice %dma_wait3A_639[%dma_wait3A_640, %dma_wait3A_641] : memref<10000x128xf32, #tpu.memory_space<hbm>> -> memref<10000x128xf32, #tpu.memory_space<hbm>>
        tpu.wait_indirect_dma semaphore(%arg13 : memref<!tpu.dma_semaphore, #tpu.memory_space<semaphore_mem>>) src(%dma_wait3A_642 : memref<10000x128xf32, #tpu.memory_space<hbm>>) dst(%dma_wait3A_632 : memref<40x128xf32, #tpu.memory_space<vmem>>)
        %dma_start3A_643 = arith.constant 3 : i32
        %dma_start3A_644 = arith.constant 0 : i32
        %dma_start3A_645 = arith.constant 0 : i32
        %dma_start3A_646 = tpu.memref_slice %arg9[%dma_start3A_643, %dma_start3A_644, %dma_start3A_645] : memref<8x40x128xf32, #tpu.memory_space<vmem>> -> memref<1x40x128xf32, #tpu.memory_space<vmem>>
        %dma_start3A_647 = tpu.memref_squeeze %dma_start3A_646 : memref<1x40x128xf32, #tpu.memory_space<vmem>> -> memref<40x128xf32, #tpu.memory_space<vmem>>
        %dma_start3A_648 = arith.constant 0 : i32
        %dma_start3A_649 = tpu.memref_slice %arg8[%add3A_498, %dma_start3A_648] : memref<125x40xi32, #tpu.memory_space<vmem>> -> memref<1x40xi32, #tpu.memory_space<vmem>>
        %dma_start3A_650 = tpu.memref_squeeze %dma_start3A_649 : memref<1x40xi32, #tpu.memory_space<vmem>> -> memref<40xi32, #tpu.memory_space<vmem>>
        %dma_start3A_651 = arith.constant 0 : i32
        %dma_start3A_652 = arith.constant 0 : i32
        %dma_start3A_653 = tpu.memref_slice %arg26[%dma_start3A_651, %dma_start3A_652] : memref<10000x128xf32, #tpu.memory_space<vmem_shared>> -> memref<10000x128xf32, #tpu.memory_space<vmem_shared>>
        tpu.enqueue_indirect_dma source(%dma_start3A_647 : memref<40x128xf32, #tpu.memory_space<vmem>>) target(%dma_start3A_653 : memref<10000x128xf32, #tpu.memory_space<vmem_shared>>) offsets(%dma_start3A_650 : memref<40xi32, #tpu.memory_space<vmem>>) semaphore(%arg21 : memref<!tpu.dma_semaphore, #tpu.memory_space<semaphore_mem>>) {add = true}
      } else {
      }
      %mul3A_504 = arith.constant 8 : i32
      %mul3A_505 = arith.muli %scan3A_470, %mul3A_504 : i32
      %add3A_506 = arith.constant 4 : i32
      %add3A_507 = arith.addi %mul3A_505, %add3A_506 : i32
      %lt3A_508 = arith.constant 125 : i32
      %lt3A_509 = arith.cmpi slt, %add3A_507, %lt3A_508 : i32
      %convert_element_type3A_510 = arith.extui %lt3A_509 : i1 to i32
      %cond3A_511 = arith.constant 0 : i32
      %cond3A_512 = arith.cmpi ne, %convert_element_type3A_510, %cond3A_511 : i32
      scf.if %cond3A_512 {
        %dma_wait3A_628 = arith.constant 4 : i32
        %dma_wait3A_629 = arith.constant 0 : i32
        %dma_wait3A_630 = arith.constant 0 : i32
        %dma_wait3A_631 = tpu.memref_slice %arg9[%dma_wait3A_628, %dma_wait3A_629, %dma_wait3A_630] : memref<8x40x128xf32, #tpu.memory_space<vmem>> -> memref<1x40x128xf32, #tpu.memory_space<vmem>>
        %dma_wait3A_632 = tpu.memref_squeeze %dma_wait3A_631 : memref<1x40x128xf32, #tpu.memory_space<vmem>> -> memref<40x128xf32, #tpu.memory_space<vmem>>
        %dma_wait3A_633 = arith.constant 0 : i32
        %dma_wait3A_634 = tpu.memref_slice %arg7[%add3A_507, %dma_wait3A_633] : memref<125x40xi32, #tpu.memory_space<vmem>> -> memref<1x40xi32, #tpu.memory_space<vmem>>
        %dma_wait3A_635 = tpu.memref_squeeze %dma_wait3A_634 : memref<1x40xi32, #tpu.memory_space<vmem>> -> memref<40xi32, #tpu.memory_space<vmem>>
        %dma_wait3A_636 = arith.constant 0 : i32
        %dma_wait3A_637 = arith.constant 0 : i32
        %dma_wait3A_638 = tpu.memref_slice %arg2[%arg0, %dma_wait3A_636, %dma_wait3A_637] : memref<2x10000x128xf32, #tpu.memory_space<hbm>> -> memref<1x10000x128xf32, #tpu.memory_space<hbm>>
        %dma_wait3A_639 = tpu.memref_squeeze %dma_wait3A_638 : memref<1x10000x128xf32, #tpu.memory_space<hbm>> -> memref<10000x128xf32, #tpu.memory_space<hbm>>
        %dma_wait3A_640 = arith.constant 0 : i32
        %dma_wait3A_641 = arith.constant 0 : i32
        %dma_wait3A_642 = tpu.memref_slice %dma_wait3A_639[%dma_wait3A_640, %dma_wait3A_641] : memref<10000x128xf32, #tpu.memory_space<hbm>> -> memref<10000x128xf32, #tpu.memory_space<hbm>>
        tpu.wait_indirect_dma semaphore(%arg14 : memref<!tpu.dma_semaphore, #tpu.memory_space<semaphore_mem>>) src(%dma_wait3A_642 : memref<10000x128xf32, #tpu.memory_space<hbm>>) dst(%dma_wait3A_632 : memref<40x128xf32, #tpu.memory_space<vmem>>)
        %dma_start3A_643 = arith.constant 4 : i32
        %dma_start3A_644 = arith.constant 0 : i32
        %dma_start3A_645 = arith.constant 0 : i32
        %dma_start3A_646 = tpu.memref_slice %arg9[%dma_start3A_643, %dma_start3A_644, %dma_start3A_645] : memref<8x40x128xf32, #tpu.memory_space<vmem>> -> memref<1x40x128xf32, #tpu.memory_space<vmem>>
        %dma_start3A_647 = tpu.memref_squeeze %dma_start3A_646 : memref<1x40x128xf32, #tpu.memory_space<vmem>> -> memref<40x128xf32, #tpu.memory_space<vmem>>
        %dma_start3A_648 = arith.constant 0 : i32
        %dma_start3A_649 = tpu.memref_slice %arg8[%add3A_507, %dma_start3A_648] : memref<125x40xi32, #tpu.memory_space<vmem>> -> memref<1x40xi32, #tpu.memory_space<vmem>>
        %dma_start3A_650 = tpu.memref_squeeze %dma_start3A_649 : memref<1x40xi32, #tpu.memory_space<vmem>> -> memref<40xi32, #tpu.memory_space<vmem>>
        %dma_start3A_651 = arith.constant 0 : i32
        %dma_start3A_652 = arith.constant 0 : i32
        %dma_start3A_653 = tpu.memref_slice %arg26[%dma_start3A_651, %dma_start3A_652] : memref<10000x128xf32, #tpu.memory_space<vmem_shared>> -> memref<10000x128xf32, #tpu.memory_space<vmem_shared>>
        tpu.enqueue_indirect_dma source(%dma_start3A_647 : memref<40x128xf32, #tpu.memory_space<vmem>>) target(%dma_start3A_653 : memref<10000x128xf32, #tpu.memory_space<vmem_shared>>) offsets(%dma_start3A_650 : memref<40xi32, #tpu.memory_space<vmem>>) semaphore(%arg22 : memref<!tpu.dma_semaphore, #tpu.memory_space<semaphore_mem>>) {add = true}
      } else {
      }
      %mul3A_513 = arith.constant 8 : i32
      %mul3A_514 = arith.muli %scan3A_470, %mul3A_513 : i32
      %add3A_515 = arith.constant 5 : i32
      %add3A_516 = arith.addi %mul3A_514, %add3A_515 : i32
      %lt3A_517 = arith.constant 125 : i32
      %lt3A_518 = arith.cmpi slt, %add3A_516, %lt3A_517 : i32
      %convert_element_type3A_519 = arith.extui %lt3A_518 : i1 to i32
      %cond3A_520 = arith.constant 0 : i32
      %cond3A_521 = arith.cmpi ne, %convert_element_type3A_519, %cond3A_520 : i32
      scf.if %cond3A_521 {
        %dma_wait3A_628 = arith.constant 5 : i32
        %dma_wait3A_629 = arith.constant 0 : i32
        %dma_wait3A_630 = arith.constant 0 : i32
        %dma_wait3A_631 = tpu.memref_slice %arg9[%dma_wait3A_628, %dma_wait3A_629, %dma_wait3A_630] : memref<8x40x128xf32, #tpu.memory_space<vmem>> -> memref<1x40x128xf32, #tpu.memory_space<vmem>>
        %dma_wait3A_632 = tpu.memref_squeeze %dma_wait3A_631 : memref<1x40x128xf32, #tpu.memory_space<vmem>> -> memref<40x128xf32, #tpu.memory_space<vmem>>
        %dma_wait3A_633 = arith.constant 0 : i32
        %dma_wait3A_634 = tpu.memref_slice %arg7[%add3A_516, %dma_wait3A_633] : memref<125x40xi32, #tpu.memory_space<vmem>> -> memref<1x40xi32, #tpu.memory_space<vmem>>
        %dma_wait3A_635 = tpu.memref_squeeze %dma_wait3A_634 : memref<1x40xi32, #tpu.memory_space<vmem>> -> memref<40xi32, #tpu.memory_space<vmem>>
        %dma_wait3A_636 = arith.constant 0 : i32
        %dma_wait3A_637 = arith.constant 0 : i32
        %dma_wait3A_638 = tpu.memref_slice %arg2[%arg0, %dma_wait3A_636, %dma_wait3A_637] : memref<2x10000x128xf32, #tpu.memory_space<hbm>> -> memref<1x10000x128xf32, #tpu.memory_space<hbm>>
        %dma_wait3A_639 = tpu.memref_squeeze %dma_wait3A_638 : memref<1x10000x128xf32, #tpu.memory_space<hbm>> -> memref<10000x128xf32, #tpu.memory_space<hbm>>
        %dma_wait3A_640 = arith.constant 0 : i32
        %dma_wait3A_641 = arith.constant 0 : i32
        %dma_wait3A_642 = tpu.memref_slice %dma_wait3A_639[%dma_wait3A_640, %dma_wait3A_641] : memref<10000x128xf32, #tpu.memory_space<hbm>> -> memref<10000x128xf32, #tpu.memory_space<hbm>>
        tpu.wait_indirect_dma semaphore(%arg15 : memref<!tpu.dma_semaphore, #tpu.memory_space<semaphore_mem>>) src(%dma_wait3A_642 : memref<10000x128xf32, #tpu.memory_space<hbm>>) dst(%dma_wait3A_632 : memref<40x128xf32, #tpu.memory_space<vmem>>)
        %dma_start3A_643 = arith.constant 5 : i32
        %dma_start3A_644 = arith.constant 0 : i32
        %dma_start3A_645 = arith.constant 0 : i32
        %dma_start3A_646 = tpu.memref_slice %arg9[%dma_start3A_643, %dma_start3A_644, %dma_start3A_645] : memref<8x40x128xf32, #tpu.memory_space<vmem>> -> memref<1x40x128xf32, #tpu.memory_space<vmem>>
        %dma_start3A_647 = tpu.memref_squeeze %dma_start3A_646 : memref<1x40x128xf32, #tpu.memory_space<vmem>> -> memref<40x128xf32, #tpu.memory_space<vmem>>
        %dma_start3A_648 = arith.constant 0 : i32
        %dma_start3A_649 = tpu.memref_slice %arg8[%add3A_516, %dma_start3A_648] : memref<125x40xi32, #tpu.memory_space<vmem>> -> memref<1x40xi32, #tpu.memory_space<vmem>>
        %dma_start3A_650 = tpu.memref_squeeze %dma_start3A_649 : memref<1x40xi32, #tpu.memory_space<vmem>> -> memref<40xi32, #tpu.memory_space<vmem>>
        %dma_start3A_651 = arith.constant 0 : i32
        %dma_start3A_652 = arith.constant 0 : i32
        %dma_start3A_653 = tpu.memref_slice %arg26[%dma_start3A_651, %dma_start3A_652] : memref<10000x128xf32, #tpu.memory_space<vmem_shared>> -> memref<10000x128xf32, #tpu.memory_space<vmem_shared>>
        tpu.enqueue_indirect_dma source(%dma_start3A_647 : memref<40x128xf32, #tpu.memory_space<vmem>>) target(%dma_start3A_653 : memref<10000x128xf32, #tpu.memory_space<vmem_shared>>) offsets(%dma_start3A_650 : memref<40xi32, #tpu.memory_space<vmem>>) semaphore(%arg23 : memref<!tpu.dma_semaphore, #tpu.memory_space<semaphore_mem>>) {add = true}
      } else {
      }
      %mul3A_522 = arith.constant 8 : i32
      %mul3A_523 = arith.muli %scan3A_470, %mul3A_522 : i32
      %add3A_524 = arith.constant 6 : i32
      %add3A_525 = arith.addi %mul3A_523, %add3A_524 : i32
      %lt3A_526 = arith.constant 125 : i32
      %lt3A_527 = arith.cmpi slt, %add3A_525, %lt3A_526 : i32
      %convert_element_type3A_528 = arith.extui %lt3A_527 : i1 to i32
      %cond3A_529 = arith.constant 0 : i32
      %cond3A_530 = arith.cmpi ne, %convert_element_type3A_528, %cond3A_529 : i32
      scf.if %cond3A_530 {
        %dma_wait3A_628 = arith.constant 6 : i32
        %dma_wait3A_629 = arith.constant 0 : i32
        %dma_wait3A_630 = arith.constant 0 : i32
        %dma_wait3A_631 = tpu.memref_slice %arg9[%dma_wait3A_628, %dma_wait3A_629, %dma_wait3A_630] : memref<8x40x128xf32, #tpu.memory_space<vmem>> -> memref<1x40x128xf32, #tpu.memory_space<vmem>>
        %dma_wait3A_632 = tpu.memref_squeeze %dma_wait3A_631 : memref<1x40x128xf32, #tpu.memory_space<vmem>> -> memref<40x128xf32, #tpu.memory_space<vmem>>
        %dma_wait3A_633 = arith.constant 0 : i32
        %dma_wait3A_634 = tpu.memref_slice %arg7[%add3A_525, %dma_wait3A_633] : memref<125x40xi32, #tpu.memory_space<vmem>> -> memref<1x40xi32, #tpu.memory_space<vmem>>
        %dma_wait3A_635 = tpu.memref_squeeze %dma_wait3A_634 : memref<1x40xi32, #tpu.memory_space<vmem>> -> memref<40xi32, #tpu.memory_space<vmem>>
        %dma_wait3A_636 = arith.constant 0 : i32
        %dma_wait3A_637 = arith.constant 0 : i32
        %dma_wait3A_638 = tpu.memref_slice %arg2[%arg0, %dma_wait3A_636, %dma_wait3A_637] : memref<2x10000x128xf32, #tpu.memory_space<hbm>> -> memref<1x10000x128xf32, #tpu.memory_space<hbm>>
        %dma_wait3A_639 = tpu.memref_squeeze %dma_wait3A_638 : memref<1x10000x128xf32, #tpu.memory_space<hbm>> -> memref<10000x128xf32, #tpu.memory_space<hbm>>
        %dma_wait3A_640 = arith.constant 0 : i32
        %dma_wait3A_641 = arith.constant 0 : i32
        %dma_wait3A_642 = tpu.memref_slice %dma_wait3A_639[%dma_wait3A_640, %dma_wait3A_641] : memref<10000x128xf32, #tpu.memory_space<hbm>> -> memref<10000x128xf32, #tpu.memory_space<hbm>>
        tpu.wait_indirect_dma semaphore(%arg16 : memref<!tpu.dma_semaphore, #tpu.memory_space<semaphore_mem>>) src(%dma_wait3A_642 : memref<10000x128xf32, #tpu.memory_space<hbm>>) dst(%dma_wait3A_632 : memref<40x128xf32, #tpu.memory_space<vmem>>)
        %dma_start3A_643 = arith.constant 6 : i32
        %dma_start3A_644 = arith.constant 0 : i32
        %dma_start3A_645 = arith.constant 0 : i32
        %dma_start3A_646 = tpu.memref_slice %arg9[%dma_start3A_643, %dma_start3A_644, %dma_start3A_645] : memref<8x40x128xf32, #tpu.memory_space<vmem>> -> memref<1x40x128xf32, #tpu.memory_space<vmem>>
        %dma_start3A_647 = tpu.memref_squeeze %dma_start3A_646 : memref<1x40x128xf32, #tpu.memory_space<vmem>> -> memref<40x128xf32, #tpu.memory_space<vmem>>
        %dma_start3A_648 = arith.constant 0 : i32
        %dma_start3A_649 = tpu.memref_slice %arg8[%add3A_525, %dma_start3A_648] : memref<125x40xi32, #tpu.memory_space<vmem>> -> memref<1x40xi32, #tpu.memory_space<vmem>>
        %dma_start3A_650 = tpu.memref_squeeze %dma_start3A_649 : memref<1x40xi32, #tpu.memory_space<vmem>> -> memref<40xi32, #tpu.memory_space<vmem>>
        %dma_start3A_651 = arith.constant 0 : i32
        %dma_start3A_652 = arith.constant 0 : i32
        %dma_start3A_653 = tpu.memref_slice %arg26[%dma_start3A_651, %dma_start3A_652] : memref<10000x128xf32, #tpu.memory_space<vmem_shared>> -> memref<10000x128xf32, #tpu.memory_space<vmem_shared>>
        tpu.enqueue_indirect_dma source(%dma_start3A_647 : memref<40x128xf32, #tpu.memory_space<vmem>>) target(%dma_start3A_653 : memref<10000x128xf32, #tpu.memory_space<vmem_shared>>) offsets(%dma_start3A_650 : memref<40xi32, #tpu.memory_space<vmem>>) semaphore(%arg24 : memref<!tpu.dma_semaphore, #tpu.memory_space<semaphore_mem>>) {add = true}
      } else {
      }
      %mul3A_531 = arith.constant 8 : i32
      %mul3A_532 = arith.muli %scan3A_470, %mul3A_531 : i32
      %add3A_533 = arith.constant 7 : i32
      %add3A_534 = arith.addi %mul3A_532, %add3A_533 : i32
      %lt3A_535 = arith.constant 125 : i32
      %lt3A_536 = arith.cmpi slt, %add3A_534, %lt3A_535 : i32
      %convert_element_type3A_537 = arith.extui %lt3A_536 : i1 to i32
      %cond3A_538 = arith.constant 0 : i32
      %cond3A_539 = arith.cmpi ne, %convert_element_type3A_537, %cond3A_538 : i32
      scf.if %cond3A_539 {
        %dma_wait3A_628 = arith.constant 7 : i32
        %dma_wait3A_629 = arith.constant 0 : i32
        %dma_wait3A_630 = arith.constant 0 : i32
        %dma_wait3A_631 = tpu.memref_slice %arg9[%dma_wait3A_628, %dma_wait3A_629, %dma_wait3A_630] : memref<8x40x128xf32, #tpu.memory_space<vmem>> -> memref<1x40x128xf32, #tpu.memory_space<vmem>>
        %dma_wait3A_632 = tpu.memref_squeeze %dma_wait3A_631 : memref<1x40x128xf32, #tpu.memory_space<vmem>> -> memref<40x128xf32, #tpu.memory_space<vmem>>
        %dma_wait3A_633 = arith.constant 0 : i32
        %dma_wait3A_634 = tpu.memref_slice %arg7[%add3A_534, %dma_wait3A_633] : memref<125x40xi32, #tpu.memory_space<vmem>> -> memref<1x40xi32, #tpu.memory_space<vmem>>
        %dma_wait3A_635 = tpu.memref_squeeze %dma_wait3A_634 : memref<1x40xi32, #tpu.memory_space<vmem>> -> memref<40xi32, #tpu.memory_space<vmem>>
        %dma_wait3A_636 = arith.constant 0 : i32
        %dma_wait3A_637 = arith.constant 0 : i32
        %dma_wait3A_638 = tpu.memref_slice %arg2[%arg0, %dma_wait3A_636, %dma_wait3A_637] : memref<2x10000x128xf32, #tpu.memory_space<hbm>> -> memref<1x10000x128xf32, #tpu.memory_space<hbm>>
        %dma_wait3A_639 = tpu.memref_squeeze %dma_wait3A_638 : memref<1x10000x128xf32, #tpu.memory_space<hbm>> -> memref<10000x128xf32, #tpu.memory_space<hbm>>
        %dma_wait3A_640 = arith.constant 0 : i32
        %dma_wait3A_641 = arith.constant 0 : i32
        %dma_wait3A_642 = tpu.memref_slice %dma_wait3A_639[%dma_wait3A_640, %dma_wait3A_641] : memref<10000x128xf32, #tpu.memory_space<hbm>> -> memref<10000x128xf32, #tpu.memory_space<hbm>>
        tpu.wait_indirect_dma semaphore(%arg17 : memref<!tpu.dma_semaphore, #tpu.memory_space<semaphore_mem>>) src(%dma_wait3A_642 : memref<10000x128xf32, #tpu.memory_space<hbm>>) dst(%dma_wait3A_632 : memref<40x128xf32, #tpu.memory_space<vmem>>)
        %dma_start3A_643 = arith.constant 7 : i32
        %dma_start3A_644 = arith.constant 0 : i32
        %dma_start3A_645 = arith.constant 0 : i32
        %dma_start3A_646 = tpu.memref_slice %arg9[%dma_start3A_643, %dma_start3A_644, %dma_start3A_645] : memref<8x40x128xf32, #tpu.memory_space<vmem>> -> memref<1x40x128xf32, #tpu.memory_space<vmem>>
        %dma_start3A_647 = tpu.memref_squeeze %dma_start3A_646 : memref<1x40x128xf32, #tpu.memory_space<vmem>> -> memref<40x128xf32, #tpu.memory_space<vmem>>
        %dma_start3A_648 = arith.constant 0 : i32
        %dma_start3A_649 = tpu.memref_slice %arg8[%add3A_534, %dma_start3A_648] : memref<125x40xi32, #tpu.memory_space<vmem>> -> memref<1x40xi32, #tpu.memory_space<vmem>>
        %dma_start3A_650 = tpu.memref_squeeze %dma_start3A_649 : memref<1x40xi32, #tpu.memory_space<vmem>> -> memref<40xi32, #tpu.memory_space<vmem>>
        %dma_start3A_651 = arith.constant 0 : i32
        %dma_start3A_652 = arith.constant 0 : i32
        %dma_start3A_653 = tpu.memref_slice %arg26[%dma_start3A_651, %dma_start3A_652] : memref<10000x128xf32, #tpu.memory_space<vmem_shared>> -> memref<10000x128xf32, #tpu.memory_space<vmem_shared>>
        tpu.enqueue_indirect_dma source(%dma_start3A_647 : memref<40x128xf32, #tpu.memory_space<vmem>>) target(%dma_start3A_653 : memref<10000x128xf32, #tpu.memory_space<vmem_shared>>) offsets(%dma_start3A_650 : memref<40xi32, #tpu.memory_space<vmem>>) semaphore(%arg25 : memref<!tpu.dma_semaphore, #tpu.memory_space<semaphore_mem>>) {add = true}
      } else {
      }
      %add3A_540 = arith.constant 1 : i32
      %add3A_541 = arith.addi %scan3A_470, %add3A_540 : i32
      %mul3A_542 = arith.constant 8 : i32
      %mul3A_543 = arith.muli %add3A_541, %mul3A_542 : i32
      %add3A_544 = arith.constant 0 : i32
      %add3A_545 = arith.addi %mul3A_543, %add3A_544 : i32
      %lt3A_546 = arith.constant 125 : i32
      %lt3A_547 = arith.cmpi slt, %add3A_545, %lt3A_546 : i32
      %convert_element_type3A_548 = arith.extui %lt3A_547 : i1 to i32
      %cond3A_549 = arith.constant 0 : i32
      %cond3A_550 = arith.cmpi ne, %convert_element_type3A_548, %cond3A_549 : i32
      scf.if %cond3A_550 {
        %dma_wait3A_628 = arith.constant 0 : i32
        %dma_wait3A_629 = arith.constant 0 : i32
        %dma_wait3A_630 = arith.constant 0 : i32
        %dma_wait3A_631 = arith.constant 0 : i32
        %dma_wait3A_632 = tpu.memref_slice %arg9[%dma_wait3A_628, %dma_wait3A_630, %dma_wait3A_631] : memref<8x40x128xf32, #tpu.memory_space<vmem>> -> memref<1x40x128xf32, #tpu.memory_space<vmem>>
        %dma_wait3A_633 = tpu.memref_squeeze %dma_wait3A_632 : memref<1x40x128xf32, #tpu.memory_space<vmem>> -> memref<40x128xf32, #tpu.memory_space<vmem>>
        %dma_wait3A_634 = arith.constant 0 : i32
        %dma_wait3A_635 = tpu.memref_slice %arg8[%dma_wait3A_629, %dma_wait3A_634] : memref<125x40xi32, #tpu.memory_space<vmem>> -> memref<1x40xi32, #tpu.memory_space<vmem>>
        %dma_wait3A_636 = tpu.memref_squeeze %dma_wait3A_635 : memref<1x40xi32, #tpu.memory_space<vmem>> -> memref<40xi32, #tpu.memory_space<vmem>>
        %dma_wait3A_637 = arith.constant 0 : i32
        %dma_wait3A_638 = arith.constant 0 : i32
        %dma_wait3A_639 = tpu.memref_slice %arg26[%dma_wait3A_637, %dma_wait3A_638] : memref<10000x128xf32, #tpu.memory_space<vmem_shared>> -> memref<10000x128xf32, #tpu.memory_space<vmem_shared>>
        tpu.wait_indirect_dma semaphore(%arg18 : memref<!tpu.dma_semaphore, #tpu.memory_space<semaphore_mem>>) src(%dma_wait3A_633 : memref<40x128xf32, #tpu.memory_space<vmem>>) dst(%dma_wait3A_639 : memref<10000x128xf32, #tpu.memory_space<vmem_shared>>)
        %dma_start3A_640 = arith.constant 0 : i32
        %dma_start3A_641 = arith.constant 0 : i32
        %dma_start3A_642 = arith.constant 0 : i32
        %dma_start3A_643 = tpu.memref_slice %arg9[%dma_start3A_640, %dma_start3A_641, %dma_start3A_642] : memref<8x40x128xf32, #tpu.memory_space<vmem>> -> memref<1x40x128xf32, #tpu.memory_space<vmem>>
        %dma_start3A_644 = tpu.memref_squeeze %dma_start3A_643 : memref<1x40x128xf32, #tpu.memory_space<vmem>> -> memref<40x128xf32, #tpu.memory_space<vmem>>
        %dma_start3A_645 = arith.constant 0 : i32
        %dma_start3A_646 = tpu.memref_slice %arg7[%add3A_545, %dma_start3A_645] : memref<125x40xi32, #tpu.memory_space<vmem>> -> memref<1x40xi32, #tpu.memory_space<vmem>>
        %dma_start3A_647 = tpu.memref_squeeze %dma_start3A_646 : memref<1x40xi32, #tpu.memory_space<vmem>> -> memref<40xi32, #tpu.memory_space<vmem>>
        %dma_start3A_648 = arith.constant 0 : i32
        %dma_start3A_649 = arith.constant 0 : i32
        %dma_start3A_650 = tpu.memref_slice %arg2[%arg0, %dma_start3A_648, %dma_start3A_649] : memref<2x10000x128xf32, #tpu.memory_space<hbm>> -> memref<1x10000x128xf32, #tpu.memory_space<hbm>>
        %dma_start3A_651 = tpu.memref_squeeze %dma_start3A_650 : memref<1x10000x128xf32, #tpu.memory_space<hbm>> -> memref<10000x128xf32, #tpu.memory_space<hbm>>
        %dma_start3A_652 = arith.constant 0 : i32
        %dma_start3A_653 = arith.constant 0 : i32
        %dma_start3A_654 = tpu.memref_slice %dma_start3A_651[%dma_start3A_652, %dma_start3A_653] : memref<10000x128xf32, #tpu.memory_space<hbm>> -> memref<10000x128xf32, #tpu.memory_space<hbm>>
        tpu.enqueue_indirect_dma source(%dma_start3A_654 : memref<10000x128xf32, #tpu.memory_space<hbm>>) target(%dma_start3A_644 : memref<40x128xf32, #tpu.memory_space<vmem>>) offsets(%dma_start3A_647 : memref<40xi32, #tpu.memory_space<vmem>>) semaphore(%arg10 : memref<!tpu.dma_semaphore, #tpu.memory_space<semaphore_mem>>)
      } else {
      }
      %add3A_551 = arith.constant 1 : i32
      %add3A_552 = arith.addi %scan3A_470, %add3A_551 : i32
      %mul3A_553 = arith.constant 8 : i32
      %mul3A_554 = arith.muli %add3A_552, %mul3A_553 : i32
      %add3A_555 = arith.constant 1 : i32
      %add3A_556 = arith.addi %mul3A_554, %add3A_555 : i32
      %lt3A_557 = arith.constant 125 : i32
      %lt3A_558 = arith.cmpi slt, %add3A_556, %lt3A_557 : i32
      %convert_element_type3A_559 = arith.extui %lt3A_558 : i1 to i32
      %cond3A_560 = arith.constant 0 : i32
      %cond3A_561 = arith.cmpi ne, %convert_element_type3A_559, %cond3A_560 : i32
      scf.if %cond3A_561 {
        %dma_wait3A_628 = arith.constant 1 : i32
        %dma_wait3A_629 = arith.constant 0 : i32
        %dma_wait3A_630 = arith.constant 0 : i32
        %dma_wait3A_631 = arith.constant 0 : i32
        %dma_wait3A_632 = tpu.memref_slice %arg9[%dma_wait3A_628, %dma_wait3A_630, %dma_wait3A_631] : memref<8x40x128xf32, #tpu.memory_space<vmem>> -> memref<1x40x128xf32, #tpu.memory_space<vmem>>
        %dma_wait3A_633 = tpu.memref_squeeze %dma_wait3A_632 : memref<1x40x128xf32, #tpu.memory_space<vmem>> -> memref<40x128xf32, #tpu.memory_space<vmem>>
        %dma_wait3A_634 = arith.constant 0 : i32
        %dma_wait3A_635 = tpu.memref_slice %arg8[%dma_wait3A_629, %dma_wait3A_634] : memref<125x40xi32, #tpu.memory_space<vmem>> -> memref<1x40xi32, #tpu.memory_space<vmem>>
        %dma_wait3A_636 = tpu.memref_squeeze %dma_wait3A_635 : memref<1x40xi32, #tpu.memory_space<vmem>> -> memref<40xi32, #tpu.memory_space<vmem>>
        %dma_wait3A_637 = arith.constant 0 : i32
        %dma_wait3A_638 = arith.constant 0 : i32
        %dma_wait3A_639 = tpu.memref_slice %arg26[%dma_wait3A_637, %dma_wait3A_638] : memref<10000x128xf32, #tpu.memory_space<vmem_shared>> -> memref<10000x128xf32, #tpu.memory_space<vmem_shared>>
        tpu.wait_indirect_dma semaphore(%arg19 : memref<!tpu.dma_semaphore, #tpu.memory_space<semaphore_mem>>) src(%dma_wait3A_633 : memref<40x128xf32, #tpu.memory_space<vmem>>) dst(%dma_wait3A_639 : memref<10000x128xf32, #tpu.memory_space<vmem_shared>>)
        %dma_start3A_640 = arith.constant 1 : i32
        %dma_start3A_641 = arith.constant 0 : i32
        %dma_start3A_642 = arith.constant 0 : i32
        %dma_start3A_643 = tpu.memref_slice %arg9[%dma_start3A_640, %dma_start3A_641, %dma_start3A_642] : memref<8x40x128xf32, #tpu.memory_space<vmem>> -> memref<1x40x128xf32, #tpu.memory_space<vmem>>
        %dma_start3A_644 = tpu.memref_squeeze %dma_start3A_643 : memref<1x40x128xf32, #tpu.memory_space<vmem>> -> memref<40x128xf32, #tpu.memory_space<vmem>>
        %dma_start3A_645 = arith.constant 0 : i32
        %dma_start3A_646 = tpu.memref_slice %arg7[%add3A_556, %dma_start3A_645] : memref<125x40xi32, #tpu.memory_space<vmem>> -> memref<1x40xi32, #tpu.memory_space<vmem>>
        %dma_start3A_647 = tpu.memref_squeeze %dma_start3A_646 : memref<1x40xi32, #tpu.memory_space<vmem>> -> memref<40xi32, #tpu.memory_space<vmem>>
        %dma_start3A_648 = arith.constant 0 : i32
        %dma_start3A_649 = arith.constant 0 : i32
        %dma_start3A_650 = tpu.memref_slice %arg2[%arg0, %dma_start3A_648, %dma_start3A_649] : memref<2x10000x128xf32, #tpu.memory_space<hbm>> -> memref<1x10000x128xf32, #tpu.memory_space<hbm>>
        %dma_start3A_651 = tpu.memref_squeeze %dma_start3A_650 : memref<1x10000x128xf32, #tpu.memory_space<hbm>> -> memref<10000x128xf32, #tpu.memory_space<hbm>>
        %dma_start3A_652 = arith.constant 0 : i32
        %dma_start3A_653 = arith.constant 0 : i32
        %dma_start3A_654 = tpu.memref_slice %dma_start3A_651[%dma_start3A_652, %dma_start3A_653] : memref<10000x128xf32, #tpu.memory_space<hbm>> -> memref<10000x128xf32, #tpu.memory_space<hbm>>
        tpu.enqueue_indirect_dma source(%dma_start3A_654 : memref<10000x128xf32, #tpu.memory_space<hbm>>) target(%dma_start3A_644 : memref<40x128xf32, #tpu.memory_space<vmem>>) offsets(%dma_start3A_647 : memref<40xi32, #tpu.memory_space<vmem>>) semaphore(%arg11 : memref<!tpu.dma_semaphore, #tpu.memory_space<semaphore_mem>>)
      } else {
      }
      %add3A_562 = arith.constant 1 : i32
      %add3A_563 = arith.addi %scan3A_470, %add3A_562 : i32
      %mul3A_564 = arith.constant 8 : i32
      %mul3A_565 = arith.muli %add3A_563, %mul3A_564 : i32
      %add3A_566 = arith.constant 2 : i32
      %add3A_567 = arith.addi %mul3A_565, %add3A_566 : i32
      %lt3A_568 = arith.constant 125 : i32
      %lt3A_569 = arith.cmpi slt, %add3A_567, %lt3A_568 : i32
      %convert_element_type3A_570 = arith.extui %lt3A_569 : i1 to i32
      %cond3A_571 = arith.constant 0 : i32
      %cond3A_572 = arith.cmpi ne, %convert_element_type3A_570, %cond3A_571 : i32
      scf.if %cond3A_572 {
        %dma_wait3A_628 = arith.constant 2 : i32
        %dma_wait3A_629 = arith.constant 0 : i32
        %dma_wait3A_630 = arith.constant 0 : i32
        %dma_wait3A_631 = arith.constant 0 : i32
        %dma_wait3A_632 = tpu.memref_slice %arg9[%dma_wait3A_628, %dma_wait3A_630, %dma_wait3A_631] : memref<8x40x128xf32, #tpu.memory_space<vmem>> -> memref<1x40x128xf32, #tpu.memory_space<vmem>>
        %dma_wait3A_633 = tpu.memref_squeeze %dma_wait3A_632 : memref<1x40x128xf32, #tpu.memory_space<vmem>> -> memref<40x128xf32, #tpu.memory_space<vmem>>
        %dma_wait3A_634 = arith.constant 0 : i32
        %dma_wait3A_635 = tpu.memref_slice %arg8[%dma_wait3A_629, %dma_wait3A_634] : memref<125x40xi32, #tpu.memory_space<vmem>> -> memref<1x40xi32, #tpu.memory_space<vmem>>
        %dma_wait3A_636 = tpu.memref_squeeze %dma_wait3A_635 : memref<1x40xi32, #tpu.memory_space<vmem>> -> memref<40xi32, #tpu.memory_space<vmem>>
        %dma_wait3A_637 = arith.constant 0 : i32
        %dma_wait3A_638 = arith.constant 0 : i32
        %dma_wait3A_639 = tpu.memref_slice %arg26[%dma_wait3A_637, %dma_wait3A_638] : memref<10000x128xf32, #tpu.memory_space<vmem_shared>> -> memref<10000x128xf32, #tpu.memory_space<vmem_shared>>
        tpu.wait_indirect_dma semaphore(%arg20 : memref<!tpu.dma_semaphore, #tpu.memory_space<semaphore_mem>>) src(%dma_wait3A_633 : memref<40x128xf32, #tpu.memory_space<vmem>>) dst(%dma_wait3A_639 : memref<10000x128xf32, #tpu.memory_space<vmem_shared>>)
        %dma_start3A_640 = arith.constant 2 : i32
        %dma_start3A_641 = arith.constant 0 : i32
        %dma_start3A_642 = arith.constant 0 : i32
        %dma_start3A_643 = tpu.memref_slice %arg9[%dma_start3A_640, %dma_start3A_641, %dma_start3A_642] : memref<8x40x128xf32, #tpu.memory_space<vmem>> -> memref<1x40x128xf32, #tpu.memory_space<vmem>>
        %dma_start3A_644 = tpu.memref_squeeze %dma_start3A_643 : memref<1x40x128xf32, #tpu.memory_space<vmem>> -> memref<40x128xf32, #tpu.memory_space<vmem>>
        %dma_start3A_645 = arith.constant 0 : i32
        %dma_start3A_646 = tpu.memref_slice %arg7[%add3A_567, %dma_start3A_645] : memref<125x40xi32, #tpu.memory_space<vmem>> -> memref<1x40xi32, #tpu.memory_space<vmem>>
        %dma_start3A_647 = tpu.memref_squeeze %dma_start3A_646 : memref<1x40xi32, #tpu.memory_space<vmem>> -> memref<40xi32, #tpu.memory_space<vmem>>
        %dma_start3A_648 = arith.constant 0 : i32
        %dma_start3A_649 = arith.constant 0 : i32
        %dma_start3A_650 = tpu.memref_slice %arg2[%arg0, %dma_start3A_648, %dma_start3A_649] : memref<2x10000x128xf32, #tpu.memory_space<hbm>> -> memref<1x10000x128xf32, #tpu.memory_space<hbm>>
        %dma_start3A_651 = tpu.memref_squeeze %dma_start3A_650 : memref<1x10000x128xf32, #tpu.memory_space<hbm>> -> memref<10000x128xf32, #tpu.memory_space<hbm>>
        %dma_start3A_652 = arith.constant 0 : i32
        %dma_start3A_653 = arith.constant 0 : i32
        %dma_start3A_654 = tpu.memref_slice %dma_start3A_651[%dma_start3A_652, %dma_start3A_653] : memref<10000x128xf32, #tpu.memory_space<hbm>> -> memref<10000x128xf32, #tpu.memory_space<hbm>>
        tpu.enqueue_indirect_dma source(%dma_start3A_654 : memref<10000x128xf32, #tpu.memory_space<hbm>>) target(%dma_start3A_644 : memref<40x128xf32, #tpu.memory_space<vmem>>) offsets(%dma_start3A_647 : memref<40xi32, #tpu.memory_space<vmem>>) semaphore(%arg12 : memref<!tpu.dma_semaphore, #tpu.memory_space<semaphore_mem>>)
      } else {
      }
      %add3A_573 = arith.constant 1 : i32
      %add3A_574 = arith.addi %scan3A_470, %add3A_573 : i32
      %mul3A_575 = arith.constant 8 : i32
      %mul3A_576 = arith.muli %add3A_574, %mul3A_575 : i32
      %add3A_577 = arith.constant 3 : i32
      %add3A_578 = arith.addi %mul3A_576, %add3A_577 : i32
      %lt3A_579 = arith.constant 125 : i32
      %lt3A_580 = arith.cmpi slt, %add3A_578, %lt3A_579 : i32
      %convert_element_type3A_581 = arith.extui %lt3A_580 : i1 to i32
      %cond3A_582 = arith.constant 0 : i32
      %cond3A_583 = arith.cmpi ne, %convert_element_type3A_581, %cond3A_582 : i32
      scf.if %cond3A_583 {
        %dma_wait3A_628 = arith.constant 3 : i32
        %dma_wait3A_629 = arith.constant 0 : i32
        %dma_wait3A_630 = arith.constant 0 : i32
        %dma_wait3A_631 = arith.constant 0 : i32
        %dma_wait3A_632 = tpu.memref_slice %arg9[%dma_wait3A_628, %dma_wait3A_630, %dma_wait3A_631] : memref<8x40x128xf32, #tpu.memory_space<vmem>> -> memref<1x40x128xf32, #tpu.memory_space<vmem>>
        %dma_wait3A_633 = tpu.memref_squeeze %dma_wait3A_632 : memref<1x40x128xf32, #tpu.memory_space<vmem>> -> memref<40x128xf32, #tpu.memory_space<vmem>>
        %dma_wait3A_634 = arith.constant 0 : i32
        %dma_wait3A_635 = tpu.memref_slice %arg8[%dma_wait3A_629, %dma_wait3A_634] : memref<125x40xi32, #tpu.memory_space<vmem>> -> memref<1x40xi32, #tpu.memory_space<vmem>>
        %dma_wait3A_636 = tpu.memref_squeeze %dma_wait3A_635 : memref<1x40xi32, #tpu.memory_space<vmem>> -> memref<40xi32, #tpu.memory_space<vmem>>
        %dma_wait3A_637 = arith.constant 0 : i32
        %dma_wait3A_638 = arith.constant 0 : i32
        %dma_wait3A_639 = tpu.memref_slice %arg26[%dma_wait3A_637, %dma_wait3A_638] : memref<10000x128xf32, #tpu.memory_space<vmem_shared>> -> memref<10000x128xf32, #tpu.memory_space<vmem_shared>>
        tpu.wait_indirect_dma semaphore(%arg21 : memref<!tpu.dma_semaphore, #tpu.memory_space<semaphore_mem>>) src(%dma_wait3A_633 : memref<40x128xf32, #tpu.memory_space<vmem>>) dst(%dma_wait3A_639 : memref<10000x128xf32, #tpu.memory_space<vmem_shared>>)
        %dma_start3A_640 = arith.constant 3 : i32
        %dma_start3A_641 = arith.constant 0 : i32
        %dma_start3A_642 = arith.constant 0 : i32
        %dma_start3A_643 = tpu.memref_slice %arg9[%dma_start3A_640, %dma_start3A_641, %dma_start3A_642] : memref<8x40x128xf32, #tpu.memory_space<vmem>> -> memref<1x40x128xf32, #tpu.memory_space<vmem>>
        %dma_start3A_644 = tpu.memref_squeeze %dma_start3A_643 : memref<1x40x128xf32, #tpu.memory_space<vmem>> -> memref<40x128xf32, #tpu.memory_space<vmem>>
        %dma_start3A_645 = arith.constant 0 : i32
        %dma_start3A_646 = tpu.memref_slice %arg7[%add3A_578, %dma_start3A_645] : memref<125x40xi32, #tpu.memory_space<vmem>> -> memref<1x40xi32, #tpu.memory_space<vmem>>
        %dma_start3A_647 = tpu.memref_squeeze %dma_start3A_646 : memref<1x40xi32, #tpu.memory_space<vmem>> -> memref<40xi32, #tpu.memory_space<vmem>>
        %dma_start3A_648 = arith.constant 0 : i32
        %dma_start3A_649 = arith.constant 0 : i32
        %dma_start3A_650 = tpu.memref_slice %arg2[%arg0, %dma_start3A_648, %dma_start3A_649] : memref<2x10000x128xf32, #tpu.memory_space<hbm>> -> memref<1x10000x128xf32, #tpu.memory_space<hbm>>
        %dma_start3A_651 = tpu.memref_squeeze %dma_start3A_650 : memref<1x10000x128xf32, #tpu.memory_space<hbm>> -> memref<10000x128xf32, #tpu.memory_space<hbm>>
        %dma_start3A_652 = arith.constant 0 : i32
        %dma_start3A_653 = arith.constant 0 : i32
        %dma_start3A_654 = tpu.memref_slice %dma_start3A_651[%dma_start3A_652, %dma_start3A_653] : memref<10000x128xf32, #tpu.memory_space<hbm>> -> memref<10000x128xf32, #tpu.memory_space<hbm>>
        tpu.enqueue_indirect_dma source(%dma_start3A_654 : memref<10000x128xf32, #tpu.memory_space<hbm>>) target(%dma_start3A_644 : memref<40x128xf32, #tpu.memory_space<vmem>>) offsets(%dma_start3A_647 : memref<40xi32, #tpu.memory_space<vmem>>) semaphore(%arg13 : memref<!tpu.dma_semaphore, #tpu.memory_space<semaphore_mem>>)
      } else {
      }
      %add3A_584 = arith.constant 1 : i32
      %add3A_585 = arith.addi %scan3A_470, %add3A_584 : i32
      %mul3A_586 = arith.constant 8 : i32
      %mul3A_587 = arith.muli %add3A_585, %mul3A_586 : i32
      %add3A_588 = arith.constant 4 : i32
      %add3A_589 = arith.addi %mul3A_587, %add3A_588 : i32
      %lt3A_590 = arith.constant 125 : i32
      %lt3A_591 = arith.cmpi slt, %add3A_589, %lt3A_590 : i32
      %convert_element_type3A_592 = arith.extui %lt3A_591 : i1 to i32
      %cond3A_593 = arith.constant 0 : i32
      %cond3A_594 = arith.cmpi ne, %convert_element_type3A_592, %cond3A_593 : i32
      scf.if %cond3A_594 {
        %dma_wait3A_628 = arith.constant 4 : i32
        %dma_wait3A_629 = arith.constant 0 : i32
        %dma_wait3A_630 = arith.constant 0 : i32
        %dma_wait3A_631 = arith.constant 0 : i32
        %dma_wait3A_632 = tpu.memref_slice %arg9[%dma_wait3A_628, %dma_wait3A_630, %dma_wait3A_631] : memref<8x40x128xf32, #tpu.memory_space<vmem>> -> memref<1x40x128xf32, #tpu.memory_space<vmem>>
        %dma_wait3A_633 = tpu.memref_squeeze %dma_wait3A_632 : memref<1x40x128xf32, #tpu.memory_space<vmem>> -> memref<40x128xf32, #tpu.memory_space<vmem>>
        %dma_wait3A_634 = arith.constant 0 : i32
        %dma_wait3A_635 = tpu.memref_slice %arg8[%dma_wait3A_629, %dma_wait3A_634] : memref<125x40xi32, #tpu.memory_space<vmem>> -> memref<1x40xi32, #tpu.memory_space<vmem>>
        %dma_wait3A_636 = tpu.memref_squeeze %dma_wait3A_635 : memref<1x40xi32, #tpu.memory_space<vmem>> -> memref<40xi32, #tpu.memory_space<vmem>>
        %dma_wait3A_637 = arith.constant 0 : i32
        %dma_wait3A_638 = arith.constant 0 : i32
        %dma_wait3A_639 = tpu.memref_slice %arg26[%dma_wait3A_637, %dma_wait3A_638] : memref<10000x128xf32, #tpu.memory_space<vmem_shared>> -> memref<10000x128xf32, #tpu.memory_space<vmem_shared>>
        tpu.wait_indirect_dma semaphore(%arg22 : memref<!tpu.dma_semaphore, #tpu.memory_space<semaphore_mem>>) src(%dma_wait3A_633 : memref<40x128xf32, #tpu.memory_space<vmem>>) dst(%dma_wait3A_639 : memref<10000x128xf32, #tpu.memory_space<vmem_shared>>)
        %dma_start3A_640 = arith.constant 4 : i32
        %dma_start3A_641 = arith.constant 0 : i32
        %dma_start3A_642 = arith.constant 0 : i32
        %dma_start3A_643 = tpu.memref_slice %arg9[%dma_start3A_640, %dma_start3A_641, %dma_start3A_642] : memref<8x40x128xf32, #tpu.memory_space<vmem>> -> memref<1x40x128xf32, #tpu.memory_space<vmem>>
        %dma_start3A_644 = tpu.memref_squeeze %dma_start3A_643 : memref<1x40x128xf32, #tpu.memory_space<vmem>> -> memref<40x128xf32, #tpu.memory_space<vmem>>
        %dma_start3A_645 = arith.constant 0 : i32
        %dma_start3A_646 = tpu.memref_slice %arg7[%add3A_589, %dma_start3A_645] : memref<125x40xi32, #tpu.memory_space<vmem>> -> memref<1x40xi32, #tpu.memory_space<vmem>>
        %dma_start3A_647 = tpu.memref_squeeze %dma_start3A_646 : memref<1x40xi32, #tpu.memory_space<vmem>> -> memref<40xi32, #tpu.memory_space<vmem>>
        %dma_start3A_648 = arith.constant 0 : i32
        %dma_start3A_649 = arith.constant 0 : i32
        %dma_start3A_650 = tpu.memref_slice %arg2[%arg0, %dma_start3A_648, %dma_start3A_649] : memref<2x10000x128xf32, #tpu.memory_space<hbm>> -> memref<1x10000x128xf32, #tpu.memory_space<hbm>>
        %dma_start3A_651 = tpu.memref_squeeze %dma_start3A_650 : memref<1x10000x128xf32, #tpu.memory_space<hbm>> -> memref<10000x128xf32, #tpu.memory_space<hbm>>
        %dma_start3A_652 = arith.constant 0 : i32
        %dma_start3A_653 = arith.constant 0 : i32
        %dma_start3A_654 = tpu.memref_slice %dma_start3A_651[%dma_start3A_652, %dma_start3A_653] : memref<10000x128xf32, #tpu.memory_space<hbm>> -> memref<10000x128xf32, #tpu.memory_space<hbm>>
        tpu.enqueue_indirect_dma source(%dma_start3A_654 : memref<10000x128xf32, #tpu.memory_space<hbm>>) target(%dma_start3A_644 : memref<40x128xf32, #tpu.memory_space<vmem>>) offsets(%dma_start3A_647 : memref<40xi32, #tpu.memory_space<vmem>>) semaphore(%arg14 : memref<!tpu.dma_semaphore, #tpu.memory_space<semaphore_mem>>)
      } else {
      }
      %add3A_595 = arith.constant 1 : i32
      %add3A_596 = arith.addi %scan3A_470, %add3A_595 : i32
      %mul3A_597 = arith.constant 8 : i32
      %mul3A_598 = arith.muli %add3A_596, %mul3A_597 : i32
      %add3A_599 = arith.constant 5 : i32
      %add3A_600 = arith.addi %mul3A_598, %add3A_599 : i32
      %lt3A_601 = arith.constant 125 : i32
      %lt3A_602 = arith.cmpi slt, %add3A_600, %lt3A_601 : i32
      %convert_element_type3A_603 = arith.extui %lt3A_602 : i1 to i32
      %cond3A_604 = arith.constant 0 : i32
      %cond3A_605 = arith.cmpi ne, %convert_element_type3A_603, %cond3A_604 : i32
      scf.if %cond3A_605 {
        %dma_wait3A_628 = arith.constant 5 : i32
        %dma_wait3A_629 = arith.constant 0 : i32
        %dma_wait3A_630 = arith.constant 0 : i32
        %dma_wait3A_631 = arith.constant 0 : i32
        %dma_wait3A_632 = tpu.memref_slice %arg9[%dma_wait3A_628, %dma_wait3A_630, %dma_wait3A_631] : memref<8x40x128xf32, #tpu.memory_space<vmem>> -> memref<1x40x128xf32, #tpu.memory_space<vmem>>
        %dma_wait3A_633 = tpu.memref_squeeze %dma_wait3A_632 : memref<1x40x128xf32, #tpu.memory_space<vmem>> -> memref<40x128xf32, #tpu.memory_space<vmem>>
        %dma_wait3A_634 = arith.constant 0 : i32
        %dma_wait3A_635 = tpu.memref_slice %arg8[%dma_wait3A_629, %dma_wait3A_634] : memref<125x40xi32, #tpu.memory_space<vmem>> -> memref<1x40xi32, #tpu.memory_space<vmem>>
        %dma_wait3A_636 = tpu.memref_squeeze %dma_wait3A_635 : memref<1x40xi32, #tpu.memory_space<vmem>> -> memref<40xi32, #tpu.memory_space<vmem>>
        %dma_wait3A_637 = arith.constant 0 : i32
        %dma_wait3A_638 = arith.constant 0 : i32
        %dma_wait3A_639 = tpu.memref_slice %arg26[%dma_wait3A_637, %dma_wait3A_638] : memref<10000x128xf32, #tpu.memory_space<vmem_shared>> -> memref<10000x128xf32, #tpu.memory_space<vmem_shared>>
        tpu.wait_indirect_dma semaphore(%arg23 : memref<!tpu.dma_semaphore, #tpu.memory_space<semaphore_mem>>) src(%dma_wait3A_633 : memref<40x128xf32, #tpu.memory_space<vmem>>) dst(%dma_wait3A_639 : memref<10000x128xf32, #tpu.memory_space<vmem_shared>>)
        %dma_start3A_640 = arith.constant 5 : i32
        %dma_start3A_641 = arith.constant 0 : i32
        %dma_start3A_642 = arith.constant 0 : i32
        %dma_start3A_643 = tpu.memref_slice %arg9[%dma_start3A_640, %dma_start3A_641, %dma_start3A_642] : memref<8x40x128xf32, #tpu.memory_space<vmem>> -> memref<1x40x128xf32, #tpu.memory_space<vmem>>
        %dma_start3A_644 = tpu.memref_squeeze %dma_start3A_643 : memref<1x40x128xf32, #tpu.memory_space<vmem>> -> memref<40x128xf32, #tpu.memory_space<vmem>>
        %dma_start3A_645 = arith.constant 0 : i32
        %dma_start3A_646 = tpu.memref_slice %arg7[%add3A_600, %dma_start3A_645] : memref<125x40xi32, #tpu.memory_space<vmem>> -> memref<1x40xi32, #tpu.memory_space<vmem>>
        %dma_start3A_647 = tpu.memref_squeeze %dma_start3A_646 : memref<1x40xi32, #tpu.memory_space<vmem>> -> memref<40xi32, #tpu.memory_space<vmem>>
        %dma_start3A_648 = arith.constant 0 : i32
        %dma_start3A_649 = arith.constant 0 : i32
        %dma_start3A_650 = tpu.memref_slice %arg2[%arg0, %dma_start3A_648, %dma_start3A_649] : memref<2x10000x128xf32, #tpu.memory_space<hbm>> -> memref<1x10000x128xf32, #tpu.memory_space<hbm>>
        %dma_start3A_651 = tpu.memref_squeeze %dma_start3A_650 : memref<1x10000x128xf32, #tpu.memory_space<hbm>> -> memref<10000x128xf32, #tpu.memory_space<hbm>>
        %dma_start3A_652 = arith.constant 0 : i32
        %dma_start3A_653 = arith.constant 0 : i32
        %dma_start3A_654 = tpu.memref_slice %dma_start3A_651[%dma_start3A_652, %dma_start3A_653] : memref<10000x128xf32, #tpu.memory_space<hbm>> -> memref<10000x128xf32, #tpu.memory_space<hbm>>
        tpu.enqueue_indirect_dma source(%dma_start3A_654 : memref<10000x128xf32, #tpu.memory_space<hbm>>) target(%dma_start3A_644 : memref<40x128xf32, #tpu.memory_space<vmem>>) offsets(%dma_start3A_647 : memref<40xi32, #tpu.memory_space<vmem>>) semaphore(%arg15 : memref<!tpu.dma_semaphore, #tpu.memory_space<semaphore_mem>>)
      } else {
      }
      %add3A_606 = arith.constant 1 : i32
      %add3A_607 = arith.addi %scan3A_470, %add3A_606 : i32
      %mul3A_608 = arith.constant 8 : i32
      %mul3A_609 = arith.muli %add3A_607, %mul3A_608 : i32
      %add3A_610 = arith.constant 6 : i32
      %add3A_611 = arith.addi %mul3A_609, %add3A_610 : i32
      %lt3A_612 = arith.constant 125 : i32
      %lt3A_613 = arith.cmpi slt, %add3A_611, %lt3A_612 : i32
      %convert_element_type3A_614 = arith.extui %lt3A_613 : i1 to i32
      %cond3A_615 = arith.constant 0 : i32
      %cond3A_616 = arith.cmpi ne, %convert_element_type3A_614, %cond3A_615 : i32
      scf.if %cond3A_616 {
        %dma_wait3A_628 = arith.constant 6 : i32
        %dma_wait3A_629 = arith.constant 0 : i32
        %dma_wait3A_630 = arith.constant 0 : i32
        %dma_wait3A_631 = arith.constant 0 : i32
        %dma_wait3A_632 = tpu.memref_slice %arg9[%dma_wait3A_628, %dma_wait3A_630, %dma_wait3A_631] : memref<8x40x128xf32, #tpu.memory_space<vmem>> -> memref<1x40x128xf32, #tpu.memory_space<vmem>>
        %dma_wait3A_633 = tpu.memref_squeeze %dma_wait3A_632 : memref<1x40x128xf32, #tpu.memory_space<vmem>> -> memref<40x128xf32, #tpu.memory_space<vmem>>
        %dma_wait3A_634 = arith.constant 0 : i32
        %dma_wait3A_635 = tpu.memref_slice %arg8[%dma_wait3A_629, %dma_wait3A_634] : memref<125x40xi32, #tpu.memory_space<vmem>> -> memref<1x40xi32, #tpu.memory_space<vmem>>
        %dma_wait3A_636 = tpu.memref_squeeze %dma_wait3A_635 : memref<1x40xi32, #tpu.memory_space<vmem>> -> memref<40xi32, #tpu.memory_space<vmem>>
        %dma_wait3A_637 = arith.constant 0 : i32
        %dma_wait3A_638 = arith.constant 0 : i32
        %dma_wait3A_639 = tpu.memref_slice %arg26[%dma_wait3A_637, %dma_wait3A_638] : memref<10000x128xf32, #tpu.memory_space<vmem_shared>> -> memref<10000x128xf32, #tpu.memory_space<vmem_shared>>
        tpu.wait_indirect_dma semaphore(%arg24 : memref<!tpu.dma_semaphore, #tpu.memory_space<semaphore_mem>>) src(%dma_wait3A_633 : memref<40x128xf32, #tpu.memory_space<vmem>>) dst(%dma_wait3A_639 : memref<10000x128xf32, #tpu.memory_space<vmem_shared>>)
        %dma_start3A_640 = arith.constant 6 : i32
        %dma_start3A_641 = arith.constant 0 : i32
        %dma_start3A_642 = arith.constant 0 : i32
        %dma_start3A_643 = tpu.memref_slice %arg9[%dma_start3A_640, %dma_start3A_641, %dma_start3A_642] : memref<8x40x128xf32, #tpu.memory_space<vmem>> -> memref<1x40x128xf32, #tpu.memory_space<vmem>>
        %dma_start3A_644 = tpu.memref_squeeze %dma_start3A_643 : memref<1x40x128xf32, #tpu.memory_space<vmem>> -> memref<40x128xf32, #tpu.memory_space<vmem>>
        %dma_start3A_645 = arith.constant 0 : i32
        %dma_start3A_646 = tpu.memref_slice %arg7[%add3A_611, %dma_start3A_645] : memref<125x40xi32, #tpu.memory_space<vmem>> -> memref<1x40xi32, #tpu.memory_space<vmem>>
        %dma_start3A_647 = tpu.memref_squeeze %dma_start3A_646 : memref<1x40xi32, #tpu.memory_space<vmem>> -> memref<40xi32, #tpu.memory_space<vmem>>
        %dma_start3A_648 = arith.constant 0 : i32
        %dma_start3A_649 = arith.constant 0 : i32
        %dma_start3A_650 = tpu.memref_slice %arg2[%arg0, %dma_start3A_648, %dma_start3A_649] : memref<2x10000x128xf32, #tpu.memory_space<hbm>> -> memref<1x10000x128xf32, #tpu.memory_space<hbm>>
        %dma_start3A_651 = tpu.memref_squeeze %dma_start3A_650 : memref<1x10000x128xf32, #tpu.memory_space<hbm>> -> memref<10000x128xf32, #tpu.memory_space<hbm>>
        %dma_start3A_652 = arith.constant 0 : i32
        %dma_start3A_653 = arith.constant 0 : i32
        %dma_start3A_654 = tpu.memref_slice %dma_start3A_651[%dma_start3A_652, %dma_start3A_653] : memref<10000x128xf32, #tpu.memory_space<hbm>> -> memref<10000x128xf32, #tpu.memory_space<hbm>>
        tpu.enqueue_indirect_dma source(%dma_start3A_654 : memref<10000x128xf32, #tpu.memory_space<hbm>>) target(%dma_start3A_644 : memref<40x128xf32, #tpu.memory_space<vmem>>) offsets(%dma_start3A_647 : memref<40xi32, #tpu.memory_space<vmem>>) semaphore(%arg16 : memref<!tpu.dma_semaphore, #tpu.memory_space<semaphore_mem>>)
      } else {
      }
      %add3A_617 = arith.constant 1 : i32
      %add3A_618 = arith.addi %scan3A_470, %add3A_617 : i32
      %mul3A_619 = arith.constant 8 : i32
      %mul3A_620 = arith.muli %add3A_618, %mul3A_619 : i32
      %add3A_621 = arith.constant 7 : i32
      %add3A_622 = arith.addi %mul3A_620, %add3A_621 : i32
      %lt3A_623 = arith.constant 125 : i32
      %lt3A_624 = arith.cmpi slt, %add3A_622, %lt3A_623 : i32
      %convert_element_type3A_625 = arith.extui %lt3A_624 : i1 to i32
      %cond3A_626 = arith.constant 0 : i32
      %cond3A_627 = arith.cmpi ne, %convert_element_type3A_625, %cond3A_626 : i32
      scf.if %cond3A_627 {
        %dma_wait3A_628 = arith.constant 7 : i32
        %dma_wait3A_629 = arith.constant 0 : i32
        %dma_wait3A_630 = arith.constant 0 : i32
        %dma_wait3A_631 = arith.constant 0 : i32
        %dma_wait3A_632 = tpu.memref_slice %arg9[%dma_wait3A_628, %dma_wait3A_630, %dma_wait3A_631] : memref<8x40x128xf32, #tpu.memory_space<vmem>> -> memref<1x40x128xf32, #tpu.memory_space<vmem>>
        %dma_wait3A_633 = tpu.memref_squeeze %dma_wait3A_632 : memref<1x40x128xf32, #tpu.memory_space<vmem>> -> memref<40x128xf32, #tpu.memory_space<vmem>>
        %dma_wait3A_634 = arith.constant 0 : i32
        %dma_wait3A_635 = tpu.memref_slice %arg8[%dma_wait3A_629, %dma_wait3A_634] : memref<125x40xi32, #tpu.memory_space<vmem>> -> memref<1x40xi32, #tpu.memory_space<vmem>>
        %dma_wait3A_636 = tpu.memref_squeeze %dma_wait3A_635 : memref<1x40xi32, #tpu.memory_space<vmem>> -> memref<40xi32, #tpu.memory_space<vmem>>
        %dma_wait3A_637 = arith.constant 0 : i32
        %dma_wait3A_638 = arith.constant 0 : i32
        %dma_wait3A_639 = tpu.memref_slice %arg26[%dma_wait3A_637, %dma_wait3A_638] : memref<10000x128xf32, #tpu.memory_space<vmem_shared>> -> memref<10000x128xf32, #tpu.memory_space<vmem_shared>>
        tpu.wait_indirect_dma semaphore(%arg25 : memref<!tpu.dma_semaphore, #tpu.memory_space<semaphore_mem>>) src(%dma_wait3A_633 : memref<40x128xf32, #tpu.memory_space<vmem>>) dst(%dma_wait3A_639 : memref<10000x128xf32, #tpu.memory_space<vmem_shared>>)
        %dma_start3A_640 = arith.constant 7 : i32
        %dma_start3A_641 = arith.constant 0 : i32
        %dma_start3A_642 = arith.constant 0 : i32
        %dma_start3A_643 = tpu.memref_slice %arg9[%dma_start3A_640, %dma_start3A_641, %dma_start3A_642] : memref<8x40x128xf32, #tpu.memory_space<vmem>> -> memref<1x40x128xf32, #tpu.memory_space<vmem>>
        %dma_start3A_644 = tpu.memref_squeeze %dma_start3A_643 : memref<1x40x128xf32, #tpu.memory_space<vmem>> -> memref<40x128xf32, #tpu.memory_space<vmem>>
        %dma_start3A_645 = arith.constant 0 : i32
        %dma_start3A_646 = tpu.memref_slice %arg7[%add3A_622, %dma_start3A_645] : memref<125x40xi32, #tpu.memory_space<vmem>> -> memref<1x40xi32, #tpu.memory_space<vmem>>
        %dma_start3A_647 = tpu.memref_squeeze %dma_start3A_646 : memref<1x40xi32, #tpu.memory_space<vmem>> -> memref<40xi32, #tpu.memory_space<vmem>>
        %dma_start3A_648 = arith.constant 0 : i32
        %dma_start3A_649 = arith.constant 0 : i32
        %dma_start3A_650 = tpu.memref_slice %arg2[%arg0, %dma_start3A_648, %dma_start3A_649] : memref<2x10000x128xf32, #tpu.memory_space<hbm>> -> memref<1x10000x128xf32, #tpu.memory_space<hbm>>
        %dma_start3A_651 = tpu.memref_squeeze %dma_start3A_650 : memref<1x10000x128xf32, #tpu.memory_space<hbm>> -> memref<10000x128xf32, #tpu.memory_space<hbm>>
        %dma_start3A_652 = arith.constant 0 : i32
        %dma_start3A_653 = arith.constant 0 : i32
        %dma_start3A_654 = tpu.memref_slice %dma_start3A_651[%dma_start3A_652, %dma_start3A_653] : memref<10000x128xf32, #tpu.memory_space<hbm>> -> memref<10000x128xf32, #tpu.memory_space<hbm>>
        tpu.enqueue_indirect_dma source(%dma_start3A_654 : memref<10000x128xf32, #tpu.memory_space<hbm>>) target(%dma_start3A_644 : memref<40x128xf32, #tpu.memory_space<vmem>>) offsets(%dma_start3A_647 : memref<40xi32, #tpu.memory_space<vmem>>) semaphore(%arg17 : memref<!tpu.dma_semaphore, #tpu.memory_space<semaphore_mem>>)
      } else {
      }
    }
    %scan3A_368 = arith.constant 16 : i32
    %dma_wait3A_369 = arith.constant 0 : i32
    %dma_wait3A_370 = arith.constant 0 : i32
    %dma_wait3A_371 = arith.constant 0 : i32
    %dma_wait3A_372 = arith.constant 0 : i32
    %dma_wait3A_373 = tpu.memref_slice %arg9[%dma_wait3A_369, %dma_wait3A_371, %dma_wait3A_372] : memref<8x40x128xf32, #tpu.memory_space<vmem>> -> memref<1x40x128xf32, #tpu.memory_space<vmem>>
    %dma_wait3A_374 = tpu.memref_squeeze %dma_wait3A_373 : memref<1x40x128xf32, #tpu.memory_space<vmem>> -> memref<40x128xf32, #tpu.memory_space<vmem>>
    %dma_wait3A_375 = arith.constant 0 : i32
    %dma_wait3A_376 = tpu.memref_slice %arg8[%dma_wait3A_370, %dma_wait3A_375] : memref<125x40xi32, #tpu.memory_space<vmem>> -> memref<1x40xi32, #tpu.memory_space<vmem>>
    %dma_wait3A_377 = tpu.memref_squeeze %dma_wait3A_376 : memref<1x40xi32, #tpu.memory_space<vmem>> -> memref<40xi32, #tpu.memory_space<vmem>>
    %dma_wait3A_378 = arith.constant 0 : i32
    %dma_wait3A_379 = arith.constant 0 : i32
    %dma_wait3A_380 = tpu.memref_slice %arg26[%dma_wait3A_378, %dma_wait3A_379] : memref<10000x128xf32, #tpu.memory_space<vmem_shared>> -> memref<10000x128xf32, #tpu.memory_space<vmem_shared>>
    tpu.wait_indirect_dma semaphore(%arg18 : memref<!tpu.dma_semaphore, #tpu.memory_space<semaphore_mem>>) src(%dma_wait3A_374 : memref<40x128xf32, #tpu.memory_space<vmem>>) dst(%dma_wait3A_380 : memref<10000x128xf32, #tpu.memory_space<vmem_shared>>)
    %dma_wait3A_381 = arith.constant 1 : i32
    %dma_wait3A_382 = arith.constant 0 : i32
    %dma_wait3A_383 = arith.constant 0 : i32
    %dma_wait3A_384 = arith.constant 0 : i32
    %dma_wait3A_385 = tpu.memref_slice %arg9[%dma_wait3A_381, %dma_wait3A_383, %dma_wait3A_384] : memref<8x40x128xf32, #tpu.memory_space<vmem>> -> memref<1x40x128xf32, #tpu.memory_space<vmem>>
    %dma_wait3A_386 = tpu.memref_squeeze %dma_wait3A_385 : memref<1x40x128xf32, #tpu.memory_space<vmem>> -> memref<40x128xf32, #tpu.memory_space<vmem>>
    %dma_wait3A_387 = arith.constant 0 : i32
    %dma_wait3A_388 = tpu.memref_slice %arg8[%dma_wait3A_382, %dma_wait3A_387] : memref<125x40xi32, #tpu.memory_space<vmem>> -> memref<1x40xi32, #tpu.memory_space<vmem>>
    %dma_wait3A_389 = tpu.memref_squeeze %dma_wait3A_388 : memref<1x40xi32, #tpu.memory_space<vmem>> -> memref<40xi32, #tpu.memory_space<vmem>>
    %dma_wait3A_390 = arith.constant 0 : i32
    %dma_wait3A_391 = arith.constant 0 : i32
    %dma_wait3A_392 = tpu.memref_slice %arg26[%dma_wait3A_390, %dma_wait3A_391] : memref<10000x128xf32, #tpu.memory_space<vmem_shared>> -> memref<10000x128xf32, #tpu.memory_space<vmem_shared>>
    tpu.wait_indirect_dma semaphore(%arg19 : memref<!tpu.dma_semaphore, #tpu.memory_space<semaphore_mem>>) src(%dma_wait3A_386 : memref<40x128xf32, #tpu.memory_space<vmem>>) dst(%dma_wait3A_392 : memref<10000x128xf32, #tpu.memory_space<vmem_shared>>)
    %dma_wait3A_393 = arith.constant 2 : i32
    %dma_wait3A_394 = arith.constant 0 : i32
    %dma_wait3A_395 = arith.constant 0 : i32
    %dma_wait3A_396 = arith.constant 0 : i32
    %dma_wait3A_397 = tpu.memref_slice %arg9[%dma_wait3A_393, %dma_wait3A_395, %dma_wait3A_396] : memref<8x40x128xf32, #tpu.memory_space<vmem>> -> memref<1x40x128xf32, #tpu.memory_space<vmem>>
    %dma_wait3A_398 = tpu.memref_squeeze %dma_wait3A_397 : memref<1x40x128xf32, #tpu.memory_space<vmem>> -> memref<40x128xf32, #tpu.memory_space<vmem>>
    %dma_wait3A_399 = arith.constant 0 : i32
    %dma_wait3A_400 = tpu.memref_slice %arg8[%dma_wait3A_394, %dma_wait3A_399] : memref<125x40xi32, #tpu.memory_space<vmem>> -> memref<1x40xi32, #tpu.memory_space<vmem>>
    %dma_wait3A_401 = tpu.memref_squeeze %dma_wait3A_400 : memref<1x40xi32, #tpu.memory_space<vmem>> -> memref<40xi32, #tpu.memory_space<vmem>>
    %dma_wait3A_402 = arith.constant 0 : i32
    %dma_wait3A_403 = arith.constant 0 : i32
    %dma_wait3A_404 = tpu.memref_slice %arg26[%dma_wait3A_402, %dma_wait3A_403] : memref<10000x128xf32, #tpu.memory_space<vmem_shared>> -> memref<10000x128xf32, #tpu.memory_space<vmem_shared>>
    tpu.wait_indirect_dma semaphore(%arg20 : memref<!tpu.dma_semaphore, #tpu.memory_space<semaphore_mem>>) src(%dma_wait3A_398 : memref<40x128xf32, #tpu.memory_space<vmem>>) dst(%dma_wait3A_404 : memref<10000x128xf32, #tpu.memory_space<vmem_shared>>)
    %dma_wait3A_405 = arith.constant 3 : i32
    %dma_wait3A_406 = arith.constant 0 : i32
    %dma_wait3A_407 = arith.constant 0 : i32
    %dma_wait3A_408 = arith.constant 0 : i32
    %dma_wait3A_409 = tpu.memref_slice %arg9[%dma_wait3A_405, %dma_wait3A_407, %dma_wait3A_408] : memref<8x40x128xf32, #tpu.memory_space<vmem>> -> memref<1x40x128xf32, #tpu.memory_space<vmem>>
    %dma_wait3A_410 = tpu.memref_squeeze %dma_wait3A_409 : memref<1x40x128xf32, #tpu.memory_space<vmem>> -> memref<40x128xf32, #tpu.memory_space<vmem>>
    %dma_wait3A_411 = arith.constant 0 : i32
    %dma_wait3A_412 = tpu.memref_slice %arg8[%dma_wait3A_406, %dma_wait3A_411] : memref<125x40xi32, #tpu.memory_space<vmem>> -> memref<1x40xi32, #tpu.memory_space<vmem>>
    %dma_wait3A_413 = tpu.memref_squeeze %dma_wait3A_412 : memref<1x40xi32, #tpu.memory_space<vmem>> -> memref<40xi32, #tpu.memory_space<vmem>>
    %dma_wait3A_414 = arith.constant 0 : i32
    %dma_wait3A_415 = arith.constant 0 : i32
    %dma_wait3A_416 = tpu.memref_slice %arg26[%dma_wait3A_414, %dma_wait3A_415] : memref<10000x128xf32, #tpu.memory_space<vmem_shared>> -> memref<10000x128xf32, #tpu.memory_space<vmem_shared>>
    tpu.wait_indirect_dma semaphore(%arg21 : memref<!tpu.dma_semaphore, #tpu.memory_space<semaphore_mem>>) src(%dma_wait3A_410 : memref<40x128xf32, #tpu.memory_space<vmem>>) dst(%dma_wait3A_416 : memref<10000x128xf32, #tpu.memory_space<vmem_shared>>)
    %dma_wait3A_417 = arith.constant 4 : i32
    %dma_wait3A_418 = arith.constant 0 : i32
    %dma_wait3A_419 = arith.constant 0 : i32
    %dma_wait3A_420 = arith.constant 0 : i32
    %dma_wait3A_421 = tpu.memref_slice %arg9[%dma_wait3A_417, %dma_wait3A_419, %dma_wait3A_420] : memref<8x40x128xf32, #tpu.memory_space<vmem>> -> memref<1x40x128xf32, #tpu.memory_space<vmem>>
    %dma_wait3A_422 = tpu.memref_squeeze %dma_wait3A_421 : memref<1x40x128xf32, #tpu.memory_space<vmem>> -> memref<40x128xf32, #tpu.memory_space<vmem>>
    %dma_wait3A_423 = arith.constant 0 : i32
    %dma_wait3A_424 = tpu.memref_slice %arg8[%dma_wait3A_418, %dma_wait3A_423] : memref<125x40xi32, #tpu.memory_space<vmem>> -> memref<1x40xi32, #tpu.memory_space<vmem>>
    %dma_wait3A_425 = tpu.memref_squeeze %dma_wait3A_424 : memref<1x40xi32, #tpu.memory_space<vmem>> -> memref<40xi32, #tpu.memory_space<vmem>>
    %dma_wait3A_426 = arith.constant 0 : i32
    %dma_wait3A_427 = arith.constant 0 : i32
    %dma_wait3A_428 = tpu.memref_slice %arg26[%dma_wait3A_426, %dma_wait3A_427] : memref<10000x128xf32, #tpu.memory_space<vmem_shared>> -> memref<10000x128xf32, #tpu.memory_space<vmem_shared>>
    tpu.wait_indirect_dma semaphore(%arg22 : memref<!tpu.dma_semaphore, #tpu.memory_space<semaphore_mem>>) src(%dma_wait3A_422 : memref<40x128xf32, #tpu.memory_space<vmem>>) dst(%dma_wait3A_428 : memref<10000x128xf32, #tpu.memory_space<vmem_shared>>)
    %dma_wait3A_429 = arith.constant 5 : i32
    %dma_wait3A_430 = arith.constant 0 : i32
    %dma_wait3A_431 = arith.constant 0 : i32
    %dma_wait3A_432 = arith.constant 0 : i32
    %dma_wait3A_433 = tpu.memref_slice %arg9[%dma_wait3A_429, %dma_wait3A_431, %dma_wait3A_432] : memref<8x40x128xf32, #tpu.memory_space<vmem>> -> memref<1x40x128xf32, #tpu.memory_space<vmem>>
    %dma_wait3A_434 = tpu.memref_squeeze %dma_wait3A_433 : memref<1x40x128xf32, #tpu.memory_space<vmem>> -> memref<40x128xf32, #tpu.memory_space<vmem>>
    %dma_wait3A_435 = arith.constant 0 : i32
    %dma_wait3A_436 = tpu.memref_slice %arg8[%dma_wait3A_430, %dma_wait3A_435] : memref<125x40xi32, #tpu.memory_space<vmem>> -> memref<1x40xi32, #tpu.memory_space<vmem>>
    %dma_wait3A_437 = tpu.memref_squeeze %dma_wait3A_436 : memref<1x40xi32, #tpu.memory_space<vmem>> -> memref<40xi32, #tpu.memory_space<vmem>>
    %dma_wait3A_438 = arith.constant 0 : i32
    %dma_wait3A_439 = arith.constant 0 : i32
    %dma_wait3A_440 = tpu.memref_slice %arg26[%dma_wait3A_438, %dma_wait3A_439] : memref<10000x128xf32, #tpu.memory_space<vmem_shared>> -> memref<10000x128xf32, #tpu.memory_space<vmem_shared>>
    tpu.wait_indirect_dma semaphore(%arg23 : memref<!tpu.dma_semaphore, #tpu.memory_space<semaphore_mem>>) src(%dma_wait3A_434 : memref<40x128xf32, #tpu.memory_space<vmem>>) dst(%dma_wait3A_440 : memref<10000x128xf32, #tpu.memory_space<vmem_shared>>)
    %dma_wait3A_441 = arith.constant 6 : i32
    %dma_wait3A_442 = arith.constant 0 : i32
    %dma_wait3A_443 = arith.constant 0 : i32
    %dma_wait3A_444 = arith.constant 0 : i32
    %dma_wait3A_445 = tpu.memref_slice %arg9[%dma_wait3A_441, %dma_wait3A_443, %dma_wait3A_444] : memref<8x40x128xf32, #tpu.memory_space<vmem>> -> memref<1x40x128xf32, #tpu.memory_space<vmem>>
    %dma_wait3A_446 = tpu.memref_squeeze %dma_wait3A_445 : memref<1x40x128xf32, #tpu.memory_space<vmem>> -> memref<40x128xf32, #tpu.memory_space<vmem>>
    %dma_wait3A_447 = arith.constant 0 : i32
    %dma_wait3A_448 = tpu.memref_slice %arg8[%dma_wait3A_442, %dma_wait3A_447] : memref<125x40xi32, #tpu.memory_space<vmem>> -> memref<1x40xi32, #tpu.memory_space<vmem>>
    %dma_wait3A_449 = tpu.memref_squeeze %dma_wait3A_448 : memref<1x40xi32, #tpu.memory_space<vmem>> -> memref<40xi32, #tpu.memory_space<vmem>>
    %dma_wait3A_450 = arith.constant 0 : i32
    %dma_wait3A_451 = arith.constant 0 : i32
    %dma_wait3A_452 = tpu.memref_slice %arg26[%dma_wait3A_450, %dma_wait3A_451] : memref<10000x128xf32, #tpu.memory_space<vmem_shared>> -> memref<10000x128xf32, #tpu.memory_space<vmem_shared>>
    tpu.wait_indirect_dma semaphore(%arg24 : memref<!tpu.dma_semaphore, #tpu.memory_space<semaphore_mem>>) src(%dma_wait3A_446 : memref<40x128xf32, #tpu.memory_space<vmem>>) dst(%dma_wait3A_452 : memref<10000x128xf32, #tpu.memory_space<vmem_shared>>)
    %dma_wait3A_453 = arith.constant 7 : i32
    %dma_wait3A_454 = arith.constant 0 : i32
    %dma_wait3A_455 = arith.constant 0 : i32
    %dma_wait3A_456 = arith.constant 0 : i32
    %dma_wait3A_457 = tpu.memref_slice %arg9[%dma_wait3A_453, %dma_wait3A_455, %dma_wait3A_456] : memref<8x40x128xf32, #tpu.memory_space<vmem>> -> memref<1x40x128xf32, #tpu.memory_space<vmem>>
    %dma_wait3A_458 = tpu.memref_squeeze %dma_wait3A_457 : memref<1x40x128xf32, #tpu.memory_space<vmem>> -> memref<40x128xf32, #tpu.memory_space<vmem>>
    %dma_wait3A_459 = arith.constant 0 : i32
    %dma_wait3A_460 = tpu.memref_slice %arg8[%dma_wait3A_454, %dma_wait3A_459] : memref<125x40xi32, #tpu.memory_space<vmem>> -> memref<1x40xi32, #tpu.memory_space<vmem>>
    %dma_wait3A_461 = tpu.memref_squeeze %dma_wait3A_460 : memref<1x40xi32, #tpu.memory_space<vmem>> -> memref<40xi32, #tpu.memory_space<vmem>>
    %dma_wait3A_462 = arith.constant 0 : i32
    %dma_wait3A_463 = arith.constant 0 : i32
    %dma_wait3A_464 = tpu.memref_slice %arg26[%dma_wait3A_462, %dma_wait3A_463] : memref<10000x128xf32, #tpu.memory_space<vmem_shared>> -> memref<10000x128xf32, #tpu.memory_space<vmem_shared>>
    tpu.wait_indirect_dma semaphore(%arg25 : memref<!tpu.dma_semaphore, #tpu.memory_space<semaphore_mem>>) src(%dma_wait3A_458 : memref<40x128xf32, #tpu.memory_space<vmem>>) dst(%dma_wait3A_464 : memref<10000x128xf32, #tpu.memory_space<vmem_shared>>)
    %barrier3A_465 = arith.constant 0 : index
    tpu.barrier barrier_id(%barrier3A_465)
    %mul3A_466 = arith.constant 625 : i32
    %mul3A_467 = arith.muli %arg1, %mul3A_466 : i32
    %mul3A_468 = arith.constant 625 : i32
    %mul3A_469 = arith.muli %arg1, %mul3A_468 : i32
    "tpu.region"() ({
      %run_scoped3A = tpu.sem_alloc : memref<!tpu.dma_semaphore, #tpu.memory_space<semaphore_mem>>
      %dma_start3A_470 = arith.constant 0 : i32
      %dma_start3A_471 = tpu.memref_slice %arg6[%arg0, %mul3A_469, %dma_start3A_470] : memref<2x10000x128xf32, #tpu.memory_space<hbm>> -> memref<1x625x128xf32, #tpu.memory_space<hbm>>
      %dma_start3A_472 = tpu.memref_squeeze %dma_start3A_471 : memref<1x625x128xf32, #tpu.memory_space<hbm>> -> memref<625x128xf32, #tpu.memory_space<hbm>>
      %dma_start3A_473 = arith.constant 0 : i32
      %dma_start3A_474 = tpu.memref_slice %arg26[%mul3A_467, %dma_start3A_473] : memref<10000x128xf32, #tpu.memory_space<vmem_shared>> -> memref<625x128xf32, #tpu.memory_space<vmem_shared>>
      tpu.enqueue_dma source(%dma_start3A_474 : memref<625x128xf32, #tpu.memory_space<vmem_shared>>) target(%dma_start3A_472 : memref<625x128xf32, #tpu.memory_space<hbm>>) target_semaphore(%run_scoped3A : memref<!tpu.dma_semaphore, #tpu.memory_space<semaphore_mem>>)
      %dma_wait3A_475 = arith.constant 0 : i32
      %dma_wait3A_476 = tpu.memref_slice %arg6[%arg0, %mul3A_469, %dma_wait3A_475] : memref<2x10000x128xf32, #tpu.memory_space<hbm>> -> memref<1x625x128xf32, #tpu.memory_space<hbm>>
      %dma_wait3A_477 = tpu.memref_squeeze %dma_wait3A_476 : memref<1x625x128xf32, #tpu.memory_space<hbm>> -> memref<625x128xf32, #tpu.memory_space<hbm>>
      %dma_wait3A_478 = arith.constant 0 : i32
      %dma_wait3A_479 = tpu.memref_slice %arg26[%mul3A_467, %dma_wait3A_478] : memref<10000x128xf32, #tpu.memory_space<vmem_shared>> -> memref<625x128xf32, #tpu.memory_space<vmem_shared>>
      tpu.wait_dma2 semaphore(%run_scoped3A : memref<!tpu.dma_semaphore, #tpu.memory_space<semaphore_mem>>) src(%dma_wait3A_479 : memref<625x128xf32, #tpu.memory_space<vmem_shared>>) dst(%dma_wait3A_477 : memref<625x128xf32, #tpu.memory_space<hbm>>)
      tpu.yield
    }) : () -> ()
    return
  }
}

module attributes {stable_mosaic.version = 14 : i64} {
  func.func @body(%arg0: i32, %arg1: memref<2000x256xf32, #tpu.memory_space<vmem>>, %arg2: memref<256x256xf32, #tpu.memory_space<vmem>>, %arg3: memref<2x2000x16xf32, #tpu.memory_space<vmem>>, %arg4: memref<2x2000x128xf32, #tpu.memory_space<vmem>>, %arg5: memref<2000x1xf32, #tpu.memory_space<vmem>>) attributes {dimension_semantics = [#tpu.dimension_semantics<arbitrary>], iteration_bounds = array<i64: 5>, scalar_prefetch = 0 : i64, scratch_operands = 0 : i64, tpu.core_type = #tpu.core_type<tc>, window_params = [{transform_indices = @transform_0, window_bounds = array<i64: 2000, 256>}, {pipeline_mode = #tpu.pipeline_mode<synchronous>, transform_indices = @transform_1, window_bounds = array<i64: 256, 256>}, {transform_indices = @transform_2, window_bounds = array<i64: 2, 2000, 16>}, {transform_indices = @transform_3, window_bounds = array<i64: 2, 2000, 128>}, {transform_indices = @transform_4, window_bounds = array<i64: 2000, 1>}]} {
    %get3A = arith.constant 0 : index
    %get3A_0 = arith.constant 0 : index
    %get3A_1 = arith.constant 0 : index
    %get3A_2 = vector.load %arg3[%get3A, %get3A_0, %get3A_1] : memref<2x2000x16xf32, #tpu.memory_space<vmem>>, vector<1x2000x1xf32>
    %get3A_3 = vector.shape_cast %get3A_2 : vector<1x2000x1xf32> to vector<2000x1xf32>
    %get3A_4 = arith.constant 1 : index
    %get3A_5 = arith.constant 0 : index
    %get3A_6 = arith.constant 0 : index
    %get3A_7 = vector.load %arg3[%get3A_4, %get3A_5, %get3A_6] : memref<2x2000x16xf32, #tpu.memory_space<vmem>>, vector<1x2000x1xf32>
    %get3A_8 = vector.shape_cast %get3A_7 : vector<1x2000x1xf32> to vector<2000x1xf32>
    %add3A = arith.addf %get3A_3, %get3A_8 : vector<2000x1xf32>
    %add3A_9 = arith.constant 1.000000e+00 : f32
    %add3A_10 = vector.broadcast %add3A_9 : f32 to vector<2000x1xf32>
    %add3A_11 = arith.addf %add3A, %add3A_10 : vector<2000x1xf32>
    %rsqrt3A = math.rsqrt %add3A_11 : vector<2000x1xf32>
    %get3A_12 = arith.constant 0 : index
    %get3A_13 = arith.constant 0 : index
    %get3A_14 = vector.load %arg1[%get3A_12, %get3A_13] : memref<2000x256xf32, #tpu.memory_space<vmem>>, vector<2000x256xf32>
    %get3A_15 = arith.constant 0 : index
    %get3A_16 = arith.constant 0 : index
    %get3A_17 = vector.load %arg2[%get3A_15, %get3A_16] : memref<256x256xf32, #tpu.memory_space<vmem>>, vector<256x256xf32>
    %dot_general3A = arith.constant dense<0.000000e+00> : vector<2000x256xf32>
    %dot_general3A_18 = tpu.matmul %get3A_14, %get3A_17, %dot_general3A {dimension_numbers = #tpu.dot_dimension_numbers<[1], [0], [0], [1], [0, 0, 1, 1], [], []>, precision = #tpu.contract_precision<fp32>, transpose_lhs_hint = false} : vector<2000x256xf32>, vector<256x256xf32>, vector<2000x256xf32> -> vector<2000x256xf32>
    %slice3A = vector.extract_strided_slice %dot_general3A_18 {offsets = [0, 0], sizes = [2000, 128], strides = [1, 1]} : vector<2000x256xf32> to vector<2000x128xf32>
    %mul3A = vector.broadcast %rsqrt3A : vector<2000x1xf32> to vector<2000x128xf32>
    %mul3A_19 = arith.mulf %slice3A, %mul3A : vector<2000x128xf32>
    %swap3A = arith.constant 0 : index
    %swap3A_20 = arith.constant 0 : index
    %swap3A_21 = arith.constant 0 : index
    %swap3A_22 = vector.load %arg4[%swap3A, %swap3A_20, %swap3A_21] : memref<2x2000x128xf32, #tpu.memory_space<vmem>>, vector<1x2000x128xf32>
    %swap3A_23 = vector.shape_cast %swap3A_22 : vector<1x2000x128xf32> to vector<2000x128xf32>
    %swap3A_24 = vector.shape_cast %mul3A_19 : vector<2000x128xf32> to vector<1x2000x128xf32>
    tpu.vector_store %arg4[%swap3A, %swap3A_20, %swap3A_21], %swap3A_24 {strides = array<i32>} : memref<2x2000x128xf32, #tpu.memory_space<vmem>>, vector<1x2000x128xf32>,
    %slice3A_25 = vector.extract_strided_slice %dot_general3A_18 {offsets = [0, 128], sizes = [2000, 128], strides = [1, 1]} : vector<2000x256xf32> to vector<2000x128xf32>
    %mul3A_26 = vector.broadcast %rsqrt3A : vector<2000x1xf32> to vector<2000x128xf32>
    %mul3A_27 = arith.mulf %slice3A_25, %mul3A_26 : vector<2000x128xf32>
    %swap3A_28 = arith.constant 1 : index
    %swap3A_29 = arith.constant 0 : index
    %swap3A_30 = arith.constant 0 : index
    %swap3A_31 = vector.load %arg4[%swap3A_28, %swap3A_29, %swap3A_30] : memref<2x2000x128xf32, #tpu.memory_space<vmem>>, vector<1x2000x128xf32>
    %swap3A_32 = vector.shape_cast %swap3A_31 : vector<1x2000x128xf32> to vector<2000x128xf32>
    %swap3A_33 = vector.shape_cast %mul3A_27 : vector<2000x128xf32> to vector<1x2000x128xf32>
    tpu.vector_store %arg4[%swap3A_28, %swap3A_29, %swap3A_30], %swap3A_33 {strides = array<i32>} : memref<2x2000x128xf32, #tpu.memory_space<vmem>>, vector<1x2000x128xf32>,
    %swap3A_34 = arith.constant 0 : index
    %swap3A_35 = arith.constant 0 : index
    %swap3A_36 = vector.load %arg5[%swap3A_34, %swap3A_35] : memref<2000x1xf32, #tpu.memory_space<vmem>>, vector<2000x1xf32>
    tpu.vector_store %arg5[%swap3A_34, %swap3A_35], %rsqrt3A {strides = array<i32>} : memref<2000x1xf32, #tpu.memory_space<vmem>>, vector<2000x1xf32>,
    return
  }
  func.func @transform_0(%arg0: i32) -> (i32, i32) {
    %c0_i32 = arith.constant 0 : i32
    %c0_i32_0 = arith.constant 0 : i32
    return %arg0, %c0_i32 : i32, i32
  }
  func.func @transform_1(%arg0: i32) -> (i32, i32) {
    %c0_i32 = arith.constant 0 : i32
    %c0_i32_0 = arith.constant 0 : i32
    %c0_i32_1 = arith.constant 0 : i32
    return %c0_i32, %c0_i32_0 : i32, i32
  }
  func.func @transform_2(%arg0: i32) -> (i32, i32, i32) {
    %c0_i32 = arith.constant 0 : i32
    %c0_i32_0 = arith.constant 0 : i32
    %c0_i32_1 = arith.constant 0 : i32
    return %c0_i32, %arg0, %c0_i32_0 : i32, i32, i32
  }
  func.func @transform_3(%arg0: i32) -> (i32, i32, i32) {
    %c0_i32 = arith.constant 0 : i32
    %c0_i32_0 = arith.constant 0 : i32
    %c0_i32_1 = arith.constant 0 : i32
    return %c0_i32, %arg0, %c0_i32_0 : i32, i32, i32
  }
  func.func @transform_4(%arg0: i32) -> (i32, i32) {
    %c0_i32 = arith.constant 0 : i32
    %c0_i32_0 = arith.constant 0 : i32
    return %arg0, %c0_i32 : i32, i32
  }
}

module attributes {stable_mosaic.version = 14 : i64} {
  func.func @body(%arg0: i32, %arg1: memref<2x160000xi32, #tpu.memory_space<vmem>>, %arg2: memref<160000xi32, #tpu.memory_space<vmem>>, %arg3: memref<160000xi32, #tpu.memory_space<vmem>>) attributes {dimension_semantics = [#tpu.dimension_semantics<arbitrary>], iteration_bounds = array<i64: 1>, scalar_prefetch = 0 : i64, scratch_operands = 0 : i64, tpu.core_type = #tpu.core_type<tc>, window_params = [{pipeline_mode = #tpu.pipeline_mode<synchronous>, transform_indices = @transform_0, window_bounds = array<i64: 2, 160000>}, {pipeline_mode = #tpu.pipeline_mode<synchronous>, transform_indices = @transform_1, window_bounds = array<i64: 160000>}, {pipeline_mode = #tpu.pipeline_mode<synchronous>, transform_indices = @transform_2, window_bounds = array<i64: 160000>}]} {
    %get3A = arith.constant 0 : index
    %get3A_0 = arith.constant 0 : index
    %get3A_1 = vector.load %arg1[%get3A, %get3A_0] : memref<2x160000xi32, #tpu.memory_space<vmem>>, vector<1x160000xi32>
    %get3A_2 = vector.shape_cast %get3A_1 : vector<1x160000xi32> to vector<160000xi32>
    %swap3A = arith.constant 0 : index
    %swap3A_3 = vector.load %arg2[%swap3A] : memref<160000xi32, #tpu.memory_space<vmem>>, vector<160000xi32>
    tpu.vector_store %arg2[%swap3A], %get3A_2 {strides = array<i32>} : memref<160000xi32, #tpu.memory_space<vmem>>, vector<160000xi32>,
    %get3A_4 = arith.constant 1 : index
    %get3A_5 = arith.constant 0 : index
    %get3A_6 = vector.load %arg1[%get3A_4, %get3A_5] : memref<2x160000xi32, #tpu.memory_space<vmem>>, vector<1x160000xi32>
    %get3A_7 = vector.shape_cast %get3A_6 : vector<1x160000xi32> to vector<160000xi32>
    %swap3A_8 = arith.constant 0 : index
    %swap3A_9 = vector.load %arg3[%swap3A_8] : memref<160000xi32, #tpu.memory_space<vmem>>, vector<160000xi32>
    tpu.vector_store %arg3[%swap3A_8], %get3A_7 {strides = array<i32>} : memref<160000xi32, #tpu.memory_space<vmem>>, vector<160000xi32>,
    return
  }
  func.func @transform_0(%arg0: i32) -> (i32, i32) {
    %c0_i32 = arith.constant 0 : i32
    %c0_i32_0 = arith.constant 0 : i32
    %c0_i32_1 = arith.constant 0 : i32
    return %c0_i32, %c0_i32_0 : i32, i32
  }
  func.func @transform_1(%arg0: i32) -> i32 {
    %c0_i32 = arith.constant 0 : i32
    %c0_i32_0 = arith.constant 0 : i32
    return %c0_i32 : i32
  }
  func.func @transform_2(%arg0: i32) -> i32 {
    %c0_i32 = arith.constant 0 : i32
    %c0_i32_0 = arith.constant 0 : i32
    return %c0_i32 : i32
  }
}

module attributes {stable_mosaic.version = 14 : i64} {
  func.func @body(%arg0: i32, %arg1: memref<2x2000x128xf32, #tpu.memory_space<vmem>>, %arg2: memref<2x2000x128xf32, #tpu.memory_space<vmem>>, %arg3: memref<2000x1xf32, #tpu.memory_space<vmem>>, %arg4: memref<1x256xf32, #tpu.memory_space<vmem>>, %arg5: memref<256x16xf32, #tpu.memory_space<vmem>>, %arg6: memref<2000x16xf32, #tpu.memory_space<vmem>>) attributes {dimension_semantics = [#tpu.dimension_semantics<arbitrary>], iteration_bounds = array<i64: 5>, scalar_prefetch = 0 : i64, scratch_operands = 0 : i64, tpu.core_type = #tpu.core_type<tc>, window_params = [{transform_indices = @transform_0, window_bounds = array<i64: 2, 2000, 128>}, {transform_indices = @transform_1, window_bounds = array<i64: 2, 2000, 128>}, {transform_indices = @transform_2, window_bounds = array<i64: 2000, 1>}, {pipeline_mode = #tpu.pipeline_mode<synchronous>, transform_indices = @transform_3, window_bounds = array<i64: 1, 256>}, {pipeline_mode = #tpu.pipeline_mode<synchronous>, transform_indices = @transform_4, window_bounds = array<i64: 256, 16>}, {transform_indices = @transform_5, window_bounds = array<i64: 2000, 16>}]} {
    %get3A = arith.constant 0 : index
    %get3A_0 = arith.constant 0 : index
    %get3A_1 = vector.load %arg3[%get3A, %get3A_0] : memref<2000x1xf32, #tpu.memory_space<vmem>>, vector<2000x1xf32>
    %get3A_2 = arith.constant 0 : index
    %get3A_3 = arith.constant 0 : index
    %get3A_4 = arith.constant 0 : index
    %get3A_5 = vector.load %arg1[%get3A_2, %get3A_3, %get3A_4] : memref<2x2000x128xf32, #tpu.memory_space<vmem>>, vector<1x2000x128xf32>
    %get3A_6 = vector.shape_cast %get3A_5 : vector<1x2000x128xf32> to vector<2000x128xf32>
    %get3A_7 = arith.constant 0 : index
    %get3A_8 = arith.constant 0 : index
    %get3A_9 = arith.constant 0 : index
    %get3A_10 = vector.load %arg2[%get3A_7, %get3A_8, %get3A_9] : memref<2x2000x128xf32, #tpu.memory_space<vmem>>, vector<1x2000x128xf32>
    %get3A_11 = vector.shape_cast %get3A_10 : vector<1x2000x128xf32> to vector<2000x128xf32>
    %add3A = arith.addf %get3A_6, %get3A_11 : vector<2000x128xf32>
    %mul3A = vector.broadcast %get3A_1 : vector<2000x1xf32> to vector<2000x128xf32>
    %mul3A_12 = arith.mulf %mul3A, %add3A : vector<2000x128xf32>
    %get3A_13 = arith.constant 0 : index
    %get3A_14 = arith.constant 0 : index
    %get3A_15 = vector.load %arg4[%get3A_13, %get3A_14] : memref<1x256xf32, #tpu.memory_space<vmem>>, vector<1x128xf32>
    %add3A_16 = vector.broadcast %get3A_15 : vector<1x128xf32> to vector<2000x128xf32>
    %add3A_17 = arith.addf %mul3A_12, %add3A_16 : vector<2000x128xf32>
    %max3A = arith.constant 0.000000e+00 : f32
    %max3A_18 = vector.broadcast %max3A : f32 to vector<2000x128xf32>
    %max3A_19 = arith.maximumf %add3A_17, %max3A_18 : vector<2000x128xf32>
    %get3A_20 = arith.constant 1 : index
    %get3A_21 = arith.constant 0 : index
    %get3A_22 = arith.constant 0 : index
    %get3A_23 = vector.load %arg1[%get3A_20, %get3A_21, %get3A_22] : memref<2x2000x128xf32, #tpu.memory_space<vmem>>, vector<1x2000x128xf32>
    %get3A_24 = vector.shape_cast %get3A_23 : vector<1x2000x128xf32> to vector<2000x128xf32>
    %get3A_25 = arith.constant 1 : index
    %get3A_26 = arith.constant 0 : index
    %get3A_27 = arith.constant 0 : index
    %get3A_28 = vector.load %arg2[%get3A_25, %get3A_26, %get3A_27] : memref<2x2000x128xf32, #tpu.memory_space<vmem>>, vector<1x2000x128xf32>
    %get3A_29 = vector.shape_cast %get3A_28 : vector<1x2000x128xf32> to vector<2000x128xf32>
    %add3A_30 = arith.addf %get3A_24, %get3A_29 : vector<2000x128xf32>
    %mul3A_31 = vector.broadcast %get3A_1 : vector<2000x1xf32> to vector<2000x128xf32>
    %mul3A_32 = arith.mulf %mul3A_31, %add3A_30 : vector<2000x128xf32>
    %get3A_33 = arith.constant 0 : index
    %get3A_34 = arith.constant 128 : index
    %get3A_35 = vector.load %arg4[%get3A_33, %get3A_34] : memref<1x256xf32, #tpu.memory_space<vmem>>, vector<1x128xf32>
    %add3A_36 = vector.broadcast %get3A_35 : vector<1x128xf32> to vector<2000x128xf32>
    %add3A_37 = arith.addf %mul3A_32, %add3A_36 : vector<2000x128xf32>
    %max3A_38 = arith.constant 0.000000e+00 : f32
    %max3A_39 = vector.broadcast %max3A_38 : f32 to vector<2000x128xf32>
    %max3A_40 = arith.maximumf %add3A_37, %max3A_39 : vector<2000x128xf32>
    %get3A_41 = arith.constant 0 : index
    %get3A_42 = arith.constant 0 : index
    %get3A_43 = vector.load %arg5[%get3A_41, %get3A_42] : memref<256x16xf32, #tpu.memory_space<vmem>>, vector<128x16xf32>
    %dot_general3A = arith.constant dense<0.000000e+00> : vector<2000x16xf32>
    %dot_general3A_44 = tpu.matmul %max3A_19, %get3A_43, %dot_general3A {dimension_numbers = #tpu.dot_dimension_numbers<[1], [0], [0], [1], [0, 0, 1, 1], [], []>, precision = #tpu.contract_precision<fp32>, transpose_lhs_hint = false} : vector<2000x128xf32>, vector<128x16xf32>, vector<2000x16xf32> -> vector<2000x16xf32>
    %get3A_45 = arith.constant 128 : index
    %get3A_46 = arith.constant 0 : index
    %get3A_47 = vector.load %arg5[%get3A_45, %get3A_46] : memref<256x16xf32, #tpu.memory_space<vmem>>, vector<128x16xf32>
    %dot_general3A_48 = arith.constant dense<0.000000e+00> : vector<2000x16xf32>
    %dot_general3A_49 = tpu.matmul %max3A_40, %get3A_47, %dot_general3A_48 {dimension_numbers = #tpu.dot_dimension_numbers<[1], [0], [0], [1], [0, 0, 1, 1], [], []>, precision = #tpu.contract_precision<fp32>, transpose_lhs_hint = false} : vector<2000x128xf32>, vector<128x16xf32>, vector<2000x16xf32> -> vector<2000x16xf32>
    %add3A_50 = arith.addf %dot_general3A_44, %dot_general3A_49 : vector<2000x16xf32>
    %mul3A_51 = vector.broadcast %get3A_1 : vector<2000x1xf32> to vector<2000x16xf32>
    %mul3A_52 = arith.mulf %add3A_50, %mul3A_51 : vector<2000x16xf32>
    %swap3A = arith.constant 0 : index
    %swap3A_53 = arith.constant 0 : index
    %swap3A_54 = vector.load %arg6[%swap3A, %swap3A_53] : memref<2000x16xf32, #tpu.memory_space<vmem>>, vector<2000x16xf32>
    tpu.vector_store %arg6[%swap3A, %swap3A_53], %mul3A_52 {strides = array<i32>} : memref<2000x16xf32, #tpu.memory_space<vmem>>, vector<2000x16xf32>,
    return
  }
  func.func @transform_0(%arg0: i32) -> (i32, i32, i32) {
    %c0_i32 = arith.constant 0 : i32
    %c0_i32_0 = arith.constant 0 : i32
    %c0_i32_1 = arith.constant 0 : i32
    return %c0_i32, %arg0, %c0_i32_0 : i32, i32, i32
  }
  func.func @transform_1(%arg0: i32) -> (i32, i32, i32) {
    %c0_i32 = arith.constant 0 : i32
    %c0_i32_0 = arith.constant 0 : i32
    %c0_i32_1 = arith.constant 0 : i32
    return %c0_i32, %arg0, %c0_i32_0 : i32, i32, i32
  }
  func.func @transform_2(%arg0: i32) -> (i32, i32) {
    %c0_i32 = arith.constant 0 : i32
    %c0_i32_0 = arith.constant 0 : i32
    return %arg0, %c0_i32 : i32, i32
  }
  func.func @transform_3(%arg0: i32) -> (i32, i32) {
    %c0_i32 = arith.constant 0 : i32
    %c0_i32_0 = arith.constant 0 : i32
    %c0_i32_1 = arith.constant 0 : i32
    return %c0_i32, %c0_i32_0 : i32, i32
  }
  func.func @transform_4(%arg0: i32) -> (i32, i32) {
    %c0_i32 = arith.constant 0 : i32
    %c0_i32_0 = arith.constant 0 : i32
    %c0_i32_1 = arith.constant 0 : i32
    return %c0_i32, %c0_i32_0 : i32, i32
  }
  func.func @transform_5(%arg0: i32) -> (i32, i32) {
    %c0_i32 = arith.constant 0 : i32
    %c0_i32_0 = arith.constant 0 : i32
    return %arg0, %c0_i32 : i32, i32
  }
}

module attributes {stable_mosaic.version = 14 : i64} {
  func.func @body(%arg0: i32, %arg1: memref<2x10000x16xf32, #tpu.memory_space<vmem>>, %arg2: memref<10000x16xf32, #tpu.memory_space<vmem>>, %arg3: memref<10000x1xf32, #tpu.memory_space<vmem>>, %arg4: memref<1x16xf32, #tpu.memory_space<vmem>>, %arg5: memref<10000x3xf32, #tpu.memory_space<vmem>>) attributes {dimension_semantics = [#tpu.dimension_semantics<arbitrary>], iteration_bounds = array<i64: 1>, scalar_prefetch = 0 : i64, scratch_operands = 0 : i64, tpu.core_type = #tpu.core_type<tc>, window_params = [{pipeline_mode = #tpu.pipeline_mode<synchronous>, transform_indices = @transform_0, window_bounds = array<i64: 2, 10000, 16>}, {pipeline_mode = #tpu.pipeline_mode<synchronous>, transform_indices = @transform_1, window_bounds = array<i64: 10000, 16>}, {pipeline_mode = #tpu.pipeline_mode<synchronous>, transform_indices = @transform_2, window_bounds = array<i64: 10000, 1>}, {pipeline_mode = #tpu.pipeline_mode<synchronous>, transform_indices = @transform_3, window_bounds = array<i64: 1, 16>}, {pipeline_mode = #tpu.pipeline_mode<synchronous>, transform_indices = @transform_4, window_bounds = array<i64: 10000, 3>}]} {
    %get3A = arith.constant 0 : index
    %get3A_0 = arith.constant 0 : index
    %get3A_1 = vector.load %arg3[%get3A, %get3A_0] : memref<10000x1xf32, #tpu.memory_space<vmem>>, vector<10000x1xf32>
    %get3A_2 = arith.constant 0 : index
    %get3A_3 = arith.constant 0 : index
    %get3A_4 = arith.constant 0 : index
    %get3A_5 = vector.load %arg1[%get3A_2, %get3A_3, %get3A_4] : memref<2x10000x16xf32, #tpu.memory_space<vmem>>, vector<1x10000x16xf32>
    %get3A_6 = vector.shape_cast %get3A_5 : vector<1x10000x16xf32> to vector<10000x16xf32>
    %get3A_7 = arith.constant 1 : index
    %get3A_8 = arith.constant 0 : index
    %get3A_9 = arith.constant 0 : index
    %get3A_10 = vector.load %arg1[%get3A_7, %get3A_8, %get3A_9] : memref<2x10000x16xf32, #tpu.memory_space<vmem>>, vector<1x10000x16xf32>
    %get3A_11 = vector.shape_cast %get3A_10 : vector<1x10000x16xf32> to vector<10000x16xf32>
    %add3A = arith.addf %get3A_6, %get3A_11 : vector<10000x16xf32>
    %get3A_12 = arith.constant 0 : index
    %get3A_13 = arith.constant 0 : index
    %get3A_14 = vector.load %arg2[%get3A_12, %get3A_13] : memref<10000x16xf32, #tpu.memory_space<vmem>>, vector<10000x16xf32>
    %add3A_15 = arith.addf %add3A, %get3A_14 : vector<10000x16xf32>
    %mul3A = vector.broadcast %get3A_1 : vector<10000x1xf32> to vector<10000x16xf32>
    %mul3A_16 = arith.mulf %mul3A, %add3A_15 : vector<10000x16xf32>
    %get3A_17 = arith.constant 0 : index
    %get3A_18 = arith.constant 0 : index
    %get3A_19 = vector.load %arg4[%get3A_17, %get3A_18] : memref<1x16xf32, #tpu.memory_space<vmem>>, vector<1x16xf32>
    %add3A_20 = vector.broadcast %get3A_19 : vector<1x16xf32> to vector<10000x16xf32>
    %add3A_21 = arith.addf %mul3A_16, %add3A_20 : vector<10000x16xf32>
    %slice3A = vector.extract_strided_slice %add3A_21 {offsets = [0, 0], sizes = [10000, 3], strides = [1, 1]} : vector<10000x16xf32> to vector<10000x3xf32>
    %swap3A = arith.constant 0 : index
    %swap3A_22 = arith.constant 0 : index
    %swap3A_23 = vector.load %arg5[%swap3A, %swap3A_22] : memref<10000x3xf32, #tpu.memory_space<vmem>>, vector<10000x3xf32>
    tpu.vector_store %arg5[%swap3A, %swap3A_22], %slice3A {strides = array<i32>} : memref<10000x3xf32, #tpu.memory_space<vmem>>, vector<10000x3xf32>,
    return
  }
  func.func @transform_0(%arg0: i32) -> (i32, i32, i32) {
    %c0_i32 = arith.constant 0 : i32
    %c0_i32_0 = arith.constant 0 : i32
    %c0_i32_1 = arith.constant 0 : i32
    %c0_i32_2 = arith.constant 0 : i32
    return %c0_i32, %c0_i32_0, %c0_i32_1 : i32, i32, i32
  }
  func.func @transform_1(%arg0: i32) -> (i32, i32) {
    %c0_i32 = arith.constant 0 : i32
    %c0_i32_0 = arith.constant 0 : i32
    %c0_i32_1 = arith.constant 0 : i32
    return %c0_i32, %c0_i32_0 : i32, i32
  }
  func.func @transform_2(%arg0: i32) -> (i32, i32) {
    %c0_i32 = arith.constant 0 : i32
    %c0_i32_0 = arith.constant 0 : i32
    %c0_i32_1 = arith.constant 0 : i32
    return %c0_i32, %c0_i32_0 : i32, i32
  }
  func.func @transform_3(%arg0: i32) -> (i32, i32) {
    %c0_i32 = arith.constant 0 : i32
    %c0_i32_0 = arith.constant 0 : i32
    %c0_i32_1 = arith.constant 0 : i32
    return %c0_i32, %c0_i32_0 : i32, i32
  }
  func.func @transform_4(%arg0: i32) -> (i32, i32) {
    %c0_i32 = arith.constant 0 : i32
    %c0_i32_0 = arith.constant 0 : i32
    %c0_i32_1 = arith.constant 0 : i32
    return %c0_i32, %c0_i32_0 : i32, i32
  }
}

</mosaic_0001>

<sc_bundles>
// kernel: kernel.12.cloned.1.call-start
scs
__scs_entry_jumppad:
0x0: {  	(pc) =	sbr.rel $0x88, $3  }
0x1: {  	(tag) =	ssettag $0x0;
	lr =	simm.s32 $0x1  }
0x2: {  	[smem:$0x3F9B] =	sst lr;
	_ =	strace $0xD0000000  }
0x3: {  	_ = 	snop  }
0x4: {  	_ = 	snop  }
0x5: {  	_ = 	snop  }
0x6: {  	_ = 	snop  }
0x7: {  	_ = 	snop  }
__scs_overlays_trampoline_lowered:
0x8: {  	[smem:$0x3FAA] =	sst s0  }
0x9: {  	[smem:$0x3FAB] =	sst s1  }
0xa: {  	[smem:$0x3FAC] =	sst s2  }
0xb: {  	[smem:$0x3FAD] =	sst s3  }
0xc: {  	[smem:$0x3FAE] =	sst s4  }
0xd: {  	[smem:$0x3FAF] =	sst s5  }
0xe: {  	[smem:$0x3FB0] =	sst s6  }
0xf: {  	[smem:$0x3FB1] =	sst s7  }
0x10: {  	[smem:$0x3FB2] =	sst s8  }
0x11: {  	[smem:$0x3FB3] =	sst s9;
	s0 =	simm.s32 @!p0 $0x0  }
0x12: {  	s1 =	sld [smem:$0x3F99];
	s0 =	simm.s32 @p0 $0x1  }
0x13: {  	[smem:$0x3FB4] =	sst s0;
	s0 =	simm.s32 @!p1 $0x0  }
0x14: {  	s2 =	sld [smem:$0x3F98];
	s0 =	simm.s32 @p1 $0x1  }
0x15: {  	[smem:$0x3FB5] =	sst s0;
	s0 =	simm.s32 @!p2 $0x0  }
0x16: {  	s3 =	sld [smem:$0x3FDB];
	s0 =	simm.s32 @p2 $0x1  }
0x17: {  	s4 =	simm.s32 $0x1BF5;
	[smem:$0x3FB7] =	sst s0  }
0x18: {  	s0 =	sld [smem:$0x3F9A];
	_ =	swait.ge [sflag:s4], $0x0  }
0x19: {  	s7 =	sld [smem:$0x3F9B]  }
0x1a: {  	s8 =	sadd.s32 $0xFFFFE003, lr  }
0x1b: {  	s9 =	sadd.s32 $0xFFFFFEF7, lr;
	s5 =	simm.s32 $0xFFFFFFFF;
	p2 =	slt.u32 s8, $0xFFFFF086  }
0x1c: {  	p1 =	slt.u32 s9, $0xF7A;
	s5 =	simm.s32 @!p2 $0x0  }
0x1d: {  	s5 =	simm.s32 @p1 $0x1;
	p0 =	seq.s32 s7, s2  }
0x1e: {  	s7 =	smul.u32 @!p0 $0xF7A, s2;
	p2 =	seq.s32 @!p0 s5, $0x0  }
0x1f: {  	s9 =	smul.u32 $0xF7A, s1;
	s8 =	simm.s32 @!p0 $0x1BF5;
	p2 =	por !p2, p0  }
0x20: {  	[sflag:s8] =	ssyncset.s32 @!p0 $0xFFFFF086;
	s6 =	sadd.s32 @!p0 s3, s7;
	s7 =	simm.s32 @!p0 $0x108  }
0x21: {  	s3 =	sadd.s32 s3, s9;
	s6 =	sadd.s32 @!p0 $0x88, s6;
	s7 =	simm.s32 @p2 $0x1082  }
0x22: {  	[simem:s7], [sflag:s8] =	dma.local @!p0 [hbm:s6], $0xF7A  }
0x23: {  	s9 =	sor.u32 $0xD0000000, s2;
	s6 =	simm.s32 $0x108;
	_ =	swait.ge @!p0 [sflag:s8], $0x0  }
0x24: {  	s3 =	sadd.s32 $0x88, s3;
	s6 =	simm.s32 @!p1 $0x1082;
	[sflag:s4] =	ssyncset.s32 $0xFFFFF086  }
0x25: {  	[simem:s6], [sflag:s4] =	dma.local [hbm:s3], $0xF7A  }
0x26: {  	[smem:$0x3F9B] =	sst s1;
	(tag) =	ssettag s2;
	_ =	strace s9  }
0x27: {  	s1 =	sld [smem:$0x3FAB]  }
0x28: {  	s2 =	sld [smem:$0x3FAC]  }
0x29: {  	s4 =	sld [smem:$0x3FAE]  }
0x2a: {  	p0 =	seq.s32 s5, $0x0;
	s5 =	sld [smem:$0x3FAF]  }
0x2b: {  	s6 =	sld [smem:$0x3FB0]  }
0x2c: {  	s7 =	sld [smem:$0x3FB1]  }
0x2d: {  	s3 =	simm.s32 $0x108;
	s8 =	sld [smem:$0x3FB2]  }
0x2e: {  	s3 =	simm.s32 @!p0 $0x1082;
	s9 =	sld [smem:$0x3FB3]  }
0x2f: {  	lr =	sadd.s32 s0, s3;
	s0 =	sld [smem:$0x3FAA]  }
0x30: {  	s3 =	sld [smem:$0x3FAD]  }
0x31: {  	[smem:$0x3FB6] =	sst s10  }
0x32: {  	s10 =	sld [smem:$0x3FB4];
	_ =	sdelay $0x3  }
0x33: {  	p0 =	seq.s32 s10, $0x1;
	s10 =	sld [smem:$0x3FB6];
	_ =	sdelay $0x3  }
0x34: {  	[smem:$0x3FB6] =	sst s10  }
0x35: {  	s10 =	sld [smem:$0x3FB5];
	_ =	sdelay $0x3  }
0x36: {  	p1 =	seq.s32 s10, $0x1;
	s10 =	sld [smem:$0x3FB6];
	_ =	sdelay $0x3  }
0x37: {  	[smem:$0x3FB6] =	sst s10  }
0x38: {  	s10 =	sld [smem:$0x3FB7]  }
0x39: {  	_ = 	snop;
	(pc) =	sbr.ind lr, $3  }
0x3a: {  	_ = 	snop  }
0x3b: {  	_ = 	snop  }
0x3c: {  	p2 =	seq.s32 s10, $0x1;
	s10 =	sld [smem:$0x3FB6]  }
0x3d: {  	_ =	shalt  }
0x3e: {  	_ =	shalt  }
0x3f: {  	_ =	shalt  }
0x40: {  	_ =	shalt  }
0x41: {  	_ =	shalt  }
0x42: {  	_ =	shalt  }
0x43: {  	_ =	shalt  }
0x44: {  	_ =	shalt  }
0x45: {  	_ =	shalt  }
0x46: {  	_ =	shalt  }
0x47: {  	_ =	shalt  }
0x48: {  	_ =	shalt  }
0x49: {  	_ =	shalt  }
0x4a: {  	_ =	shalt  }
0x4b: {  	_ =	shalt  }
0x4c: {  	_ =	shalt  }
0x4d: {  	_ =	shalt  }
0x4e: {  	_ =	shalt  }
0x4f: {  	_ =	shalt  }
0x50: {  	_ =	shalt  }
0x51: {  	_ =	shalt  }
0x52: {  	_ =	shalt  }
0x53: {  	_ =	shalt  }
0x54: {  	_ =	shalt  }
0x55: {  	_ =	shalt  }
0x56: {  	_ =	shalt  }
0x57: {  	_ =	shalt  }
0x58: {  	_ =	shalt  }
0x59: {  	_ =	shalt  }
0x5a: {  	_ =	shalt  }
0x5b: {  	_ =	shalt  }
0x5c: {  	_ =	shalt  }
0x5d: {  	_ =	shalt  }
0x5e: {  	_ =	shalt  }
0x5f: {  	_ =	shalt  }
0x60: {  	_ =	shalt  }
0x61: {  	_ =	shalt  }
0x62: {  	_ =	shalt  }
0x63: {  	_ =	shalt  }
0x64: {  	_ =	shalt  }
0x65: {  	_ =	shalt  }
0x66: {  	_ =	shalt  }
0x67: {  	_ =	shalt  }
0x68: {  	_ =	shalt  }
0x69: {  	_ =	shalt  }
0x6a: {  	_ =	shalt  }
0x6b: {  	_ =	shalt  }
0x6c: {  	_ =	shalt  }
0x6d: {  	_ =	shalt  }
0x6e: {  	_ =	shalt  }
0x6f: {  	_ =	shalt  }
0x70: {  	_ =	shalt  }
0x71: {  	_ =	shalt  }
0x72: {  	_ =	shalt  }
0x73: {  	_ =	shalt  }
0x74: {  	_ =	shalt  }
0x75: {  	_ =	shalt  }
0x76: {  	_ =	shalt  }
0x77: {  	_ =	shalt  }
0x78: {  	_ =	shalt  }
0x79: {  	_ =	shalt  }
0x7a: {  	_ =	shalt  }
0x7b: {  	_ =	shalt  }
0x7c: {  	_ =	shalt  }
0x7d: {  	_ =	shalt  }
0x7e: {  	_ =	shalt  }
0x7f: {  	_ =	shalt  }
0x80: {  	_ =	shalt  }
0x81: {  	_ =	shalt  }
0x82: {  	_ =	shalt  }
0x83: {  	_ =	shalt  }
0x84: {  	_ =	shalt  }
0x85: {  	_ =	shalt  }
0x86: {  	_ =	shalt  }
0x87: {  	_ =	shalt  }
.Lfunc_end0:
.L_simem_size_0:
called_computation.1_lowered:
.L_overlay_start_0:
0x88: {  	s2 =	sld [smem:$0x3FD9]  }
0x89: {  	s3 =	sld [smem:$0x3FFE];
	_ =	sdelay $0x1  }
0x8a: {  	s1 =	srdreg.scid  }
0x8b: {  	s0 =	sand.u32 $0x1, s1  }
0x8c: {  	s16 =	sshll.u32 s0, $0xA;
	s2 =	sadd.s32 s3, s2  }
0x8d: {  	s2 =	sadd.s32 s2, s16  }
0x8e: {  	[smem:$0x3FC2] =	sst s2  }
0x8f: {  	_ = 	snop  }
0x90: {  	(tm) =	ssettm $0x1  }
0x91: {  	s17 =	sld [smem:$0x3FFB];
	_ =	sdelay $0x3  }
0x92: {  	_ =	strace s17  }
0x93: {  	s2 =	sld [smem:$0x3FFC];
	_ =	sdelay $0x3  }
0x94: {  	_ =	strace s2  }
0x95: {  	s2 =	sld [smem:$0x3FFD];
	_ =	sdelay $0x3  }
0x96: {  	_ =	strace s2  }
0x97: {  	_ =	strace $0x8FFFFFFF  }
0x98: {  	s18 =	sld [smem:$0x3FDB];
	_ =	sdelay $0x1  }
0x99: {  	s19 =	simm.s32 $_scs_section_size  }
0x9a: {  	s4 =	simm.s32 $_size__tile_overlayer_lowered;
	s5 =	simm.s32 $_tile_overlayer_lowered  }
0x9b: {  	s22 =	simm.s32 $0x1BFF;
	s21 =	sshll.u32 s5, $0x1;
	s2 =	sadd.s32 s19, s18  }
0x9c: {  	s6 =	simm.s32 $0x0;
	s20 =	sshll.u32 s4, $0x1;
	s4 =	sadd.s32 s21, s2  }
0x9d: {  	[timem:s6], [sflag:s22] =	dma.local [hbm:s4], s20  }
0x9e: {  	_ =	swait.ge [sflag:s22], s20  }
0x9f: {  	s3 =	ssub.s32 $0x0, s20;
	[sflag:s22] =	ssyncset.done $0x0  }
0xa0: {  	[sflag:s22] =	ssyncadd.s32 s3;
	_ =	sdelay $0x1  }
0xa1: {  	s23 =	simm.s32 $0x1B8B  }
0xa2: {  	_ =	swait.ge [sflag:s23], $0x1  }
0xa3: {  	[sflag:s23] =	ssyncset.done $0x0  }
0xa4: {  	s25 =	simm.s32 $0x1B8E;
	s24 =	sld [smem:$0x3FFE];
	[sflag:s23] =	ssyncadd.s32 $0xFFFFFFFF  }
0xa5: {  	s26 =	simm.s32 $execute0_lowered;
	[smem:$0x3FD2] =	sst s25  }
0xa6: {  	s4 =	sshll.u32 s26, $0x1;
	_ =	strace $0x80000049;
	[dreg:$0x1] =	wrdreg $0xFFFFFFFF  }
0xa7: {  	s28 =	simm.s32 $_size_execute0_lowered;
	s2 =	sadd.s32 s2, s4;
	[dreg:$0x0] =	wrdreg $0x0  }
0xa8: {  	s4 =	sshll.u32 s28, $0x1;
	[dreg:$0x2] =	wrdreg s2  }
0xa9: {  	[dreg:$0x3] =	wrdreg s4  }
0xaa: {  	[dreg:$0x4] =	wrdreg $0xC0  }
0xab: {  	_ =	task [dreg:s6], $0x5FFFF  }
0xac: {  	[dreg:$0x1] =	wrdreg $0xFFFFFFFF  }
0xad: {  	[dreg:$0x0] =	wrdreg $0x60  }
0xae: {  	[dreg:$0x2] =	wrdreg s24  }
0xaf: {  	[dreg:$0x3] =	wrdreg $0xC7100  }
0xb0: {  	[dreg:$0x4] =	wrdreg $0x9  }
0xb1: {  	_ =	task.clear_ibuf [dreg:s6], $0x5FFFF;
	_ =	strace $0x90000049  }
0xb2: {  	s29 =	simm.s32 $0x9;
	_ =	strace $0x8000004B  }
0xb3: {  	_ =	swait.ge [sflag:s29], $0x1  }
0xb4: {  	[sflag:s29] =	ssyncadd.s32 $0xFFFFFFFF  }
0xb5: {  	_ =	strace $0x9000004B  }
0xb6: {  	_ =	sfence  }
0xb7: {  	s30 =	sld [smem:$0x0];
	_ =	sdelay $0x2  }
0xb8: {  	s31 =	sshll.u32 s1, $0xD;
	s1 =	sshrl.u32 s1, $0x2  }
0xb9: {  	s3 =	sand.u32 $0x4000, s31;
	s1 =	sadd.s32 s1, s30  }
0xba: {  	s0 =	sor.u32 s3, s0;
	s1 =	sshll.u32 s1, $0x11  }
0xbb: {  	s0 =	sor.u32 s1, s0  }
0xbc: {  	s0 =	sadd.s32 $0x8F2B, s0  }
0xbd: {  	[sflag:s0] =	ssyncadd.remote.s32 $0x1  }
0xbe: {  	_ =	sfence.sel $0xFFFF  }
0xbf: {  	[dreg:$0x0] =	wrdreg $0xFFFFFFFF;
	(pc) =	sbr.abs _section_cstart, $3  }
0xc0: {  	[dreg:$0x1] =	wrdreg $0xFFFFFFFF  }
0xc1: {  	_ =	task.clear_ibuf [dreg:s6], $0x2FFFF;
	_ =	strace $0x9FFFFFFF  }
0xc2: {  	(tm) =	ssettm $0x7FFFFFFF  }
0xc3: {  	_ =	shalt  }
tec
execute0_lowered:
.L_overlay_start_1:
0x0: {  	(tag) =	ssettag $0x1  }
0x1: {  	s1 =	rddreg [dreg:$0x0]  }
0x2: {  	s0 =	srdreg.scid;
	s2 =	rddreg [dreg:$0x1];
	s5 =	simm.s32 $0x0  }
0x3: {  	s3 =	stileid.u32;
	s14 =	simm.s32 $0x11;
	s16 =	simm.s32 $0x28  }
0x4: {  	s17 =	simm.s32 $0x2710;
	s18 =	simm.s32 $0x3B10;
	s20 =	simm.s32 $0x4F10  }
0x5: {  	s15 =	simm.s32 $0x9;
	s12 =	simm.s32 $0xD;
	s19 =	simm.s32 $0xE  }
0x6: {  	s0 =	sand.u32 $0x1, s0;
	[smem:$0x7FF] =	sst s5;
	s6 =	smul.u32 $0x13880, s3  }
0x7: {  	s9 =	sadd.s32 $0x7200, s1;
	s10 =	sadd.s32 $0x2200, s1;
	s8 =	smul.u32 $0x4E2, s3  }
0x8: {  	s22 =	sadd.s32 $0x5A400, s1;
	s11 =	smul.u32 $0x2710, s3;
	s25 =	sshll.u32 s3, $0x6  }
0x9: {  	s4 =	smul.u32 $0x138800, s0;
	_ =	strace $0x8000004A;
	[dreg:$0x3] =	wrdreg s22  }
0xa: {  	s0 =	ssub.s32 $0x2, s0;
	s5 =	sor.u32 $0x1C11, s25;
	s22 =	simm.s32 $0x6310  }
0xb: {  	s25 =	simm.s32 $0x0;
	s23 =	sshrl.u32 s0, $0x1;
	s24 =	sadd.s32 s6, s2  }
0xc: {  	s26 =	sadd.s32 s9, s8;
	s28 =	sadd.s32 $0x1388, s11;
	s29 =	sadd.s32 s10, s8  }
0xd: {  	s11 =	simm.s32 $0xC;
	s21 =	sshrl.u32 s4, $0x3;
	[dreg:$0x4] =	wrdreg s26  }
0xe: {  	s4 =	sadd.s32 s6, s4;
	s0 =	ssub.s32 s0, s23;
	[dreg:$0x5] =	wrdreg s29  }
0xf: {  	s6 =	sshrl.u32 s28, $0x3;
	s13 =	sshrl.u32 s24, $0x3;
	s24 =	simm.s32 $0x7710  }
0x10: {  	s23 =	simm.s32 $0xF;
	s7 =	sadd.s32 s21, s1;
	s4 =	sshrl.u32 s4, $0x3  }
0x11: {  	s30 =	sadd.s32 s9, s6;
	s31 =	sadd.s32 s10, s6;
	s0 =	smax.u32 s0, $0x1  }
0x12: {  	s6 =	simm.s32 $0x4;
	s9 =	simm.s32 $0xA;
	[dreg:$0x6] =	wrdreg s30  }
0x13: {  	s10 =	simm.s32 $0xB;
	s21 =	simm.s32 $0x10;
	[dreg:$0x7] =	wrdreg s31  }
0x14: {  	s1 =	sadd.s32 s4, s1;
	s8 =	sadd.s32 $0xC200, s7;
	[dreg:$0x9] =	wrdreg s0  }
0x15: {  	s0 =	simm.s32 $0x1;
	s4 =	simm.s32 $0x3;
	s1 =	sadd.s32 $0x5CC00, s1  }
0x16: {  	s7 =	simm.s32 $0x5;
	[dreg:$0x8] =	wrdreg s1;
	s1 =	simm.s32 $0x2  }
.LBB2_1:
0x17: {  	s3 =	rddreg [dreg:$0x3]  }
0x18: {  	[spmem:s13], [sflag:s5] =	dma.local [hbm:s3], $0x2710  }
0x19: {  	_ =	swait.ge [sflag:s14], $0x2710  }
0x1a: {  	[sflag:s14] =	ssyncset.done $0x0  }
0x1b: {  	[sflag:s14] =	ssyncadd.s32 $0xFFFFD8F0  }
0x1c: {  	[bflag:$0x0] =	sbarrier.arrive $0xFFFF  }
0x1d: {  	s29 =	simm.s32 $0x0;
	s26 =	rddreg [dreg:$0x4]  }
0x1e: {  	[tilespmem:s29], [sflag:$0x11] =	stream.linear.gather [hbm4b:s26+s29], $0x1388, $0x38;
	[tilespmem:$0x1FF90] =	vst v63  }
0x1f: {  	_ =	swait.ge [sflag:s14], $0x1388  }
0x20: {  	[sflag:s14] =	ssyncset.done $0x0  }
0x21: {  	s28 =	simm.s32 $0x1388;
	s30 =	rddreg [dreg:$0x5];
	[sflag:s14] =	ssyncadd.s32 $0xFFFFEC78  }
0x22: {  	[tilespmem:s28], [sflag:$0x11] =	stream.linear.gather [hbm4b:s30+s29], $0x1388, $0x38;
	[tilespmem:$0x1FF90] =	vst v63  }
0x23: {  	_ =	swait.ge [sflag:s14], $0x1388  }
0x24: {  	[sflag:s14] =	ssyncset.done $0x0  }
0x25: {  	[sflag:s14] =	ssyncadd.s32 $0xFFFFEC78  }
0x26: {  	[tilespmem:s17], [sflag:$0x1] =	stream.indirect.gather [hbm4b:s8+s16], $0x80, s29, s16, $0xb8;
	[tilespmem:$0x1FF90] =	vst v63  }
0x27: {  	_ = 	snop  }
0x28: {  	[tilespmem:s18], [sflag:$0x2] =	stream.indirect.gather [hbm4b:s8+s16], $0x80, s16, s16, $0xb8;
	[tilespmem:$0x1FF90] =	vst v63  }
0x29: {  	s31 =	simm.s32 $0x50  }
0x2a: {  	[tilespmem:s20], [sflag:$0x3] =	stream.indirect.gather [hbm4b:s8+s16], $0x80, s31, s16, $0xb8;
	[tilespmem:$0x1FF90] =	vst v63  }
0x2b: {  	s26 =	simm.s32 $0x78  }
0x2c: {  	[tilespmem:s22], [sflag:$0x4] =	stream.indirect.gather [hbm4b:s8+s16], $0x80, s26, s16, $0xb8;
	[tilespmem:$0x1FF90] =	vst v63  }
0x2d: {  	s29 =	simm.s32 $0xA0  }
0x2e: {  	[tilespmem:s24], [sflag:$0x5] =	stream.indirect.gather [hbm4b:s8+s16], $0x80, s29, s16, $0xb8;
	[tilespmem:$0x1FF90] =	vst v63  }
0x2f: {  	s30 =	simm.s32 $0xC8;
	s31 =	simm.s32 $0x8B10  }
0x30: {  	[tilespmem:s31], [sflag:$0x6] =	stream.indirect.gather [hbm4b:s8+s16], $0x80, s30, s16, $0xb8;
	[tilespmem:$0x1FF90] =	vst v63  }
0x31: {  	s28 =	simm.s32 $0x0;
	s26 =	simm.s32 $0xF0;
	s29 =	simm.s32 $0x9F10  }
0x32: {  	[tilespmem:s29], [sflag:$0x7] =	stream.indirect.gather [hbm4b:s8+s16], $0x80, s26, s16, $0xb8;
	[tilespmem:$0x1FF90] =	vst v63  }
0x33: {  	s30 =	simm.s32 $0x118;
	s31 =	simm.s32 $0xB310;
	s26 =	simm.s32 $0xF  }
0x34: {  	[tilespmem:s31], [sflag:$0x8] =	stream.indirect.gather [hbm4b:s8+s16], $0x80, s30, s16, $0xb8;
	[tilespmem:$0x1FF90] =	vst v63  }
.LBB2_2:
0x35: {  	_ =	swait.ge [sflag:s0], $0x1400  }
0x36: {  	s29 =	sshra.s32 s28, $0x2;
	[sflag:s0] =	ssyncset.done $0x0  }
0x37: {  	s30 =	sadd.s32 $0x1388, s29;
	[sflag:s0] =	ssyncadd.s32 $0xFFFFEC00  }
0x38: {  	[spmem:s2] =	stream.indirect.scatter.add.f32 [tilespmem:s17], [sflag:$0x9], $0x80, s30, s16, $0xb8;
	[tilespmem:$0x1FF90] =	vst v63  }
0x39: {  	_ =	swait.ge [sflag:s1], $0x1400  }
0x3a: {  	[sflag:s1] =	ssyncset.done $0x0  }
0x3b: {  	s3 =	sadd.s32 $0x13B0, s29;
	[sflag:s1] =	ssyncadd.s32 $0xFFFFEC00  }
0x3c: {  	[spmem:s2] =	stream.indirect.scatter.add.f32 [tilespmem:s18], [sflag:$0xA], $0x80, s3, s16, $0xb8;
	[tilespmem:$0x1FF90] =	vst v63  }
0x3d: {  	_ =	swait.ge [sflag:s4], $0x1400  }
0x3e: {  	[sflag:s4] =	ssyncset.done $0x0  }
0x3f: {  	s31 =	sadd.s32 $0x13D8, s29;
	[sflag:s4] =	ssyncadd.s32 $0xFFFFEC00  }
0x40: {  	[spmem:s2] =	stream.indirect.scatter.add.f32 [tilespmem:s20], [sflag:$0xB], $0x80, s31, s16, $0xb8;
	[tilespmem:$0x1FF90] =	vst v63  }
0x41: {  	_ =	swait.ge [sflag:s6], $0x1400  }
0x42: {  	[sflag:s6] =	ssyncset.done $0x0  }
0x43: {  	s3 =	sadd.s32 $0x1400, s29;
	[sflag:s6] =	ssyncadd.s32 $0xFFFFEC00  }
0x44: {  	[spmem:s2] =	stream.indirect.scatter.add.f32 [tilespmem:s22], [sflag:$0xC], $0x80, s3, s16, $0xb8;
	[tilespmem:$0x1FF90] =	vst v63  }
0x45: {  	_ =	swait.ge [sflag:s7], $0x1400  }
0x46: {  	s31 =	sadd.s32 $0xFFFFFFF6, s26;
	[sflag:s7] =	ssyncset.done $0x0  }
0x47: {  	s29 =	sadd.s32 $0x1428, s29;
	p0 =	sgt.u32 s31, $0x7C;
	[sflag:s7] =	ssyncadd.s32 $0xFFFFEC00  }
0x48: {  	[spmem:s2] =	stream.indirect.scatter.add.f32 [tilespmem:s24], [sflag:$0xD], $0x80, s29, s16, $0xb8;
	[tilespmem:$0x1FF90] =	vst v63  }
0x49: {  	s29 =	simm.s32 @!p0 $0x6  }
0x4a: {  	_ =	swait.ge @!p0 [sflag:s29], $0x1400  }
0x4b: {  	[sflag:s29] =	ssyncset.done @!p0 $0x0  }
0x4c: {  	[sflag:s29] =	ssyncadd.s32 @!p0 $0xFFFFEC00;
	s29 =	sshra.s32 @!p0 s28, $0x2  }
0x4d: {  	s31 =	simm.s32 @!p0 $0x28;
	s3 =	simm.s32 @!p0 $0x8B10;
	s30 =	sadd.s32 @!p0 $0x1450, s29  }
0x4e: {  	[spmem:s2] =	stream.indirect.scatter.add.f32 @!p0 [tilespmem:s3], [sflag:$0xE], $0x80, s30, s31, $0xb8;
	[tilespmem:$0x1FF90] =	vst v63  }
0x4f: {  	s3 =	simm.s32 @!p0 $0x7  }
0x50: {  	_ =	swait.ge @!p0 [sflag:s3], $0x1400  }
0x51: {  	[sflag:s3] =	ssyncset.done @!p0 $0x0  }
0x52: {  	s30 =	simm.s32 @!p0 $0x9F10;
	[sflag:s3] =	ssyncadd.s32 @!p0 $0xFFFFEC00;
	s3 =	sadd.s32 @!p0 $0x1478, s29  }
0x53: {  	[spmem:s2] =	stream.indirect.scatter.add.f32 @!p0 [tilespmem:s30], [sflag:$0xF], $0x80, s3, s31, $0xb8;
	[tilespmem:$0x1FF90] =	vst v63  }
0x54: {  	s3 =	simm.s32 @!p0 $0x8  }
0x55: {  	_ =	swait.ge @!p0 [sflag:s3], $0x1400  }
0x56: {  	[sflag:s3] =	ssyncset.done @!p0 $0x0  }
0x57: {  	[sflag:s3] =	ssyncadd.s32 @!p0 $0xFFFFEC00;
	s3 =	sadd.s32 @!p0 $0x14A0, s29;
	s29 =	simm.s32 @!p0 $0xB310  }
0x58: {  	[spmem:s2] =	stream.indirect.scatter.add.f32 @!p0 [tilespmem:s29], [sflag:$0x10], $0x80, s3, s31, $0xb8;
	[tilespmem:$0x1FF90] =	vst v63  }
0x59: {  	p0 =	seq.s32 s28, $0x4B00  }
0x5a: {  	s3 =	simm.s32 @!p0 $0x9  }
0x5b: {  	_ =	swait.ge @!p0 [sflag:s3], $0x1400  }
0x5c: {  	[sflag:s3] =	ssyncset.done @!p0 $0x0  }
0x5d: {  	[sflag:s3] =	ssyncadd.s32 @!p0 $0xFFFFEC00;
	s3 =	sshra.s32 @!p0 s28, $0x2  }
0x5e: {  	s29 =	simm.s32 @!p0 $0x28;
	s30 =	simm.s32 @!p0 $0x2710;
	s3 =	sadd.s32 @!p0 $0x140, s3  }
0x5f: {  	[tilespmem:s30], [sflag:$0x1] =	stream.indirect.gather @!p0 [hbm4b:s8+s29], $0x80, s3, s29, $0xb8;
	[tilespmem:$0x1FF90] =	vst v63  }
0x60: {  	s3 =	sadd.s32 @!p0 $0xFFFFFFFA, s26  }
0x61: {  	p1 =	sgt.u32 @!p0 s3, $0x7C  }
0x62: {  	p1 =	por p1, p0  }
0x63: {  	s3 =	simm.s32 @!p1 $0xA  }
0x64: {  	_ =	swait.ge @!p1 [sflag:s3], $0x1400  }
0x65: {  	[sflag:s3] =	ssyncset.done @!p1 $0x0  }
0x66: {  	[sflag:s3] =	ssyncadd.s32 @!p1 $0xFFFFEC00;
	s3 =	sshra.s32 @!p1 s28, $0x2  }
0x67: {  	s29 =	simm.s32 @!p1 $0x28;
	s30 =	simm.s32 @!p1 $0x3B10;
	s3 =	sadd.s32 @!p1 $0x168, s3  }
0x68: {  	[tilespmem:s30], [sflag:$0x2] =	stream.indirect.gather @!p1 [hbm4b:s8+s29], $0x80, s3, s29, $0xb8;
	[tilespmem:$0x1FF90] =	vst v63  }
0x69: {  	s3 =	sadd.s32 @!p0 $0xFFFFFFFB, s26  }
0x6a: {  	p1 =	sgt.u32 @!p0 s3, $0x7C  }
0x6b: {  	p1 =	por p1, p0  }
0x6c: {  	s3 =	simm.s32 @!p1 $0xB  }
0x6d: {  	_ =	swait.ge @!p1 [sflag:s3], $0x1400  }
0x6e: {  	[sflag:s3] =	ssyncset.done @!p1 $0x0  }
0x6f: {  	[sflag:s3] =	ssyncadd.s32 @!p1 $0xFFFFEC00;
	s3 =	sshra.s32 @!p1 s28, $0x2  }
0x70: {  	s29 =	simm.s32 @!p1 $0x28;
	s30 =	simm.s32 @!p1 $0x4F10;
	s3 =	sadd.s32 @!p1 $0x190, s3  }
0x71: {  	[tilespmem:s30], [sflag:$0x3] =	stream.indirect.gather @!p1 [hbm4b:s8+s29], $0x80, s3, s29, $0xb8;
	[tilespmem:$0x1FF90] =	vst v63  }
0x72: {  	s3 =	sadd.s32 @!p0 $0xFFFFFFFC, s26  }
0x73: {  	p1 =	sgt.u32 @!p0 s3, $0x7C  }
0x74: {  	p1 =	por p1, p0  }
0x75: {  	s3 =	simm.s32 @!p1 $0xC  }
0x76: {  	_ =	swait.ge @!p1 [sflag:s3], $0x1400  }
0x77: {  	[sflag:s3] =	ssyncset.done @!p1 $0x0  }
0x78: {  	[sflag:s3] =	ssyncadd.s32 @!p1 $0xFFFFEC00;
	s3 =	sshra.s32 @!p1 s28, $0x2  }
0x79: {  	s29 =	simm.s32 @!p1 $0x28;
	s30 =	simm.s32 @!p1 $0x6310;
	s3 =	sadd.s32 @!p1 $0x1B8, s3  }
0x7a: {  	[tilespmem:s30], [sflag:$0x4] =	stream.indirect.gather @!p1 [hbm4b:s8+s29], $0x80, s3, s29, $0xb8;
	[tilespmem:$0x1FF90] =	vst v63  }
0x7b: {  	s3 =	sadd.s32 @!p0 $0xFFFFFFFD, s26  }
0x7c: {  	p1 =	sgt.u32 @!p0 s3, $0x7C  }
0x7d: {  	p1 =	por p1, p0  }
0x7e: {  	s3 =	simm.s32 @!p1 $0xD  }
0x7f: {  	_ =	swait.ge @!p1 [sflag:s3], $0x1400  }
0x80: {  	[sflag:s3] =	ssyncset.done @!p1 $0x0  }
0x81: {  	[sflag:s3] =	ssyncadd.s32 @!p1 $0xFFFFEC00;
	s3 =	sshra.s32 @!p1 s28, $0x2  }
0x82: {  	s29 =	simm.s32 @!p1 $0x28;
	s30 =	simm.s32 @!p1 $0x7710;
	s3 =	sadd.s32 @!p1 $0x1E0, s3  }
0x83: {  	[tilespmem:s30], [sflag:$0x5] =	stream.indirect.gather @!p1 [hbm4b:s8+s29], $0x80, s3, s29, $0xb8;
	[tilespmem:$0x1FF90] =	vst v63  }
0x84: {  	s3 =	sadd.s32 @!p0 $0xFFFFFFFE, s26  }
0x85: {  	p1 =	sgt.u32 @!p0 s3, $0x7C  }
0x86: {  	p1 =	por p1, p0  }
0x87: {  	s3 =	simm.s32 @!p1 $0xE  }
0x88: {  	_ =	swait.ge @!p1 [sflag:s3], $0x1400  }
0x89: {  	[sflag:s3] =	ssyncset.done @!p1 $0x0  }
0x8a: {  	[sflag:s3] =	ssyncadd.s32 @!p1 $0xFFFFEC00;
	s3 =	sshra.s32 @!p1 s28, $0x2  }
0x8b: {  	s29 =	simm.s32 @!p1 $0x28;
	s30 =	simm.s32 @!p1 $0x8B10;
	s3 =	sadd.s32 @!p1 $0x208, s3  }
0x8c: {  	[tilespmem:s30], [sflag:$0x6] =	stream.indirect.gather @!p1 [hbm4b:s8+s29], $0x80, s3, s29, $0xb8;
	[tilespmem:$0x1FF90] =	vst v63  }
0x8d: {  	s3 =	sadd.s32 @!p0 $0xFFFFFFFF, s26  }
0x8e: {  	p1 =	sgt.u32 @!p0 s3, $0x7C  }
0x8f: {  	p1 =	por p1, p0  }
0x90: {  	s3 =	simm.s32 @!p1 $0xF  }
0x91: {  	_ =	swait.ge @!p1 [sflag:s3], $0x1400  }
0x92: {  	[sflag:s3] =	ssyncset.done @!p1 $0x0  }
0x93: {  	[sflag:s3] =	ssyncadd.s32 @!p1 $0xFFFFEC00;
	s3 =	sshra.s32 @!p1 s28, $0x2  }
0x94: {  	s29 =	simm.s32 @!p1 $0x28;
	s30 =	simm.s32 @!p1 $0x9F10;
	s3 =	sadd.s32 @!p1 $0x230, s3  }
0x95: {  	[tilespmem:s30], [sflag:$0x7] =	stream.indirect.gather @!p1 [hbm4b:s8+s29], $0x80, s3, s29, $0xb8;
	[tilespmem:$0x1FF90] =	vst v63  }
0x96: {  	p1 =	sgt.u32 @!p0 s26, $0x7C  }
0x97: {  	p1 =	por p1, p0  }
0x98: {  	s3 =	simm.s32 @!p1 $0x10  }
0x99: {  	_ =	swait.ge @!p1 [sflag:s3], $0x1400  }
0x9a: {  	[sflag:s3] =	ssyncset.done @!p1 $0x0  }
0x9b: {  	s29 =	simm.s32 @!p1 $0x28;
	[sflag:s3] =	ssyncadd.s32 @!p1 $0xFFFFEC00;
	s3 =	sshra.s32 @!p1 s28, $0x2  }
0x9c: {  	s30 =	simm.s32 @!p1 $0xB310;
	s28 =	sadd.s32 @!p0 $0x500, s28;
	s3 =	sadd.s32 @!p1 $0x258, s3  }
0x9d: {  	[tilespmem:s30], [sflag:$0x8] =	stream.indirect.gather @!p1 [hbm4b:s8+s29], $0x80, s3, s29, $0xb8;
	[tilespmem:$0x1FF90] =	vst v63  }
0x9e: {  	p1 =	sne.s32 @!p0 s28, $0x5000  }
0x9f: {  	p1 =	por p0, !p1  }
.Ltmp0:
0xa0: {  	_ = 	snop;
	(pc) =	sbr.rel @!p1 .LBB2_2-.Ltmp0, $2  }
0xa1: {  	_ =	sdelay $0x2  }
0xa2: {  	s26 =	sadd.s32 @!p0 $0x8, s26  }
0xa3: {  	_ =	swait.ge [sflag:s15], $0x1400  }
0xa4: {  	[sflag:s15] =	ssyncset.done $0x0  }
0xa5: {  	[sflag:s15] =	ssyncadd.s32 $0xFFFFEC00  }
0xa6: {  	_ =	swait.ge [sflag:s9], $0x1400  }
0xa7: {  	[sflag:s9] =	ssyncset.done $0x0  }
0xa8: {  	[sflag:s9] =	ssyncadd.s32 $0xFFFFEC00  }
0xa9: {  	_ =	swait.ge [sflag:s10], $0x1400  }
0xaa: {  	[sflag:s10] =	ssyncset.done $0x0  }
0xab: {  	[sflag:s10] =	ssyncadd.s32 $0xFFFFEC00  }
0xac: {  	_ =	swait.ge [sflag:s11], $0x1400  }
0xad: {  	[sflag:s11] =	ssyncset.done $0x0  }
0xae: {  	[sflag:s11] =	ssyncadd.s32 $0xFFFFEC00  }
0xaf: {  	_ =	swait.ge [sflag:s12], $0x1400  }
0xb0: {  	[sflag:s12] =	ssyncset.done $0x0  }
0xb1: {  	[sflag:s12] =	ssyncadd.s32 $0xFFFFEC00  }
0xb2: {  	_ =	swait.ge [sflag:s19], $0x1400  }
0xb3: {  	[sflag:s19] =	ssyncset.done $0x0  }
0xb4: {  	s26 =	simm.s32 $0xF;
	[sflag:s19] =	ssyncadd.s32 $0xFFFFEC00  }
0xb5: {  	_ =	swait.ge [sflag:s26], $0x1400  }
0xb6: {  	[sflag:s26] =	ssyncset.done $0x0  }
0xb7: {  	[sflag:s26] =	ssyncadd.s32 $0xFFFFEC00  }
0xb8: {  	_ =	swait.ge [sflag:s21], $0x1400  }
0xb9: {  	[sflag:s21] =	ssyncset.done $0x0  }
0xba: {  	s28 =	simm.s32 $0x0;
	s3 =	rddreg [dreg:$0x6];
	[sflag:s21] =	ssyncadd.s32 $0xFFFFEC00  }
0xbb: {  	[tilespmem:s28], [sflag:$0x11] =	stream.linear.gather [hbm4b:s3+s28], $0x1388, $0x38;
	[tilespmem:$0x1FF90] =	vst v63  }
0xbc: {  	_ =	swait.ge [sflag:s14], $0x1388  }
0xbd: {  	[sflag:s14] =	ssyncset.done $0x0  }
0xbe: {  	s29 =	simm.s32 $0x1388;
	s31 =	rddreg [dreg:$0x7];
	[sflag:s14] =	ssyncadd.s32 $0xFFFFEC78  }
0xbf: {  	[tilespmem:s29], [sflag:$0x11] =	stream.linear.gather [hbm4b:s31+s28], $0x1388, $0x38;
	[tilespmem:$0x1FF90] =	vst v63  }
0xc0: {  	_ =	swait.ge [sflag:s14], $0x1388  }
0xc1: {  	[sflag:s14] =	ssyncset.done $0x0  }
0xc2: {  	[sflag:s14] =	ssyncadd.s32 $0xFFFFEC78  }
0xc3: {  	[tilespmem:s17], [sflag:$0x1] =	stream.indirect.gather [hbm4b:s8+s16], $0x80, s28, s16, $0xb8;
	[tilespmem:$0x1FF90] =	vst v63  }
0xc4: {  	_ = 	snop  }
0xc5: {  	[tilespmem:s18], [sflag:$0x2] =	stream.indirect.gather [hbm4b:s8+s16], $0x80, s16, s16, $0xb8;
	[tilespmem:$0x1FF90] =	vst v63  }
0xc6: {  	s30 =	simm.s32 $0x50  }
0xc7: {  	[tilespmem:s20], [sflag:$0x3] =	stream.indirect.gather [hbm4b:s8+s16], $0x80, s30, s16, $0xb8;
	[tilespmem:$0x1FF90] =	vst v63  }
0xc8: {  	s31 =	simm.s32 $0x78  }
0xc9: {  	[tilespmem:s22], [sflag:$0x4] =	stream.indirect.gather [hbm4b:s8+s16], $0x80, s31, s16, $0xb8;
	[tilespmem:$0x1FF90] =	vst v63  }
0xca: {  	s29 =	simm.s32 $0xA0  }
0xcb: {  	[tilespmem:s24], [sflag:$0x5] =	stream.indirect.gather [hbm4b:s8+s16], $0x80, s29, s16, $0xb8;
	[tilespmem:$0x1FF90] =	vst v63  }
0xcc: {  	s30 =	simm.s32 $0xC8;
	s31 =	simm.s32 $0x8B10  }
0xcd: {  	[tilespmem:s31], [sflag:$0x6] =	stream.indirect.gather [hbm4b:s8+s16], $0x80, s30, s16, $0xb8;
	[tilespmem:$0x1FF90] =	vst v63  }
0xce: {  	s30 =	simm.s32 $0xF0;
	s31 =	simm.s32 $0x9F10  }
0xcf: {  	[tilespmem:s31], [sflag:$0x7] =	stream.indirect.gather [hbm4b:s8+s16], $0x80, s30, s16, $0xb8;
	[tilespmem:$0x1FF90] =	vst v63  }
0xd0: {  	s30 =	simm.s32 $0x118;
	s31 =	simm.s32 $0xB310  }
0xd1: {  	[tilespmem:s31], [sflag:$0x8] =	stream.indirect.gather [hbm4b:s8+s16], $0x80, s30, s16, $0xb8;
	[tilespmem:$0x1FF90] =	vst v63  }
.LBB2_4:
0xd2: {  	_ =	swait.ge [sflag:s0], $0x1400  }
0xd3: {  	s3 =	sshra.s32 s28, $0x2;
	[sflag:s0] =	ssyncset.done $0x0  }
0xd4: {  	s29 =	sadd.s32 $0x1388, s3;
	[sflag:s0] =	ssyncadd.s32 $0xFFFFEC00  }
0xd5: {  	[spmem:s2] =	stream.indirect.scatter.add.f32 [tilespmem:s17], [sflag:$0x9], $0x80, s29, s16, $0xb8;
	[tilespmem:$0x1FF90] =	vst v63  }
0xd6: {  	_ =	swait.ge [sflag:s1], $0x1400  }
0xd7: {  	[sflag:s1] =	ssyncset.done $0x0  }
0xd8: {  	s30 =	sadd.s32 $0x13B0, s3;
	[sflag:s1] =	ssyncadd.s32 $0xFFFFEC00  }
0xd9: {  	[spmem:s2] =	stream.indirect.scatter.add.f32 [tilespmem:s18], [sflag:$0xA], $0x80, s30, s16, $0xb8;
	[tilespmem:$0x1FF90] =	vst v63  }
0xda: {  	_ =	swait.ge [sflag:s4], $0x1400  }
0xdb: {  	[sflag:s4] =	ssyncset.done $0x0  }
0xdc: {  	s31 =	sadd.s32 $0x13D8, s3;
	[sflag:s4] =	ssyncadd.s32 $0xFFFFEC00  }
0xdd: {  	[spmem:s2] =	stream.indirect.scatter.add.f32 [tilespmem:s20], [sflag:$0xB], $0x80, s31, s16, $0xb8;
	[tilespmem:$0x1FF90] =	vst v63  }
0xde: {  	_ =	swait.ge [sflag:s6], $0x1400  }
0xdf: {  	[sflag:s6] =	ssyncset.done $0x0  }
0xe0: {  	s30 =	sadd.s32 $0x1400, s3;
	[sflag:s6] =	ssyncadd.s32 $0xFFFFEC00  }
0xe1: {  	[spmem:s2] =	stream.indirect.scatter.add.f32 [tilespmem:s22], [sflag:$0xC], $0x80, s30, s16, $0xb8;
	[tilespmem:$0x1FF90] =	vst v63  }
0xe2: {  	_ =	swait.ge [sflag:s7], $0x1400  }
0xe3: {  	s31 =	sadd.s32 $0xFFFFFFF6, s26;
	[sflag:s7] =	ssyncset.done $0x0  }
0xe4: {  	s3 =	sadd.s32 $0x1428, s3;
	p0 =	sgt.u32 s31, $0x7C;
	[sflag:s7] =	ssyncadd.s32 $0xFFFFEC00  }
0xe5: {  	[spmem:s2] =	stream.indirect.scatter.add.f32 [tilespmem:s24], [sflag:$0xD], $0x80, s3, s16, $0xb8;
	[tilespmem:$0x1FF90] =	vst v63  }
0xe6: {  	s3 =	simm.s32 @!p0 $0x6  }
0xe7: {  	_ =	swait.ge @!p0 [sflag:s3], $0x1400  }
0xe8: {  	[sflag:s3] =	ssyncset.done @!p0 $0x0  }
0xe9: {  	[sflag:s3] =	ssyncadd.s32 @!p0 $0xFFFFEC00;
	s3 =	sshra.s32 @!p0 s28, $0x2  }
0xea: {  	s31 =	simm.s32 @!p0 $0x8B10;
	s30 =	simm.s32 @!p0 $0x28;
	s29 =	sadd.s32 @!p0 $0x1450, s3  }
0xeb: {  	[spmem:s2] =	stream.indirect.scatter.add.f32 @!p0 [tilespmem:s31], [sflag:$0xE], $0x80, s29, s30, $0xb8;
	[tilespmem:$0x1FF90] =	vst v63  }
0xec: {  	s29 =	simm.s32 @!p0 $0x7  }
0xed: {  	_ =	swait.ge @!p0 [sflag:s29], $0x1400  }
0xee: {  	[sflag:s29] =	ssyncset.done @!p0 $0x0  }
0xef: {  	s31 =	simm.s32 @!p0 $0x9F10;
	[sflag:s29] =	ssyncadd.s32 @!p0 $0xFFFFEC00;
	s29 =	sadd.s32 @!p0 $0x1478, s3  }
0xf0: {  	[spmem:s2] =	stream.indirect.scatter.add.f32 @!p0 [tilespmem:s31], [sflag:$0xF], $0x80, s29, s30, $0xb8;
	[tilespmem:$0x1FF90] =	vst v63  }
0xf1: {  	s29 =	simm.s32 @!p0 $0x8  }
0xf2: {  	_ =	swait.ge @!p0 [sflag:s29], $0x1400  }
0xf3: {  	[sflag:s29] =	ssyncset.done @!p0 $0x0  }
0xf4: {  	s3 =	sadd.s32 @!p0 $0x14A0, s3;
	[sflag:s29] =	ssyncadd.s32 @!p0 $0xFFFFEC00;
	s29 =	simm.s32 @!p0 $0xB310  }
0xf5: {  	[spmem:s2] =	stream.indirect.scatter.add.f32 @!p0 [tilespmem:s29], [sflag:$0x10], $0x80, s3, s30, $0xb8;
	[tilespmem:$0x1FF90] =	vst v63  }
0xf6: {  	p0 =	seq.s32 s28, $0x4B00  }
0xf7: {  	s3 =	simm.s32 @!p0 $0x9  }
0xf8: {  	_ =	swait.ge @!p0 [sflag:s3], $0x1400  }
0xf9: {  	[sflag:s3] =	ssyncset.done @!p0 $0x0  }
0xfa: {  	[sflag:s3] =	ssyncadd.s32 @!p0 $0xFFFFEC00;
	s3 =	sshra.s32 @!p0 s28, $0x2  }
0xfb: {  	s29 =	simm.s32 @!p0 $0x28;
	s30 =	simm.s32 @!p0 $0x2710;
	s3 =	sadd.s32 @!p0 $0x140, s3  }
0xfc: {  	[tilespmem:s30], [sflag:$0x1] =	stream.indirect.gather @!p0 [hbm4b:s8+s29], $0x80, s3, s29, $0xb8;
	[tilespmem:$0x1FF90] =	vst v63  }
0xfd: {  	s3 =	sadd.s32 @!p0 $0xFFFFFFFA, s26  }
0xfe: {  	p1 =	sgt.u32 @!p0 s3, $0x7C  }
0xff: {  	p1 =	por p1, p0  }
0x100: {  	s3 =	simm.s32 @!p1 $0xA  }
0x101: {  	_ =	swait.ge @!p1 [sflag:s3], $0x1400  }
0x102: {  	[sflag:s3] =	ssyncset.done @!p1 $0x0  }
0x103: {  	[sflag:s3] =	ssyncadd.s32 @!p1 $0xFFFFEC00;
	s3 =	sshra.s32 @!p1 s28, $0x2  }
0x104: {  	s29 =	simm.s32 @!p1 $0x28;
	s30 =	simm.s32 @!p1 $0x3B10;
	s3 =	sadd.s32 @!p1 $0x168, s3  }
0x105: {  	[tilespmem:s30], [sflag:$0x2] =	stream.indirect.gather @!p1 [hbm4b:s8+s29], $0x80, s3, s29, $0xb8;
	[tilespmem:$0x1FF90] =	vst v63  }
0x106: {  	s3 =	sadd.s32 @!p0 $0xFFFFFFFB, s26  }
0x107: {  	p1 =	sgt.u32 @!p0 s3, $0x7C  }
0x108: {  	p1 =	por p1, p0  }
0x109: {  	s3 =	simm.s32 @!p1 $0xB  }
0x10a: {  	_ =	swait.ge @!p1 [sflag:s3], $0x1400  }
0x10b: {  	[sflag:s3] =	ssyncset.done @!p1 $0x0  }
0x10c: {  	[sflag:s3] =	ssyncadd.s32 @!p1 $0xFFFFEC00;
	s3 =	sshra.s32 @!p1 s28, $0x2  }
0x10d: {  	s29 =	simm.s32 @!p1 $0x28;
	s30 =	simm.s32 @!p1 $0x4F10;
	s3 =	sadd.s32 @!p1 $0x190, s3  }
0x10e: {  	[tilespmem:s30], [sflag:$0x3] =	stream.indirect.gather @!p1 [hbm4b:s8+s29], $0x80, s3, s29, $0xb8;
	[tilespmem:$0x1FF90] =	vst v63  }
0x10f: {  	s3 =	sadd.s32 @!p0 $0xFFFFFFFC, s26  }
0x110: {  	p1 =	sgt.u32 @!p0 s3, $0x7C  }
0x111: {  	p1 =	por p1, p0  }
0x112: {  	s3 =	simm.s32 @!p1 $0xC  }
0x113: {  	_ =	swait.ge @!p1 [sflag:s3], $0x1400  }
0x114: {  	[sflag:s3] =	ssyncset.done @!p1 $0x0  }
0x115: {  	[sflag:s3] =	ssyncadd.s32 @!p1 $0xFFFFEC00;
	s3 =	sshra.s32 @!p1 s28, $0x2  }
0x116: {  	s29 =	simm.s32 @!p1 $0x28;
	s30 =	simm.s32 @!p1 $0x6310;
	s3 =	sadd.s32 @!p1 $0x1B8, s3  }
0x117: {  	[tilespmem:s30], [sflag:$0x4] =	stream.indirect.gather @!p1 [hbm4b:s8+s29], $0x80, s3, s29, $0xb8;
	[tilespmem:$0x1FF90] =	vst v63  }
0x118: {  	s3 =	sadd.s32 @!p0 $0xFFFFFFFD, s26  }
0x119: {  	p1 =	sgt.u32 @!p0 s3, $0x7C  }
0x11a: {  	p1 =	por p1, p0  }
0x11b: {  	s3 =	simm.s32 @!p1 $0xD  }
0x11c: {  	_ =	swait.ge @!p1 [sflag:s3], $0x1400  }
0x11d: {  	[sflag:s3] =	ssyncset.done @!p1 $0x0  }
0x11e: {  	[sflag:s3] =	ssyncadd.s32 @!p1 $0xFFFFEC00;
	s3 =	sshra.s32 @!p1 s28, $0x2  }
0x11f: {  	s29 =	simm.s32 @!p1 $0x28;
	s30 =	simm.s32 @!p1 $0x7710;
	s3 =	sadd.s32 @!p1 $0x1E0, s3  }
0x120: {  	[tilespmem:s30], [sflag:$0x5] =	stream.indirect.gather @!p1 [hbm4b:s8+s29], $0x80, s3, s29, $0xb8;
	[tilespmem:$0x1FF90] =	vst v63  }
0x121: {  	s3 =	sadd.s32 @!p0 $0xFFFFFFFE, s26  }
0x122: {  	p1 =	sgt.u32 @!p0 s3, $0x7C  }
0x123: {  	p1 =	por p1, p0  }
0x124: {  	s3 =	simm.s32 @!p1 $0xE  }
0x125: {  	_ =	swait.ge @!p1 [sflag:s3], $0x1400  }
0x126: {  	[sflag:s3] =	ssyncset.done @!p1 $0x0  }
0x127: {  	[sflag:s3] =	ssyncadd.s32 @!p1 $0xFFFFEC00;
	s3 =	sshra.s32 @!p1 s28, $0x2  }
0x128: {  	s29 =	simm.s32 @!p1 $0x28;
	s30 =	simm.s32 @!p1 $0x8B10;
	s3 =	sadd.s32 @!p1 $0x208, s3  }
0x129: {  	[tilespmem:s30], [sflag:$0x6] =	stream.indirect.gather @!p1 [hbm4b:s8+s29], $0x80, s3, s29, $0xb8;
	[tilespmem:$0x1FF90] =	vst v63  }
0x12a: {  	s3 =	sadd.s32 @!p0 $0xFFFFFFFF, s26  }
0x12b: {  	p1 =	sgt.u32 @!p0 s3, $0x7C  }
0x12c: {  	p1 =	por p1, p0  }
0x12d: {  	s3 =	simm.s32 @!p1 $0xF  }
0x12e: {  	_ =	swait.ge @!p1 [sflag:s3], $0x1400  }
0x12f: {  	[sflag:s3] =	ssyncset.done @!p1 $0x0  }
0x130: {  	[sflag:s3] =	ssyncadd.s32 @!p1 $0xFFFFEC00;
	s3 =	sshra.s32 @!p1 s28, $0x2  }
0x131: {  	s29 =	simm.s32 @!p1 $0x28;
	s30 =	simm.s32 @!p1 $0x9F10;
	s3 =	sadd.s32 @!p1 $0x230, s3  }
0x132: {  	[tilespmem:s30], [sflag:$0x7] =	stream.indirect.gather @!p1 [hbm4b:s8+s29], $0x80, s3, s29, $0xb8;
	[tilespmem:$0x1FF90] =	vst v63  }
0x133: {  	p1 =	sgt.u32 @!p0 s26, $0x7C  }
0x134: {  	p1 =	por p1, p0  }
0x135: {  	s3 =	simm.s32 @!p1 $0x10  }
0x136: {  	_ =	swait.ge @!p1 [sflag:s3], $0x1400  }
0x137: {  	[sflag:s3] =	ssyncset.done @!p1 $0x0  }
0x138: {  	s29 =	simm.s32 @!p1 $0x28;
	[sflag:s3] =	ssyncadd.s32 @!p1 $0xFFFFEC00;
	s3 =	sshra.s32 @!p1 s28, $0x2  }
0x139: {  	s30 =	simm.s32 @!p1 $0xB310;
	s28 =	sadd.s32 @!p0 $0x500, s28;
	s3 =	sadd.s32 @!p1 $0x258, s3  }
0x13a: {  	[tilespmem:s30], [sflag:$0x8] =	stream.indirect.gather @!p1 [hbm4b:s8+s29], $0x80, s3, s29, $0xb8;
	[tilespmem:$0x1FF90] =	vst v63  }
0x13b: {  	p1 =	sne.s32 @!p0 s28, $0x5000  }
0x13c: {  	p1 =	por p0, !p1  }
.Ltmp1:
0x13d: {  	_ = 	snop;
	(pc) =	sbr.rel @!p1 .LBB2_4-.Ltmp1, $2  }
0x13e: {  	_ =	sdelay $0x2  }
0x13f: {  	s26 =	sadd.s32 @!p0 $0x8, s26  }
0x140: {  	_ =	swait.ge [sflag:s15], $0x1400  }
0x141: {  	[sflag:s15] =	ssyncset.done $0x0  }
0x142: {  	[sflag:s15] =	ssyncadd.s32 $0xFFFFEC00  }
0x143: {  	_ =	swait.ge [sflag:s9], $0x1400  }
0x144: {  	[sflag:s9] =	ssyncset.done $0x0  }
0x145: {  	[sflag:s9] =	ssyncadd.s32 $0xFFFFEC00  }
0x146: {  	_ =	swait.ge [sflag:s10], $0x1400  }
0x147: {  	[sflag:s10] =	ssyncset.done $0x0  }
0x148: {  	[sflag:s10] =	ssyncadd.s32 $0xFFFFEC00  }
0x149: {  	_ =	swait.ge [sflag:s11], $0x1400  }
0x14a: {  	[sflag:s11] =	ssyncset.done $0x0  }
0x14b: {  	[sflag:s11] =	ssyncadd.s32 $0xFFFFEC00  }
0x14c: {  	_ =	swait.ge [sflag:s12], $0x1400  }
0x14d: {  	[sflag:s12] =	ssyncset.done $0x0  }
0x14e: {  	[sflag:s12] =	ssyncadd.s32 $0xFFFFEC00  }
0x14f: {  	_ =	swait.ge [sflag:s19], $0x1400  }
0x150: {  	[sflag:s19] =	ssyncset.done $0x0  }
0x151: {  	[sflag:s19] =	ssyncadd.s32 $0xFFFFEC00  }
0x152: {  	_ =	swait.ge [sflag:s23], $0x1400  }
0x153: {  	[sflag:s23] =	ssyncset.done $0x0  }
0x154: {  	[sflag:s23] =	ssyncadd.s32 $0xFFFFEC00  }
0x155: {  	_ =	swait.ge [sflag:s21], $0x1400  }
0x156: {  	[sflag:s21] =	ssyncset.done $0x0  }
0x157: {  	[sflag:s21] =	ssyncadd.s32 $0xFFFFEC00  }
0x158: {  	[bflag:$0x0] =	sbarrier.arrive $0xFFFF  }
0x159: {  	s3 =	rddreg [dreg:$0x8]  }
0x15a: {  	[hbm:s3], [sflag:s5] =	dma.local [spmem:s13], $0x2710  }
0x15b: {  	_ =	swait.ge [sflag:s14], $0x2710  }
0x15c: {  	s25 =	sadd.s32 $0x1, s25;
	s31 =	rddreg [dreg:$0x9]  }
0x15d: {  	p0 =	sne.s32 s25, s31  }
.Ltmp2:
0x15e: {  	_ = 	snop;
	(pc) =	sbr.rel @p0 .LBB2_1-.Ltmp2, $3  }
0x15f: {  	_ =	sdelay $0x1  }
0x160: {  	[sflag:s14] =	ssyncset.done $0x0  }
0x161: {  	[sflag:s14] =	ssyncadd.s32 $0xFFFFD8F0  }
0x162: {  	_ =	sfence.sel $0x180000  }
0x163: {  	[bflag:$0x0] =	sbarrier.arrive $0xFFFF  }
0x164: {  	_ =	strace $0x9000004A  }
0x165: {  	s0 =	stileid.u32;
	[bflag:$0x2] =	sbarrier.arrive $0xFFFF  }
0x166: {  	p0 =	sne.s32 s0, $0x0;
	s0 =	rddreg [dreg:$0x2]  }
0x167: {  	s0 =	sadd.s32 @!p0 $0x100000, s0  }
0x168: {  	[sflag:s0] =	ssyncadd.tile.s32 @!p0 $0x1;
	_ =	shalt  }
.Lfunc_end2:
_tile_overlayer_lowered:
.L_overlay_start_2:
0x169: {  	(tag) =	ssettag $0x2  }
0x16a: {  	s0 =	rddreg [dreg:$0x0];
	s2 =	stileid.u32  }
0x16b: {  	s1 =	rddreg [dreg:$0x1];
	p0 =	sne.s32 s2, $0x0  }
0x16c: {  	s3 =	rddreg [dreg:$0x2];
	[bflag:$0x3] =	sbarrier.arrive $0xFFFF;
	s2 =	simm.s32 @!p0 $0x1C11  }
0x16d: {  	[timem:s3], [sflag:s2] =	dma.local @!p0 [hbm:s0], s1  }
0x16e: {  	s0 =	simm.s32 @!p0 $0x11  }
0x16f: {  	_ =	swait.ge @!p0 [sflag:s0], s1  }
0x170: {  	s1 =	ssub.s32 @!p0 $0x0, s1;
	[sflag:s0] =	ssyncset.done @!p0 $0x0  }
0x171: {  	[sflag:s0] =	ssyncadd.s32 @!p0 s1  }
0x172: {  	[bflag:$0x3] =	sbarrier.arrive $0xFFFF  }
0x173: {  	_ =	shalt  }

// kernel: kernel.15.cloned.1.call-start
scs
__scs_entry_jumppad:
0x0: {  	(pc) =	sbr.rel $0x88, $3  }
0x1: {  	(tag) =	ssettag $0x0;
	lr =	simm.s32 $0x1  }
0x2: {  	[smem:$0x3F9B] =	sst lr;
	_ =	strace $0xD0000000  }
0x3: {  	_ = 	snop  }
0x4: {  	_ = 	snop  }
0x5: {  	_ = 	snop  }
0x6: {  	_ = 	snop  }
0x7: {  	_ = 	snop  }
__scs_overlays_trampoline_lowered:
0x8: {  	[smem:$0x3FAA] =	sst s0  }
0x9: {  	[smem:$0x3FAB] =	sst s1  }
0xa: {  	[smem:$0x3FAC] =	sst s2  }
0xb: {  	[smem:$0x3FAD] =	sst s3  }
0xc: {  	[smem:$0x3FAE] =	sst s4  }
0xd: {  	[smem:$0x3FAF] =	sst s5  }
0xe: {  	[smem:$0x3FB0] =	sst s6  }
0xf: {  	[smem:$0x3FB1] =	sst s7  }
0x10: {  	[smem:$0x3FB2] =	sst s8  }
0x11: {  	[smem:$0x3FB3] =	sst s9;
	s0 =	simm.s32 @!p0 $0x0  }
0x12: {  	s1 =	sld [smem:$0x3F99];
	s0 =	simm.s32 @p0 $0x1  }
0x13: {  	[smem:$0x3FB4] =	sst s0;
	s0 =	simm.s32 @!p1 $0x0  }
0x14: {  	s2 =	sld [smem:$0x3F98];
	s0 =	simm.s32 @p1 $0x1  }
0x15: {  	[smem:$0x3FB5] =	sst s0;
	s0 =	simm.s32 @!p2 $0x0  }
0x16: {  	s3 =	sld [smem:$0x3FDB];
	s0 =	simm.s32 @p2 $0x1  }
0x17: {  	s4 =	simm.s32 $0x1BF5;
	[smem:$0x3FB7] =	sst s0  }
0x18: {  	s0 =	sld [smem:$0x3F9A];
	_ =	swait.ge [sflag:s4], $0x0  }
0x19: {  	s7 =	sld [smem:$0x3F9B]  }
0x1a: {  	s8 =	sadd.s32 $0xFFFFE003, lr  }
0x1b: {  	s9 =	sadd.s32 $0xFFFFFEF7, lr;
	s5 =	simm.s32 $0xFFFFFFFF;
	p2 =	slt.u32 s8, $0xFFFFF086  }
0x1c: {  	p1 =	slt.u32 s9, $0xF7A;
	s5 =	simm.s32 @!p2 $0x0  }
0x1d: {  	s5 =	simm.s32 @p1 $0x1;
	p0 =	seq.s32 s7, s2  }
0x1e: {  	s7 =	smul.u32 @!p0 $0xF7A, s2;
	p2 =	seq.s32 @!p0 s5, $0x0  }
0x1f: {  	s9 =	smul.u32 $0xF7A, s1;
	s8 =	simm.s32 @!p0 $0x1BF5;
	p2 =	por !p2, p0  }
0x20: {  	[sflag:s8] =	ssyncset.s32 @!p0 $0xFFFFF086;
	s6 =	sadd.s32 @!p0 s3, s7;
	s7 =	simm.s32 @!p0 $0x108  }
0x21: {  	s3 =	sadd.s32 s3, s9;
	s6 =	sadd.s32 @!p0 $0x88, s6;
	s7 =	simm.s32 @p2 $0x1082  }
0x22: {  	[simem:s7], [sflag:s8] =	dma.local @!p0 [hbm:s6], $0xF7A  }
0x23: {  	s9 =	sor.u32 $0xD0000000, s2;
	s6 =	simm.s32 $0x108;
	_ =	swait.ge @!p0 [sflag:s8], $0x0  }
0x24: {  	s3 =	sadd.s32 $0x88, s3;
	s6 =	simm.s32 @!p1 $0x1082;
	[sflag:s4] =	ssyncset.s32 $0xFFFFF086  }
0x25: {  	[simem:s6], [sflag:s4] =	dma.local [hbm:s3], $0xF7A  }
0x26: {  	[smem:$0x3F9B] =	sst s1;
	(tag) =	ssettag s2;
	_ =	strace s9  }
0x27: {  	s1 =	sld [smem:$0x3FAB]  }
0x28: {  	s2 =	sld [smem:$0x3FAC]  }
0x29: {  	s4 =	sld [smem:$0x3FAE]  }
0x2a: {  	p0 =	seq.s32 s5, $0x0;
	s5 =	sld [smem:$0x3FAF]  }
0x2b: {  	s6 =	sld [smem:$0x3FB0]  }
0x2c: {  	s7 =	sld [smem:$0x3FB1]  }
0x2d: {  	s3 =	simm.s32 $0x108;
	s8 =	sld [smem:$0x3FB2]  }
0x2e: {  	s3 =	simm.s32 @!p0 $0x1082;
	s9 =	sld [smem:$0x3FB3]  }
0x2f: {  	lr =	sadd.s32 s0, s3;
	s0 =	sld [smem:$0x3FAA]  }
0x30: {  	s3 =	sld [smem:$0x3FAD]  }
0x31: {  	[smem:$0x3FB6] =	sst s10  }
0x32: {  	s10 =	sld [smem:$0x3FB4];
	_ =	sdelay $0x3  }
0x33: {  	p0 =	seq.s32 s10, $0x1;
	s10 =	sld [smem:$0x3FB6];
	_ =	sdelay $0x3  }
0x34: {  	[smem:$0x3FB6] =	sst s10  }
0x35: {  	s10 =	sld [smem:$0x3FB5];
	_ =	sdelay $0x3  }
0x36: {  	p1 =	seq.s32 s10, $0x1;
	s10 =	sld [smem:$0x3FB6];
	_ =	sdelay $0x3  }
0x37: {  	[smem:$0x3FB6] =	sst s10  }
0x38: {  	s10 =	sld [smem:$0x3FB7]  }
0x39: {  	_ = 	snop;
	(pc) =	sbr.ind lr, $3  }
0x3a: {  	_ = 	snop  }
0x3b: {  	_ = 	snop  }
0x3c: {  	p2 =	seq.s32 s10, $0x1;
	s10 =	sld [smem:$0x3FB6]  }
0x3d: {  	_ =	shalt  }
0x3e: {  	_ =	shalt  }
0x3f: {  	_ =	shalt  }
0x40: {  	_ =	shalt  }
0x41: {  	_ =	shalt  }
0x42: {  	_ =	shalt  }
0x43: {  	_ =	shalt  }
0x44: {  	_ =	shalt  }
0x45: {  	_ =	shalt  }
0x46: {  	_ =	shalt  }
0x47: {  	_ =	shalt  }
0x48: {  	_ =	shalt  }
0x49: {  	_ =	shalt  }
0x4a: {  	_ =	shalt  }
0x4b: {  	_ =	shalt  }
0x4c: {  	_ =	shalt  }
0x4d: {  	_ =	shalt  }
0x4e: {  	_ =	shalt  }
0x4f: {  	_ =	shalt  }
0x50: {  	_ =	shalt  }
0x51: {  	_ =	shalt  }
0x52: {  	_ =	shalt  }
0x53: {  	_ =	shalt  }
0x54: {  	_ =	shalt  }
0x55: {  	_ =	shalt  }
0x56: {  	_ =	shalt  }
0x57: {  	_ =	shalt  }
0x58: {  	_ =	shalt  }
0x59: {  	_ =	shalt  }
0x5a: {  	_ =	shalt  }
0x5b: {  	_ =	shalt  }
0x5c: {  	_ =	shalt  }
0x5d: {  	_ =	shalt  }
0x5e: {  	_ =	shalt  }
0x5f: {  	_ =	shalt  }
0x60: {  	_ =	shalt  }
0x61: {  	_ =	shalt  }
0x62: {  	_ =	shalt  }
0x63: {  	_ =	shalt  }
0x64: {  	_ =	shalt  }
0x65: {  	_ =	shalt  }
0x66: {  	_ =	shalt  }
0x67: {  	_ =	shalt  }
0x68: {  	_ =	shalt  }
0x69: {  	_ =	shalt  }
0x6a: {  	_ =	shalt  }
0x6b: {  	_ =	shalt  }
0x6c: {  	_ =	shalt  }
0x6d: {  	_ =	shalt  }
0x6e: {  	_ =	shalt  }
0x6f: {  	_ =	shalt  }
0x70: {  	_ =	shalt  }
0x71: {  	_ =	shalt  }
0x72: {  	_ =	shalt  }
0x73: {  	_ =	shalt  }
0x74: {  	_ =	shalt  }
0x75: {  	_ =	shalt  }
0x76: {  	_ =	shalt  }
0x77: {  	_ =	shalt  }
0x78: {  	_ =	shalt  }
0x79: {  	_ =	shalt  }
0x7a: {  	_ =	shalt  }
0x7b: {  	_ =	shalt  }
0x7c: {  	_ =	shalt  }
0x7d: {  	_ =	shalt  }
0x7e: {  	_ =	shalt  }
0x7f: {  	_ =	shalt  }
0x80: {  	_ =	shalt  }
0x81: {  	_ =	shalt  }
0x82: {  	_ =	shalt  }
0x83: {  	_ =	shalt  }
0x84: {  	_ =	shalt  }
0x85: {  	_ =	shalt  }
0x86: {  	_ =	shalt  }
0x87: {  	_ =	shalt  }
.Lfunc_end0:
.L_simem_size_0:
called_computation.2_lowered:
.L_overlay_start_0:
0x88: {  	s2 =	sld [smem:$0x3FD9]  }
0x89: {  	s3 =	sld [smem:$0x3FFE];
	_ =	sdelay $0x1  }
0x8a: {  	s1 =	srdreg.scid  }
0x8b: {  	s0 =	sand.u32 $0x1, s1  }
0x8c: {  	s17 =	sshll.u32 s0, $0xA;
	s2 =	sadd.s32 s3, s2  }
0x8d: {  	s2 =	sadd.s32 s2, s17  }
0x8e: {  	[smem:$0x3FC2] =	sst s2  }
0x8f: {  	_ = 	snop  }
0x90: {  	s2 =	sld [smem:$0x3FD0];
	(tm) =	ssettm $0x1  }
0x91: {  	s18 =	sld [smem:$0x3FFB];
	_ =	sdelay $0x3  }
0x92: {  	_ =	strace s18  }
0x93: {  	s3 =	sld [smem:$0x3FFC];
	_ =	sdelay $0x3  }
0x94: {  	_ =	strace s3  }
0x95: {  	s3 =	sld [smem:$0x3FFD];
	_ =	sdelay $0x3  }
0x96: {  	_ =	strace s3  }
0x97: {  	_ =	strace $0x8FFFFFFF  }
0x98: {  	s19 =	sld [smem:$0x3FDB];
	_ =	sdelay $0x1  }
0x99: {  	s4 =	simm.s32 $_scs_section_size  }
0x9a: {  	s5 =	simm.s32 $_size__tile_overlayer_lowered;
	s6 =	simm.s32 $_tile_overlayer_lowered  }
0x9b: {  	s22 =	simm.s32 $0x1BFF;
	s21 =	sshll.u32 s6, $0x1;
	s3 =	sadd.s32 s4, s19  }
0x9c: {  	s7 =	simm.s32 $0x0;
	s20 =	sshll.u32 s5, $0x1;
	s5 =	sadd.s32 s21, s3  }
0x9d: {  	[timem:s7], [sflag:s22] =	dma.local [hbm:s5], s20  }
0x9e: {  	_ =	swait.ge [sflag:s22], s20  }
0x9f: {  	s4 =	ssub.s32 $0x0, s20;
	[sflag:s22] =	ssyncset.done $0x0  }
0xa0: {  	[sflag:s22] =	ssyncadd.s32 s4;
	_ =	sdelay $0x1  }
0xa1: {  	s23 =	simm.s32 $0x1B8B  }
0xa2: {  	_ =	swait.ge [sflag:s23], $0x1  }
0xa3: {  	[sflag:s23] =	ssyncset.done $0x0  }
0xa4: {  	s25 =	simm.s32 $0x1B8E;
	s24 =	sld [smem:$0x3FFE];
	[sflag:s23] =	ssyncadd.s32 $0xFFFFFFFF  }
0xa5: {  	s26 =	simm.s32 $execute0_lowered;
	[smem:$0x3FD2] =	sst s25  }
0xa6: {  	s5 =	sshll.u32 s26, $0x1;
	_ =	strace $0x8000004C;
	[dreg:$0x1] =	wrdreg $0xFFFFFFFF  }
0xa7: {  	s28 =	simm.s32 $_size_execute0_lowered;
	s3 =	sadd.s32 s3, s5;
	[dreg:$0x0] =	wrdreg $0x0  }
0xa8: {  	s5 =	sshll.u32 s28, $0x1;
	[dreg:$0x2] =	wrdreg s3  }
0xa9: {  	[dreg:$0x3] =	wrdreg s5  }
0xaa: {  	[dreg:$0x4] =	wrdreg $0xC0  }
0xab: {  	_ =	task [dreg:s7], $0x5FFFF  }
0xac: {  	[dreg:$0x1] =	wrdreg $0xFFFFFFFF  }
0xad: {  	[dreg:$0x0] =	wrdreg $0x60  }
0xae: {  	[dreg:$0x2] =	wrdreg s24  }
0xaf: {  	[dreg:$0x3] =	wrdreg s2  }
0xb0: {  	[dreg:$0x4] =	wrdreg $0x168000  }
0xb1: {  	[dreg:$0x5] =	wrdreg $0x9  }
0xb2: {  	_ =	task.clear_ibuf [dreg:s7], $0x6FFFF;
	_ =	strace $0x9000004C  }
0xb3: {  	s29 =	simm.s32 $0x9;
	_ =	strace $0x8000004E  }
0xb4: {  	_ =	swait.ge [sflag:s29], $0x1  }
0xb5: {  	[sflag:s29] =	ssyncadd.s32 $0xFFFFFFFF  }
0xb6: {  	_ =	strace $0x9000004E  }
0xb7: {  	_ =	sfence  }
0xb8: {  	s30 =	sld [smem:$0x0];
	_ =	sdelay $0x2  }
0xb9: {  	s31 =	sshll.u32 s1, $0xD;
	s1 =	sshrl.u32 s1, $0x2  }
0xba: {  	s3 =	sand.u32 $0x4000, s31;
	s1 =	sadd.s32 s1, s30  }
0xbb: {  	s0 =	sor.u32 s3, s0;
	s1 =	sshll.u32 s1, $0x11  }
0xbc: {  	s0 =	sor.u32 s1, s0  }
0xbd: {  	s0 =	sadd.s32 $0x8F2B, s0  }
0xbe: {  	[sflag:s0] =	ssyncadd.remote.s32 $0x1  }
0xbf: {  	_ =	sfence.sel $0xFFFF  }
0xc0: {  	[dreg:$0x0] =	wrdreg $0xFFFFFFFF;
	(pc) =	sbr.abs _section_cstart, $3  }
0xc1: {  	[dreg:$0x1] =	wrdreg $0xFFFFFFFF  }
0xc2: {  	_ =	task.clear_ibuf [dreg:s7], $0x2FFFF;
	_ =	strace $0x9FFFFFFF  }
0xc3: {  	(tm) =	ssettm $0x7FFFFFFF  }
tec
execute0_lowered:
.L_overlay_start_1:
0x0: {  	(tag) =	ssettag $0x1  }
0x1: {  	s5 =	rddreg [dreg:$0x0]  }
0x2: {  	s1 =	rddreg [dreg:$0x1]  }
0x3: {  	s2 =	rddreg [dreg:$0x2]  }
0x4: {  	s0 =	rddreg [dreg:$0x3];
	s3 =	simm.s32 $0x0;
	s4 =	srdreg.scid  }
0x5: {  	s14 =	stileid.u32;
	s16 =	simm.s32 $0x0;
	[smem:$0x7FF] =	sst s3  }
0x6: {  	s6 =	sand.u32 $0x1, s4;
	s10 =	smul.u32 $0x2710, s14;
	s4 =	sadd.s32 $0xC200, s5  }
0x7: {  	s8 =	sadd.s32 $0x7200, s5;
	s9 =	sshll.u32 s14, $0x1;
	s11 =	sadd.s32 $0x2200, s5  }
0x8: {  	p0 =	seq.s32 s14, $0x0;
	s7 =	smul.u32 $0x27100, s6;
	s9 =	sor.u32 s6, s9  }
0x9: {  	_ =	strace $0x8000004D;
	s6 =	ssub.s32 $0x2, s6;
	s12 =	smul.u32 $0x27, s9  }
0xa: {  	s29 =	sshrl.u32 s6, $0x1;
	s30 =	smin.u32 s9, $0x2;
	s15 =	sadd.s32 s10, s2  }
0xb: {  	s7 =	sadd.s32 s10, s7;
	s31 =	ssub.s32 s6, s29;
	s15 =	sshrl.u32 s15, $0x3  }
0xc: {  	s7 =	sshrl.u32 s7, $0x3;
	s9 =	sadd.s32 s30, s12;
	s12 =	simm.s32 $0x3  }
0xd: {  	s13 =	sadd.s32 s7, s5;
	s5 =	simm.s32 $0x28;
	s9 =	sshll.u32 s9, $0x4  }
0xe: {  	s5 =	simm.s32 @!p0 $0x27;
	s6 =	sadd.s32 s8, s9;
	s7 =	sadd.s32 s11, s9  }
0xf: {  	s9 =	sadd.s32 $0x270, s9;
	s10 =	sadd.s32 $0x11200, s13;
	p0 =	sne.s32 s14, $0x0  }
0x10: {  	s13 =	simm.s32 $0x1400;
	s14 =	sshll.u32 s14, $0x6;
	s8 =	sadd.s32 s8, s9  }
0x11: {  	s9 =	sadd.s32 s11, s9;
	s11 =	smax.u32 s31, $0x1;
	s14 =	sor.u32 $0x1C03, s14  }
.LBB2_1:
0x12: {  	[tilespmem:s3], [sflag:$0x3] =	stream.linear.gather [hbm4b:s6+s3], $0x1380, $0x38;
	[tilespmem:$0x18F10] =	vst v63  }
0x13: {  	_ =	swait.ge [sflag:s12], $0x1380  }
0x14: {  	[sflag:s12] =	ssyncset.done $0x0  }
0x15: {  	[sflag:s12] =	ssyncadd.s32 $0xFFFFEC80  }
0x16: {  	[tilespmem:s13], [sflag:$0x3] =	stream.linear.gather [hbm4b:s7+s3], $0x1380, $0x38;
	[tilespmem:$0x18F10] =	vst v63  }
0x17: {  	_ =	swait.ge [sflag:s12], $0x1380  }
0x18: {  	[sflag:s12] =	ssyncset.done $0x0  }
0x19: {  	s17 =	simm.s32 @!p0 $0x0;
	s18 =	simm.s32 @!p0 $0x1380;
	[sflag:s12] =	ssyncadd.s32 $0xFFFFEC80  }
0x1a: {  	[tilespmem:s18], [sflag:$0x3] =	stream.linear.gather @!p0 [hbm4b:s8+s17], $0x80, $0x38;
	[tilespmem:$0x18F10] =	vst v63  }
0x1b: {  	s18 =	simm.s32 @!p0 $0x3  }
0x1c: {  	_ =	swait.ge @!p0 [sflag:s18], $0x80  }
0x1d: {  	[sflag:s18] =	ssyncset.done @!p0 $0x0  }
0x1e: {  	s19 =	simm.s32 @!p0 $0x2780;
	[sflag:s18] =	ssyncadd.s32 @!p0 $0xFFFFFF80  }
0x1f: {  	[tilespmem:s19], [sflag:$0x3] =	stream.linear.gather @!p0 [hbm4b:s9+s17], $0x80, $0x38;
	[tilespmem:$0x18F10] =	vst v63  }
0x20: {  	_ =	swait.ge @!p0 [sflag:s18], $0x80  }
0x21: {  	[sflag:s18] =	ssyncset.done @!p0 $0x0  }
0x22: {  	[sflag:s18] =	ssyncadd.s32 @!p0 $0xFFFFFF80  }
0x23: {  	[spmem:s15], [sflag:s14] =	dma.local [hbm:s1], $0x4E2  }
0x24: {  	p1 =	sle.u32 s5, $0x0;
	_ =	swait.ge [sflag:s12], $0x4E2  }
0x25: {  	s21 =	simm.s32 $0x2800;
	s20 =	simm.s32 $0x80;
	[sflag:s12] =	ssyncset.done $0x0  }
0x26: {  	s22 =	simm.s32 $0x0;
	s23 =	simm.s32 @!p1 $0x80;
	[sflag:s12] =	ssyncadd.s32 $0xFFFFFB1E  }
0x27: {  	s19 =	simm.s32 $0x3000;
	s18 =	simm.s32 $0x1;
	[bflag:$0x0] =	sbarrier.arrive $0xFFFF  }
.LBB2_2:
0x28: {  	[tilespmem:s21], [sflag:$0x1] =	stream.indirect.gather @!p1 [hbm4b:s4+s23], $0x10, s22, s23, $0xb8;
	[tilespmem:$0x18F10] =	vst v63  }
0x29: {  	s17 =	smov.u32 s18;
	s18 =	sadd.s32 $0x1, s18  }
0x2a: {  	p2 =	sne.s32 s18, $0x28  }
.Ltmp0:
0x2b: {  	(pc) =	sbr.rel @p2 .LBB2_2-.Ltmp0, $3  }
0x2c: {  	s21 =	smov.u32 s19;
	s22 =	smov.u32 s20;
	_ =	sdelay $0x1  }
0x2d: {  	p1 =	sge.u32 s17, s5;
	s17 =	simm.s32 $0x0  }
0x2e: {  	s19 =	sadd.s32 $0x800, s19;
	s20 =	sadd.s32 $0x80, s20;
	s23 =	simm.s32 @!p1 $0x80  }
0x2f: {  	[tilespmem:s21], [sflag:$0x1] =	stream.indirect.gather @!p1 [hbm4b:s4+s23], $0x10, s22, s23, $0xb8;
	[tilespmem:$0x18F10] =	vst v63  }
0x30: {  	s18 =	simm.s32 $0x0  }
.LBB2_4:
0x31: {  	p1 =	sge.u32 s18, s5;
	s18 =	sadd.s32 $0x1, s18  }
0x32: {  	p2 =	sne.s32 s18, $0x28  }
.Ltmp1:
0x33: {  	_ = 	snop;
	(pc) =	sbr.rel @p2 .LBB2_4-.Ltmp1, $4  }
0x34: {  	s19 =	simm.s32 @!p1 $0x1  }
0x35: {  	_ =	swait.ge @!p1 [sflag:s19], $0x800  }
0x36: {  	[sflag:s19] =	ssyncset.done @!p1 $0x0  }
0x37: {  	[sflag:s19] =	ssyncadd.s32 @!p1 $0xFFFFF800  }
0x38: {  	s18 =	simm.s32 $0x2800;
	s19 =	simm.s32 $0x1400  }
.LBB2_6:
0x39: {  	p1 =	sge.u32 s17, s5  }
0x3a: {  	s17 =	sadd.s32 $0x1, s17;
	s20 =	simm.s32 @!p1 $0x80  }
0x3b: {  	[spmem:s2] =	stream.indirect.scatter.add.f32 @!p1 [tilespmem:s18], [sflag:$0x2], $0x10, s19, s20, $0xb8;
	[tilespmem:$0x18F10] =	vst v63  }
0x3c: {  	p1 =	sne.s32 s17, $0x28  }
.Ltmp2:
0x3d: {  	_ = 	snop;
	(pc) =	sbr.rel @p1 .LBB2_6-.Ltmp2, $2  }
0x3e: {  	_ =	sdelay $0x2  }
0x3f: {  	s18 =	sadd.s32 $0x800, s18;
	s19 =	sadd.s32 $0x80, s19  }
0x40: {  	p1 =	sle.u32 s5, $0x0  }
0x41: {  	s18 =	simm.s32 @!p1 $0x2  }
0x42: {  	_ =	swait.ge @!p1 [sflag:s18], $0x800  }
0x43: {  	s17 =	simm.s32 $0x1;
	[sflag:s18] =	ssyncset.done @!p1 $0x0  }
.LBB2_8:
0x44: {  	[sflag:s18] =	ssyncadd.s32 @!p1 $0xFFFFF800;
	s18 =	smov.u32 s17;
	s17 =	sadd.s32 $0x1, s17  }
0x45: {  	p2 =	sne.s32 s17, $0x28  }
.Ltmp3:
0x46: {  	(pc) =	sbr.rel @p2 .LBB2_8-.Ltmp3, $4  }
0x47: {  	p1 =	sge.u32 s18, s5  }
0x48: {  	s18 =	simm.s32 @!p1 $0x2  }
0x49: {  	_ =	swait.ge @!p1 [sflag:s18], $0x800  }
0x4a: {  	[sflag:s18] =	ssyncset.done @!p1 $0x0  }
0x4b: {  	s16 =	sadd.s32 $0x1, s16  }
0x4c: {  	[sflag:s18] =	ssyncadd.s32 @!p1 $0xFFFFF800;
	p1 =	sne.s32 s16, s11  }
.Ltmp4:
0x4d: {  	[bflag:$0x0] =	sbarrier.arrive $0xFFFF;
	(pc) =	sbr.rel @p1 .LBB2_1-.Ltmp4, $4  }
0x4e: {  	[hbm:s10], [sflag:s14] =	dma.local [spmem:s15], $0x4E2  }
0x4f: {  	_ =	swait.ge [sflag:s12], $0x4E2  }
0x50: {  	[sflag:s12] =	ssyncset.done $0x0  }
0x51: {  	[sflag:s12] =	ssyncadd.s32 $0xFFFFFB1E  }
0x52: {  	_ =	sfence.sel $0x180000  }
0x53: {  	[bflag:$0x0] =	sbarrier.arrive $0xFFFF  }
0x54: {  	_ =	strace $0x9000004D  }
0x55: {  	s0 =	sadd.s32 @!p0 $0x100000, s0;
	[bflag:$0x2] =	sbarrier.arrive $0xFFFF  }
0x56: {  	[sflag:s0] =	ssyncadd.tile.s32 @!p0 $0x1;
	_ =	shalt  }
.Lfunc_end2:
_tile_overlayer_lowered:
.L_overlay_start_2:
0x57: {  	(tag) =	ssettag $0x2  }
0x58: {  	s0 =	rddreg [dreg:$0x0];
	s2 =	stileid.u32  }
0x59: {  	s1 =	rddreg [dreg:$0x1];
	p0 =	sne.s32 s2, $0x0  }
0x5a: {  	s3 =	rddreg [dreg:$0x2];
	[bflag:$0x3] =	sbarrier.arrive $0xFFFF;
	s2 =	simm.s32 @!p0 $0x1C03  }
0x5b: {  	[timem:s3], [sflag:s2] =	dma.local @!p0 [hbm:s0], s1  }
0x5c: {  	s0 =	simm.s32 @!p0 $0x3  }
0x5d: {  	_ =	swait.ge @!p0 [sflag:s0], s1  }
0x5e: {  	s1 =	ssub.s32 @!p0 $0x0, s1;
	[sflag:s0] =	ssyncset.done @!p0 $0x0  }
0x5f: {  	[sflag:s0] =	ssyncadd.s32 @!p0 s1  }
0x60: {  	[bflag:$0x3] =	sbarrier.arrive $0xFFFF  }
0x61: {  	_ =	shalt  }

// kernel: kernel.9.cloned.1.call-start
scs
__scs_entry_jumppad:
0x0: {  	(pc) =	sbr.rel $0x88, $3  }
0x1: {  	(tag) =	ssettag $0x0;
	lr =	simm.s32 $0x1  }
0x2: {  	[smem:$0x3F9B] =	sst lr;
	_ =	strace $0xD0000000  }
0x3: {  	_ = 	snop  }
0x4: {  	_ = 	snop  }
0x5: {  	_ = 	snop  }
0x6: {  	_ = 	snop  }
0x7: {  	_ = 	snop  }
__scs_overlays_trampoline_lowered:
0x8: {  	[smem:$0x3FAA] =	sst s0  }
0x9: {  	[smem:$0x3FAB] =	sst s1  }
0xa: {  	[smem:$0x3FAC] =	sst s2  }
0xb: {  	[smem:$0x3FAD] =	sst s3  }
0xc: {  	[smem:$0x3FAE] =	sst s4  }
0xd: {  	[smem:$0x3FAF] =	sst s5  }
0xe: {  	[smem:$0x3FB0] =	sst s6  }
0xf: {  	[smem:$0x3FB1] =	sst s7  }
0x10: {  	[smem:$0x3FB2] =	sst s8  }
0x11: {  	[smem:$0x3FB3] =	sst s9;
	s0 =	simm.s32 @!p0 $0x0  }
0x12: {  	s1 =	sld [smem:$0x3F99];
	s0 =	simm.s32 @p0 $0x1  }
0x13: {  	[smem:$0x3FB4] =	sst s0;
	s0 =	simm.s32 @!p1 $0x0  }
0x14: {  	s2 =	sld [smem:$0x3F98];
	s0 =	simm.s32 @p1 $0x1  }
0x15: {  	[smem:$0x3FB5] =	sst s0;
	s0 =	simm.s32 @!p2 $0x0  }
0x16: {  	s3 =	sld [smem:$0x3FDB];
	s0 =	simm.s32 @p2 $0x1  }
0x17: {  	s4 =	simm.s32 $0x1BF5;
	[smem:$0x3FB7] =	sst s0  }
0x18: {  	s0 =	sld [smem:$0x3F9A];
	_ =	swait.ge [sflag:s4], $0x0  }
0x19: {  	s7 =	sld [smem:$0x3F9B]  }
0x1a: {  	s8 =	sadd.s32 $0xFFFFE003, lr  }
0x1b: {  	s9 =	sadd.s32 $0xFFFFFEF7, lr;
	s5 =	simm.s32 $0xFFFFFFFF;
	p2 =	slt.u32 s8, $0xFFFFF086  }
0x1c: {  	p1 =	slt.u32 s9, $0xF7A;
	s5 =	simm.s32 @!p2 $0x0  }
0x1d: {  	s5 =	simm.s32 @p1 $0x1;
	p0 =	seq.s32 s7, s2  }
0x1e: {  	s7 =	smul.u32 @!p0 $0xF7A, s2;
	p2 =	seq.s32 @!p0 s5, $0x0  }
0x1f: {  	s9 =	smul.u32 $0xF7A, s1;
	s8 =	simm.s32 @!p0 $0x1BF5;
	p2 =	por !p2, p0  }
0x20: {  	[sflag:s8] =	ssyncset.s32 @!p0 $0xFFFFF086;
	s6 =	sadd.s32 @!p0 s3, s7;
	s7 =	simm.s32 @!p0 $0x108  }
0x21: {  	s3 =	sadd.s32 s3, s9;
	s6 =	sadd.s32 @!p0 $0x88, s6;
	s7 =	simm.s32 @p2 $0x1082  }
0x22: {  	[simem:s7], [sflag:s8] =	dma.local @!p0 [hbm:s6], $0xF7A  }
0x23: {  	s9 =	sor.u32 $0xD0000000, s2;
	s6 =	simm.s32 $0x108;
	_ =	swait.ge @!p0 [sflag:s8], $0x0  }
0x24: {  	s3 =	sadd.s32 $0x88, s3;
	s6 =	simm.s32 @!p1 $0x1082;
	[sflag:s4] =	ssyncset.s32 $0xFFFFF086  }
0x25: {  	[simem:s6], [sflag:s4] =	dma.local [hbm:s3], $0xF7A  }
0x26: {  	[smem:$0x3F9B] =	sst s1;
	(tag) =	ssettag s2;
	_ =	strace s9  }
0x27: {  	s1 =	sld [smem:$0x3FAB]  }
0x28: {  	s2 =	sld [smem:$0x3FAC]  }
0x29: {  	s4 =	sld [smem:$0x3FAE]  }
0x2a: {  	p0 =	seq.s32 s5, $0x0;
	s5 =	sld [smem:$0x3FAF]  }
0x2b: {  	s6 =	sld [smem:$0x3FB0]  }
0x2c: {  	s7 =	sld [smem:$0x3FB1]  }
0x2d: {  	s3 =	simm.s32 $0x108;
	s8 =	sld [smem:$0x3FB2]  }
0x2e: {  	s3 =	simm.s32 @!p0 $0x1082;
	s9 =	sld [smem:$0x3FB3]  }
0x2f: {  	lr =	sadd.s32 s0, s3;
	s0 =	sld [smem:$0x3FAA]  }
0x30: {  	s3 =	sld [smem:$0x3FAD]  }
0x31: {  	[smem:$0x3FB6] =	sst s10  }
0x32: {  	s10 =	sld [smem:$0x3FB4];
	_ =	sdelay $0x3  }
0x33: {  	p0 =	seq.s32 s10, $0x1;
	s10 =	sld [smem:$0x3FB6];
	_ =	sdelay $0x3  }
0x34: {  	[smem:$0x3FB6] =	sst s10  }
0x35: {  	s10 =	sld [smem:$0x3FB5];
	_ =	sdelay $0x3  }
0x36: {  	p1 =	seq.s32 s10, $0x1;
	s10 =	sld [smem:$0x3FB6];
	_ =	sdelay $0x3  }
0x37: {  	[smem:$0x3FB6] =	sst s10  }
0x38: {  	s10 =	sld [smem:$0x3FB7]  }
0x39: {  	_ = 	snop;
	(pc) =	sbr.ind lr, $3  }
0x3a: {  	_ = 	snop  }
0x3b: {  	_ = 	snop  }
0x3c: {  	p2 =	seq.s32 s10, $0x1;
	s10 =	sld [smem:$0x3FB6]  }
0x3d: {  	_ =	shalt  }
0x3e: {  	_ =	shalt  }
0x3f: {  	_ =	shalt  }
0x40: {  	_ =	shalt  }
0x41: {  	_ =	shalt  }
0x42: {  	_ =	shalt  }
0x43: {  	_ =	shalt  }
0x44: {  	_ =	shalt  }
0x45: {  	_ =	shalt  }
0x46: {  	_ =	shalt  }
0x47: {  	_ =	shalt  }
0x48: {  	_ =	shalt  }
0x49: {  	_ =	shalt  }
0x4a: {  	_ =	shalt  }
0x4b: {  	_ =	shalt  }
0x4c: {  	_ =	shalt  }
0x4d: {  	_ =	shalt  }
0x4e: {  	_ =	shalt  }
0x4f: {  	_ =	shalt  }
0x50: {  	_ =	shalt  }
0x51: {  	_ =	shalt  }
0x52: {  	_ =	shalt  }
0x53: {  	_ =	shalt  }
0x54: {  	_ =	shalt  }
0x55: {  	_ =	shalt  }
0x56: {  	_ =	shalt  }
0x57: {  	_ =	shalt  }
0x58: {  	_ =	shalt  }
0x59: {  	_ =	shalt  }
0x5a: {  	_ =	shalt  }
0x5b: {  	_ =	shalt  }
0x5c: {  	_ =	shalt  }
0x5d: {  	_ =	shalt  }
0x5e: {  	_ =	shalt  }
0x5f: {  	_ =	shalt  }
0x60: {  	_ =	shalt  }
0x61: {  	_ =	shalt  }
0x62: {  	_ =	shalt  }
0x63: {  	_ =	shalt  }
0x64: {  	_ =	shalt  }
0x65: {  	_ =	shalt  }
0x66: {  	_ =	shalt  }
0x67: {  	_ =	shalt  }
0x68: {  	_ =	shalt  }
0x69: {  	_ =	shalt  }
0x6a: {  	_ =	shalt  }
0x6b: {  	_ =	shalt  }
0x6c: {  	_ =	shalt  }
0x6d: {  	_ =	shalt  }
0x6e: {  	_ =	shalt  }
0x6f: {  	_ =	shalt  }
0x70: {  	_ =	shalt  }
0x71: {  	_ =	shalt  }
0x72: {  	_ =	shalt  }
0x73: {  	_ =	shalt  }
0x74: {  	_ =	shalt  }
0x75: {  	_ =	shalt  }
0x76: {  	_ =	shalt  }
0x77: {  	_ =	shalt  }
0x78: {  	_ =	shalt  }
0x79: {  	_ =	shalt  }
0x7a: {  	_ =	shalt  }
0x7b: {  	_ =	shalt  }
0x7c: {  	_ =	shalt  }
0x7d: {  	_ =	shalt  }
0x7e: {  	_ =	shalt  }
0x7f: {  	_ =	shalt  }
0x80: {  	_ =	shalt  }
0x81: {  	_ =	shalt  }
0x82: {  	_ =	shalt  }
0x83: {  	_ =	shalt  }
0x84: {  	_ =	shalt  }
0x85: {  	_ =	shalt  }
0x86: {  	_ =	shalt  }
0x87: {  	_ =	shalt  }
.Lfunc_end0:
.L_simem_size_0:
called_computation_lowered:
.L_overlay_start_0:
0x88: {  	s2 =	sld [smem:$0x3FD9]  }
0x89: {  	s3 =	sld [smem:$0x3FFE];
	_ =	sdelay $0x1  }
0x8a: {  	s1 =	srdreg.scid  }
0x8b: {  	s0 =	sand.u32 $0x1, s1  }
0x8c: {  	s17 =	sshll.u32 s0, $0xA;
	s2 =	sadd.s32 s3, s2  }
0x8d: {  	s2 =	sadd.s32 s2, s17  }
0x8e: {  	[smem:$0x3FC2] =	sst s2  }
0x8f: {  	_ = 	snop  }
0x90: {  	s2 =	sld [smem:$0x3FD0];
	(tm) =	ssettm $0x1  }
0x91: {  	s18 =	sld [smem:$0x3FFB];
	_ =	sdelay $0x3  }
0x92: {  	_ =	strace s18  }
0x93: {  	s3 =	sld [smem:$0x3FFC];
	_ =	sdelay $0x3  }
0x94: {  	_ =	strace s3  }
0x95: {  	s3 =	sld [smem:$0x3FFD];
	_ =	sdelay $0x3  }
0x96: {  	_ =	strace s3  }
0x97: {  	_ =	strace $0x8FFFFFFF  }
0x98: {  	s19 =	sld [smem:$0x3FDB];
	_ =	sdelay $0x1  }
0x99: {  	s4 =	simm.s32 $_scs_section_size  }
0x9a: {  	s5 =	simm.s32 $_size__tile_overlayer_lowered;
	s6 =	simm.s32 $_tile_overlayer_lowered  }
0x9b: {  	s22 =	simm.s32 $0x1BFF;
	s21 =	sshll.u32 s6, $0x1;
	s3 =	sadd.s32 s4, s19  }
0x9c: {  	s7 =	simm.s32 $0x0;
	s20 =	sshll.u32 s5, $0x1;
	s5 =	sadd.s32 s21, s3  }
0x9d: {  	[timem:s7], [sflag:s22] =	dma.local [hbm:s5], s20  }
0x9e: {  	_ =	swait.ge [sflag:s22], s20  }
0x9f: {  	s4 =	ssub.s32 $0x0, s20;
	[sflag:s22] =	ssyncset.done $0x0  }
0xa0: {  	[sflag:s22] =	ssyncadd.s32 s4;
	_ =	sdelay $0x1  }
0xa1: {  	s23 =	simm.s32 $0x1B8B  }
0xa2: {  	_ =	swait.ge [sflag:s23], $0x1  }
0xa3: {  	[sflag:s23] =	ssyncset.done $0x0  }
0xa4: {  	s25 =	simm.s32 $0x1B8E;
	s24 =	sld [smem:$0x3FFE];
	[sflag:s23] =	ssyncadd.s32 $0xFFFFFFFF  }
0xa5: {  	s26 =	simm.s32 $execute0_lowered;
	[smem:$0x3FD2] =	sst s25  }
0xa6: {  	s5 =	sshll.u32 s26, $0x1;
	_ =	strace $0x80000046;
	[dreg:$0x1] =	wrdreg $0xFFFFFFFF  }
0xa7: {  	s28 =	simm.s32 $_size_execute0_lowered;
	s3 =	sadd.s32 s3, s5;
	[dreg:$0x0] =	wrdreg $0x0  }
0xa8: {  	s5 =	sshll.u32 s28, $0x1;
	[dreg:$0x2] =	wrdreg s3  }
0xa9: {  	[dreg:$0x3] =	wrdreg s5  }
0xaa: {  	[dreg:$0x4] =	wrdreg $0xC0  }
0xab: {  	_ =	task [dreg:s7], $0x5FFFF  }
0xac: {  	[dreg:$0x1] =	wrdreg $0xFFFFFFFF  }
0xad: {  	[dreg:$0x0] =	wrdreg $0x60  }
0xae: {  	[dreg:$0x2] =	wrdreg s24  }
0xaf: {  	[dreg:$0x3] =	wrdreg s2  }
0xb0: {  	[dreg:$0x4] =	wrdreg $0x1C000  }
0xb1: {  	[dreg:$0x5] =	wrdreg $0x9  }
0xb2: {  	_ =	task.clear_ibuf [dreg:s7], $0x6FFFF;
	_ =	strace $0x90000046  }
0xb3: {  	s29 =	simm.s32 $0x9;
	_ =	strace $0x80000048  }
0xb4: {  	_ =	swait.ge [sflag:s29], $0x1  }
0xb5: {  	[sflag:s29] =	ssyncadd.s32 $0xFFFFFFFF  }
0xb6: {  	_ =	strace $0x90000048  }
0xb7: {  	_ =	sfence  }
0xb8: {  	s30 =	sld [smem:$0x0];
	_ =	sdelay $0x2  }
0xb9: {  	s31 =	sshll.u32 s1, $0xD;
	s1 =	sshrl.u32 s1, $0x2  }
0xba: {  	s3 =	sand.u32 $0x4000, s31;
	s1 =	sadd.s32 s1, s30  }
0xbb: {  	s0 =	sor.u32 s3, s0;
	s1 =	sshll.u32 s1, $0x11  }
0xbc: {  	s0 =	sor.u32 s1, s0  }
0xbd: {  	s0 =	sadd.s32 $0x8F2B, s0  }
0xbe: {  	[sflag:s0] =	ssyncadd.remote.s32 $0x1  }
0xbf: {  	_ =	sfence.sel $0xFFFF  }
0xc0: {  	[dreg:$0x0] =	wrdreg $0xFFFFFFFF;
	(pc) =	sbr.abs _section_cstart, $3  }
0xc1: {  	[dreg:$0x1] =	wrdreg $0xFFFFFFFF  }
0xc2: {  	_ =	task.clear_ibuf [dreg:s7], $0x2FFFF;
	_ =	strace $0x9FFFFFFF  }
0xc3: {  	(tm) =	ssettm $0x7FFFFFFF  }
tec
execute0_lowered:
.L_overlay_start_1:
0x0: {  	(tag) =	ssettag $0x1  }
0x1: {  	s6 =	rddreg [dreg:$0x0]  }
0x2: {  	s0 =	srdreg.scid;
	s1 =	rddreg [dreg:$0x1]  }
0x3: {  	s12 =	stileid.u32;
	s2 =	rddreg [dreg:$0x2]  }
0x4: {  	s5 =	sand.u32 $0x1, s0;
	s30 =	sshll.u32 s12, $0x1;
	s0 =	rddreg [dreg:$0x3]  }
0x5: {  	s8 =	smul.u32 $0x2710, s12;
	p0 =	seq.s32 s12, $0x0;
	s3 =	sor.u32 s5, s30  }
0x6: {  	s31 =	smul.u32 $0x27100, s5;
	s10 =	ssub.s32 $0x2, s5;
	s5 =	simm.s32 $0x28  }
0x7: {  	s4 =	smul.u32 $0x27, s3;
	s7 =	smin.u32 s3, $0x2;
	s3 =	simm.s32 $0x0  }
0x8: {  	s11 =	sshrl.u32 s10, $0x1;
	s5 =	simm.s32 @!p0 $0x27;
	s14 =	sadd.s32 s8, s2  }
0x9: {  	p0 =	sne.s32 s12, $0x0;
	s12 =	sshll.u32 s12, $0x6;
	[smem:$0x7FF] =	sst s3  }
0xa: {  	s10 =	ssub.s32 s10, s11;
	s11 =	simm.s32 $0x1400;
	s4 =	sadd.s32 s7, s4  }
0xb: {  	s12 =	sor.u32 $0x1C02, s12;
	s7 =	sadd.s32 s8, s31;
	s4 =	sshll.u32 s4, $0x4  }
0xc: {  	_ =	strace $0x80000047;
	s7 =	sshrl.u32 s7, $0x3;
	s9 =	sadd.s32 s4, s6  }
0xd: {  	s4 =	sadd.s32 $0xC200, s6;
	s13 =	sadd.s32 s7, s6;
	s6 =	sadd.s32 $0x2200, s9  }
0xe: {  	s7 =	sadd.s32 $0x2470, s9;
	s8 =	sadd.s32 $0xC400, s13;
	s9 =	smax.u32 s10, $0x1  }
0xf: {  	s10 =	simm.s32 $0x2;
	s13 =	sshrl.u32 s14, $0x3;
	s14 =	simm.s32 $0x0  }
.LBB2_1:
0x10: {  	[tilespmem:s3], [sflag:$0x2] =	stream.linear.gather [hbm4b:s6+s3], $0x1380, $0x38;
	[tilespmem:$0x4310] =	vst v63  }
0x11: {  	_ =	swait.ge [sflag:s10], $0x1380  }
0x12: {  	[sflag:s10] =	ssyncset.done $0x0  }
0x13: {  	s15 =	simm.s32 @!p0 $0x0;
	s16 =	simm.s32 @!p0 $0x1380;
	[sflag:s10] =	ssyncadd.s32 $0xFFFFEC80  }
0x14: {  	[tilespmem:s16], [sflag:$0x2] =	stream.linear.gather @!p0 [hbm4b:s7+s15], $0x80, $0x38;
	[tilespmem:$0x4310] =	vst v63  }
0x15: {  	s15 =	simm.s32 @!p0 $0x2  }
0x16: {  	_ =	swait.ge @!p0 [sflag:s15], $0x80  }
0x17: {  	[sflag:s15] =	ssyncset.done @!p0 $0x0  }
0x18: {  	[sflag:s15] =	ssyncadd.s32 @!p0 $0xFFFFFF80  }
0x19: {  	[tilespmem:s11], [sflag:$0x2] =	stream.linear.gather [hbm4b:s4+s3], $0x800, $0x38;
	[tilespmem:$0x4310] =	vst v63  }
0x1a: {  	_ =	swait.ge [sflag:s10], $0x800  }
0x1b: {  	[sflag:s10] =	ssyncset.done $0x0  }
0x1c: {  	[sflag:s10] =	ssyncadd.s32 $0xFFFFF800  }
0x1d: {  	[spmem:s13], [sflag:s12] =	dma.local [hbm:s1], $0x4E2  }
0x1e: {  	_ =	swait.ge [sflag:s10], $0x4E2  }
0x1f: {  	[sflag:s10] =	ssyncset.done $0x0  }
0x20: {  	[sflag:s10] =	ssyncadd.s32 $0xFFFFFB1E  }
0x21: {  	s16 =	simm.s32 $0x0;
	s15 =	simm.s32 $0x0;
	[bflag:$0x0] =	sbarrier.arrive $0xFFFF  }
.LBB2_2:
0x22: {  	p1 =	sge.u32 s16, s5  }
0x23: {  	s16 =	sadd.s32 $0x1, s16;
	s17 =	simm.s32 @!p1 $0x80;
	s18 =	simm.s32 @!p1 $0x1400  }
0x24: {  	[spmem:s2] =	stream.indirect.scatter.add.f32 @!p1 [tilespmem:s18], [sflag:$0x1], $0x10, s15, s17, $0xb8;
	[tilespmem:$0x4310] =	vst v63  }
0x25: {  	p1 =	sne.s32 s16, $0x28  }
.Ltmp0:
0x26: {  	_ = 	snop;
	(pc) =	sbr.rel @p1 .LBB2_2-.Ltmp0, $2  }
0x27: {  	_ =	sdelay $0x2  }
0x28: {  	s15 =	sadd.s32 $0x80, s15  }
0x29: {  	p1 =	sle.u32 s5, $0x0  }
0x2a: {  	s16 =	simm.s32 @!p1 $0x1  }
0x2b: {  	_ =	swait.ge @!p1 [sflag:s16], $0x800  }
0x2c: {  	s15 =	simm.s32 $0x1;
	[sflag:s16] =	ssyncset.done @!p1 $0x0  }
.LBB2_4:
0x2d: {  	[sflag:s16] =	ssyncadd.s32 @!p1 $0xFFFFF800;
	s16 =	smov.u32 s15;
	s15 =	sadd.s32 $0x1, s15  }
0x2e: {  	p2 =	sne.s32 s15, $0x28  }
.Ltmp1:
0x2f: {  	(pc) =	sbr.rel @p2 .LBB2_4-.Ltmp1, $4  }
0x30: {  	p1 =	sge.u32 s16, s5  }
0x31: {  	s16 =	simm.s32 @!p1 $0x1  }
0x32: {  	_ =	swait.ge @!p1 [sflag:s16], $0x800  }
0x33: {  	[sflag:s16] =	ssyncset.done @!p1 $0x0  }
0x34: {  	s14 =	sadd.s32 $0x1, s14  }
0x35: {  	[sflag:s16] =	ssyncadd.s32 @!p1 $0xFFFFF800;
	p1 =	sne.s32 s14, s9  }
.Ltmp2:
0x36: {  	[bflag:$0x0] =	sbarrier.arrive $0xFFFF;
	(pc) =	sbr.rel @p1 .LBB2_1-.Ltmp2, $4  }
0x37: {  	[hbm:s8], [sflag:s12] =	dma.local [spmem:s13], $0x4E2  }
0x38: {  	_ =	swait.ge [sflag:s10], $0x4E2  }
0x39: {  	[sflag:s10] =	ssyncset.done $0x0  }
0x3a: {  	[sflag:s10] =	ssyncadd.s32 $0xFFFFFB1E  }
0x3b: {  	_ =	sfence.sel $0x180000  }
0x3c: {  	[bflag:$0x0] =	sbarrier.arrive $0xFFFF  }
0x3d: {  	_ =	strace $0x90000047  }
0x3e: {  	s0 =	sadd.s32 @!p0 $0x100000, s0;
	[bflag:$0x2] =	sbarrier.arrive $0xFFFF  }
0x3f: {  	[sflag:s0] =	ssyncadd.tile.s32 @!p0 $0x1;
	_ =	shalt  }
.Lfunc_end2:
_tile_overlayer_lowered:
.L_overlay_start_2:
0x40: {  	(tag) =	ssettag $0x2  }
0x41: {  	s0 =	rddreg [dreg:$0x0];
	s2 =	stileid.u32  }
0x42: {  	s1 =	rddreg [dreg:$0x1];
	p0 =	sne.s32 s2, $0x0  }
0x43: {  	s3 =	rddreg [dreg:$0x2];
	[bflag:$0x3] =	sbarrier.arrive $0xFFFF;
	s2 =	simm.s32 @!p0 $0x1C02  }
0x44: {  	[timem:s3], [sflag:s2] =	dma.local @!p0 [hbm:s0], s1  }
0x45: {  	s0 =	simm.s32 @!p0 $0x2  }
0x46: {  	_ =	swait.ge @!p0 [sflag:s0], s1  }
0x47: {  	s1 =	ssub.s32 @!p0 $0x0, s1;
	[sflag:s0] =	ssyncset.done @!p0 $0x0  }
0x48: {  	[sflag:s0] =	ssyncadd.s32 @!p0 s1  }
0x49: {  	[bflag:$0x3] =	sbarrier.arrive $0xFFFF  }
0x4a: {  	_ =	shalt  }

</sc_bundles>
